<compile_context>
chip_gen: v7x
topology: tpu7x:2x2x1
jax: 0.10.2.dev20260603
libtpu: 0.0.44.dev20260713+nightly
codegen_flags: <defaults>
</compile_context>

<pallas_src>
import functools

import jax
import jax.numpy as jnp
import numpy as np
from jax import lax
from jax.experimental import pallas as pl
from jax.experimental.pallas import tpu as pltpu
from jax.experimental.pallas import tpu_sc as plsc

IN_CH = 16
OUT_CH = 16
HID = 64
POS_DIM = 3
N_POINTS = 10000
N_EDGES = 160000

NC = 2
NS = 16
NW = NC * NS

NCHK = 4
ECHK_RAW = N_EDGES // NCHK
ROWS_PER_W = 10
ECHK = NW * ROWS_PER_W * 128
CHUNK_ROWS = 5
GROUPS = ROWS_PER_W // CHUNK_ROWS
GROW = CHUNK_ROWS * 128

G4 = ECHK // 4

MLP_BLK = 2048

N_ACC = 10016
TRASH = 10000


def _gather_body(tab_sx, tab_pd, src2d, dst2d, gsx, gpd,
                 idx_s, idx_d, buf_sx, buf_pd, sem_s, sem_d):
    c = lax.axis_index("c")
    s = lax.axis_index("s")
    wid = s * NC + c
    row0 = wid * ROWS_PER_W
    ebase = wid * (ROWS_PER_W * 128)
    pltpu.sync_copy(src2d.at[pl.ds(row0, ROWS_PER_W)], idx_s)
    pltpu.sync_copy(dst2d.at[pl.ds(row0, ROWS_PER_W)], idx_d)

    @pl.loop(0, GROUPS)
    def _grp(g):
        cps = []
        for j in range(CHUNK_ROWS):
            r = g * CHUNK_ROWS + j
            cps.append(pltpu.async_copy(
                tab_sx.at[idx_s.at[r]], buf_sx.at[pl.ds(j * 128, 128)], sem_s))
            cps.append(pltpu.async_copy(
                tab_pd.at[idx_d.at[r]], buf_pd.at[pl.ds(j * 128, 128)], sem_d))
        for cp in cps:
            cp.wait()
        off = ebase + g * GROW
        pltpu.sync_copy(buf_sx, gsx.at[pl.ds(off, GROW)])
        pltpu.sync_copy(buf_pd, gpd.at[pl.ds(off, GROW)])


@functools.cache
def _gather():
    return pl.kernel(
        _gather_body,
        out_type=(jax.ShapeDtypeStruct((ECHK, 32), jnp.float32),
                  jax.ShapeDtypeStruct((ECHK, 32), jnp.float32)),
        mesh=plsc.VectorSubcoreMesh(core_axis_name="c", subcore_axis_name="s",
                                    num_cores=NC, num_subcores=NS),
        compiler_params=pltpu.CompilerParams(use_tc_tiling_on_sc=False),
        scratch_types=[
            pltpu.VMEM((ROWS_PER_W, 128), jnp.int32),
            pltpu.VMEM((ROWS_PER_W, 128), jnp.int32),
            pltpu.VMEM((GROW, 32), jnp.float32),
            pltpu.VMEM((GROW, 32), jnp.float32),
            pltpu.SemaphoreType.DMA,
            pltpu.SemaphoreType.DMA,
        ],
    )


SC_ROWS = ECHK // 128
TILE_ROWS = SC_ROWS // NS
SGROUPS = TILE_ROWS // CHUNK_ROWS


def _scatter_body(pair, msg_a, msg_b, dst2d, zeros_hbm, partial,
                  idx, mbuf, acc):
    c = lax.axis_index("c")
    s = lax.axis_index("s")
    zchunk = N_ACC // NS
    pltpu.sync_copy(zeros_hbm.at[pl.ds(s * zchunk, zchunk)],
                    acc.at[pl.ds(s * zchunk, zchunk)])
    plsc.subcore_barrier()
    row0 = s * TILE_ROWS
    ebase = row0 * 128
    drow0 = (2 * pair + c) * (ECHK // 128) + row0
    pltpu.sync_copy(dst2d.at[pl.ds(drow0, TILE_ROWS)], idx)

    def _do(msg16):
        @pl.loop(0, SGROUPS)
        def _grp(g):
            pltpu.sync_copy(msg16.at[pl.ds(ebase + g * GROW, GROW)], mbuf)
            for j in range(CHUNK_ROWS):
                pltpu.sync_copy(mbuf.at[pl.ds(j * 128, 128)],
                                acc.at[idx.at[g * CHUNK_ROWS + j]], add=True)

    @pl.when(c == 0)
    def _():
        _do(msg_a)

    @pl.when(c == 1)
    def _():
        _do(msg_b)

    plsc.subcore_barrier()
    wchunk = N_POINTS // NS
    pltpu.sync_copy(acc.at[pl.ds(s * wchunk, wchunk)],
                    partial.at[c, pl.ds(s * wchunk, wchunk)])


@functools.cache
def _scatter(pair):
    return pl.kernel(
        functools.partial(_scatter_body, pair),
        out_type=jax.ShapeDtypeStruct((NC, N_POINTS, 16), jnp.float32),
        mesh=plsc.VectorSubcoreMesh(core_axis_name="c", subcore_axis_name="s",
                                    num_cores=NC, num_subcores=NS),
        compiler_params=pltpu.CompilerParams(use_tc_tiling_on_sc=False),
        scratch_types=[
            pltpu.VMEM((TILE_ROWS, 128), jnp.int32),
            pltpu.VMEM((GROW, 16), jnp.float32),
            pltpu.VMEM_SHARED((N_ACC, 16), jnp.float32),
        ],
    )


P128 = N_POINTS * 16 // 128


def _combine_body(p_ref, q_ref, o_ref):
    o_ref[...] = (p_ref[0] + p_ref[1]) + (q_ref[0] + q_ref[1])


def _combine(p, q):
    return pl.pallas_call(
        _combine_body,
        in_specs=[pl.BlockSpec((NC, P128, 128), lambda: (0, 0, 0)),
                  pl.BlockSpec((NC, P128, 128), lambda: (0, 0, 0))],
        out_specs=pl.BlockSpec((P128, 128), lambda: (0, 0)),
        out_shape=jax.ShapeDtypeStruct((P128, 128), jnp.float32),
    )(p.reshape(NC, P128, 128), q.reshape(NC, P128, 128))


def _warm_body(z, out, buf):
    c = lax.axis_index("c")
    s = lax.axis_index("s")

    @pl.when(jnp.logical_and(c == 0, s == 0))
    def _():
        pltpu.sync_copy(z.at[pl.ds(0, 16)], buf)
        pltpu.sync_copy(buf, out)


@functools.cache
def _warm():
    return pl.kernel(
        _warm_body,
        out_type=jax.ShapeDtypeStruct((16, 16), jnp.float32),
        mesh=plsc.VectorSubcoreMesh(core_axis_name="c", subcore_axis_name="s",
                                    num_cores=NC, num_subcores=NS),
        compiler_params=pltpu.CompilerParams(use_tc_tiling_on_sc=False,
                                             has_side_effects=True),
        scratch_types=[
            pltpu.VMEM((16, 16), jnp.float32),
        ],
    )


_INV_SQRT2 = np.float32(1.0 / np.sqrt(2.0))


def _mlp_body(gsx_ref, gpd_ref, w1a_ref, w1b_ref, b1_ref, wout_ref, bout_ref,
              t128_ref, r_ref, msg_ref):
    gsb = gsx_ref[...].astype(jnp.bfloat16)
    gpb = gpd_ref[...].astype(jnp.bfloat16)
    h = jnp.dot(gsb, w1a_ref[...], preferred_element_type=jnp.float32)
    h += jnp.dot(gpb, w1b_ref[...], preferred_element_type=jnp.float32)
    h += b1_ref[...]
    h = 0.5 * h * (1.0 + jax.lax.erf(h * _INV_SQRT2))
    t = jnp.dot(h.astype(jnp.bfloat16), wout_ref[...],
                preferred_element_type=jnp.float32)
    t += bout_ref[...]
    xx = jnp.dot(gsb, t128_ref[...], preferred_element_type=jnp.float32)
    msg_ref[...] = jnp.dot((t * xx).astype(jnp.bfloat16), r_ref[...],
                           preferred_element_type=jnp.float32)


def _edge_mlp(gsx, gpd, w1a, w1b, b1t, wout, boutt, t128, rbd):
    grid = (G4 // MLP_BLK,)
    full = lambda shape: pl.BlockSpec(shape, lambda i: (0, 0))
    return pl.pallas_call(
        _mlp_body,
        grid=grid,
        in_specs=[
            pl.BlockSpec((MLP_BLK, 128), lambda i: (i, 0)),
            pl.BlockSpec((MLP_BLK, 128), lambda i: (i, 0)),
            full((128, 4 * HID)),
            full((128, 4 * HID)),
            full((1, 4 * HID)),
            full((4 * HID, 1024)),
            full((1, 1024)),
            full((128, 1024)),
            full((1024, 64)),
        ],
        out_specs=pl.BlockSpec((MLP_BLK, 64), lambda i: (i, 0)),
        out_shape=jax.ShapeDtypeStruct((G4, 64), jnp.float32),
    )(gsx, gpd, w1a, w1b, b1t, wout, boutt, t128, rbd)


_T128_np = np.zeros((128, 1024), np.float32)
for _k in range(4):
    for _i in range(16):
        _T128_np[32 * _k + 16 + _i,
                 256 * _k + 16 * _i:256 * _k + 16 * _i + 16] = 1.0
_R_np = np.zeros((256, 16), np.float32)
for _i in range(16):
    _R_np[16 * _i:16 * _i + 16, :] += np.eye(16, dtype=np.float32)
_RBD_np = np.kron(np.eye(4, dtype=np.float32), _R_np)


def _bd4(w):
    return jnp.kron(jnp.eye(4, dtype=jnp.float32), w)


def kernel(x, pos, edge_index, W1, b1, W_out, b_out):
    src = edge_index[0].astype(jnp.int32)
    dst = edge_index[1].astype(jnp.int32)
    xf = x.reshape(N_POINTS, IN_CH)
    pos_pad = jnp.pad(pos, ((0, 0), (0, 16 - POS_DIM)))
    tab_sx = jnp.concatenate([pos_pad, xf], axis=1)
    tab_pd = jnp.pad(pos, ((0, 0), (0, 32 - POS_DIM)))
    w1a32 = jnp.zeros((32, HID), jnp.float32).at[0:POS_DIM].set(W1[0:POS_DIM])
    w1b32 = jnp.zeros((32, HID), jnp.float32).at[0:POS_DIM].set(W1[POS_DIM:2 * POS_DIM])
    w1a = _bd4(w1a32).astype(jnp.bfloat16)
    w1b = _bd4(w1b32).astype(jnp.bfloat16)
    wout = _bd4(W_out).astype(jnp.bfloat16)
    b1t = jnp.tile(b1, 4)[None, :]
    boutt = jnp.tile(b_out, 4)[None, :]
    t128 = jnp.asarray(_T128_np).astype(jnp.bfloat16)
    rbd = jnp.asarray(_RBD_np).astype(jnp.bfloat16)

    zeros = jnp.zeros((N_ACC, 16), jnp.float32)
    _warm()(zeros)

    pad_n = NCHK * ECHK - N_EDGES
    src_p = jnp.pad(src, (0, pad_n)).reshape(NCHK * SC_ROWS, 128)
    dst_g = jnp.pad(dst, (0, pad_n)).reshape(NCHK * SC_ROWS, 128)
    dst_s = jnp.pad(dst, (0, pad_n),
                    constant_values=TRASH).reshape(NCHK * SC_ROWS, 128)

    msgs = []
    for k in range(NCHK):
        rs = slice(k * SC_ROWS, (k + 1) * SC_ROWS)
        gsx, gpd = _gather()(tab_sx, tab_pd, src_p[rs], dst_g[rs])
        msg64 = _edge_mlp(gsx.reshape(G4, 128), gpd.reshape(G4, 128),
                          w1a, w1b, b1t, wout, boutt, t128, rbd)
        msgs.append(msg64.reshape(ECHK, 16))

    p1 = _scatter(0)(msgs[0], msgs[1], dst_s, zeros)
    p2 = _scatter(1)(msgs[2], msgs[3], dst_s, zeros)
    out = _combine(p1, p2)
    return out.reshape(1, N_POINTS, OUT_CH)

# --- scband reference (transcript-rebuilt; emitter-appended) ---
"""Pipeline reference for scband-integral-transform-47923245089298 (READ-ONLY COPY).

The authoritative reference and input builder live on the scoring server;
editing this copy changes nothing except your own understanding.
"""

import jax, jax.numpy as jnp
import numpy as np

IN_CH = 16
OUT_CH = 16
HID = 64
POS_DIM = 3
N_POINTS = 10000
N_EDGES = 160000
BATCH = 1


def setup_inputs(seed: int = 0) -> dict:
    key = jax.random.key(seed)
    k1, k2, k3, k4, k5, k6, k7 = jax.random.split(key, 7)
    x = jax.random.normal(k1, (BATCH, N_POINTS, IN_CH), dtype=jnp.float32)
    pos = jax.random.uniform(k2, (N_POINTS, POS_DIM), dtype=jnp.float32)
    edge_index = jax.random.randint(k3, (2, N_EDGES), 0, N_POINTS, dtype=jnp.int64)
    # kernel MLP params: first layer (2*pos_dim -> hidden), output layer (hidden -> in*out)
    in_dim = 2 * POS_DIM
    W1 = jax.random.normal(k4, (in_dim, HID), dtype=jnp.float32) * (1.0 / np.sqrt(in_dim))
    b1 = jax.random.normal(k5, (HID,), dtype=jnp.float32) * 0.01
    W_out = jax.random.normal(k6, (HID, IN_CH * OUT_CH), dtype=jnp.float32) * (1.0 / np.sqrt(HID))
    b_out = jax.random.normal(k7, (IN_CH * OUT_CH,), dtype=jnp.float32) * 0.01
    return {"x": x, "pos": pos, "edge_index": edge_index, "W1": W1, "b1": b1, "W_out": W_out, "b_out": b_out}


def reference(x, pos, edge_index, W1, b1, W_out, b_out):
    batch_size = x.shape[0]
    n_points, pos_dim = pos.shape
    # pos is 2D -> expand over batch
    pos_b = jnp.broadcast_to(pos[None, :, :], (batch_size, n_points, pos_dim))
    pos_flat = pos_b.reshape(-1, pos_dim)
    x_flat = x.reshape(-1, IN_CH)
    src_idx = edge_index[0]
    dst_idx = edge_index[1]
    pos_src = pos_flat[src_idx]
    pos_dst = pos_flat[dst_idx]
    pos_enc = jnp.concatenate([pos_src, pos_dst], axis=-1)
    # kernel MLP: gelu(first) -> output (n_layers=1 so no hidden layers)
    h = jax.nn.gelu(pos_enc @ W1 + b1, approximate=False)
    h = h @ W_out + b_out
    kernel_weights = h.reshape(-1, IN_CH, OUT_CH)
    x_src = x_flat[src_idx]
    msg = jnp.sum(kernel_weights * x_src[:, :, None], axis=1)
    out_flat = jnp.zeros((batch_size * n_points, OUT_CH), dtype=x.dtype).at[dst_idx].add(msg)
    return out_flat.reshape(batch_size, n_points, OUT_CH)

if __name__ == "__main__":
    import jax
    _d = setup_inputs()
    print(jax.jit(kernel)(*tuple(_d.values())))

</pallas_src>

<mosaic_0001>
#map = affine_map<(d0, d1) -> (0, 0)>
module attributes {stable_mosaic.version = 14 : i64} {
  func.func @_gather_body(%arg0: i32, %arg1: i32, %arg2: memref<10000x32xf32, #tpu.memory_space<hbm>>, %arg3: memref<10000x32xf32, #tpu.memory_space<hbm>>, %arg4: memref<320x128xi32, #tpu.memory_space<hbm>>, %arg5: memref<320x128xi32, #tpu.memory_space<hbm>>, %arg6: memref<40960x32xf32, #tpu.memory_space<hbm>>, %arg7: memref<40960x32xf32, #tpu.memory_space<hbm>>, %arg8: memref<10x128xi32, #tpu.memory_space<vmem>>, %arg9: memref<10x128xi32, #tpu.memory_space<vmem>>, %arg10: memref<640x32xf32, #tpu.memory_space<vmem>>, %arg11: memref<640x32xf32, #tpu.memory_space<vmem>>, %arg12: memref<!tpu.dma_semaphore, #tpu.memory_space<semaphore_mem>>, %arg13: memref<!tpu.dma_semaphore, #tpu.memory_space<semaphore_mem>>) attributes {dimension_semantics = [#tpu.dimension_semantics<core_parallel>, #tpu.dimension_semantics<subcore_parallel>], iteration_bounds = array<i64: 2, 16>, scalar_prefetch = 0 : i64, scratch_operands = 6 : i64, tpu.core_type = #tpu.core_type<sc_vector_subcore>, window_params = [{transform_indices = #map}, {transform_indices = #map}, {transform_indices = #map}, {transform_indices = #map}, {transform_indices = #map}, {transform_indices = #map}]} {
    %mul3A = arith.constant 2 : i32
    %mul3A_0 = arith.muli %arg1, %mul3A : i32
    %add3A = arith.addi %mul3A_0, %arg0 : i32
    %mul3A_1 = arith.constant 10 : i32
    %mul3A_2 = arith.muli %add3A, %mul3A_1 : i32
    %mul3A_3 = arith.constant 1280 : i32
    %mul3A_4 = arith.muli %add3A, %mul3A_3 : i32
    "tpu.region"() ({
      %run_scoped3A = tpu.sem_alloc : memref<!tpu.dma_semaphore, #tpu.memory_space<semaphore_mem>>
      %dma_start3A = arith.constant 0 : i32
      %dma_start3A_9 = tpu.memref_slice %arg4[%mul3A_2, %dma_start3A] : memref<320x128xi32, #tpu.memory_space<hbm>> -> memref<10x128xi32, #tpu.memory_space<hbm>>
      %dma_start3A_10 = arith.constant 0 : i32
      %dma_start3A_11 = tpu.memref_slice %arg4[%mul3A_2, %dma_start3A_10] : memref<320x128xi32, #tpu.memory_space<hbm>> -> memref<10x128xi32, #tpu.memory_space<hbm>>
      tpu.enqueue_dma source(%dma_start3A_11 : memref<10x128xi32, #tpu.memory_space<hbm>>) target(%arg8 : memref<10x128xi32, #tpu.memory_space<vmem>>) target_semaphore(%run_scoped3A : memref<!tpu.dma_semaphore, #tpu.memory_space<semaphore_mem>>)
      %dma_wait3A = arith.constant 0 : i32
      %dma_wait3A_12 = tpu.memref_slice %arg4[%mul3A_2, %dma_wait3A] : memref<320x128xi32, #tpu.memory_space<hbm>> -> memref<10x128xi32, #tpu.memory_space<hbm>>
      %dma_wait3A_13 = arith.constant 0 : i32
      %dma_wait3A_14 = tpu.memref_slice %arg4[%mul3A_2, %dma_wait3A_13] : memref<320x128xi32, #tpu.memory_space<hbm>> -> memref<10x128xi32, #tpu.memory_space<hbm>>
      tpu.wait_dma2 semaphore(%run_scoped3A : memref<!tpu.dma_semaphore, #tpu.memory_space<semaphore_mem>>) src(%dma_wait3A_14 : memref<10x128xi32, #tpu.memory_space<hbm>>) dst(%arg8 : memref<10x128xi32, #tpu.memory_space<vmem>>)
      tpu.yield
    }) : () -> ()
    "tpu.region"() ({
      %run_scoped3A = tpu.sem_alloc : memref<!tpu.dma_semaphore, #tpu.memory_space<semaphore_mem>>
      %dma_start3A = arith.constant 0 : i32
      %dma_start3A_9 = tpu.memref_slice %arg5[%mul3A_2, %dma_start3A] : memref<320x128xi32, #tpu.memory_space<hbm>> -> memref<10x128xi32, #tpu.memory_space<hbm>>
      %dma_start3A_10 = arith.constant 0 : i32
      %dma_start3A_11 = tpu.memref_slice %arg5[%mul3A_2, %dma_start3A_10] : memref<320x128xi32, #tpu.memory_space<hbm>> -> memref<10x128xi32, #tpu.memory_space<hbm>>
      tpu.enqueue_dma source(%dma_start3A_11 : memref<10x128xi32, #tpu.memory_space<hbm>>) target(%arg9 : memref<10x128xi32, #tpu.memory_space<vmem>>) target_semaphore(%run_scoped3A : memref<!tpu.dma_semaphore, #tpu.memory_space<semaphore_mem>>)
      %dma_wait3A = arith.constant 0 : i32
      %dma_wait3A_12 = tpu.memref_slice %arg5[%mul3A_2, %dma_wait3A] : memref<320x128xi32, #tpu.memory_space<hbm>> -> memref<10x128xi32, #tpu.memory_space<hbm>>
      %dma_wait3A_13 = arith.constant 0 : i32
      %dma_wait3A_14 = tpu.memref_slice %arg5[%mul3A_2, %dma_wait3A_13] : memref<320x128xi32, #tpu.memory_space<hbm>> -> memref<10x128xi32, #tpu.memory_space<hbm>>
      tpu.wait_dma2 semaphore(%run_scoped3A : memref<!tpu.dma_semaphore, #tpu.memory_space<semaphore_mem>>) src(%dma_wait3A_14 : memref<10x128xi32, #tpu.memory_space<hbm>>) dst(%arg9 : memref<10x128xi32, #tpu.memory_space<vmem>>)
      tpu.yield
    }) : () -> ()
    %scan3A = arith.constant 0 : i32
    %scan3A_5 = arith.constant 2 : i32
    %scan3A_6 = arith.addi %scan3A, %scan3A_5 : i32
    %scan3A_7 = arith.constant 1 : i32
    scf.for %scan3A_9 = %scan3A to %scan3A_6 step %scan3A_7  : i32 {
      %mul3A_10 = arith.constant 1 : i32
      %mul3A_11 = arith.muli %scan3A_9, %mul3A_10 : i32
      %add3A_12 = arith.constant 0 : i32
      %add3A_13 = arith.addi %add3A_12, %mul3A_11 : i32
      %mul3A_14 = arith.constant 5 : i32
      %mul3A_15 = arith.muli %add3A_13, %mul3A_14 : i32
      %add3A_16 = arith.constant 0 : i32
      %add3A_17 = arith.addi %mul3A_15, %add3A_16 : i32
      %dma_start3A = arith.constant 0 : i32
      %dma_start3A_18 = arith.constant 0 : i32
      %dma_start3A_19 = tpu.memref_slice %arg10[%dma_start3A, %dma_start3A_18] : memref<640x32xf32, #tpu.memory_space<vmem>> -> memref<128x32xf32, #tpu.memory_space<vmem>>
      %dma_start3A_20 = arith.constant 0 : i32
      %dma_start3A_21 = tpu.memref_slice %arg8[%add3A_17, %dma_start3A_20] : memref<10x128xi32, #tpu.memory_space<vmem>> -> memref<1x128xi32, #tpu.memory_space<vmem>>
      %dma_start3A_22 = tpu.memref_squeeze %dma_start3A_21 : memref<1x128xi32, #tpu.memory_space<vmem>> -> memref<128xi32, #tpu.memory_space<vmem>>
      %dma_start3A_23 = arith.constant 0 : i32
      %dma_start3A_24 = arith.constant 0 : i32
      %dma_start3A_25 = tpu.memref_slice %arg2[%dma_start3A_23, %dma_start3A_24] : memref<10000x32xf32, #tpu.memory_space<hbm>> -> memref<10000x32xf32, #tpu.memory_space<hbm>>
      tpu.enqueue_indirect_dma source(%dma_start3A_25 : memref<10000x32xf32, #tpu.memory_space<hbm>>) target(%dma_start3A_19 : memref<128x32xf32, #tpu.memory_space<vmem>>) offsets(%dma_start3A_22 : memref<128xi32, #tpu.memory_space<vmem>>) semaphore(%arg12 : memref<!tpu.dma_semaphore, #tpu.memory_space<semaphore_mem>>)
      %dma_start3A_26 = arith.constant 0 : i32
      %dma_start3A_27 = arith.constant 0 : i32
      %dma_start3A_28 = tpu.memref_slice %arg11[%dma_start3A_26, %dma_start3A_27] : memref<640x32xf32, #tpu.memory_space<vmem>> -> memref<128x32xf32, #tpu.memory_space<vmem>>
      %dma_start3A_29 = arith.constant 0 : i32
      %dma_start3A_30 = tpu.memref_slice %arg9[%add3A_17, %dma_start3A_29] : memref<10x128xi32, #tpu.memory_space<vmem>> -> memref<1x128xi32, #tpu.memory_space<vmem>>
      %dma_start3A_31 = tpu.memref_squeeze %dma_start3A_30 : memref<1x128xi32, #tpu.memory_space<vmem>> -> memref<128xi32, #tpu.memory_space<vmem>>
      %dma_start3A_32 = arith.constant 0 : i32
      %dma_start3A_33 = arith.constant 0 : i32
      %dma_start3A_34 = tpu.memref_slice %arg3[%dma_start3A_32, %dma_start3A_33] : memref<10000x32xf32, #tpu.memory_space<hbm>> -> memref<10000x32xf32, #tpu.memory_space<hbm>>
      tpu.enqueue_indirect_dma source(%dma_start3A_34 : memref<10000x32xf32, #tpu.memory_space<hbm>>) target(%dma_start3A_28 : memref<128x32xf32, #tpu.memory_space<vmem>>) offsets(%dma_start3A_31 : memref<128xi32, #tpu.memory_space<vmem>>) semaphore(%arg13 : memref<!tpu.dma_semaphore, #tpu.memory_space<semaphore_mem>>)
      %mul3A_35 = arith.constant 5 : i32
      %mul3A_36 = arith.muli %add3A_13, %mul3A_35 : i32
      %add3A_37 = arith.constant 1 : i32
      %add3A_38 = arith.addi %mul3A_36, %add3A_37 : i32
      %dma_start3A_39 = arith.constant 128 : i32
      %dma_start3A_40 = arith.constant 0 : i32
      %dma_start3A_41 = tpu.memref_slice %arg10[%dma_start3A_39, %dma_start3A_40] : memref<640x32xf32, #tpu.memory_space<vmem>> -> memref<128x32xf32, #tpu.memory_space<vmem>>
      %dma_start3A_42 = arith.constant 0 : i32
      %dma_start3A_43 = tpu.memref_slice %arg8[%add3A_38, %dma_start3A_42] : memref<10x128xi32, #tpu.memory_space<vmem>> -> memref<1x128xi32, #tpu.memory_space<vmem>>
      %dma_start3A_44 = tpu.memref_squeeze %dma_start3A_43 : memref<1x128xi32, #tpu.memory_space<vmem>> -> memref<128xi32, #tpu.memory_space<vmem>>
      %dma_start3A_45 = arith.constant 0 : i32
      %dma_start3A_46 = arith.constant 0 : i32
      %dma_start3A_47 = tpu.memref_slice %arg2[%dma_start3A_45, %dma_start3A_46] : memref<10000x32xf32, #tpu.memory_space<hbm>> -> memref<10000x32xf32, #tpu.memory_space<hbm>>
      tpu.enqueue_indirect_dma source(%dma_start3A_47 : memref<10000x32xf32, #tpu.memory_space<hbm>>) target(%dma_start3A_41 : memref<128x32xf32, #tpu.memory_space<vmem>>) offsets(%dma_start3A_44 : memref<128xi32, #tpu.memory_space<vmem>>) semaphore(%arg12 : memref<!tpu.dma_semaphore, #tpu.memory_space<semaphore_mem>>)
      %dma_start3A_48 = arith.constant 128 : i32
      %dma_start3A_49 = arith.constant 0 : i32
      %dma_start3A_50 = tpu.memref_slice %arg11[%dma_start3A_48, %dma_start3A_49] : memref<640x32xf32, #tpu.memory_space<vmem>> -> memref<128x32xf32, #tpu.memory_space<vmem>>
      %dma_start3A_51 = arith.constant 0 : i32
      %dma_start3A_52 = tpu.memref_slice %arg9[%add3A_38, %dma_start3A_51] : memref<10x128xi32, #tpu.memory_space<vmem>> -> memref<1x128xi32, #tpu.memory_space<vmem>>
      %dma_start3A_53 = tpu.memref_squeeze %dma_start3A_52 : memref<1x128xi32, #tpu.memory_space<vmem>> -> memref<128xi32, #tpu.memory_space<vmem>>
      %dma_start3A_54 = arith.constant 0 : i32
      %dma_start3A_55 = arith.constant 0 : i32
      %dma_start3A_56 = tpu.memref_slice %arg3[%dma_start3A_54, %dma_start3A_55] : memref<10000x32xf32, #tpu.memory_space<hbm>> -> memref<10000x32xf32, #tpu.memory_space<hbm>>
      tpu.enqueue_indirect_dma source(%dma_start3A_56 : memref<10000x32xf32, #tpu.memory_space<hbm>>) target(%dma_start3A_50 : memref<128x32xf32, #tpu.memory_space<vmem>>) offsets(%dma_start3A_53 : memref<128xi32, #tpu.memory_space<vmem>>) semaphore(%arg13 : memref<!tpu.dma_semaphore, #tpu.memory_space<semaphore_mem>>)
      %mul3A_57 = arith.constant 5 : i32
      %mul3A_58 = arith.muli %add3A_13, %mul3A_57 : i32
      %add3A_59 = arith.constant 2 : i32
      %add3A_60 = arith.addi %mul3A_58, %add3A_59 : i32
      %dma_start3A_61 = arith.constant 256 : i32
      %dma_start3A_62 = arith.constant 0 : i32
      %dma_start3A_63 = tpu.memref_slice %arg10[%dma_start3A_61, %dma_start3A_62] : memref<640x32xf32, #tpu.memory_space<vmem>> -> memref<128x32xf32, #tpu.memory_space<vmem>>
      %dma_start3A_64 = arith.constant 0 : i32
      %dma_start3A_65 = tpu.memref_slice %arg8[%add3A_60, %dma_start3A_64] : memref<10x128xi32, #tpu.memory_space<vmem>> -> memref<1x128xi32, #tpu.memory_space<vmem>>
      %dma_start3A_66 = tpu.memref_squeeze %dma_start3A_65 : memref<1x128xi32, #tpu.memory_space<vmem>> -> memref<128xi32, #tpu.memory_space<vmem>>
      %dma_start3A_67 = arith.constant 0 : i32
      %dma_start3A_68 = arith.constant 0 : i32
      %dma_start3A_69 = tpu.memref_slice %arg2[%dma_start3A_67, %dma_start3A_68] : memref<10000x32xf32, #tpu.memory_space<hbm>> -> memref<10000x32xf32, #tpu.memory_space<hbm>>
      tpu.enqueue_indirect_dma source(%dma_start3A_69 : memref<10000x32xf32, #tpu.memory_space<hbm>>) target(%dma_start3A_63 : memref<128x32xf32, #tpu.memory_space<vmem>>) offsets(%dma_start3A_66 : memref<128xi32, #tpu.memory_space<vmem>>) semaphore(%arg12 : memref<!tpu.dma_semaphore, #tpu.memory_space<semaphore_mem>>)
      %dma_start3A_70 = arith.constant 256 : i32
      %dma_start3A_71 = arith.constant 0 : i32
      %dma_start3A_72 = tpu.memref_slice %arg11[%dma_start3A_70, %dma_start3A_71] : memref<640x32xf32, #tpu.memory_space<vmem>> -> memref<128x32xf32, #tpu.memory_space<vmem>>
      %dma_start3A_73 = arith.constant 0 : i32
      %dma_start3A_74 = tpu.memref_slice %arg9[%add3A_60, %dma_start3A_73] : memref<10x128xi32, #tpu.memory_space<vmem>> -> memref<1x128xi32, #tpu.memory_space<vmem>>
      %dma_start3A_75 = tpu.memref_squeeze %dma_start3A_74 : memref<1x128xi32, #tpu.memory_space<vmem>> -> memref<128xi32, #tpu.memory_space<vmem>>
      %dma_start3A_76 = arith.constant 0 : i32
      %dma_start3A_77 = arith.constant 0 : i32
      %dma_start3A_78 = tpu.memref_slice %arg3[%dma_start3A_76, %dma_start3A_77] : memref<10000x32xf32, #tpu.memory_space<hbm>> -> memref<10000x32xf32, #tpu.memory_space<hbm>>
      tpu.enqueue_indirect_dma source(%dma_start3A_78 : memref<10000x32xf32, #tpu.memory_space<hbm>>) target(%dma_start3A_72 : memref<128x32xf32, #tpu.memory_space<vmem>>) offsets(%dma_start3A_75 : memref<128xi32, #tpu.memory_space<vmem>>) semaphore(%arg13 : memref<!tpu.dma_semaphore, #tpu.memory_space<semaphore_mem>>)
      %mul3A_79 = arith.constant 5 : i32
      %mul3A_80 = arith.muli %add3A_13, %mul3A_79 : i32
      %add3A_81 = arith.constant 3 : i32
      %add3A_82 = arith.addi %mul3A_80, %add3A_81 : i32
      %dma_start3A_83 = arith.constant 384 : i32
      %dma_start3A_84 = arith.constant 0 : i32
      %dma_start3A_85 = tpu.memref_slice %arg10[%dma_start3A_83, %dma_start3A_84] : memref<640x32xf32, #tpu.memory_space<vmem>> -> memref<128x32xf32, #tpu.memory_space<vmem>>
      %dma_start3A_86 = arith.constant 0 : i32
      %dma_start3A_87 = tpu.memref_slice %arg8[%add3A_82, %dma_start3A_86] : memref<10x128xi32, #tpu.memory_space<vmem>> -> memref<1x128xi32, #tpu.memory_space<vmem>>
      %dma_start3A_88 = tpu.memref_squeeze %dma_start3A_87 : memref<1x128xi32, #tpu.memory_space<vmem>> -> memref<128xi32, #tpu.memory_space<vmem>>
      %dma_start3A_89 = arith.constant 0 : i32
      %dma_start3A_90 = arith.constant 0 : i32
      %dma_start3A_91 = tpu.memref_slice %arg2[%dma_start3A_89, %dma_start3A_90] : memref<10000x32xf32, #tpu.memory_space<hbm>> -> memref<10000x32xf32, #tpu.memory_space<hbm>>
      tpu.enqueue_indirect_dma source(%dma_start3A_91 : memref<10000x32xf32, #tpu.memory_space<hbm>>) target(%dma_start3A_85 : memref<128x32xf32, #tpu.memory_space<vmem>>) offsets(%dma_start3A_88 : memref<128xi32, #tpu.memory_space<vmem>>) semaphore(%arg12 : memref<!tpu.dma_semaphore, #tpu.memory_space<semaphore_mem>>)
      %dma_start3A_92 = arith.constant 384 : i32
      %dma_start3A_93 = arith.constant 0 : i32
      %dma_start3A_94 = tpu.memref_slice %arg11[%dma_start3A_92, %dma_start3A_93] : memref<640x32xf32, #tpu.memory_space<vmem>> -> memref<128x32xf32, #tpu.memory_space<vmem>>
      %dma_start3A_95 = arith.constant 0 : i32
      %dma_start3A_96 = tpu.memref_slice %arg9[%add3A_82, %dma_start3A_95] : memref<10x128xi32, #tpu.memory_space<vmem>> -> memref<1x128xi32, #tpu.memory_space<vmem>>
      %dma_start3A_97 = tpu.memref_squeeze %dma_start3A_96 : memref<1x128xi32, #tpu.memory_space<vmem>> -> memref<128xi32, #tpu.memory_space<vmem>>
      %dma_start3A_98 = arith.constant 0 : i32
      %dma_start3A_99 = arith.constant 0 : i32
      %dma_start3A_100 = tpu.memref_slice %arg3[%dma_start3A_98, %dma_start3A_99] : memref<10000x32xf32, #tpu.memory_space<hbm>> -> memref<10000x32xf32, #tpu.memory_space<hbm>>
      tpu.enqueue_indirect_dma source(%dma_start3A_100 : memref<10000x32xf32, #tpu.memory_space<hbm>>) target(%dma_start3A_94 : memref<128x32xf32, #tpu.memory_space<vmem>>) offsets(%dma_start3A_97 : memref<128xi32, #tpu.memory_space<vmem>>) semaphore(%arg13 : memref<!tpu.dma_semaphore, #tpu.memory_space<semaphore_mem>>)
      %mul3A_101 = arith.constant 5 : i32
      %mul3A_102 = arith.muli %add3A_13, %mul3A_101 : i32
      %add3A_103 = arith.constant 4 : i32
      %add3A_104 = arith.addi %mul3A_102, %add3A_103 : i32
      %dma_start3A_105 = arith.constant 512 : i32
      %dma_start3A_106 = arith.constant 0 : i32
      %dma_start3A_107 = tpu.memref_slice %arg10[%dma_start3A_105, %dma_start3A_106] : memref<640x32xf32, #tpu.memory_space<vmem>> -> memref<128x32xf32, #tpu.memory_space<vmem>>
      %dma_start3A_108 = arith.constant 0 : i32
      %dma_start3A_109 = tpu.memref_slice %arg8[%add3A_104, %dma_start3A_108] : memref<10x128xi32, #tpu.memory_space<vmem>> -> memref<1x128xi32, #tpu.memory_space<vmem>>
      %dma_start3A_110 = tpu.memref_squeeze %dma_start3A_109 : memref<1x128xi32, #tpu.memory_space<vmem>> -> memref<128xi32, #tpu.memory_space<vmem>>
      %dma_start3A_111 = arith.constant 0 : i32
      %dma_start3A_112 = arith.constant 0 : i32
      %dma_start3A_113 = tpu.memref_slice %arg2[%dma_start3A_111, %dma_start3A_112] : memref<10000x32xf32, #tpu.memory_space<hbm>> -> memref<10000x32xf32, #tpu.memory_space<hbm>>
      tpu.enqueue_indirect_dma source(%dma_start3A_113 : memref<10000x32xf32, #tpu.memory_space<hbm>>) target(%dma_start3A_107 : memref<128x32xf32, #tpu.memory_space<vmem>>) offsets(%dma_start3A_110 : memref<128xi32, #tpu.memory_space<vmem>>) semaphore(%arg12 : memref<!tpu.dma_semaphore, #tpu.memory_space<semaphore_mem>>)
      %dma_start3A_114 = arith.constant 512 : i32
      %dma_start3A_115 = arith.constant 0 : i32
      %dma_start3A_116 = tpu.memref_slice %arg11[%dma_start3A_114, %dma_start3A_115] : memref<640x32xf32, #tpu.memory_space<vmem>> -> memref<128x32xf32, #tpu.memory_space<vmem>>
      %dma_start3A_117 = arith.constant 0 : i32
      %dma_start3A_118 = tpu.memref_slice %arg9[%add3A_104, %dma_start3A_117] : memref<10x128xi32, #tpu.memory_space<vmem>> -> memref<1x128xi32, #tpu.memory_space<vmem>>
      %dma_start3A_119 = tpu.memref_squeeze %dma_start3A_118 : memref<1x128xi32, #tpu.memory_space<vmem>> -> memref<128xi32, #tpu.memory_space<vmem>>
      %dma_start3A_120 = arith.constant 0 : i32
      %dma_start3A_121 = arith.constant 0 : i32
      %dma_start3A_122 = tpu.memref_slice %arg3[%dma_start3A_120, %dma_start3A_121] : memref<10000x32xf32, #tpu.memory_space<hbm>> -> memref<10000x32xf32, #tpu.memory_space<hbm>>
      tpu.enqueue_indirect_dma source(%dma_start3A_122 : memref<10000x32xf32, #tpu.memory_space<hbm>>) target(%dma_start3A_116 : memref<128x32xf32, #tpu.memory_space<vmem>>) offsets(%dma_start3A_119 : memref<128xi32, #tpu.memory_space<vmem>>) semaphore(%arg13 : memref<!tpu.dma_semaphore, #tpu.memory_space<semaphore_mem>>)
      %dma_wait3A = arith.constant 0 : i32
      %dma_wait3A_123 = arith.constant 0 : i32
      %dma_wait3A_124 = tpu.memref_slice %arg10[%dma_wait3A, %dma_wait3A_123] : memref<640x32xf32, #tpu.memory_space<vmem>> -> memref<128x32xf32, #tpu.memory_space<vmem>>
      %dma_wait3A_125 = arith.constant 0 : i32
      %dma_wait3A_126 = tpu.memref_slice %arg8[%add3A_17, %dma_wait3A_125] : memref<10x128xi32, #tpu.memory_space<vmem>> -> memref<1x128xi32, #tpu.memory_space<vmem>>
      %dma_wait3A_127 = tpu.memref_squeeze %dma_wait3A_126 : memref<1x128xi32, #tpu.memory_space<vmem>> -> memref<128xi32, #tpu.memory_space<vmem>>
      %dma_wait3A_128 = arith.constant 0 : i32
      %dma_wait3A_129 = arith.constant 0 : i32
      %dma_wait3A_130 = tpu.memref_slice %arg2[%dma_wait3A_128, %dma_wait3A_129] : memref<10000x32xf32, #tpu.memory_space<hbm>> -> memref<10000x32xf32, #tpu.memory_space<hbm>>
      tpu.wait_indirect_dma semaphore(%arg12 : memref<!tpu.dma_semaphore, #tpu.memory_space<semaphore_mem>>) src(%dma_wait3A_130 : memref<10000x32xf32, #tpu.memory_space<hbm>>) dst(%dma_wait3A_124 : memref<128x32xf32, #tpu.memory_space<vmem>>)
      %dma_wait3A_131 = arith.constant 0 : i32
      %dma_wait3A_132 = arith.constant 0 : i32
      %dma_wait3A_133 = tpu.memref_slice %arg11[%dma_wait3A_131, %dma_wait3A_132] : memref<640x32xf32, #tpu.memory_space<vmem>> -> memref<128x32xf32, #tpu.memory_space<vmem>>
      %dma_wait3A_134 = arith.constant 0 : i32
      %dma_wait3A_135 = tpu.memref_slice %arg9[%add3A_17, %dma_wait3A_134] : memref<10x128xi32, #tpu.memory_space<vmem>> -> memref<1x128xi32, #tpu.memory_space<vmem>>
      %dma_wait3A_136 = tpu.memref_squeeze %dma_wait3A_135 : memref<1x128xi32, #tpu.memory_space<vmem>> -> memref<128xi32, #tpu.memory_space<vmem>>
      %dma_wait3A_137 = arith.constant 0 : i32
      %dma_wait3A_138 = arith.constant 0 : i32
      %dma_wait3A_139 = tpu.memref_slice %arg3[%dma_wait3A_137, %dma_wait3A_138] : memref<10000x32xf32, #tpu.memory_space<hbm>> -> memref<10000x32xf32, #tpu.memory_space<hbm>>
      tpu.wait_indirect_dma semaphore(%arg13 : memref<!tpu.dma_semaphore, #tpu.memory_space<semaphore_mem>>) src(%dma_wait3A_139 : memref<10000x32xf32, #tpu.memory_space<hbm>>) dst(%dma_wait3A_133 : memref<128x32xf32, #tpu.memory_space<vmem>>)
      %dma_wait3A_140 = arith.constant 128 : i32
      %dma_wait3A_141 = arith.constant 0 : i32
      %dma_wait3A_142 = tpu.memref_slice %arg10[%dma_wait3A_140, %dma_wait3A_141] : memref<640x32xf32, #tpu.memory_space<vmem>> -> memref<128x32xf32, #tpu.memory_space<vmem>>
      %dma_wait3A_143 = arith.constant 0 : i32
      %dma_wait3A_144 = tpu.memref_slice %arg8[%add3A_38, %dma_wait3A_143] : memref<10x128xi32, #tpu.memory_space<vmem>> -> memref<1x128xi32, #tpu.memory_space<vmem>>
      %dma_wait3A_145 = tpu.memref_squeeze %dma_wait3A_144 : memref<1x128xi32, #tpu.memory_space<vmem>> -> memref<128xi32, #tpu.memory_space<vmem>>
      %dma_wait3A_146 = arith.constant 0 : i32
      %dma_wait3A_147 = arith.constant 0 : i32
      %dma_wait3A_148 = tpu.memref_slice %arg2[%dma_wait3A_146, %dma_wait3A_147] : memref<10000x32xf32, #tpu.memory_space<hbm>> -> memref<10000x32xf32, #tpu.memory_space<hbm>>
      tpu.wait_indirect_dma semaphore(%arg12 : memref<!tpu.dma_semaphore, #tpu.memory_space<semaphore_mem>>) src(%dma_wait3A_148 : memref<10000x32xf32, #tpu.memory_space<hbm>>) dst(%dma_wait3A_142 : memref<128x32xf32, #tpu.memory_space<vmem>>)
      %dma_wait3A_149 = arith.constant 128 : i32
      %dma_wait3A_150 = arith.constant 0 : i32
      %dma_wait3A_151 = tpu.memref_slice %arg11[%dma_wait3A_149, %dma_wait3A_150] : memref<640x32xf32, #tpu.memory_space<vmem>> -> memref<128x32xf32, #tpu.memory_space<vmem>>
      %dma_wait3A_152 = arith.constant 0 : i32
      %dma_wait3A_153 = tpu.memref_slice %arg9[%add3A_38, %dma_wait3A_152] : memref<10x128xi32, #tpu.memory_space<vmem>> -> memref<1x128xi32, #tpu.memory_space<vmem>>
      %dma_wait3A_154 = tpu.memref_squeeze %dma_wait3A_153 : memref<1x128xi32, #tpu.memory_space<vmem>> -> memref<128xi32, #tpu.memory_space<vmem>>
      %dma_wait3A_155 = arith.constant 0 : i32
      %dma_wait3A_156 = arith.constant 0 : i32
      %dma_wait3A_157 = tpu.memref_slice %arg3[%dma_wait3A_155, %dma_wait3A_156] : memref<10000x32xf32, #tpu.memory_space<hbm>> -> memref<10000x32xf32, #tpu.memory_space<hbm>>
      tpu.wait_indirect_dma semaphore(%arg13 : memref<!tpu.dma_semaphore, #tpu.memory_space<semaphore_mem>>) src(%dma_wait3A_157 : memref<10000x32xf32, #tpu.memory_space<hbm>>) dst(%dma_wait3A_151 : memref<128x32xf32, #tpu.memory_space<vmem>>)
      %dma_wait3A_158 = arith.constant 256 : i32
      %dma_wait3A_159 = arith.constant 0 : i32
      %dma_wait3A_160 = tpu.memref_slice %arg10[%dma_wait3A_158, %dma_wait3A_159] : memref<640x32xf32, #tpu.memory_space<vmem>> -> memref<128x32xf32, #tpu.memory_space<vmem>>
      %dma_wait3A_161 = arith.constant 0 : i32
      %dma_wait3A_162 = tpu.memref_slice %arg8[%add3A_60, %dma_wait3A_161] : memref<10x128xi32, #tpu.memory_space<vmem>> -> memref<1x128xi32, #tpu.memory_space<vmem>>
      %dma_wait3A_163 = tpu.memref_squeeze %dma_wait3A_162 : memref<1x128xi32, #tpu.memory_space<vmem>> -> memref<128xi32, #tpu.memory_space<vmem>>
      %dma_wait3A_164 = arith.constant 0 : i32
      %dma_wait3A_165 = arith.constant 0 : i32
      %dma_wait3A_166 = tpu.memref_slice %arg2[%dma_wait3A_164, %dma_wait3A_165] : memref<10000x32xf32, #tpu.memory_space<hbm>> -> memref<10000x32xf32, #tpu.memory_space<hbm>>
      tpu.wait_indirect_dma semaphore(%arg12 : memref<!tpu.dma_semaphore, #tpu.memory_space<semaphore_mem>>) src(%dma_wait3A_166 : memref<10000x32xf32, #tpu.memory_space<hbm>>) dst(%dma_wait3A_160 : memref<128x32xf32, #tpu.memory_space<vmem>>)
      %dma_wait3A_167 = arith.constant 256 : i32
      %dma_wait3A_168 = arith.constant 0 : i32
      %dma_wait3A_169 = tpu.memref_slice %arg11[%dma_wait3A_167, %dma_wait3A_168] : memref<640x32xf32, #tpu.memory_space<vmem>> -> memref<128x32xf32, #tpu.memory_space<vmem>>
      %dma_wait3A_170 = arith.constant 0 : i32
      %dma_wait3A_171 = tpu.memref_slice %arg9[%add3A_60, %dma_wait3A_170] : memref<10x128xi32, #tpu.memory_space<vmem>> -> memref<1x128xi32, #tpu.memory_space<vmem>>
      %dma_wait3A_172 = tpu.memref_squeeze %dma_wait3A_171 : memref<1x128xi32, #tpu.memory_space<vmem>> -> memref<128xi32, #tpu.memory_space<vmem>>
      %dma_wait3A_173 = arith.constant 0 : i32
      %dma_wait3A_174 = arith.constant 0 : i32
      %dma_wait3A_175 = tpu.memref_slice %arg3[%dma_wait3A_173, %dma_wait3A_174] : memref<10000x32xf32, #tpu.memory_space<hbm>> -> memref<10000x32xf32, #tpu.memory_space<hbm>>
      tpu.wait_indirect_dma semaphore(%arg13 : memref<!tpu.dma_semaphore, #tpu.memory_space<semaphore_mem>>) src(%dma_wait3A_175 : memref<10000x32xf32, #tpu.memory_space<hbm>>) dst(%dma_wait3A_169 : memref<128x32xf32, #tpu.memory_space<vmem>>)
      %dma_wait3A_176 = arith.constant 384 : i32
      %dma_wait3A_177 = arith.constant 0 : i32
      %dma_wait3A_178 = tpu.memref_slice %arg10[%dma_wait3A_176, %dma_wait3A_177] : memref<640x32xf32, #tpu.memory_space<vmem>> -> memref<128x32xf32, #tpu.memory_space<vmem>>
      %dma_wait3A_179 = arith.constant 0 : i32
      %dma_wait3A_180 = tpu.memref_slice %arg8[%add3A_82, %dma_wait3A_179] : memref<10x128xi32, #tpu.memory_space<vmem>> -> memref<1x128xi32, #tpu.memory_space<vmem>>
      %dma_wait3A_181 = tpu.memref_squeeze %dma_wait3A_180 : memref<1x128xi32, #tpu.memory_space<vmem>> -> memref<128xi32, #tpu.memory_space<vmem>>
      %dma_wait3A_182 = arith.constant 0 : i32
      %dma_wait3A_183 = arith.constant 0 : i32
      %dma_wait3A_184 = tpu.memref_slice %arg2[%dma_wait3A_182, %dma_wait3A_183] : memref<10000x32xf32, #tpu.memory_space<hbm>> -> memref<10000x32xf32, #tpu.memory_space<hbm>>
      tpu.wait_indirect_dma semaphore(%arg12 : memref<!tpu.dma_semaphore, #tpu.memory_space<semaphore_mem>>) src(%dma_wait3A_184 : memref<10000x32xf32, #tpu.memory_space<hbm>>) dst(%dma_wait3A_178 : memref<128x32xf32, #tpu.memory_space<vmem>>)
      %dma_wait3A_185 = arith.constant 384 : i32
      %dma_wait3A_186 = arith.constant 0 : i32
      %dma_wait3A_187 = tpu.memref_slice %arg11[%dma_wait3A_185, %dma_wait3A_186] : memref<640x32xf32, #tpu.memory_space<vmem>> -> memref<128x32xf32, #tpu.memory_space<vmem>>
      %dma_wait3A_188 = arith.constant 0 : i32
      %dma_wait3A_189 = tpu.memref_slice %arg9[%add3A_82, %dma_wait3A_188] : memref<10x128xi32, #tpu.memory_space<vmem>> -> memref<1x128xi32, #tpu.memory_space<vmem>>
      %dma_wait3A_190 = tpu.memref_squeeze %dma_wait3A_189 : memref<1x128xi32, #tpu.memory_space<vmem>> -> memref<128xi32, #tpu.memory_space<vmem>>
      %dma_wait3A_191 = arith.constant 0 : i32
      %dma_wait3A_192 = arith.constant 0 : i32
      %dma_wait3A_193 = tpu.memref_slice %arg3[%dma_wait3A_191, %dma_wait3A_192] : memref<10000x32xf32, #tpu.memory_space<hbm>> -> memref<10000x32xf32, #tpu.memory_space<hbm>>
      tpu.wait_indirect_dma semaphore(%arg13 : memref<!tpu.dma_semaphore, #tpu.memory_space<semaphore_mem>>) src(%dma_wait3A_193 : memref<10000x32xf32, #tpu.memory_space<hbm>>) dst(%dma_wait3A_187 : memref<128x32xf32, #tpu.memory_space<vmem>>)
      %dma_wait3A_194 = arith.constant 512 : i32
      %dma_wait3A_195 = arith.constant 0 : i32
      %dma_wait3A_196 = tpu.memref_slice %arg10[%dma_wait3A_194, %dma_wait3A_195] : memref<640x32xf32, #tpu.memory_space<vmem>> -> memref<128x32xf32, #tpu.memory_space<vmem>>
      %dma_wait3A_197 = arith.constant 0 : i32
      %dma_wait3A_198 = tpu.memref_slice %arg8[%add3A_104, %dma_wait3A_197] : memref<10x128xi32, #tpu.memory_space<vmem>> -> memref<1x128xi32, #tpu.memory_space<vmem>>
      %dma_wait3A_199 = tpu.memref_squeeze %dma_wait3A_198 : memref<1x128xi32, #tpu.memory_space<vmem>> -> memref<128xi32, #tpu.memory_space<vmem>>
      %dma_wait3A_200 = arith.constant 0 : i32
      %dma_wait3A_201 = arith.constant 0 : i32
      %dma_wait3A_202 = tpu.memref_slice %arg2[%dma_wait3A_200, %dma_wait3A_201] : memref<10000x32xf32, #tpu.memory_space<hbm>> -> memref<10000x32xf32, #tpu.memory_space<hbm>>
      tpu.wait_indirect_dma semaphore(%arg12 : memref<!tpu.dma_semaphore, #tpu.memory_space<semaphore_mem>>) src(%dma_wait3A_202 : memref<10000x32xf32, #tpu.memory_space<hbm>>) dst(%dma_wait3A_196 : memref<128x32xf32, #tpu.memory_space<vmem>>)
      %dma_wait3A_203 = arith.constant 512 : i32
      %dma_wait3A_204 = arith.constant 0 : i32
      %dma_wait3A_205 = tpu.memref_slice %arg11[%dma_wait3A_203, %dma_wait3A_204] : memref<640x32xf32, #tpu.memory_space<vmem>> -> memref<128x32xf32, #tpu.memory_space<vmem>>
      %dma_wait3A_206 = arith.constant 0 : i32
      %dma_wait3A_207 = tpu.memref_slice %arg9[%add3A_104, %dma_wait3A_206] : memref<10x128xi32, #tpu.memory_space<vmem>> -> memref<1x128xi32, #tpu.memory_space<vmem>>
      %dma_wait3A_208 = tpu.memref_squeeze %dma_wait3A_207 : memref<1x128xi32, #tpu.memory_space<vmem>> -> memref<128xi32, #tpu.memory_space<vmem>>
      %dma_wait3A_209 = arith.constant 0 : i32
      %dma_wait3A_210 = arith.constant 0 : i32
      %dma_wait3A_211 = tpu.memref_slice %arg3[%dma_wait3A_209, %dma_wait3A_210] : memref<10000x32xf32, #tpu.memory_space<hbm>> -> memref<10000x32xf32, #tpu.memory_space<hbm>>
      tpu.wait_indirect_dma semaphore(%arg13 : memref<!tpu.dma_semaphore, #tpu.memory_space<semaphore_mem>>) src(%dma_wait3A_211 : memref<10000x32xf32, #tpu.memory_space<hbm>>) dst(%dma_wait3A_205 : memref<128x32xf32, #tpu.memory_space<vmem>>)
      %mul3A_212 = arith.constant 640 : i32
      %mul3A_213 = arith.muli %add3A_13, %mul3A_212 : i32
      %add3A_214 = arith.addi %mul3A_4, %mul3A_213 : i32
      "tpu.region"() ({
        %run_scoped3A = tpu.sem_alloc : memref<!tpu.dma_semaphore, #tpu.memory_space<semaphore_mem>>
        %dma_start3A_215 = arith.constant 0 : i32
        %dma_start3A_216 = tpu.memref_slice %arg6[%add3A_214, %dma_start3A_215] : memref<40960x32xf32, #tpu.memory_space<hbm>> -> memref<640x32xf32, #tpu.memory_space<hbm>>
        %dma_start3A_217 = arith.constant 0 : i32
        %dma_start3A_218 = tpu.memref_slice %arg6[%add3A_214, %dma_start3A_217] : memref<40960x32xf32, #tpu.memory_space<hbm>> -> memref<640x32xf32, #tpu.memory_space<hbm>>
        tpu.enqueue_dma source(%arg10 : memref<640x32xf32, #tpu.memory_space<vmem>>) target(%dma_start3A_218 : memref<640x32xf32, #tpu.memory_space<hbm>>) target_semaphore(%run_scoped3A : memref<!tpu.dma_semaphore, #tpu.memory_space<semaphore_mem>>)
        %dma_wait3A_219 = arith.constant 0 : i32
        %dma_wait3A_220 = tpu.memref_slice %arg6[%add3A_214, %dma_wait3A_219] : memref<40960x32xf32, #tpu.memory_space<hbm>> -> memref<640x32xf32, #tpu.memory_space<hbm>>
        %dma_wait3A_221 = arith.constant 0 : i32
        %dma_wait3A_222 = tpu.memref_slice %arg6[%add3A_214, %dma_wait3A_221] : memref<40960x32xf32, #tpu.memory_space<hbm>> -> memref<640x32xf32, #tpu.memory_space<hbm>>
        tpu.wait_dma2 semaphore(%run_scoped3A : memref<!tpu.dma_semaphore, #tpu.memory_space<semaphore_mem>>) src(%arg10 : memref<640x32xf32, #tpu.memory_space<vmem>>) dst(%dma_wait3A_222 : memref<640x32xf32, #tpu.memory_space<hbm>>)
        tpu.yield
      }) : () -> ()
      "tpu.region"() ({
        %run_scoped3A = tpu.sem_alloc : memref<!tpu.dma_semaphore, #tpu.memory_space<semaphore_mem>>
        %dma_start3A_215 = arith.constant 0 : i32
        %dma_start3A_216 = tpu.memref_slice %arg7[%add3A_214, %dma_start3A_215] : memref<40960x32xf32, #tpu.memory_space<hbm>> -> memref<640x32xf32, #tpu.memory_space<hbm>>
        %dma_start3A_217 = arith.constant 0 : i32
        %dma_start3A_218 = tpu.memref_slice %arg7[%add3A_214, %dma_start3A_217] : memref<40960x32xf32, #tpu.memory_space<hbm>> -> memref<640x32xf32, #tpu.memory_space<hbm>>
        tpu.enqueue_dma source(%arg11 : memref<640x32xf32, #tpu.memory_space<vmem>>) target(%dma_start3A_218 : memref<640x32xf32, #tpu.memory_space<hbm>>) target_semaphore(%run_scoped3A : memref<!tpu.dma_semaphore, #tpu.memory_space<semaphore_mem>>)
        %dma_wait3A_219 = arith.constant 0 : i32
        %dma_wait3A_220 = tpu.memref_slice %arg7[%add3A_214, %dma_wait3A_219] : memref<40960x32xf32, #tpu.memory_space<hbm>> -> memref<640x32xf32, #tpu.memory_space<hbm>>
        %dma_wait3A_221 = arith.constant 0 : i32
        %dma_wait3A_222 = tpu.memref_slice %arg7[%add3A_214, %dma_wait3A_221] : memref<40960x32xf32, #tpu.memory_space<hbm>> -> memref<640x32xf32, #tpu.memory_space<hbm>>
        tpu.wait_dma2 semaphore(%run_scoped3A : memref<!tpu.dma_semaphore, #tpu.memory_space<semaphore_mem>>) src(%arg11 : memref<640x32xf32, #tpu.memory_space<vmem>>) dst(%dma_wait3A_222 : memref<640x32xf32, #tpu.memory_space<hbm>>)
        tpu.yield
      }) : () -> ()
    }
    %scan3A_8 = arith.constant 2 : i32
    return
  }
}

#map = affine_map<(d0, d1) -> (0, 0)>
module attributes {stable_mosaic.version = 14 : i64} {
  func.func @_gather_body(%arg0: i32, %arg1: i32, %arg2: memref<10000x32xf32, #tpu.memory_space<hbm>>, %arg3: memref<10000x32xf32, #tpu.memory_space<hbm>>, %arg4: memref<320x128xi32, #tpu.memory_space<hbm>>, %arg5: memref<320x128xi32, #tpu.memory_space<hbm>>, %arg6: memref<40960x32xf32, #tpu.memory_space<hbm>>, %arg7: memref<40960x32xf32, #tpu.memory_space<hbm>>, %arg8: memref<10x128xi32, #tpu.memory_space<vmem>>, %arg9: memref<10x128xi32, #tpu.memory_space<vmem>>, %arg10: memref<640x32xf32, #tpu.memory_space<vmem>>, %arg11: memref<640x32xf32, #tpu.memory_space<vmem>>, %arg12: memref<!tpu.dma_semaphore, #tpu.memory_space<semaphore_mem>>, %arg13: memref<!tpu.dma_semaphore, #tpu.memory_space<semaphore_mem>>) attributes {dimension_semantics = [#tpu.dimension_semantics<core_parallel>, #tpu.dimension_semantics<subcore_parallel>], iteration_bounds = array<i64: 2, 16>, scalar_prefetch = 0 : i64, scratch_operands = 6 : i64, tpu.core_type = #tpu.core_type<sc_vector_subcore>, window_params = [{transform_indices = #map}, {transform_indices = #map}, {transform_indices = #map}, {transform_indices = #map}, {transform_indices = #map}, {transform_indices = #map}]} {
    %mul3A = arith.constant 2 : i32
    %mul3A_0 = arith.muli %arg1, %mul3A : i32
    %add3A = arith.addi %mul3A_0, %arg0 : i32
    %mul3A_1 = arith.constant 10 : i32
    %mul3A_2 = arith.muli %add3A, %mul3A_1 : i32
    %mul3A_3 = arith.constant 1280 : i32
    %mul3A_4 = arith.muli %add3A, %mul3A_3 : i32
    "tpu.region"() ({
      %run_scoped3A = tpu.sem_alloc : memref<!tpu.dma_semaphore, #tpu.memory_space<semaphore_mem>>
      %dma_start3A = arith.constant 0 : i32
      %dma_start3A_9 = tpu.memref_slice %arg4[%mul3A_2, %dma_start3A] : memref<320x128xi32, #tpu.memory_space<hbm>> -> memref<10x128xi32, #tpu.memory_space<hbm>>
      %dma_start3A_10 = arith.constant 0 : i32
      %dma_start3A_11 = tpu.memref_slice %arg4[%mul3A_2, %dma_start3A_10] : memref<320x128xi32, #tpu.memory_space<hbm>> -> memref<10x128xi32, #tpu.memory_space<hbm>>
      tpu.enqueue_dma source(%dma_start3A_11 : memref<10x128xi32, #tpu.memory_space<hbm>>) target(%arg8 : memref<10x128xi32, #tpu.memory_space<vmem>>) target_semaphore(%run_scoped3A : memref<!tpu.dma_semaphore, #tpu.memory_space<semaphore_mem>>)
      %dma_wait3A = arith.constant 0 : i32
      %dma_wait3A_12 = tpu.memref_slice %arg4[%mul3A_2, %dma_wait3A] : memref<320x128xi32, #tpu.memory_space<hbm>> -> memref<10x128xi32, #tpu.memory_space<hbm>>
      %dma_wait3A_13 = arith.constant 0 : i32
      %dma_wait3A_14 = tpu.memref_slice %arg4[%mul3A_2, %dma_wait3A_13] : memref<320x128xi32, #tpu.memory_space<hbm>> -> memref<10x128xi32, #tpu.memory_space<hbm>>
      tpu.wait_dma2 semaphore(%run_scoped3A : memref<!tpu.dma_semaphore, #tpu.memory_space<semaphore_mem>>) src(%dma_wait3A_14 : memref<10x128xi32, #tpu.memory_space<hbm>>) dst(%arg8 : memref<10x128xi32, #tpu.memory_space<vmem>>)
      tpu.yield
    }) : () -> ()
    "tpu.region"() ({
      %run_scoped3A = tpu.sem_alloc : memref<!tpu.dma_semaphore, #tpu.memory_space<semaphore_mem>>
      %dma_start3A = arith.constant 0 : i32
      %dma_start3A_9 = tpu.memref_slice %arg5[%mul3A_2, %dma_start3A] : memref<320x128xi32, #tpu.memory_space<hbm>> -> memref<10x128xi32, #tpu.memory_space<hbm>>
      %dma_start3A_10 = arith.constant 0 : i32
      %dma_start3A_11 = tpu.memref_slice %arg5[%mul3A_2, %dma_start3A_10] : memref<320x128xi32, #tpu.memory_space<hbm>> -> memref<10x128xi32, #tpu.memory_space<hbm>>
      tpu.enqueue_dma source(%dma_start3A_11 : memref<10x128xi32, #tpu.memory_space<hbm>>) target(%arg9 : memref<10x128xi32, #tpu.memory_space<vmem>>) target_semaphore(%run_scoped3A : memref<!tpu.dma_semaphore, #tpu.memory_space<semaphore_mem>>)
      %dma_wait3A = arith.constant 0 : i32
      %dma_wait3A_12 = tpu.memref_slice %arg5[%mul3A_2, %dma_wait3A] : memref<320x128xi32, #tpu.memory_space<hbm>> -> memref<10x128xi32, #tpu.memory_space<hbm>>
      %dma_wait3A_13 = arith.constant 0 : i32
      %dma_wait3A_14 = tpu.memref_slice %arg5[%mul3A_2, %dma_wait3A_13] : memref<320x128xi32, #tpu.memory_space<hbm>> -> memref<10x128xi32, #tpu.memory_space<hbm>>
      tpu.wait_dma2 semaphore(%run_scoped3A : memref<!tpu.dma_semaphore, #tpu.memory_space<semaphore_mem>>) src(%dma_wait3A_14 : memref<10x128xi32, #tpu.memory_space<hbm>>) dst(%arg9 : memref<10x128xi32, #tpu.memory_space<vmem>>)
      tpu.yield
    }) : () -> ()
    %scan3A = arith.constant 0 : i32
    %scan3A_5 = arith.constant 2 : i32
    %scan3A_6 = arith.addi %scan3A, %scan3A_5 : i32
    %scan3A_7 = arith.constant 1 : i32
    scf.for %scan3A_9 = %scan3A to %scan3A_6 step %scan3A_7  : i32 {
      %mul3A_10 = arith.constant 1 : i32
      %mul3A_11 = arith.muli %scan3A_9, %mul3A_10 : i32
      %add3A_12 = arith.constant 0 : i32
      %add3A_13 = arith.addi %add3A_12, %mul3A_11 : i32
      %mul3A_14 = arith.constant 5 : i32
      %mul3A_15 = arith.muli %add3A_13, %mul3A_14 : i32
      %add3A_16 = arith.constant 0 : i32
      %add3A_17 = arith.addi %mul3A_15, %add3A_16 : i32
      %dma_start3A = arith.constant 0 : i32
      %dma_start3A_18 = arith.constant 0 : i32
      %dma_start3A_19 = tpu.memref_slice %arg10[%dma_start3A, %dma_start3A_18] : memref<640x32xf32, #tpu.memory_space<vmem>> -> memref<128x32xf32, #tpu.memory_space<vmem>>
      %dma_start3A_20 = arith.constant 0 : i32
      %dma_start3A_21 = tpu.memref_slice %arg8[%add3A_17, %dma_start3A_20] : memref<10x128xi32, #tpu.memory_space<vmem>> -> memref<1x128xi32, #tpu.memory_space<vmem>>
      %dma_start3A_22 = tpu.memref_squeeze %dma_start3A_21 : memref<1x128xi32, #tpu.memory_space<vmem>> -> memref<128xi32, #tpu.memory_space<vmem>>
      %dma_start3A_23 = arith.constant 0 : i32
      %dma_start3A_24 = arith.constant 0 : i32
      %dma_start3A_25 = tpu.memref_slice %arg2[%dma_start3A_23, %dma_start3A_24] : memref<10000x32xf32, #tpu.memory_space<hbm>> -> memref<10000x32xf32, #tpu.memory_space<hbm>>
      tpu.enqueue_indirect_dma source(%dma_start3A_25 : memref<10000x32xf32, #tpu.memory_space<hbm>>) target(%dma_start3A_19 : memref<128x32xf32, #tpu.memory_space<vmem>>) offsets(%dma_start3A_22 : memref<128xi32, #tpu.memory_space<vmem>>) semaphore(%arg12 : memref<!tpu.dma_semaphore, #tpu.memory_space<semaphore_mem>>)
      %dma_start3A_26 = arith.constant 0 : i32
      %dma_start3A_27 = arith.constant 0 : i32
      %dma_start3A_28 = tpu.memref_slice %arg11[%dma_start3A_26, %dma_start3A_27] : memref<640x32xf32, #tpu.memory_space<vmem>> -> memref<128x32xf32, #tpu.memory_space<vmem>>
      %dma_start3A_29 = arith.constant 0 : i32
      %dma_start3A_30 = tpu.memref_slice %arg9[%add3A_17, %dma_start3A_29] : memref<10x128xi32, #tpu.memory_space<vmem>> -> memref<1x128xi32, #tpu.memory_space<vmem>>
      %dma_start3A_31 = tpu.memref_squeeze %dma_start3A_30 : memref<1x128xi32, #tpu.memory_space<vmem>> -> memref<128xi32, #tpu.memory_space<vmem>>
      %dma_start3A_32 = arith.constant 0 : i32
      %dma_start3A_33 = arith.constant 0 : i32
      %dma_start3A_34 = tpu.memref_slice %arg3[%dma_start3A_32, %dma_start3A_33] : memref<10000x32xf32, #tpu.memory_space<hbm>> -> memref<10000x32xf32, #tpu.memory_space<hbm>>
      tpu.enqueue_indirect_dma source(%dma_start3A_34 : memref<10000x32xf32, #tpu.memory_space<hbm>>) target(%dma_start3A_28 : memref<128x32xf32, #tpu.memory_space<vmem>>) offsets(%dma_start3A_31 : memref<128xi32, #tpu.memory_space<vmem>>) semaphore(%arg13 : memref<!tpu.dma_semaphore, #tpu.memory_space<semaphore_mem>>)
      %mul3A_35 = arith.constant 5 : i32
      %mul3A_36 = arith.muli %add3A_13, %mul3A_35 : i32
      %add3A_37 = arith.constant 1 : i32
      %add3A_38 = arith.addi %mul3A_36, %add3A_37 : i32
      %dma_start3A_39 = arith.constant 128 : i32
      %dma_start3A_40 = arith.constant 0 : i32
      %dma_start3A_41 = tpu.memref_slice %arg10[%dma_start3A_39, %dma_start3A_40] : memref<640x32xf32, #tpu.memory_space<vmem>> -> memref<128x32xf32, #tpu.memory_space<vmem>>
      %dma_start3A_42 = arith.constant 0 : i32
      %dma_start3A_43 = tpu.memref_slice %arg8[%add3A_38, %dma_start3A_42] : memref<10x128xi32, #tpu.memory_space<vmem>> -> memref<1x128xi32, #tpu.memory_space<vmem>>
      %dma_start3A_44 = tpu.memref_squeeze %dma_start3A_43 : memref<1x128xi32, #tpu.memory_space<vmem>> -> memref<128xi32, #tpu.memory_space<vmem>>
      %dma_start3A_45 = arith.constant 0 : i32
      %dma_start3A_46 = arith.constant 0 : i32
      %dma_start3A_47 = tpu.memref_slice %arg2[%dma_start3A_45, %dma_start3A_46] : memref<10000x32xf32, #tpu.memory_space<hbm>> -> memref<10000x32xf32, #tpu.memory_space<hbm>>
      tpu.enqueue_indirect_dma source(%dma_start3A_47 : memref<10000x32xf32, #tpu.memory_space<hbm>>) target(%dma_start3A_41 : memref<128x32xf32, #tpu.memory_space<vmem>>) offsets(%dma_start3A_44 : memref<128xi32, #tpu.memory_space<vmem>>) semaphore(%arg12 : memref<!tpu.dma_semaphore, #tpu.memory_space<semaphore_mem>>)
      %dma_start3A_48 = arith.constant 128 : i32
      %dma_start3A_49 = arith.constant 0 : i32
      %dma_start3A_50 = tpu.memref_slice %arg11[%dma_start3A_48, %dma_start3A_49] : memref<640x32xf32, #tpu.memory_space<vmem>> -> memref<128x32xf32, #tpu.memory_space<vmem>>
      %dma_start3A_51 = arith.constant 0 : i32
      %dma_start3A_52 = tpu.memref_slice %arg9[%add3A_38, %dma_start3A_51] : memref<10x128xi32, #tpu.memory_space<vmem>> -> memref<1x128xi32, #tpu.memory_space<vmem>>
      %dma_start3A_53 = tpu.memref_squeeze %dma_start3A_52 : memref<1x128xi32, #tpu.memory_space<vmem>> -> memref<128xi32, #tpu.memory_space<vmem>>
      %dma_start3A_54 = arith.constant 0 : i32
      %dma_start3A_55 = arith.constant 0 : i32
      %dma_start3A_56 = tpu.memref_slice %arg3[%dma_start3A_54, %dma_start3A_55] : memref<10000x32xf32, #tpu.memory_space<hbm>> -> memref<10000x32xf32, #tpu.memory_space<hbm>>
      tpu.enqueue_indirect_dma source(%dma_start3A_56 : memref<10000x32xf32, #tpu.memory_space<hbm>>) target(%dma_start3A_50 : memref<128x32xf32, #tpu.memory_space<vmem>>) offsets(%dma_start3A_53 : memref<128xi32, #tpu.memory_space<vmem>>) semaphore(%arg13 : memref<!tpu.dma_semaphore, #tpu.memory_space<semaphore_mem>>)
      %mul3A_57 = arith.constant 5 : i32
      %mul3A_58 = arith.muli %add3A_13, %mul3A_57 : i32
      %add3A_59 = arith.constant 2 : i32
      %add3A_60 = arith.addi %mul3A_58, %add3A_59 : i32
      %dma_start3A_61 = arith.constant 256 : i32
      %dma_start3A_62 = arith.constant 0 : i32
      %dma_start3A_63 = tpu.memref_slice %arg10[%dma_start3A_61, %dma_start3A_62] : memref<640x32xf32, #tpu.memory_space<vmem>> -> memref<128x32xf32, #tpu.memory_space<vmem>>
      %dma_start3A_64 = arith.constant 0 : i32
      %dma_start3A_65 = tpu.memref_slice %arg8[%add3A_60, %dma_start3A_64] : memref<10x128xi32, #tpu.memory_space<vmem>> -> memref<1x128xi32, #tpu.memory_space<vmem>>
      %dma_start3A_66 = tpu.memref_squeeze %dma_start3A_65 : memref<1x128xi32, #tpu.memory_space<vmem>> -> memref<128xi32, #tpu.memory_space<vmem>>
      %dma_start3A_67 = arith.constant 0 : i32
      %dma_start3A_68 = arith.constant 0 : i32
      %dma_start3A_69 = tpu.memref_slice %arg2[%dma_start3A_67, %dma_start3A_68] : memref<10000x32xf32, #tpu.memory_space<hbm>> -> memref<10000x32xf32, #tpu.memory_space<hbm>>
      tpu.enqueue_indirect_dma source(%dma_start3A_69 : memref<10000x32xf32, #tpu.memory_space<hbm>>) target(%dma_start3A_63 : memref<128x32xf32, #tpu.memory_space<vmem>>) offsets(%dma_start3A_66 : memref<128xi32, #tpu.memory_space<vmem>>) semaphore(%arg12 : memref<!tpu.dma_semaphore, #tpu.memory_space<semaphore_mem>>)
      %dma_start3A_70 = arith.constant 256 : i32
      %dma_start3A_71 = arith.constant 0 : i32
      %dma_start3A_72 = tpu.memref_slice %arg11[%dma_start3A_70, %dma_start3A_71] : memref<640x32xf32, #tpu.memory_space<vmem>> -> memref<128x32xf32, #tpu.memory_space<vmem>>
      %dma_start3A_73 = arith.constant 0 : i32
      %dma_start3A_74 = tpu.memref_slice %arg9[%add3A_60, %dma_start3A_73] : memref<10x128xi32, #tpu.memory_space<vmem>> -> memref<1x128xi32, #tpu.memory_space<vmem>>
      %dma_start3A_75 = tpu.memref_squeeze %dma_start3A_74 : memref<1x128xi32, #tpu.memory_space<vmem>> -> memref<128xi32, #tpu.memory_space<vmem>>
      %dma_start3A_76 = arith.constant 0 : i32
      %dma_start3A_77 = arith.constant 0 : i32
      %dma_start3A_78 = tpu.memref_slice %arg3[%dma_start3A_76, %dma_start3A_77] : memref<10000x32xf32, #tpu.memory_space<hbm>> -> memref<10000x32xf32, #tpu.memory_space<hbm>>
      tpu.enqueue_indirect_dma source(%dma_start3A_78 : memref<10000x32xf32, #tpu.memory_space<hbm>>) target(%dma_start3A_72 : memref<128x32xf32, #tpu.memory_space<vmem>>) offsets(%dma_start3A_75 : memref<128xi32, #tpu.memory_space<vmem>>) semaphore(%arg13 : memref<!tpu.dma_semaphore, #tpu.memory_space<semaphore_mem>>)
      %mul3A_79 = arith.constant 5 : i32
      %mul3A_80 = arith.muli %add3A_13, %mul3A_79 : i32
      %add3A_81 = arith.constant 3 : i32
      %add3A_82 = arith.addi %mul3A_80, %add3A_81 : i32
      %dma_start3A_83 = arith.constant 384 : i32
      %dma_start3A_84 = arith.constant 0 : i32
      %dma_start3A_85 = tpu.memref_slice %arg10[%dma_start3A_83, %dma_start3A_84] : memref<640x32xf32, #tpu.memory_space<vmem>> -> memref<128x32xf32, #tpu.memory_space<vmem>>
      %dma_start3A_86 = arith.constant 0 : i32
      %dma_start3A_87 = tpu.memref_slice %arg8[%add3A_82, %dma_start3A_86] : memref<10x128xi32, #tpu.memory_space<vmem>> -> memref<1x128xi32, #tpu.memory_space<vmem>>
      %dma_start3A_88 = tpu.memref_squeeze %dma_start3A_87 : memref<1x128xi32, #tpu.memory_space<vmem>> -> memref<128xi32, #tpu.memory_space<vmem>>
      %dma_start3A_89 = arith.constant 0 : i32
      %dma_start3A_90 = arith.constant 0 : i32
      %dma_start3A_91 = tpu.memref_slice %arg2[%dma_start3A_89, %dma_start3A_90] : memref<10000x32xf32, #tpu.memory_space<hbm>> -> memref<10000x32xf32, #tpu.memory_space<hbm>>
      tpu.enqueue_indirect_dma source(%dma_start3A_91 : memref<10000x32xf32, #tpu.memory_space<hbm>>) target(%dma_start3A_85 : memref<128x32xf32, #tpu.memory_space<vmem>>) offsets(%dma_start3A_88 : memref<128xi32, #tpu.memory_space<vmem>>) semaphore(%arg12 : memref<!tpu.dma_semaphore, #tpu.memory_space<semaphore_mem>>)
      %dma_start3A_92 = arith.constant 384 : i32
      %dma_start3A_93 = arith.constant 0 : i32
      %dma_start3A_94 = tpu.memref_slice %arg11[%dma_start3A_92, %dma_start3A_93] : memref<640x32xf32, #tpu.memory_space<vmem>> -> memref<128x32xf32, #tpu.memory_space<vmem>>
      %dma_start3A_95 = arith.constant 0 : i32
      %dma_start3A_96 = tpu.memref_slice %arg9[%add3A_82, %dma_start3A_95] : memref<10x128xi32, #tpu.memory_space<vmem>> -> memref<1x128xi32, #tpu.memory_space<vmem>>
      %dma_start3A_97 = tpu.memref_squeeze %dma_start3A_96 : memref<1x128xi32, #tpu.memory_space<vmem>> -> memref<128xi32, #tpu.memory_space<vmem>>
      %dma_start3A_98 = arith.constant 0 : i32
      %dma_start3A_99 = arith.constant 0 : i32
      %dma_start3A_100 = tpu.memref_slice %arg3[%dma_start3A_98, %dma_start3A_99] : memref<10000x32xf32, #tpu.memory_space<hbm>> -> memref<10000x32xf32, #tpu.memory_space<hbm>>
      tpu.enqueue_indirect_dma source(%dma_start3A_100 : memref<10000x32xf32, #tpu.memory_space<hbm>>) target(%dma_start3A_94 : memref<128x32xf32, #tpu.memory_space<vmem>>) offsets(%dma_start3A_97 : memref<128xi32, #tpu.memory_space<vmem>>) semaphore(%arg13 : memref<!tpu.dma_semaphore, #tpu.memory_space<semaphore_mem>>)
      %mul3A_101 = arith.constant 5 : i32
      %mul3A_102 = arith.muli %add3A_13, %mul3A_101 : i32
      %add3A_103 = arith.constant 4 : i32
      %add3A_104 = arith.addi %mul3A_102, %add3A_103 : i32
      %dma_start3A_105 = arith.constant 512 : i32
      %dma_start3A_106 = arith.constant 0 : i32
      %dma_start3A_107 = tpu.memref_slice %arg10[%dma_start3A_105, %dma_start3A_106] : memref<640x32xf32, #tpu.memory_space<vmem>> -> memref<128x32xf32, #tpu.memory_space<vmem>>
      %dma_start3A_108 = arith.constant 0 : i32
      %dma_start3A_109 = tpu.memref_slice %arg8[%add3A_104, %dma_start3A_108] : memref<10x128xi32, #tpu.memory_space<vmem>> -> memref<1x128xi32, #tpu.memory_space<vmem>>
      %dma_start3A_110 = tpu.memref_squeeze %dma_start3A_109 : memref<1x128xi32, #tpu.memory_space<vmem>> -> memref<128xi32, #tpu.memory_space<vmem>>
      %dma_start3A_111 = arith.constant 0 : i32
      %dma_start3A_112 = arith.constant 0 : i32
      %dma_start3A_113 = tpu.memref_slice %arg2[%dma_start3A_111, %dma_start3A_112] : memref<10000x32xf32, #tpu.memory_space<hbm>> -> memref<10000x32xf32, #tpu.memory_space<hbm>>
      tpu.enqueue_indirect_dma source(%dma_start3A_113 : memref<10000x32xf32, #tpu.memory_space<hbm>>) target(%dma_start3A_107 : memref<128x32xf32, #tpu.memory_space<vmem>>) offsets(%dma_start3A_110 : memref<128xi32, #tpu.memory_space<vmem>>) semaphore(%arg12 : memref<!tpu.dma_semaphore, #tpu.memory_space<semaphore_mem>>)
      %dma_start3A_114 = arith.constant 512 : i32
      %dma_start3A_115 = arith.constant 0 : i32
      %dma_start3A_116 = tpu.memref_slice %arg11[%dma_start3A_114, %dma_start3A_115] : memref<640x32xf32, #tpu.memory_space<vmem>> -> memref<128x32xf32, #tpu.memory_space<vmem>>
      %dma_start3A_117 = arith.constant 0 : i32
      %dma_start3A_118 = tpu.memref_slice %arg9[%add3A_104, %dma_start3A_117] : memref<10x128xi32, #tpu.memory_space<vmem>> -> memref<1x128xi32, #tpu.memory_space<vmem>>
      %dma_start3A_119 = tpu.memref_squeeze %dma_start3A_118 : memref<1x128xi32, #tpu.memory_space<vmem>> -> memref<128xi32, #tpu.memory_space<vmem>>
      %dma_start3A_120 = arith.constant 0 : i32
      %dma_start3A_121 = arith.constant 0 : i32
      %dma_start3A_122 = tpu.memref_slice %arg3[%dma_start3A_120, %dma_start3A_121] : memref<10000x32xf32, #tpu.memory_space<hbm>> -> memref<10000x32xf32, #tpu.memory_space<hbm>>
      tpu.enqueue_indirect_dma source(%dma_start3A_122 : memref<10000x32xf32, #tpu.memory_space<hbm>>) target(%dma_start3A_116 : memref<128x32xf32, #tpu.memory_space<vmem>>) offsets(%dma_start3A_119 : memref<128xi32, #tpu.memory_space<vmem>>) semaphore(%arg13 : memref<!tpu.dma_semaphore, #tpu.memory_space<semaphore_mem>>)
      %dma_wait3A = arith.constant 0 : i32
      %dma_wait3A_123 = arith.constant 0 : i32
      %dma_wait3A_124 = tpu.memref_slice %arg10[%dma_wait3A, %dma_wait3A_123] : memref<640x32xf32, #tpu.memory_space<vmem>> -> memref<128x32xf32, #tpu.memory_space<vmem>>
      %dma_wait3A_125 = arith.constant 0 : i32
      %dma_wait3A_126 = tpu.memref_slice %arg8[%add3A_17, %dma_wait3A_125] : memref<10x128xi32, #tpu.memory_space<vmem>> -> memref<1x128xi32, #tpu.memory_space<vmem>>
      %dma_wait3A_127 = tpu.memref_squeeze %dma_wait3A_126 : memref<1x128xi32, #tpu.memory_space<vmem>> -> memref<128xi32, #tpu.memory_space<vmem>>
      %dma_wait3A_128 = arith.constant 0 : i32
      %dma_wait3A_129 = arith.constant 0 : i32
      %dma_wait3A_130 = tpu.memref_slice %arg2[%dma_wait3A_128, %dma_wait3A_129] : memref<10000x32xf32, #tpu.memory_space<hbm>> -> memref<10000x32xf32, #tpu.memory_space<hbm>>
      tpu.wait_indirect_dma semaphore(%arg12 : memref<!tpu.dma_semaphore, #tpu.memory_space<semaphore_mem>>) src(%dma_wait3A_130 : memref<10000x32xf32, #tpu.memory_space<hbm>>) dst(%dma_wait3A_124 : memref<128x32xf32, #tpu.memory_space<vmem>>)
      %dma_wait3A_131 = arith.constant 0 : i32
      %dma_wait3A_132 = arith.constant 0 : i32
      %dma_wait3A_133 = tpu.memref_slice %arg11[%dma_wait3A_131, %dma_wait3A_132] : memref<640x32xf32, #tpu.memory_space<vmem>> -> memref<128x32xf32, #tpu.memory_space<vmem>>
      %dma_wait3A_134 = arith.constant 0 : i32
      %dma_wait3A_135 = tpu.memref_slice %arg9[%add3A_17, %dma_wait3A_134] : memref<10x128xi32, #tpu.memory_space<vmem>> -> memref<1x128xi32, #tpu.memory_space<vmem>>
      %dma_wait3A_136 = tpu.memref_squeeze %dma_wait3A_135 : memref<1x128xi32, #tpu.memory_space<vmem>> -> memref<128xi32, #tpu.memory_space<vmem>>
      %dma_wait3A_137 = arith.constant 0 : i32
      %dma_wait3A_138 = arith.constant 0 : i32
      %dma_wait3A_139 = tpu.memref_slice %arg3[%dma_wait3A_137, %dma_wait3A_138] : memref<10000x32xf32, #tpu.memory_space<hbm>> -> memref<10000x32xf32, #tpu.memory_space<hbm>>
      tpu.wait_indirect_dma semaphore(%arg13 : memref<!tpu.dma_semaphore, #tpu.memory_space<semaphore_mem>>) src(%dma_wait3A_139 : memref<10000x32xf32, #tpu.memory_space<hbm>>) dst(%dma_wait3A_133 : memref<128x32xf32, #tpu.memory_space<vmem>>)
      %dma_wait3A_140 = arith.constant 128 : i32
      %dma_wait3A_141 = arith.constant 0 : i32
      %dma_wait3A_142 = tpu.memref_slice %arg10[%dma_wait3A_140, %dma_wait3A_141] : memref<640x32xf32, #tpu.memory_space<vmem>> -> memref<128x32xf32, #tpu.memory_space<vmem>>
      %dma_wait3A_143 = arith.constant 0 : i32
      %dma_wait3A_144 = tpu.memref_slice %arg8[%add3A_38, %dma_wait3A_143] : memref<10x128xi32, #tpu.memory_space<vmem>> -> memref<1x128xi32, #tpu.memory_space<vmem>>
      %dma_wait3A_145 = tpu.memref_squeeze %dma_wait3A_144 : memref<1x128xi32, #tpu.memory_space<vmem>> -> memref<128xi32, #tpu.memory_space<vmem>>
      %dma_wait3A_146 = arith.constant 0 : i32
      %dma_wait3A_147 = arith.constant 0 : i32
      %dma_wait3A_148 = tpu.memref_slice %arg2[%dma_wait3A_146, %dma_wait3A_147] : memref<10000x32xf32, #tpu.memory_space<hbm>> -> memref<10000x32xf32, #tpu.memory_space<hbm>>
      tpu.wait_indirect_dma semaphore(%arg12 : memref<!tpu.dma_semaphore, #tpu.memory_space<semaphore_mem>>) src(%dma_wait3A_148 : memref<10000x32xf32, #tpu.memory_space<hbm>>) dst(%dma_wait3A_142 : memref<128x32xf32, #tpu.memory_space<vmem>>)
      %dma_wait3A_149 = arith.constant 128 : i32
      %dma_wait3A_150 = arith.constant 0 : i32
      %dma_wait3A_151 = tpu.memref_slice %arg11[%dma_wait3A_149, %dma_wait3A_150] : memref<640x32xf32, #tpu.memory_space<vmem>> -> memref<128x32xf32, #tpu.memory_space<vmem>>
      %dma_wait3A_152 = arith.constant 0 : i32
      %dma_wait3A_153 = tpu.memref_slice %arg9[%add3A_38, %dma_wait3A_152] : memref<10x128xi32, #tpu.memory_space<vmem>> -> memref<1x128xi32, #tpu.memory_space<vmem>>
      %dma_wait3A_154 = tpu.memref_squeeze %dma_wait3A_153 : memref<1x128xi32, #tpu.memory_space<vmem>> -> memref<128xi32, #tpu.memory_space<vmem>>
      %dma_wait3A_155 = arith.constant 0 : i32
      %dma_wait3A_156 = arith.constant 0 : i32
      %dma_wait3A_157 = tpu.memref_slice %arg3[%dma_wait3A_155, %dma_wait3A_156] : memref<10000x32xf32, #tpu.memory_space<hbm>> -> memref<10000x32xf32, #tpu.memory_space<hbm>>
      tpu.wait_indirect_dma semaphore(%arg13 : memref<!tpu.dma_semaphore, #tpu.memory_space<semaphore_mem>>) src(%dma_wait3A_157 : memref<10000x32xf32, #tpu.memory_space<hbm>>) dst(%dma_wait3A_151 : memref<128x32xf32, #tpu.memory_space<vmem>>)
      %dma_wait3A_158 = arith.constant 256 : i32
      %dma_wait3A_159 = arith.constant 0 : i32
      %dma_wait3A_160 = tpu.memref_slice %arg10[%dma_wait3A_158, %dma_wait3A_159] : memref<640x32xf32, #tpu.memory_space<vmem>> -> memref<128x32xf32, #tpu.memory_space<vmem>>
      %dma_wait3A_161 = arith.constant 0 : i32
      %dma_wait3A_162 = tpu.memref_slice %arg8[%add3A_60, %dma_wait3A_161] : memref<10x128xi32, #tpu.memory_space<vmem>> -> memref<1x128xi32, #tpu.memory_space<vmem>>
      %dma_wait3A_163 = tpu.memref_squeeze %dma_wait3A_162 : memref<1x128xi32, #tpu.memory_space<vmem>> -> memref<128xi32, #tpu.memory_space<vmem>>
      %dma_wait3A_164 = arith.constant 0 : i32
      %dma_wait3A_165 = arith.constant 0 : i32
      %dma_wait3A_166 = tpu.memref_slice %arg2[%dma_wait3A_164, %dma_wait3A_165] : memref<10000x32xf32, #tpu.memory_space<hbm>> -> memref<10000x32xf32, #tpu.memory_space<hbm>>
      tpu.wait_indirect_dma semaphore(%arg12 : memref<!tpu.dma_semaphore, #tpu.memory_space<semaphore_mem>>) src(%dma_wait3A_166 : memref<10000x32xf32, #tpu.memory_space<hbm>>) dst(%dma_wait3A_160 : memref<128x32xf32, #tpu.memory_space<vmem>>)
      %dma_wait3A_167 = arith.constant 256 : i32
      %dma_wait3A_168 = arith.constant 0 : i32
      %dma_wait3A_169 = tpu.memref_slice %arg11[%dma_wait3A_167, %dma_wait3A_168] : memref<640x32xf32, #tpu.memory_space<vmem>> -> memref<128x32xf32, #tpu.memory_space<vmem>>
      %dma_wait3A_170 = arith.constant 0 : i32
      %dma_wait3A_171 = tpu.memref_slice %arg9[%add3A_60, %dma_wait3A_170] : memref<10x128xi32, #tpu.memory_space<vmem>> -> memref<1x128xi32, #tpu.memory_space<vmem>>
      %dma_wait3A_172 = tpu.memref_squeeze %dma_wait3A_171 : memref<1x128xi32, #tpu.memory_space<vmem>> -> memref<128xi32, #tpu.memory_space<vmem>>
      %dma_wait3A_173 = arith.constant 0 : i32
      %dma_wait3A_174 = arith.constant 0 : i32
      %dma_wait3A_175 = tpu.memref_slice %arg3[%dma_wait3A_173, %dma_wait3A_174] : memref<10000x32xf32, #tpu.memory_space<hbm>> -> memref<10000x32xf32, #tpu.memory_space<hbm>>
      tpu.wait_indirect_dma semaphore(%arg13 : memref<!tpu.dma_semaphore, #tpu.memory_space<semaphore_mem>>) src(%dma_wait3A_175 : memref<10000x32xf32, #tpu.memory_space<hbm>>) dst(%dma_wait3A_169 : memref<128x32xf32, #tpu.memory_space<vmem>>)
      %dma_wait3A_176 = arith.constant 384 : i32
      %dma_wait3A_177 = arith.constant 0 : i32
      %dma_wait3A_178 = tpu.memref_slice %arg10[%dma_wait3A_176, %dma_wait3A_177] : memref<640x32xf32, #tpu.memory_space<vmem>> -> memref<128x32xf32, #tpu.memory_space<vmem>>
      %dma_wait3A_179 = arith.constant 0 : i32
      %dma_wait3A_180 = tpu.memref_slice %arg8[%add3A_82, %dma_wait3A_179] : memref<10x128xi32, #tpu.memory_space<vmem>> -> memref<1x128xi32, #tpu.memory_space<vmem>>
      %dma_wait3A_181 = tpu.memref_squeeze %dma_wait3A_180 : memref<1x128xi32, #tpu.memory_space<vmem>> -> memref<128xi32, #tpu.memory_space<vmem>>
      %dma_wait3A_182 = arith.constant 0 : i32
      %dma_wait3A_183 = arith.constant 0 : i32
      %dma_wait3A_184 = tpu.memref_slice %arg2[%dma_wait3A_182, %dma_wait3A_183] : memref<10000x32xf32, #tpu.memory_space<hbm>> -> memref<10000x32xf32, #tpu.memory_space<hbm>>
      tpu.wait_indirect_dma semaphore(%arg12 : memref<!tpu.dma_semaphore, #tpu.memory_space<semaphore_mem>>) src(%dma_wait3A_184 : memref<10000x32xf32, #tpu.memory_space<hbm>>) dst(%dma_wait3A_178 : memref<128x32xf32, #tpu.memory_space<vmem>>)
      %dma_wait3A_185 = arith.constant 384 : i32
      %dma_wait3A_186 = arith.constant 0 : i32
      %dma_wait3A_187 = tpu.memref_slice %arg11[%dma_wait3A_185, %dma_wait3A_186] : memref<640x32xf32, #tpu.memory_space<vmem>> -> memref<128x32xf32, #tpu.memory_space<vmem>>
      %dma_wait3A_188 = arith.constant 0 : i32
      %dma_wait3A_189 = tpu.memref_slice %arg9[%add3A_82, %dma_wait3A_188] : memref<10x128xi32, #tpu.memory_space<vmem>> -> memref<1x128xi32, #tpu.memory_space<vmem>>
      %dma_wait3A_190 = tpu.memref_squeeze %dma_wait3A_189 : memref<1x128xi32, #tpu.memory_space<vmem>> -> memref<128xi32, #tpu.memory_space<vmem>>
      %dma_wait3A_191 = arith.constant 0 : i32
      %dma_wait3A_192 = arith.constant 0 : i32
      %dma_wait3A_193 = tpu.memref_slice %arg3[%dma_wait3A_191, %dma_wait3A_192] : memref<10000x32xf32, #tpu.memory_space<hbm>> -> memref<10000x32xf32, #tpu.memory_space<hbm>>
      tpu.wait_indirect_dma semaphore(%arg13 : memref<!tpu.dma_semaphore, #tpu.memory_space<semaphore_mem>>) src(%dma_wait3A_193 : memref<10000x32xf32, #tpu.memory_space<hbm>>) dst(%dma_wait3A_187 : memref<128x32xf32, #tpu.memory_space<vmem>>)
      %dma_wait3A_194 = arith.constant 512 : i32
      %dma_wait3A_195 = arith.constant 0 : i32
      %dma_wait3A_196 = tpu.memref_slice %arg10[%dma_wait3A_194, %dma_wait3A_195] : memref<640x32xf32, #tpu.memory_space<vmem>> -> memref<128x32xf32, #tpu.memory_space<vmem>>
      %dma_wait3A_197 = arith.constant 0 : i32
      %dma_wait3A_198 = tpu.memref_slice %arg8[%add3A_104, %dma_wait3A_197] : memref<10x128xi32, #tpu.memory_space<vmem>> -> memref<1x128xi32, #tpu.memory_space<vmem>>
      %dma_wait3A_199 = tpu.memref_squeeze %dma_wait3A_198 : memref<1x128xi32, #tpu.memory_space<vmem>> -> memref<128xi32, #tpu.memory_space<vmem>>
      %dma_wait3A_200 = arith.constant 0 : i32
      %dma_wait3A_201 = arith.constant 0 : i32
      %dma_wait3A_202 = tpu.memref_slice %arg2[%dma_wait3A_200, %dma_wait3A_201] : memref<10000x32xf32, #tpu.memory_space<hbm>> -> memref<10000x32xf32, #tpu.memory_space<hbm>>
      tpu.wait_indirect_dma semaphore(%arg12 : memref<!tpu.dma_semaphore, #tpu.memory_space<semaphore_mem>>) src(%dma_wait3A_202 : memref<10000x32xf32, #tpu.memory_space<hbm>>) dst(%dma_wait3A_196 : memref<128x32xf32, #tpu.memory_space<vmem>>)
      %dma_wait3A_203 = arith.constant 512 : i32
      %dma_wait3A_204 = arith.constant 0 : i32
      %dma_wait3A_205 = tpu.memref_slice %arg11[%dma_wait3A_203, %dma_wait3A_204] : memref<640x32xf32, #tpu.memory_space<vmem>> -> memref<128x32xf32, #tpu.memory_space<vmem>>
      %dma_wait3A_206 = arith.constant 0 : i32
      %dma_wait3A_207 = tpu.memref_slice %arg9[%add3A_104, %dma_wait3A_206] : memref<10x128xi32, #tpu.memory_space<vmem>> -> memref<1x128xi32, #tpu.memory_space<vmem>>
      %dma_wait3A_208 = tpu.memref_squeeze %dma_wait3A_207 : memref<1x128xi32, #tpu.memory_space<vmem>> -> memref<128xi32, #tpu.memory_space<vmem>>
      %dma_wait3A_209 = arith.constant 0 : i32
      %dma_wait3A_210 = arith.constant 0 : i32
      %dma_wait3A_211 = tpu.memref_slice %arg3[%dma_wait3A_209, %dma_wait3A_210] : memref<10000x32xf32, #tpu.memory_space<hbm>> -> memref<10000x32xf32, #tpu.memory_space<hbm>>
      tpu.wait_indirect_dma semaphore(%arg13 : memref<!tpu.dma_semaphore, #tpu.memory_space<semaphore_mem>>) src(%dma_wait3A_211 : memref<10000x32xf32, #tpu.memory_space<hbm>>) dst(%dma_wait3A_205 : memref<128x32xf32, #tpu.memory_space<vmem>>)
      %mul3A_212 = arith.constant 640 : i32
      %mul3A_213 = arith.muli %add3A_13, %mul3A_212 : i32
      %add3A_214 = arith.addi %mul3A_4, %mul3A_213 : i32
      "tpu.region"() ({
        %run_scoped3A = tpu.sem_alloc : memref<!tpu.dma_semaphore, #tpu.memory_space<semaphore_mem>>
        %dma_start3A_215 = arith.constant 0 : i32
        %dma_start3A_216 = tpu.memref_slice %arg6[%add3A_214, %dma_start3A_215] : memref<40960x32xf32, #tpu.memory_space<hbm>> -> memref<640x32xf32, #tpu.memory_space<hbm>>
        %dma_start3A_217 = arith.constant 0 : i32
        %dma_start3A_218 = tpu.memref_slice %arg6[%add3A_214, %dma_start3A_217] : memref<40960x32xf32, #tpu.memory_space<hbm>> -> memref<640x32xf32, #tpu.memory_space<hbm>>
        tpu.enqueue_dma source(%arg10 : memref<640x32xf32, #tpu.memory_space<vmem>>) target(%dma_start3A_218 : memref<640x32xf32, #tpu.memory_space<hbm>>) target_semaphore(%run_scoped3A : memref<!tpu.dma_semaphore, #tpu.memory_space<semaphore_mem>>)
        %dma_wait3A_219 = arith.constant 0 : i32
        %dma_wait3A_220 = tpu.memref_slice %arg6[%add3A_214, %dma_wait3A_219] : memref<40960x32xf32, #tpu.memory_space<hbm>> -> memref<640x32xf32, #tpu.memory_space<hbm>>
        %dma_wait3A_221 = arith.constant 0 : i32
        %dma_wait3A_222 = tpu.memref_slice %arg6[%add3A_214, %dma_wait3A_221] : memref<40960x32xf32, #tpu.memory_space<hbm>> -> memref<640x32xf32, #tpu.memory_space<hbm>>
        tpu.wait_dma2 semaphore(%run_scoped3A : memref<!tpu.dma_semaphore, #tpu.memory_space<semaphore_mem>>) src(%arg10 : memref<640x32xf32, #tpu.memory_space<vmem>>) dst(%dma_wait3A_222 : memref<640x32xf32, #tpu.memory_space<hbm>>)
        tpu.yield
      }) : () -> ()
      "tpu.region"() ({
        %run_scoped3A = tpu.sem_alloc : memref<!tpu.dma_semaphore, #tpu.memory_space<semaphore_mem>>
        %dma_start3A_215 = arith.constant 0 : i32
        %dma_start3A_216 = tpu.memref_slice %arg7[%add3A_214, %dma_start3A_215] : memref<40960x32xf32, #tpu.memory_space<hbm>> -> memref<640x32xf32, #tpu.memory_space<hbm>>
        %dma_start3A_217 = arith.constant 0 : i32
        %dma_start3A_218 = tpu.memref_slice %arg7[%add3A_214, %dma_start3A_217] : memref<40960x32xf32, #tpu.memory_space<hbm>> -> memref<640x32xf32, #tpu.memory_space<hbm>>
        tpu.enqueue_dma source(%arg11 : memref<640x32xf32, #tpu.memory_space<vmem>>) target(%dma_start3A_218 : memref<640x32xf32, #tpu.memory_space<hbm>>) target_semaphore(%run_scoped3A : memref<!tpu.dma_semaphore, #tpu.memory_space<semaphore_mem>>)
        %dma_wait3A_219 = arith.constant 0 : i32
        %dma_wait3A_220 = tpu.memref_slice %arg7[%add3A_214, %dma_wait3A_219] : memref<40960x32xf32, #tpu.memory_space<hbm>> -> memref<640x32xf32, #tpu.memory_space<hbm>>
        %dma_wait3A_221 = arith.constant 0 : i32
        %dma_wait3A_222 = tpu.memref_slice %arg7[%add3A_214, %dma_wait3A_221] : memref<40960x32xf32, #tpu.memory_space<hbm>> -> memref<640x32xf32, #tpu.memory_space<hbm>>
        tpu.wait_dma2 semaphore(%run_scoped3A : memref<!tpu.dma_semaphore, #tpu.memory_space<semaphore_mem>>) src(%arg11 : memref<640x32xf32, #tpu.memory_space<vmem>>) dst(%dma_wait3A_222 : memref<640x32xf32, #tpu.memory_space<hbm>>)
        tpu.yield
      }) : () -> ()
    }
    %scan3A_8 = arith.constant 2 : i32
    return
  }
}

#map = affine_map<(d0, d1) -> (0, 0)>
module attributes {stable_mosaic.version = 14 : i64} {
  func.func @_gather_body(%arg0: i32, %arg1: i32, %arg2: memref<10000x32xf32, #tpu.memory_space<hbm>>, %arg3: memref<10000x32xf32, #tpu.memory_space<hbm>>, %arg4: memref<320x128xi32, #tpu.memory_space<hbm>>, %arg5: memref<320x128xi32, #tpu.memory_space<hbm>>, %arg6: memref<40960x32xf32, #tpu.memory_space<hbm>>, %arg7: memref<40960x32xf32, #tpu.memory_space<hbm>>, %arg8: memref<10x128xi32, #tpu.memory_space<vmem>>, %arg9: memref<10x128xi32, #tpu.memory_space<vmem>>, %arg10: memref<640x32xf32, #tpu.memory_space<vmem>>, %arg11: memref<640x32xf32, #tpu.memory_space<vmem>>, %arg12: memref<!tpu.dma_semaphore, #tpu.memory_space<semaphore_mem>>, %arg13: memref<!tpu.dma_semaphore, #tpu.memory_space<semaphore_mem>>) attributes {dimension_semantics = [#tpu.dimension_semantics<core_parallel>, #tpu.dimension_semantics<subcore_parallel>], iteration_bounds = array<i64: 2, 16>, scalar_prefetch = 0 : i64, scratch_operands = 6 : i64, tpu.core_type = #tpu.core_type<sc_vector_subcore>, window_params = [{transform_indices = #map}, {transform_indices = #map}, {transform_indices = #map}, {transform_indices = #map}, {transform_indices = #map}, {transform_indices = #map}]} {
    %mul3A = arith.constant 2 : i32
    %mul3A_0 = arith.muli %arg1, %mul3A : i32
    %add3A = arith.addi %mul3A_0, %arg0 : i32
    %mul3A_1 = arith.constant 10 : i32
    %mul3A_2 = arith.muli %add3A, %mul3A_1 : i32
    %mul3A_3 = arith.constant 1280 : i32
    %mul3A_4 = arith.muli %add3A, %mul3A_3 : i32
    "tpu.region"() ({
      %run_scoped3A = tpu.sem_alloc : memref<!tpu.dma_semaphore, #tpu.memory_space<semaphore_mem>>
      %dma_start3A = arith.constant 0 : i32
      %dma_start3A_9 = tpu.memref_slice %arg4[%mul3A_2, %dma_start3A] : memref<320x128xi32, #tpu.memory_space<hbm>> -> memref<10x128xi32, #tpu.memory_space<hbm>>
      %dma_start3A_10 = arith.constant 0 : i32
      %dma_start3A_11 = tpu.memref_slice %arg4[%mul3A_2, %dma_start3A_10] : memref<320x128xi32, #tpu.memory_space<hbm>> -> memref<10x128xi32, #tpu.memory_space<hbm>>
      tpu.enqueue_dma source(%dma_start3A_11 : memref<10x128xi32, #tpu.memory_space<hbm>>) target(%arg8 : memref<10x128xi32, #tpu.memory_space<vmem>>) target_semaphore(%run_scoped3A : memref<!tpu.dma_semaphore, #tpu.memory_space<semaphore_mem>>)
      %dma_wait3A = arith.constant 0 : i32
      %dma_wait3A_12 = tpu.memref_slice %arg4[%mul3A_2, %dma_wait3A] : memref<320x128xi32, #tpu.memory_space<hbm>> -> memref<10x128xi32, #tpu.memory_space<hbm>>
      %dma_wait3A_13 = arith.constant 0 : i32
      %dma_wait3A_14 = tpu.memref_slice %arg4[%mul3A_2, %dma_wait3A_13] : memref<320x128xi32, #tpu.memory_space<hbm>> -> memref<10x128xi32, #tpu.memory_space<hbm>>
      tpu.wait_dma2 semaphore(%run_scoped3A : memref<!tpu.dma_semaphore, #tpu.memory_space<semaphore_mem>>) src(%dma_wait3A_14 : memref<10x128xi32, #tpu.memory_space<hbm>>) dst(%arg8 : memref<10x128xi32, #tpu.memory_space<vmem>>)
      tpu.yield
    }) : () -> ()
    "tpu.region"() ({
      %run_scoped3A = tpu.sem_alloc : memref<!tpu.dma_semaphore, #tpu.memory_space<semaphore_mem>>
      %dma_start3A = arith.constant 0 : i32
      %dma_start3A_9 = tpu.memref_slice %arg5[%mul3A_2, %dma_start3A] : memref<320x128xi32, #tpu.memory_space<hbm>> -> memref<10x128xi32, #tpu.memory_space<hbm>>
      %dma_start3A_10 = arith.constant 0 : i32
      %dma_start3A_11 = tpu.memref_slice %arg5[%mul3A_2, %dma_start3A_10] : memref<320x128xi32, #tpu.memory_space<hbm>> -> memref<10x128xi32, #tpu.memory_space<hbm>>
      tpu.enqueue_dma source(%dma_start3A_11 : memref<10x128xi32, #tpu.memory_space<hbm>>) target(%arg9 : memref<10x128xi32, #tpu.memory_space<vmem>>) target_semaphore(%run_scoped3A : memref<!tpu.dma_semaphore, #tpu.memory_space<semaphore_mem>>)
      %dma_wait3A = arith.constant 0 : i32
      %dma_wait3A_12 = tpu.memref_slice %arg5[%mul3A_2, %dma_wait3A] : memref<320x128xi32, #tpu.memory_space<hbm>> -> memref<10x128xi32, #tpu.memory_space<hbm>>
      %dma_wait3A_13 = arith.constant 0 : i32
      %dma_wait3A_14 = tpu.memref_slice %arg5[%mul3A_2, %dma_wait3A_13] : memref<320x128xi32, #tpu.memory_space<hbm>> -> memref<10x128xi32, #tpu.memory_space<hbm>>
      tpu.wait_dma2 semaphore(%run_scoped3A : memref<!tpu.dma_semaphore, #tpu.memory_space<semaphore_mem>>) src(%dma_wait3A_14 : memref<10x128xi32, #tpu.memory_space<hbm>>) dst(%arg9 : memref<10x128xi32, #tpu.memory_space<vmem>>)
      tpu.yield
    }) : () -> ()
    %scan3A = arith.constant 0 : i32
    %scan3A_5 = arith.constant 2 : i32
    %scan3A_6 = arith.addi %scan3A, %scan3A_5 : i32
    %scan3A_7 = arith.constant 1 : i32
    scf.for %scan3A_9 = %scan3A to %scan3A_6 step %scan3A_7  : i32 {
      %mul3A_10 = arith.constant 1 : i32
      %mul3A_11 = arith.muli %scan3A_9, %mul3A_10 : i32
      %add3A_12 = arith.constant 0 : i32
      %add3A_13 = arith.addi %add3A_12, %mul3A_11 : i32
      %mul3A_14 = arith.constant 5 : i32
      %mul3A_15 = arith.muli %add3A_13, %mul3A_14 : i32
      %add3A_16 = arith.constant 0 : i32
      %add3A_17 = arith.addi %mul3A_15, %add3A_16 : i32
      %dma_start3A = arith.constant 0 : i32
      %dma_start3A_18 = arith.constant 0 : i32
      %dma_start3A_19 = tpu.memref_slice %arg10[%dma_start3A, %dma_start3A_18] : memref<640x32xf32, #tpu.memory_space<vmem>> -> memref<128x32xf32, #tpu.memory_space<vmem>>
      %dma_start3A_20 = arith.constant 0 : i32
      %dma_start3A_21 = tpu.memref_slice %arg8[%add3A_17, %dma_start3A_20] : memref<10x128xi32, #tpu.memory_space<vmem>> -> memref<1x128xi32, #tpu.memory_space<vmem>>
      %dma_start3A_22 = tpu.memref_squeeze %dma_start3A_21 : memref<1x128xi32, #tpu.memory_space<vmem>> -> memref<128xi32, #tpu.memory_space<vmem>>
      %dma_start3A_23 = arith.constant 0 : i32
      %dma_start3A_24 = arith.constant 0 : i32
      %dma_start3A_25 = tpu.memref_slice %arg2[%dma_start3A_23, %dma_start3A_24] : memref<10000x32xf32, #tpu.memory_space<hbm>> -> memref<10000x32xf32, #tpu.memory_space<hbm>>
      tpu.enqueue_indirect_dma source(%dma_start3A_25 : memref<10000x32xf32, #tpu.memory_space<hbm>>) target(%dma_start3A_19 : memref<128x32xf32, #tpu.memory_space<vmem>>) offsets(%dma_start3A_22 : memref<128xi32, #tpu.memory_space<vmem>>) semaphore(%arg12 : memref<!tpu.dma_semaphore, #tpu.memory_space<semaphore_mem>>)
      %dma_start3A_26 = arith.constant 0 : i32
      %dma_start3A_27 = arith.constant 0 : i32
      %dma_start3A_28 = tpu.memref_slice %arg11[%dma_start3A_26, %dma_start3A_27] : memref<640x32xf32, #tpu.memory_space<vmem>> -> memref<128x32xf32, #tpu.memory_space<vmem>>
      %dma_start3A_29 = arith.constant 0 : i32
      %dma_start3A_30 = tpu.memref_slice %arg9[%add3A_17, %dma_start3A_29] : memref<10x128xi32, #tpu.memory_space<vmem>> -> memref<1x128xi32, #tpu.memory_space<vmem>>
      %dma_start3A_31 = tpu.memref_squeeze %dma_start3A_30 : memref<1x128xi32, #tpu.memory_space<vmem>> -> memref<128xi32, #tpu.memory_space<vmem>>
      %dma_start3A_32 = arith.constant 0 : i32
      %dma_start3A_33 = arith.constant 0 : i32
      %dma_start3A_34 = tpu.memref_slice %arg3[%dma_start3A_32, %dma_start3A_33] : memref<10000x32xf32, #tpu.memory_space<hbm>> -> memref<10000x32xf32, #tpu.memory_space<hbm>>
      tpu.enqueue_indirect_dma source(%dma_start3A_34 : memref<10000x32xf32, #tpu.memory_space<hbm>>) target(%dma_start3A_28 : memref<128x32xf32, #tpu.memory_space<vmem>>) offsets(%dma_start3A_31 : memref<128xi32, #tpu.memory_space<vmem>>) semaphore(%arg13 : memref<!tpu.dma_semaphore, #tpu.memory_space<semaphore_mem>>)
      %mul3A_35 = arith.constant 5 : i32
      %mul3A_36 = arith.muli %add3A_13, %mul3A_35 : i32
      %add3A_37 = arith.constant 1 : i32
      %add3A_38 = arith.addi %mul3A_36, %add3A_37 : i32
      %dma_start3A_39 = arith.constant 128 : i32
      %dma_start3A_40 = arith.constant 0 : i32
      %dma_start3A_41 = tpu.memref_slice %arg10[%dma_start3A_39, %dma_start3A_40] : memref<640x32xf32, #tpu.memory_space<vmem>> -> memref<128x32xf32, #tpu.memory_space<vmem>>
      %dma_start3A_42 = arith.constant 0 : i32
      %dma_start3A_43 = tpu.memref_slice %arg8[%add3A_38, %dma_start3A_42] : memref<10x128xi32, #tpu.memory_space<vmem>> -> memref<1x128xi32, #tpu.memory_space<vmem>>
      %dma_start3A_44 = tpu.memref_squeeze %dma_start3A_43 : memref<1x128xi32, #tpu.memory_space<vmem>> -> memref<128xi32, #tpu.memory_space<vmem>>
      %dma_start3A_45 = arith.constant 0 : i32
      %dma_start3A_46 = arith.constant 0 : i32
      %dma_start3A_47 = tpu.memref_slice %arg2[%dma_start3A_45, %dma_start3A_46] : memref<10000x32xf32, #tpu.memory_space<hbm>> -> memref<10000x32xf32, #tpu.memory_space<hbm>>
      tpu.enqueue_indirect_dma source(%dma_start3A_47 : memref<10000x32xf32, #tpu.memory_space<hbm>>) target(%dma_start3A_41 : memref<128x32xf32, #tpu.memory_space<vmem>>) offsets(%dma_start3A_44 : memref<128xi32, #tpu.memory_space<vmem>>) semaphore(%arg12 : memref<!tpu.dma_semaphore, #tpu.memory_space<semaphore_mem>>)
      %dma_start3A_48 = arith.constant 128 : i32
      %dma_start3A_49 = arith.constant 0 : i32
      %dma_start3A_50 = tpu.memref_slice %arg11[%dma_start3A_48, %dma_start3A_49] : memref<640x32xf32, #tpu.memory_space<vmem>> -> memref<128x32xf32, #tpu.memory_space<vmem>>
      %dma_start3A_51 = arith.constant 0 : i32
      %dma_start3A_52 = tpu.memref_slice %arg9[%add3A_38, %dma_start3A_51] : memref<10x128xi32, #tpu.memory_space<vmem>> -> memref<1x128xi32, #tpu.memory_space<vmem>>
      %dma_start3A_53 = tpu.memref_squeeze %dma_start3A_52 : memref<1x128xi32, #tpu.memory_space<vmem>> -> memref<128xi32, #tpu.memory_space<vmem>>
      %dma_start3A_54 = arith.constant 0 : i32
      %dma_start3A_55 = arith.constant 0 : i32
      %dma_start3A_56 = tpu.memref_slice %arg3[%dma_start3A_54, %dma_start3A_55] : memref<10000x32xf32, #tpu.memory_space<hbm>> -> memref<10000x32xf32, #tpu.memory_space<hbm>>
      tpu.enqueue_indirect_dma source(%dma_start3A_56 : memref<10000x32xf32, #tpu.memory_space<hbm>>) target(%dma_start3A_50 : memref<128x32xf32, #tpu.memory_space<vmem>>) offsets(%dma_start3A_53 : memref<128xi32, #tpu.memory_space<vmem>>) semaphore(%arg13 : memref<!tpu.dma_semaphore, #tpu.memory_space<semaphore_mem>>)
      %mul3A_57 = arith.constant 5 : i32
      %mul3A_58 = arith.muli %add3A_13, %mul3A_57 : i32
      %add3A_59 = arith.constant 2 : i32
      %add3A_60 = arith.addi %mul3A_58, %add3A_59 : i32
      %dma_start3A_61 = arith.constant 256 : i32
      %dma_start3A_62 = arith.constant 0 : i32
      %dma_start3A_63 = tpu.memref_slice %arg10[%dma_start3A_61, %dma_start3A_62] : memref<640x32xf32, #tpu.memory_space<vmem>> -> memref<128x32xf32, #tpu.memory_space<vmem>>
      %dma_start3A_64 = arith.constant 0 : i32
      %dma_start3A_65 = tpu.memref_slice %arg8[%add3A_60, %dma_start3A_64] : memref<10x128xi32, #tpu.memory_space<vmem>> -> memref<1x128xi32, #tpu.memory_space<vmem>>
      %dma_start3A_66 = tpu.memref_squeeze %dma_start3A_65 : memref<1x128xi32, #tpu.memory_space<vmem>> -> memref<128xi32, #tpu.memory_space<vmem>>
      %dma_start3A_67 = arith.constant 0 : i32
      %dma_start3A_68 = arith.constant 0 : i32
      %dma_start3A_69 = tpu.memref_slice %arg2[%dma_start3A_67, %dma_start3A_68] : memref<10000x32xf32, #tpu.memory_space<hbm>> -> memref<10000x32xf32, #tpu.memory_space<hbm>>
      tpu.enqueue_indirect_dma source(%dma_start3A_69 : memref<10000x32xf32, #tpu.memory_space<hbm>>) target(%dma_start3A_63 : memref<128x32xf32, #tpu.memory_space<vmem>>) offsets(%dma_start3A_66 : memref<128xi32, #tpu.memory_space<vmem>>) semaphore(%arg12 : memref<!tpu.dma_semaphore, #tpu.memory_space<semaphore_mem>>)
      %dma_start3A_70 = arith.constant 256 : i32
      %dma_start3A_71 = arith.constant 0 : i32
      %dma_start3A_72 = tpu.memref_slice %arg11[%dma_start3A_70, %dma_start3A_71] : memref<640x32xf32, #tpu.memory_space<vmem>> -> memref<128x32xf32, #tpu.memory_space<vmem>>
      %dma_start3A_73 = arith.constant 0 : i32
      %dma_start3A_74 = tpu.memref_slice %arg9[%add3A_60, %dma_start3A_73] : memref<10x128xi32, #tpu.memory_space<vmem>> -> memref<1x128xi32, #tpu.memory_space<vmem>>
      %dma_start3A_75 = tpu.memref_squeeze %dma_start3A_74 : memref<1x128xi32, #tpu.memory_space<vmem>> -> memref<128xi32, #tpu.memory_space<vmem>>
      %dma_start3A_76 = arith.constant 0 : i32
      %dma_start3A_77 = arith.constant 0 : i32
      %dma_start3A_78 = tpu.memref_slice %arg3[%dma_start3A_76, %dma_start3A_77] : memref<10000x32xf32, #tpu.memory_space<hbm>> -> memref<10000x32xf32, #tpu.memory_space<hbm>>
      tpu.enqueue_indirect_dma source(%dma_start3A_78 : memref<10000x32xf32, #tpu.memory_space<hbm>>) target(%dma_start3A_72 : memref<128x32xf32, #tpu.memory_space<vmem>>) offsets(%dma_start3A_75 : memref<128xi32, #tpu.memory_space<vmem>>) semaphore(%arg13 : memref<!tpu.dma_semaphore, #tpu.memory_space<semaphore_mem>>)
      %mul3A_79 = arith.constant 5 : i32
      %mul3A_80 = arith.muli %add3A_13, %mul3A_79 : i32
      %add3A_81 = arith.constant 3 : i32
      %add3A_82 = arith.addi %mul3A_80, %add3A_81 : i32
      %dma_start3A_83 = arith.constant 384 : i32
      %dma_start3A_84 = arith.constant 0 : i32
      %dma_start3A_85 = tpu.memref_slice %arg10[%dma_start3A_83, %dma_start3A_84] : memref<640x32xf32, #tpu.memory_space<vmem>> -> memref<128x32xf32, #tpu.memory_space<vmem>>
      %dma_start3A_86 = arith.constant 0 : i32
      %dma_start3A_87 = tpu.memref_slice %arg8[%add3A_82, %dma_start3A_86] : memref<10x128xi32, #tpu.memory_space<vmem>> -> memref<1x128xi32, #tpu.memory_space<vmem>>
      %dma_start3A_88 = tpu.memref_squeeze %dma_start3A_87 : memref<1x128xi32, #tpu.memory_space<vmem>> -> memref<128xi32, #tpu.memory_space<vmem>>
      %dma_start3A_89 = arith.constant 0 : i32
      %dma_start3A_90 = arith.constant 0 : i32
      %dma_start3A_91 = tpu.memref_slice %arg2[%dma_start3A_89, %dma_start3A_90] : memref<10000x32xf32, #tpu.memory_space<hbm>> -> memref<10000x32xf32, #tpu.memory_space<hbm>>
      tpu.enqueue_indirect_dma source(%dma_start3A_91 : memref<10000x32xf32, #tpu.memory_space<hbm>>) target(%dma_start3A_85 : memref<128x32xf32, #tpu.memory_space<vmem>>) offsets(%dma_start3A_88 : memref<128xi32, #tpu.memory_space<vmem>>) semaphore(%arg12 : memref<!tpu.dma_semaphore, #tpu.memory_space<semaphore_mem>>)
      %dma_start3A_92 = arith.constant 384 : i32
      %dma_start3A_93 = arith.constant 0 : i32
      %dma_start3A_94 = tpu.memref_slice %arg11[%dma_start3A_92, %dma_start3A_93] : memref<640x32xf32, #tpu.memory_space<vmem>> -> memref<128x32xf32, #tpu.memory_space<vmem>>
      %dma_start3A_95 = arith.constant 0 : i32
      %dma_start3A_96 = tpu.memref_slice %arg9[%add3A_82, %dma_start3A_95] : memref<10x128xi32, #tpu.memory_space<vmem>> -> memref<1x128xi32, #tpu.memory_space<vmem>>
      %dma_start3A_97 = tpu.memref_squeeze %dma_start3A_96 : memref<1x128xi32, #tpu.memory_space<vmem>> -> memref<128xi32, #tpu.memory_space<vmem>>
      %dma_start3A_98 = arith.constant 0 : i32
      %dma_start3A_99 = arith.constant 0 : i32
      %dma_start3A_100 = tpu.memref_slice %arg3[%dma_start3A_98, %dma_start3A_99] : memref<10000x32xf32, #tpu.memory_space<hbm>> -> memref<10000x32xf32, #tpu.memory_space<hbm>>
      tpu.enqueue_indirect_dma source(%dma_start3A_100 : memref<10000x32xf32, #tpu.memory_space<hbm>>) target(%dma_start3A_94 : memref<128x32xf32, #tpu.memory_space<vmem>>) offsets(%dma_start3A_97 : memref<128xi32, #tpu.memory_space<vmem>>) semaphore(%arg13 : memref<!tpu.dma_semaphore, #tpu.memory_space<semaphore_mem>>)
      %mul3A_101 = arith.constant 5 : i32
      %mul3A_102 = arith.muli %add3A_13, %mul3A_101 : i32
      %add3A_103 = arith.constant 4 : i32
      %add3A_104 = arith.addi %mul3A_102, %add3A_103 : i32
      %dma_start3A_105 = arith.constant 512 : i32
      %dma_start3A_106 = arith.constant 0 : i32
      %dma_start3A_107 = tpu.memref_slice %arg10[%dma_start3A_105, %dma_start3A_106] : memref<640x32xf32, #tpu.memory_space<vmem>> -> memref<128x32xf32, #tpu.memory_space<vmem>>
      %dma_start3A_108 = arith.constant 0 : i32
      %dma_start3A_109 = tpu.memref_slice %arg8[%add3A_104, %dma_start3A_108] : memref<10x128xi32, #tpu.memory_space<vmem>> -> memref<1x128xi32, #tpu.memory_space<vmem>>
      %dma_start3A_110 = tpu.memref_squeeze %dma_start3A_109 : memref<1x128xi32, #tpu.memory_space<vmem>> -> memref<128xi32, #tpu.memory_space<vmem>>
      %dma_start3A_111 = arith.constant 0 : i32
      %dma_start3A_112 = arith.constant 0 : i32
      %dma_start3A_113 = tpu.memref_slice %arg2[%dma_start3A_111, %dma_start3A_112] : memref<10000x32xf32, #tpu.memory_space<hbm>> -> memref<10000x32xf32, #tpu.memory_space<hbm>>
      tpu.enqueue_indirect_dma source(%dma_start3A_113 : memref<10000x32xf32, #tpu.memory_space<hbm>>) target(%dma_start3A_107 : memref<128x32xf32, #tpu.memory_space<vmem>>) offsets(%dma_start3A_110 : memref<128xi32, #tpu.memory_space<vmem>>) semaphore(%arg12 : memref<!tpu.dma_semaphore, #tpu.memory_space<semaphore_mem>>)
      %dma_start3A_114 = arith.constant 512 : i32
      %dma_start3A_115 = arith.constant 0 : i32
      %dma_start3A_116 = tpu.memref_slice %arg11[%dma_start3A_114, %dma_start3A_115] : memref<640x32xf32, #tpu.memory_space<vmem>> -> memref<128x32xf32, #tpu.memory_space<vmem>>
      %dma_start3A_117 = arith.constant 0 : i32
      %dma_start3A_118 = tpu.memref_slice %arg9[%add3A_104, %dma_start3A_117] : memref<10x128xi32, #tpu.memory_space<vmem>> -> memref<1x128xi32, #tpu.memory_space<vmem>>
      %dma_start3A_119 = tpu.memref_squeeze %dma_start3A_118 : memref<1x128xi32, #tpu.memory_space<vmem>> -> memref<128xi32, #tpu.memory_space<vmem>>
      %dma_start3A_120 = arith.constant 0 : i32
      %dma_start3A_121 = arith.constant 0 : i32
      %dma_start3A_122 = tpu.memref_slice %arg3[%dma_start3A_120, %dma_start3A_121] : memref<10000x32xf32, #tpu.memory_space<hbm>> -> memref<10000x32xf32, #tpu.memory_space<hbm>>
      tpu.enqueue_indirect_dma source(%dma_start3A_122 : memref<10000x32xf32, #tpu.memory_space<hbm>>) target(%dma_start3A_116 : memref<128x32xf32, #tpu.memory_space<vmem>>) offsets(%dma_start3A_119 : memref<128xi32, #tpu.memory_space<vmem>>) semaphore(%arg13 : memref<!tpu.dma_semaphore, #tpu.memory_space<semaphore_mem>>)
      %dma_wait3A = arith.constant 0 : i32
      %dma_wait3A_123 = arith.constant 0 : i32
      %dma_wait3A_124 = tpu.memref_slice %arg10[%dma_wait3A, %dma_wait3A_123] : memref<640x32xf32, #tpu.memory_space<vmem>> -> memref<128x32xf32, #tpu.memory_space<vmem>>
      %dma_wait3A_125 = arith.constant 0 : i32
      %dma_wait3A_126 = tpu.memref_slice %arg8[%add3A_17, %dma_wait3A_125] : memref<10x128xi32, #tpu.memory_space<vmem>> -> memref<1x128xi32, #tpu.memory_space<vmem>>
      %dma_wait3A_127 = tpu.memref_squeeze %dma_wait3A_126 : memref<1x128xi32, #tpu.memory_space<vmem>> -> memref<128xi32, #tpu.memory_space<vmem>>
      %dma_wait3A_128 = arith.constant 0 : i32
      %dma_wait3A_129 = arith.constant 0 : i32
      %dma_wait3A_130 = tpu.memref_slice %arg2[%dma_wait3A_128, %dma_wait3A_129] : memref<10000x32xf32, #tpu.memory_space<hbm>> -> memref<10000x32xf32, #tpu.memory_space<hbm>>
      tpu.wait_indirect_dma semaphore(%arg12 : memref<!tpu.dma_semaphore, #tpu.memory_space<semaphore_mem>>) src(%dma_wait3A_130 : memref<10000x32xf32, #tpu.memory_space<hbm>>) dst(%dma_wait3A_124 : memref<128x32xf32, #tpu.memory_space<vmem>>)
      %dma_wait3A_131 = arith.constant 0 : i32
      %dma_wait3A_132 = arith.constant 0 : i32
      %dma_wait3A_133 = tpu.memref_slice %arg11[%dma_wait3A_131, %dma_wait3A_132] : memref<640x32xf32, #tpu.memory_space<vmem>> -> memref<128x32xf32, #tpu.memory_space<vmem>>
      %dma_wait3A_134 = arith.constant 0 : i32
      %dma_wait3A_135 = tpu.memref_slice %arg9[%add3A_17, %dma_wait3A_134] : memref<10x128xi32, #tpu.memory_space<vmem>> -> memref<1x128xi32, #tpu.memory_space<vmem>>
      %dma_wait3A_136 = tpu.memref_squeeze %dma_wait3A_135 : memref<1x128xi32, #tpu.memory_space<vmem>> -> memref<128xi32, #tpu.memory_space<vmem>>
      %dma_wait3A_137 = arith.constant 0 : i32
      %dma_wait3A_138 = arith.constant 0 : i32
      %dma_wait3A_139 = tpu.memref_slice %arg3[%dma_wait3A_137, %dma_wait3A_138] : memref<10000x32xf32, #tpu.memory_space<hbm>> -> memref<10000x32xf32, #tpu.memory_space<hbm>>
      tpu.wait_indirect_dma semaphore(%arg13 : memref<!tpu.dma_semaphore, #tpu.memory_space<semaphore_mem>>) src(%dma_wait3A_139 : memref<10000x32xf32, #tpu.memory_space<hbm>>) dst(%dma_wait3A_133 : memref<128x32xf32, #tpu.memory_space<vmem>>)
      %dma_wait3A_140 = arith.constant 128 : i32
      %dma_wait3A_141 = arith.constant 0 : i32
      %dma_wait3A_142 = tpu.memref_slice %arg10[%dma_wait3A_140, %dma_wait3A_141] : memref<640x32xf32, #tpu.memory_space<vmem>> -> memref<128x32xf32, #tpu.memory_space<vmem>>
      %dma_wait3A_143 = arith.constant 0 : i32
      %dma_wait3A_144 = tpu.memref_slice %arg8[%add3A_38, %dma_wait3A_143] : memref<10x128xi32, #tpu.memory_space<vmem>> -> memref<1x128xi32, #tpu.memory_space<vmem>>
      %dma_wait3A_145 = tpu.memref_squeeze %dma_wait3A_144 : memref<1x128xi32, #tpu.memory_space<vmem>> -> memref<128xi32, #tpu.memory_space<vmem>>
      %dma_wait3A_146 = arith.constant 0 : i32
      %dma_wait3A_147 = arith.constant 0 : i32
      %dma_wait3A_148 = tpu.memref_slice %arg2[%dma_wait3A_146, %dma_wait3A_147] : memref<10000x32xf32, #tpu.memory_space<hbm>> -> memref<10000x32xf32, #tpu.memory_space<hbm>>
      tpu.wait_indirect_dma semaphore(%arg12 : memref<!tpu.dma_semaphore, #tpu.memory_space<semaphore_mem>>) src(%dma_wait3A_148 : memref<10000x32xf32, #tpu.memory_space<hbm>>) dst(%dma_wait3A_142 : memref<128x32xf32, #tpu.memory_space<vmem>>)
      %dma_wait3A_149 = arith.constant 128 : i32
      %dma_wait3A_150 = arith.constant 0 : i32
      %dma_wait3A_151 = tpu.memref_slice %arg11[%dma_wait3A_149, %dma_wait3A_150] : memref<640x32xf32, #tpu.memory_space<vmem>> -> memref<128x32xf32, #tpu.memory_space<vmem>>
      %dma_wait3A_152 = arith.constant 0 : i32
      %dma_wait3A_153 = tpu.memref_slice %arg9[%add3A_38, %dma_wait3A_152] : memref<10x128xi32, #tpu.memory_space<vmem>> -> memref<1x128xi32, #tpu.memory_space<vmem>>
      %dma_wait3A_154 = tpu.memref_squeeze %dma_wait3A_153 : memref<1x128xi32, #tpu.memory_space<vmem>> -> memref<128xi32, #tpu.memory_space<vmem>>
      %dma_wait3A_155 = arith.constant 0 : i32
      %dma_wait3A_156 = arith.constant 0 : i32
      %dma_wait3A_157 = tpu.memref_slice %arg3[%dma_wait3A_155, %dma_wait3A_156] : memref<10000x32xf32, #tpu.memory_space<hbm>> -> memref<10000x32xf32, #tpu.memory_space<hbm>>
      tpu.wait_indirect_dma semaphore(%arg13 : memref<!tpu.dma_semaphore, #tpu.memory_space<semaphore_mem>>) src(%dma_wait3A_157 : memref<10000x32xf32, #tpu.memory_space<hbm>>) dst(%dma_wait3A_151 : memref<128x32xf32, #tpu.memory_space<vmem>>)
      %dma_wait3A_158 = arith.constant 256 : i32
      %dma_wait3A_159 = arith.constant 0 : i32
      %dma_wait3A_160 = tpu.memref_slice %arg10[%dma_wait3A_158, %dma_wait3A_159] : memref<640x32xf32, #tpu.memory_space<vmem>> -> memref<128x32xf32, #tpu.memory_space<vmem>>
      %dma_wait3A_161 = arith.constant 0 : i32
      %dma_wait3A_162 = tpu.memref_slice %arg8[%add3A_60, %dma_wait3A_161] : memref<10x128xi32, #tpu.memory_space<vmem>> -> memref<1x128xi32, #tpu.memory_space<vmem>>
      %dma_wait3A_163 = tpu.memref_squeeze %dma_wait3A_162 : memref<1x128xi32, #tpu.memory_space<vmem>> -> memref<128xi32, #tpu.memory_space<vmem>>
      %dma_wait3A_164 = arith.constant 0 : i32
      %dma_wait3A_165 = arith.constant 0 : i32
      %dma_wait3A_166 = tpu.memref_slice %arg2[%dma_wait3A_164, %dma_wait3A_165] : memref<10000x32xf32, #tpu.memory_space<hbm>> -> memref<10000x32xf32, #tpu.memory_space<hbm>>
      tpu.wait_indirect_dma semaphore(%arg12 : memref<!tpu.dma_semaphore, #tpu.memory_space<semaphore_mem>>) src(%dma_wait3A_166 : memref<10000x32xf32, #tpu.memory_space<hbm>>) dst(%dma_wait3A_160 : memref<128x32xf32, #tpu.memory_space<vmem>>)
      %dma_wait3A_167 = arith.constant 256 : i32
      %dma_wait3A_168 = arith.constant 0 : i32
      %dma_wait3A_169 = tpu.memref_slice %arg11[%dma_wait3A_167, %dma_wait3A_168] : memref<640x32xf32, #tpu.memory_space<vmem>> -> memref<128x32xf32, #tpu.memory_space<vmem>>
      %dma_wait3A_170 = arith.constant 0 : i32
      %dma_wait3A_171 = tpu.memref_slice %arg9[%add3A_60, %dma_wait3A_170] : memref<10x128xi32, #tpu.memory_space<vmem>> -> memref<1x128xi32, #tpu.memory_space<vmem>>
      %dma_wait3A_172 = tpu.memref_squeeze %dma_wait3A_171 : memref<1x128xi32, #tpu.memory_space<vmem>> -> memref<128xi32, #tpu.memory_space<vmem>>
      %dma_wait3A_173 = arith.constant 0 : i32
      %dma_wait3A_174 = arith.constant 0 : i32
      %dma_wait3A_175 = tpu.memref_slice %arg3[%dma_wait3A_173, %dma_wait3A_174] : memref<10000x32xf32, #tpu.memory_space<hbm>> -> memref<10000x32xf32, #tpu.memory_space<hbm>>
      tpu.wait_indirect_dma semaphore(%arg13 : memref<!tpu.dma_semaphore, #tpu.memory_space<semaphore_mem>>) src(%dma_wait3A_175 : memref<10000x32xf32, #tpu.memory_space<hbm>>) dst(%dma_wait3A_169 : memref<128x32xf32, #tpu.memory_space<vmem>>)
      %dma_wait3A_176 = arith.constant 384 : i32
      %dma_wait3A_177 = arith.constant 0 : i32
      %dma_wait3A_178 = tpu.memref_slice %arg10[%dma_wait3A_176, %dma_wait3A_177] : memref<640x32xf32, #tpu.memory_space<vmem>> -> memref<128x32xf32, #tpu.memory_space<vmem>>
      %dma_wait3A_179 = arith.constant 0 : i32
      %dma_wait3A_180 = tpu.memref_slice %arg8[%add3A_82, %dma_wait3A_179] : memref<10x128xi32, #tpu.memory_space<vmem>> -> memref<1x128xi32, #tpu.memory_space<vmem>>
      %dma_wait3A_181 = tpu.memref_squeeze %dma_wait3A_180 : memref<1x128xi32, #tpu.memory_space<vmem>> -> memref<128xi32, #tpu.memory_space<vmem>>
      %dma_wait3A_182 = arith.constant 0 : i32
      %dma_wait3A_183 = arith.constant 0 : i32
      %dma_wait3A_184 = tpu.memref_slice %arg2[%dma_wait3A_182, %dma_wait3A_183] : memref<10000x32xf32, #tpu.memory_space<hbm>> -> memref<10000x32xf32, #tpu.memory_space<hbm>>
      tpu.wait_indirect_dma semaphore(%arg12 : memref<!tpu.dma_semaphore, #tpu.memory_space<semaphore_mem>>) src(%dma_wait3A_184 : memref<10000x32xf32, #tpu.memory_space<hbm>>) dst(%dma_wait3A_178 : memref<128x32xf32, #tpu.memory_space<vmem>>)
      %dma_wait3A_185 = arith.constant 384 : i32
      %dma_wait3A_186 = arith.constant 0 : i32
      %dma_wait3A_187 = tpu.memref_slice %arg11[%dma_wait3A_185, %dma_wait3A_186] : memref<640x32xf32, #tpu.memory_space<vmem>> -> memref<128x32xf32, #tpu.memory_space<vmem>>
      %dma_wait3A_188 = arith.constant 0 : i32
      %dma_wait3A_189 = tpu.memref_slice %arg9[%add3A_82, %dma_wait3A_188] : memref<10x128xi32, #tpu.memory_space<vmem>> -> memref<1x128xi32, #tpu.memory_space<vmem>>
      %dma_wait3A_190 = tpu.memref_squeeze %dma_wait3A_189 : memref<1x128xi32, #tpu.memory_space<vmem>> -> memref<128xi32, #tpu.memory_space<vmem>>
      %dma_wait3A_191 = arith.constant 0 : i32
      %dma_wait3A_192 = arith.constant 0 : i32
      %dma_wait3A_193 = tpu.memref_slice %arg3[%dma_wait3A_191, %dma_wait3A_192] : memref<10000x32xf32, #tpu.memory_space<hbm>> -> memref<10000x32xf32, #tpu.memory_space<hbm>>
      tpu.wait_indirect_dma semaphore(%arg13 : memref<!tpu.dma_semaphore, #tpu.memory_space<semaphore_mem>>) src(%dma_wait3A_193 : memref<10000x32xf32, #tpu.memory_space<hbm>>) dst(%dma_wait3A_187 : memref<128x32xf32, #tpu.memory_space<vmem>>)
      %dma_wait3A_194 = arith.constant 512 : i32
      %dma_wait3A_195 = arith.constant 0 : i32
      %dma_wait3A_196 = tpu.memref_slice %arg10[%dma_wait3A_194, %dma_wait3A_195] : memref<640x32xf32, #tpu.memory_space<vmem>> -> memref<128x32xf32, #tpu.memory_space<vmem>>
      %dma_wait3A_197 = arith.constant 0 : i32
      %dma_wait3A_198 = tpu.memref_slice %arg8[%add3A_104, %dma_wait3A_197] : memref<10x128xi32, #tpu.memory_space<vmem>> -> memref<1x128xi32, #tpu.memory_space<vmem>>
      %dma_wait3A_199 = tpu.memref_squeeze %dma_wait3A_198 : memref<1x128xi32, #tpu.memory_space<vmem>> -> memref<128xi32, #tpu.memory_space<vmem>>
      %dma_wait3A_200 = arith.constant 0 : i32
      %dma_wait3A_201 = arith.constant 0 : i32
      %dma_wait3A_202 = tpu.memref_slice %arg2[%dma_wait3A_200, %dma_wait3A_201] : memref<10000x32xf32, #tpu.memory_space<hbm>> -> memref<10000x32xf32, #tpu.memory_space<hbm>>
      tpu.wait_indirect_dma semaphore(%arg12 : memref<!tpu.dma_semaphore, #tpu.memory_space<semaphore_mem>>) src(%dma_wait3A_202 : memref<10000x32xf32, #tpu.memory_space<hbm>>) dst(%dma_wait3A_196 : memref<128x32xf32, #tpu.memory_space<vmem>>)
      %dma_wait3A_203 = arith.constant 512 : i32
      %dma_wait3A_204 = arith.constant 0 : i32
      %dma_wait3A_205 = tpu.memref_slice %arg11[%dma_wait3A_203, %dma_wait3A_204] : memref<640x32xf32, #tpu.memory_space<vmem>> -> memref<128x32xf32, #tpu.memory_space<vmem>>
      %dma_wait3A_206 = arith.constant 0 : i32
      %dma_wait3A_207 = tpu.memref_slice %arg9[%add3A_104, %dma_wait3A_206] : memref<10x128xi32, #tpu.memory_space<vmem>> -> memref<1x128xi32, #tpu.memory_space<vmem>>
      %dma_wait3A_208 = tpu.memref_squeeze %dma_wait3A_207 : memref<1x128xi32, #tpu.memory_space<vmem>> -> memref<128xi32, #tpu.memory_space<vmem>>
      %dma_wait3A_209 = arith.constant 0 : i32
      %dma_wait3A_210 = arith.constant 0 : i32
      %dma_wait3A_211 = tpu.memref_slice %arg3[%dma_wait3A_209, %dma_wait3A_210] : memref<10000x32xf32, #tpu.memory_space<hbm>> -> memref<10000x32xf32, #tpu.memory_space<hbm>>
      tpu.wait_indirect_dma semaphore(%arg13 : memref<!tpu.dma_semaphore, #tpu.memory_space<semaphore_mem>>) src(%dma_wait3A_211 : memref<10000x32xf32, #tpu.memory_space<hbm>>) dst(%dma_wait3A_205 : memref<128x32xf32, #tpu.memory_space<vmem>>)
      %mul3A_212 = arith.constant 640 : i32
      %mul3A_213 = arith.muli %add3A_13, %mul3A_212 : i32
      %add3A_214 = arith.addi %mul3A_4, %mul3A_213 : i32
      "tpu.region"() ({
        %run_scoped3A = tpu.sem_alloc : memref<!tpu.dma_semaphore, #tpu.memory_space<semaphore_mem>>
        %dma_start3A_215 = arith.constant 0 : i32
        %dma_start3A_216 = tpu.memref_slice %arg6[%add3A_214, %dma_start3A_215] : memref<40960x32xf32, #tpu.memory_space<hbm>> -> memref<640x32xf32, #tpu.memory_space<hbm>>
        %dma_start3A_217 = arith.constant 0 : i32
        %dma_start3A_218 = tpu.memref_slice %arg6[%add3A_214, %dma_start3A_217] : memref<40960x32xf32, #tpu.memory_space<hbm>> -> memref<640x32xf32, #tpu.memory_space<hbm>>
        tpu.enqueue_dma source(%arg10 : memref<640x32xf32, #tpu.memory_space<vmem>>) target(%dma_start3A_218 : memref<640x32xf32, #tpu.memory_space<hbm>>) target_semaphore(%run_scoped3A : memref<!tpu.dma_semaphore, #tpu.memory_space<semaphore_mem>>)
        %dma_wait3A_219 = arith.constant 0 : i32
        %dma_wait3A_220 = tpu.memref_slice %arg6[%add3A_214, %dma_wait3A_219] : memref<40960x32xf32, #tpu.memory_space<hbm>> -> memref<640x32xf32, #tpu.memory_space<hbm>>
        %dma_wait3A_221 = arith.constant 0 : i32
        %dma_wait3A_222 = tpu.memref_slice %arg6[%add3A_214, %dma_wait3A_221] : memref<40960x32xf32, #tpu.memory_space<hbm>> -> memref<640x32xf32, #tpu.memory_space<hbm>>
        tpu.wait_dma2 semaphore(%run_scoped3A : memref<!tpu.dma_semaphore, #tpu.memory_space<semaphore_mem>>) src(%arg10 : memref<640x32xf32, #tpu.memory_space<vmem>>) dst(%dma_wait3A_222 : memref<640x32xf32, #tpu.memory_space<hbm>>)
        tpu.yield
      }) : () -> ()
      "tpu.region"() ({
        %run_scoped3A = tpu.sem_alloc : memref<!tpu.dma_semaphore, #tpu.memory_space<semaphore_mem>>
        %dma_start3A_215 = arith.constant 0 : i32
        %dma_start3A_216 = tpu.memref_slice %arg7[%add3A_214, %dma_start3A_215] : memref<40960x32xf32, #tpu.memory_space<hbm>> -> memref<640x32xf32, #tpu.memory_space<hbm>>
        %dma_start3A_217 = arith.constant 0 : i32
        %dma_start3A_218 = tpu.memref_slice %arg7[%add3A_214, %dma_start3A_217] : memref<40960x32xf32, #tpu.memory_space<hbm>> -> memref<640x32xf32, #tpu.memory_space<hbm>>
        tpu.enqueue_dma source(%arg11 : memref<640x32xf32, #tpu.memory_space<vmem>>) target(%dma_start3A_218 : memref<640x32xf32, #tpu.memory_space<hbm>>) target_semaphore(%run_scoped3A : memref<!tpu.dma_semaphore, #tpu.memory_space<semaphore_mem>>)
        %dma_wait3A_219 = arith.constant 0 : i32
        %dma_wait3A_220 = tpu.memref_slice %arg7[%add3A_214, %dma_wait3A_219] : memref<40960x32xf32, #tpu.memory_space<hbm>> -> memref<640x32xf32, #tpu.memory_space<hbm>>
        %dma_wait3A_221 = arith.constant 0 : i32
        %dma_wait3A_222 = tpu.memref_slice %arg7[%add3A_214, %dma_wait3A_221] : memref<40960x32xf32, #tpu.memory_space<hbm>> -> memref<640x32xf32, #tpu.memory_space<hbm>>
        tpu.wait_dma2 semaphore(%run_scoped3A : memref<!tpu.dma_semaphore, #tpu.memory_space<semaphore_mem>>) src(%arg11 : memref<640x32xf32, #tpu.memory_space<vmem>>) dst(%dma_wait3A_222 : memref<640x32xf32, #tpu.memory_space<hbm>>)
        tpu.yield
      }) : () -> ()
    }
    %scan3A_8 = arith.constant 2 : i32
    return
  }
}

#map = affine_map<(d0, d1) -> (0, 0)>
module attributes {stable_mosaic.version = 14 : i64} {
  func.func @_gather_body(%arg0: i32, %arg1: i32, %arg2: memref<10000x32xf32, #tpu.memory_space<hbm>>, %arg3: memref<10000x32xf32, #tpu.memory_space<hbm>>, %arg4: memref<320x128xi32, #tpu.memory_space<hbm>>, %arg5: memref<320x128xi32, #tpu.memory_space<hbm>>, %arg6: memref<40960x32xf32, #tpu.memory_space<hbm>>, %arg7: memref<40960x32xf32, #tpu.memory_space<hbm>>, %arg8: memref<10x128xi32, #tpu.memory_space<vmem>>, %arg9: memref<10x128xi32, #tpu.memory_space<vmem>>, %arg10: memref<640x32xf32, #tpu.memory_space<vmem>>, %arg11: memref<640x32xf32, #tpu.memory_space<vmem>>, %arg12: memref<!tpu.dma_semaphore, #tpu.memory_space<semaphore_mem>>, %arg13: memref<!tpu.dma_semaphore, #tpu.memory_space<semaphore_mem>>) attributes {dimension_semantics = [#tpu.dimension_semantics<core_parallel>, #tpu.dimension_semantics<subcore_parallel>], iteration_bounds = array<i64: 2, 16>, scalar_prefetch = 0 : i64, scratch_operands = 6 : i64, tpu.core_type = #tpu.core_type<sc_vector_subcore>, window_params = [{transform_indices = #map}, {transform_indices = #map}, {transform_indices = #map}, {transform_indices = #map}, {transform_indices = #map}, {transform_indices = #map}]} {
    %mul3A = arith.constant 2 : i32
    %mul3A_0 = arith.muli %arg1, %mul3A : i32
    %add3A = arith.addi %mul3A_0, %arg0 : i32
    %mul3A_1 = arith.constant 10 : i32
    %mul3A_2 = arith.muli %add3A, %mul3A_1 : i32
    %mul3A_3 = arith.constant 1280 : i32
    %mul3A_4 = arith.muli %add3A, %mul3A_3 : i32
    "tpu.region"() ({
      %run_scoped3A = tpu.sem_alloc : memref<!tpu.dma_semaphore, #tpu.memory_space<semaphore_mem>>
      %dma_start3A = arith.constant 0 : i32
      %dma_start3A_9 = tpu.memref_slice %arg4[%mul3A_2, %dma_start3A] : memref<320x128xi32, #tpu.memory_space<hbm>> -> memref<10x128xi32, #tpu.memory_space<hbm>>
      %dma_start3A_10 = arith.constant 0 : i32
      %dma_start3A_11 = tpu.memref_slice %arg4[%mul3A_2, %dma_start3A_10] : memref<320x128xi32, #tpu.memory_space<hbm>> -> memref<10x128xi32, #tpu.memory_space<hbm>>
      tpu.enqueue_dma source(%dma_start3A_11 : memref<10x128xi32, #tpu.memory_space<hbm>>) target(%arg8 : memref<10x128xi32, #tpu.memory_space<vmem>>) target_semaphore(%run_scoped3A : memref<!tpu.dma_semaphore, #tpu.memory_space<semaphore_mem>>)
      %dma_wait3A = arith.constant 0 : i32
      %dma_wait3A_12 = tpu.memref_slice %arg4[%mul3A_2, %dma_wait3A] : memref<320x128xi32, #tpu.memory_space<hbm>> -> memref<10x128xi32, #tpu.memory_space<hbm>>
      %dma_wait3A_13 = arith.constant 0 : i32
      %dma_wait3A_14 = tpu.memref_slice %arg4[%mul3A_2, %dma_wait3A_13] : memref<320x128xi32, #tpu.memory_space<hbm>> -> memref<10x128xi32, #tpu.memory_space<hbm>>
      tpu.wait_dma2 semaphore(%run_scoped3A : memref<!tpu.dma_semaphore, #tpu.memory_space<semaphore_mem>>) src(%dma_wait3A_14 : memref<10x128xi32, #tpu.memory_space<hbm>>) dst(%arg8 : memref<10x128xi32, #tpu.memory_space<vmem>>)
      tpu.yield
    }) : () -> ()
    "tpu.region"() ({
      %run_scoped3A = tpu.sem_alloc : memref<!tpu.dma_semaphore, #tpu.memory_space<semaphore_mem>>
      %dma_start3A = arith.constant 0 : i32
      %dma_start3A_9 = tpu.memref_slice %arg5[%mul3A_2, %dma_start3A] : memref<320x128xi32, #tpu.memory_space<hbm>> -> memref<10x128xi32, #tpu.memory_space<hbm>>
      %dma_start3A_10 = arith.constant 0 : i32
      %dma_start3A_11 = tpu.memref_slice %arg5[%mul3A_2, %dma_start3A_10] : memref<320x128xi32, #tpu.memory_space<hbm>> -> memref<10x128xi32, #tpu.memory_space<hbm>>
      tpu.enqueue_dma source(%dma_start3A_11 : memref<10x128xi32, #tpu.memory_space<hbm>>) target(%arg9 : memref<10x128xi32, #tpu.memory_space<vmem>>) target_semaphore(%run_scoped3A : memref<!tpu.dma_semaphore, #tpu.memory_space<semaphore_mem>>)
      %dma_wait3A = arith.constant 0 : i32
      %dma_wait3A_12 = tpu.memref_slice %arg5[%mul3A_2, %dma_wait3A] : memref<320x128xi32, #tpu.memory_space<hbm>> -> memref<10x128xi32, #tpu.memory_space<hbm>>
      %dma_wait3A_13 = arith.constant 0 : i32
      %dma_wait3A_14 = tpu.memref_slice %arg5[%mul3A_2, %dma_wait3A_13] : memref<320x128xi32, #tpu.memory_space<hbm>> -> memref<10x128xi32, #tpu.memory_space<hbm>>
      tpu.wait_dma2 semaphore(%run_scoped3A : memref<!tpu.dma_semaphore, #tpu.memory_space<semaphore_mem>>) src(%dma_wait3A_14 : memref<10x128xi32, #tpu.memory_space<hbm>>) dst(%arg9 : memref<10x128xi32, #tpu.memory_space<vmem>>)
      tpu.yield
    }) : () -> ()
    %scan3A = arith.constant 0 : i32
    %scan3A_5 = arith.constant 2 : i32
    %scan3A_6 = arith.addi %scan3A, %scan3A_5 : i32
    %scan3A_7 = arith.constant 1 : i32
    scf.for %scan3A_9 = %scan3A to %scan3A_6 step %scan3A_7  : i32 {
      %mul3A_10 = arith.constant 1 : i32
      %mul3A_11 = arith.muli %scan3A_9, %mul3A_10 : i32
      %add3A_12 = arith.constant 0 : i32
      %add3A_13 = arith.addi %add3A_12, %mul3A_11 : i32
      %mul3A_14 = arith.constant 5 : i32
      %mul3A_15 = arith.muli %add3A_13, %mul3A_14 : i32
      %add3A_16 = arith.constant 0 : i32
      %add3A_17 = arith.addi %mul3A_15, %add3A_16 : i32
      %dma_start3A = arith.constant 0 : i32
      %dma_start3A_18 = arith.constant 0 : i32
      %dma_start3A_19 = tpu.memref_slice %arg10[%dma_start3A, %dma_start3A_18] : memref<640x32xf32, #tpu.memory_space<vmem>> -> memref<128x32xf32, #tpu.memory_space<vmem>>
      %dma_start3A_20 = arith.constant 0 : i32
      %dma_start3A_21 = tpu.memref_slice %arg8[%add3A_17, %dma_start3A_20] : memref<10x128xi32, #tpu.memory_space<vmem>> -> memref<1x128xi32, #tpu.memory_space<vmem>>
      %dma_start3A_22 = tpu.memref_squeeze %dma_start3A_21 : memref<1x128xi32, #tpu.memory_space<vmem>> -> memref<128xi32, #tpu.memory_space<vmem>>
      %dma_start3A_23 = arith.constant 0 : i32
      %dma_start3A_24 = arith.constant 0 : i32
      %dma_start3A_25 = tpu.memref_slice %arg2[%dma_start3A_23, %dma_start3A_24] : memref<10000x32xf32, #tpu.memory_space<hbm>> -> memref<10000x32xf32, #tpu.memory_space<hbm>>
      tpu.enqueue_indirect_dma source(%dma_start3A_25 : memref<10000x32xf32, #tpu.memory_space<hbm>>) target(%dma_start3A_19 : memref<128x32xf32, #tpu.memory_space<vmem>>) offsets(%dma_start3A_22 : memref<128xi32, #tpu.memory_space<vmem>>) semaphore(%arg12 : memref<!tpu.dma_semaphore, #tpu.memory_space<semaphore_mem>>)
      %dma_start3A_26 = arith.constant 0 : i32
      %dma_start3A_27 = arith.constant 0 : i32
      %dma_start3A_28 = tpu.memref_slice %arg11[%dma_start3A_26, %dma_start3A_27] : memref<640x32xf32, #tpu.memory_space<vmem>> -> memref<128x32xf32, #tpu.memory_space<vmem>>
      %dma_start3A_29 = arith.constant 0 : i32
      %dma_start3A_30 = tpu.memref_slice %arg9[%add3A_17, %dma_start3A_29] : memref<10x128xi32, #tpu.memory_space<vmem>> -> memref<1x128xi32, #tpu.memory_space<vmem>>
      %dma_start3A_31 = tpu.memref_squeeze %dma_start3A_30 : memref<1x128xi32, #tpu.memory_space<vmem>> -> memref<128xi32, #tpu.memory_space<vmem>>
      %dma_start3A_32 = arith.constant 0 : i32
      %dma_start3A_33 = arith.constant 0 : i32
      %dma_start3A_34 = tpu.memref_slice %arg3[%dma_start3A_32, %dma_start3A_33] : memref<10000x32xf32, #tpu.memory_space<hbm>> -> memref<10000x32xf32, #tpu.memory_space<hbm>>
      tpu.enqueue_indirect_dma source(%dma_start3A_34 : memref<10000x32xf32, #tpu.memory_space<hbm>>) target(%dma_start3A_28 : memref<128x32xf32, #tpu.memory_space<vmem>>) offsets(%dma_start3A_31 : memref<128xi32, #tpu.memory_space<vmem>>) semaphore(%arg13 : memref<!tpu.dma_semaphore, #tpu.memory_space<semaphore_mem>>)
      %mul3A_35 = arith.constant 5 : i32
      %mul3A_36 = arith.muli %add3A_13, %mul3A_35 : i32
      %add3A_37 = arith.constant 1 : i32
      %add3A_38 = arith.addi %mul3A_36, %add3A_37 : i32
      %dma_start3A_39 = arith.constant 128 : i32
      %dma_start3A_40 = arith.constant 0 : i32
      %dma_start3A_41 = tpu.memref_slice %arg10[%dma_start3A_39, %dma_start3A_40] : memref<640x32xf32, #tpu.memory_space<vmem>> -> memref<128x32xf32, #tpu.memory_space<vmem>>
      %dma_start3A_42 = arith.constant 0 : i32
      %dma_start3A_43 = tpu.memref_slice %arg8[%add3A_38, %dma_start3A_42] : memref<10x128xi32, #tpu.memory_space<vmem>> -> memref<1x128xi32, #tpu.memory_space<vmem>>
      %dma_start3A_44 = tpu.memref_squeeze %dma_start3A_43 : memref<1x128xi32, #tpu.memory_space<vmem>> -> memref<128xi32, #tpu.memory_space<vmem>>
      %dma_start3A_45 = arith.constant 0 : i32
      %dma_start3A_46 = arith.constant 0 : i32
      %dma_start3A_47 = tpu.memref_slice %arg2[%dma_start3A_45, %dma_start3A_46] : memref<10000x32xf32, #tpu.memory_space<hbm>> -> memref<10000x32xf32, #tpu.memory_space<hbm>>
      tpu.enqueue_indirect_dma source(%dma_start3A_47 : memref<10000x32xf32, #tpu.memory_space<hbm>>) target(%dma_start3A_41 : memref<128x32xf32, #tpu.memory_space<vmem>>) offsets(%dma_start3A_44 : memref<128xi32, #tpu.memory_space<vmem>>) semaphore(%arg12 : memref<!tpu.dma_semaphore, #tpu.memory_space<semaphore_mem>>)
      %dma_start3A_48 = arith.constant 128 : i32
      %dma_start3A_49 = arith.constant 0 : i32
      %dma_start3A_50 = tpu.memref_slice %arg11[%dma_start3A_48, %dma_start3A_49] : memref<640x32xf32, #tpu.memory_space<vmem>> -> memref<128x32xf32, #tpu.memory_space<vmem>>
      %dma_start3A_51 = arith.constant 0 : i32
      %dma_start3A_52 = tpu.memref_slice %arg9[%add3A_38, %dma_start3A_51] : memref<10x128xi32, #tpu.memory_space<vmem>> -> memref<1x128xi32, #tpu.memory_space<vmem>>
      %dma_start3A_53 = tpu.memref_squeeze %dma_start3A_52 : memref<1x128xi32, #tpu.memory_space<vmem>> -> memref<128xi32, #tpu.memory_space<vmem>>
      %dma_start3A_54 = arith.constant 0 : i32
      %dma_start3A_55 = arith.constant 0 : i32
      %dma_start3A_56 = tpu.memref_slice %arg3[%dma_start3A_54, %dma_start3A_55] : memref<10000x32xf32, #tpu.memory_space<hbm>> -> memref<10000x32xf32, #tpu.memory_space<hbm>>
      tpu.enqueue_indirect_dma source(%dma_start3A_56 : memref<10000x32xf32, #tpu.memory_space<hbm>>) target(%dma_start3A_50 : memref<128x32xf32, #tpu.memory_space<vmem>>) offsets(%dma_start3A_53 : memref<128xi32, #tpu.memory_space<vmem>>) semaphore(%arg13 : memref<!tpu.dma_semaphore, #tpu.memory_space<semaphore_mem>>)
      %mul3A_57 = arith.constant 5 : i32
      %mul3A_58 = arith.muli %add3A_13, %mul3A_57 : i32
      %add3A_59 = arith.constant 2 : i32
      %add3A_60 = arith.addi %mul3A_58, %add3A_59 : i32
      %dma_start3A_61 = arith.constant 256 : i32
      %dma_start3A_62 = arith.constant 0 : i32
      %dma_start3A_63 = tpu.memref_slice %arg10[%dma_start3A_61, %dma_start3A_62] : memref<640x32xf32, #tpu.memory_space<vmem>> -> memref<128x32xf32, #tpu.memory_space<vmem>>
      %dma_start3A_64 = arith.constant 0 : i32
      %dma_start3A_65 = tpu.memref_slice %arg8[%add3A_60, %dma_start3A_64] : memref<10x128xi32, #tpu.memory_space<vmem>> -> memref<1x128xi32, #tpu.memory_space<vmem>>
      %dma_start3A_66 = tpu.memref_squeeze %dma_start3A_65 : memref<1x128xi32, #tpu.memory_space<vmem>> -> memref<128xi32, #tpu.memory_space<vmem>>
      %dma_start3A_67 = arith.constant 0 : i32
      %dma_start3A_68 = arith.constant 0 : i32
      %dma_start3A_69 = tpu.memref_slice %arg2[%dma_start3A_67, %dma_start3A_68] : memref<10000x32xf32, #tpu.memory_space<hbm>> -> memref<10000x32xf32, #tpu.memory_space<hbm>>
      tpu.enqueue_indirect_dma source(%dma_start3A_69 : memref<10000x32xf32, #tpu.memory_space<hbm>>) target(%dma_start3A_63 : memref<128x32xf32, #tpu.memory_space<vmem>>) offsets(%dma_start3A_66 : memref<128xi32, #tpu.memory_space<vmem>>) semaphore(%arg12 : memref<!tpu.dma_semaphore, #tpu.memory_space<semaphore_mem>>)
      %dma_start3A_70 = arith.constant 256 : i32
      %dma_start3A_71 = arith.constant 0 : i32
      %dma_start3A_72 = tpu.memref_slice %arg11[%dma_start3A_70, %dma_start3A_71] : memref<640x32xf32, #tpu.memory_space<vmem>> -> memref<128x32xf32, #tpu.memory_space<vmem>>
      %dma_start3A_73 = arith.constant 0 : i32
      %dma_start3A_74 = tpu.memref_slice %arg9[%add3A_60, %dma_start3A_73] : memref<10x128xi32, #tpu.memory_space<vmem>> -> memref<1x128xi32, #tpu.memory_space<vmem>>
      %dma_start3A_75 = tpu.memref_squeeze %dma_start3A_74 : memref<1x128xi32, #tpu.memory_space<vmem>> -> memref<128xi32, #tpu.memory_space<vmem>>
      %dma_start3A_76 = arith.constant 0 : i32
      %dma_start3A_77 = arith.constant 0 : i32
      %dma_start3A_78 = tpu.memref_slice %arg3[%dma_start3A_76, %dma_start3A_77] : memref<10000x32xf32, #tpu.memory_space<hbm>> -> memref<10000x32xf32, #tpu.memory_space<hbm>>
      tpu.enqueue_indirect_dma source(%dma_start3A_78 : memref<10000x32xf32, #tpu.memory_space<hbm>>) target(%dma_start3A_72 : memref<128x32xf32, #tpu.memory_space<vmem>>) offsets(%dma_start3A_75 : memref<128xi32, #tpu.memory_space<vmem>>) semaphore(%arg13 : memref<!tpu.dma_semaphore, #tpu.memory_space<semaphore_mem>>)
      %mul3A_79 = arith.constant 5 : i32
      %mul3A_80 = arith.muli %add3A_13, %mul3A_79 : i32
      %add3A_81 = arith.constant 3 : i32
      %add3A_82 = arith.addi %mul3A_80, %add3A_81 : i32
      %dma_start3A_83 = arith.constant 384 : i32
      %dma_start3A_84 = arith.constant 0 : i32
      %dma_start3A_85 = tpu.memref_slice %arg10[%dma_start3A_83, %dma_start3A_84] : memref<640x32xf32, #tpu.memory_space<vmem>> -> memref<128x32xf32, #tpu.memory_space<vmem>>
      %dma_start3A_86 = arith.constant 0 : i32
      %dma_start3A_87 = tpu.memref_slice %arg8[%add3A_82, %dma_start3A_86] : memref<10x128xi32, #tpu.memory_space<vmem>> -> memref<1x128xi32, #tpu.memory_space<vmem>>
      %dma_start3A_88 = tpu.memref_squeeze %dma_start3A_87 : memref<1x128xi32, #tpu.memory_space<vmem>> -> memref<128xi32, #tpu.memory_space<vmem>>
      %dma_start3A_89 = arith.constant 0 : i32
      %dma_start3A_90 = arith.constant 0 : i32
      %dma_start3A_91 = tpu.memref_slice %arg2[%dma_start3A_89, %dma_start3A_90] : memref<10000x32xf32, #tpu.memory_space<hbm>> -> memref<10000x32xf32, #tpu.memory_space<hbm>>
      tpu.enqueue_indirect_dma source(%dma_start3A_91 : memref<10000x32xf32, #tpu.memory_space<hbm>>) target(%dma_start3A_85 : memref<128x32xf32, #tpu.memory_space<vmem>>) offsets(%dma_start3A_88 : memref<128xi32, #tpu.memory_space<vmem>>) semaphore(%arg12 : memref<!tpu.dma_semaphore, #tpu.memory_space<semaphore_mem>>)
      %dma_start3A_92 = arith.constant 384 : i32
      %dma_start3A_93 = arith.constant 0 : i32
      %dma_start3A_94 = tpu.memref_slice %arg11[%dma_start3A_92, %dma_start3A_93] : memref<640x32xf32, #tpu.memory_space<vmem>> -> memref<128x32xf32, #tpu.memory_space<vmem>>
      %dma_start3A_95 = arith.constant 0 : i32
      %dma_start3A_96 = tpu.memref_slice %arg9[%add3A_82, %dma_start3A_95] : memref<10x128xi32, #tpu.memory_space<vmem>> -> memref<1x128xi32, #tpu.memory_space<vmem>>
      %dma_start3A_97 = tpu.memref_squeeze %dma_start3A_96 : memref<1x128xi32, #tpu.memory_space<vmem>> -> memref<128xi32, #tpu.memory_space<vmem>>
      %dma_start3A_98 = arith.constant 0 : i32
      %dma_start3A_99 = arith.constant 0 : i32
      %dma_start3A_100 = tpu.memref_slice %arg3[%dma_start3A_98, %dma_start3A_99] : memref<10000x32xf32, #tpu.memory_space<hbm>> -> memref<10000x32xf32, #tpu.memory_space<hbm>>
      tpu.enqueue_indirect_dma source(%dma_start3A_100 : memref<10000x32xf32, #tpu.memory_space<hbm>>) target(%dma_start3A_94 : memref<128x32xf32, #tpu.memory_space<vmem>>) offsets(%dma_start3A_97 : memref<128xi32, #tpu.memory_space<vmem>>) semaphore(%arg13 : memref<!tpu.dma_semaphore, #tpu.memory_space<semaphore_mem>>)
      %mul3A_101 = arith.constant 5 : i32
      %mul3A_102 = arith.muli %add3A_13, %mul3A_101 : i32
      %add3A_103 = arith.constant 4 : i32
      %add3A_104 = arith.addi %mul3A_102, %add3A_103 : i32
      %dma_start3A_105 = arith.constant 512 : i32
      %dma_start3A_106 = arith.constant 0 : i32
      %dma_start3A_107 = tpu.memref_slice %arg10[%dma_start3A_105, %dma_start3A_106] : memref<640x32xf32, #tpu.memory_space<vmem>> -> memref<128x32xf32, #tpu.memory_space<vmem>>
      %dma_start3A_108 = arith.constant 0 : i32
      %dma_start3A_109 = tpu.memref_slice %arg8[%add3A_104, %dma_start3A_108] : memref<10x128xi32, #tpu.memory_space<vmem>> -> memref<1x128xi32, #tpu.memory_space<vmem>>
      %dma_start3A_110 = tpu.memref_squeeze %dma_start3A_109 : memref<1x128xi32, #tpu.memory_space<vmem>> -> memref<128xi32, #tpu.memory_space<vmem>>
      %dma_start3A_111 = arith.constant 0 : i32
      %dma_start3A_112 = arith.constant 0 : i32
      %dma_start3A_113 = tpu.memref_slice %arg2[%dma_start3A_111, %dma_start3A_112] : memref<10000x32xf32, #tpu.memory_space<hbm>> -> memref<10000x32xf32, #tpu.memory_space<hbm>>
      tpu.enqueue_indirect_dma source(%dma_start3A_113 : memref<10000x32xf32, #tpu.memory_space<hbm>>) target(%dma_start3A_107 : memref<128x32xf32, #tpu.memory_space<vmem>>) offsets(%dma_start3A_110 : memref<128xi32, #tpu.memory_space<vmem>>) semaphore(%arg12 : memref<!tpu.dma_semaphore, #tpu.memory_space<semaphore_mem>>)
      %dma_start3A_114 = arith.constant 512 : i32
      %dma_start3A_115 = arith.constant 0 : i32
      %dma_start3A_116 = tpu.memref_slice %arg11[%dma_start3A_114, %dma_start3A_115] : memref<640x32xf32, #tpu.memory_space<vmem>> -> memref<128x32xf32, #tpu.memory_space<vmem>>
      %dma_start3A_117 = arith.constant 0 : i32
      %dma_start3A_118 = tpu.memref_slice %arg9[%add3A_104, %dma_start3A_117] : memref<10x128xi32, #tpu.memory_space<vmem>> -> memref<1x128xi32, #tpu.memory_space<vmem>>
      %dma_start3A_119 = tpu.memref_squeeze %dma_start3A_118 : memref<1x128xi32, #tpu.memory_space<vmem>> -> memref<128xi32, #tpu.memory_space<vmem>>
      %dma_start3A_120 = arith.constant 0 : i32
      %dma_start3A_121 = arith.constant 0 : i32
      %dma_start3A_122 = tpu.memref_slice %arg3[%dma_start3A_120, %dma_start3A_121] : memref<10000x32xf32, #tpu.memory_space<hbm>> -> memref<10000x32xf32, #tpu.memory_space<hbm>>
      tpu.enqueue_indirect_dma source(%dma_start3A_122 : memref<10000x32xf32, #tpu.memory_space<hbm>>) target(%dma_start3A_116 : memref<128x32xf32, #tpu.memory_space<vmem>>) offsets(%dma_start3A_119 : memref<128xi32, #tpu.memory_space<vmem>>) semaphore(%arg13 : memref<!tpu.dma_semaphore, #tpu.memory_space<semaphore_mem>>)
      %dma_wait3A = arith.constant 0 : i32
      %dma_wait3A_123 = arith.constant 0 : i32
      %dma_wait3A_124 = tpu.memref_slice %arg10[%dma_wait3A, %dma_wait3A_123] : memref<640x32xf32, #tpu.memory_space<vmem>> -> memref<128x32xf32, #tpu.memory_space<vmem>>
      %dma_wait3A_125 = arith.constant 0 : i32
      %dma_wait3A_126 = tpu.memref_slice %arg8[%add3A_17, %dma_wait3A_125] : memref<10x128xi32, #tpu.memory_space<vmem>> -> memref<1x128xi32, #tpu.memory_space<vmem>>
      %dma_wait3A_127 = tpu.memref_squeeze %dma_wait3A_126 : memref<1x128xi32, #tpu.memory_space<vmem>> -> memref<128xi32, #tpu.memory_space<vmem>>
      %dma_wait3A_128 = arith.constant 0 : i32
      %dma_wait3A_129 = arith.constant 0 : i32
      %dma_wait3A_130 = tpu.memref_slice %arg2[%dma_wait3A_128, %dma_wait3A_129] : memref<10000x32xf32, #tpu.memory_space<hbm>> -> memref<10000x32xf32, #tpu.memory_space<hbm>>
      tpu.wait_indirect_dma semaphore(%arg12 : memref<!tpu.dma_semaphore, #tpu.memory_space<semaphore_mem>>) src(%dma_wait3A_130 : memref<10000x32xf32, #tpu.memory_space<hbm>>) dst(%dma_wait3A_124 : memref<128x32xf32, #tpu.memory_space<vmem>>)
      %dma_wait3A_131 = arith.constant 0 : i32
      %dma_wait3A_132 = arith.constant 0 : i32
      %dma_wait3A_133 = tpu.memref_slice %arg11[%dma_wait3A_131, %dma_wait3A_132] : memref<640x32xf32, #tpu.memory_space<vmem>> -> memref<128x32xf32, #tpu.memory_space<vmem>>
      %dma_wait3A_134 = arith.constant 0 : i32
      %dma_wait3A_135 = tpu.memref_slice %arg9[%add3A_17, %dma_wait3A_134] : memref<10x128xi32, #tpu.memory_space<vmem>> -> memref<1x128xi32, #tpu.memory_space<vmem>>
      %dma_wait3A_136 = tpu.memref_squeeze %dma_wait3A_135 : memref<1x128xi32, #tpu.memory_space<vmem>> -> memref<128xi32, #tpu.memory_space<vmem>>
      %dma_wait3A_137 = arith.constant 0 : i32
      %dma_wait3A_138 = arith.constant 0 : i32
      %dma_wait3A_139 = tpu.memref_slice %arg3[%dma_wait3A_137, %dma_wait3A_138] : memref<10000x32xf32, #tpu.memory_space<hbm>> -> memref<10000x32xf32, #tpu.memory_space<hbm>>
      tpu.wait_indirect_dma semaphore(%arg13 : memref<!tpu.dma_semaphore, #tpu.memory_space<semaphore_mem>>) src(%dma_wait3A_139 : memref<10000x32xf32, #tpu.memory_space<hbm>>) dst(%dma_wait3A_133 : memref<128x32xf32, #tpu.memory_space<vmem>>)
      %dma_wait3A_140 = arith.constant 128 : i32
      %dma_wait3A_141 = arith.constant 0 : i32
      %dma_wait3A_142 = tpu.memref_slice %arg10[%dma_wait3A_140, %dma_wait3A_141] : memref<640x32xf32, #tpu.memory_space<vmem>> -> memref<128x32xf32, #tpu.memory_space<vmem>>
      %dma_wait3A_143 = arith.constant 0 : i32
      %dma_wait3A_144 = tpu.memref_slice %arg8[%add3A_38, %dma_wait3A_143] : memref<10x128xi32, #tpu.memory_space<vmem>> -> memref<1x128xi32, #tpu.memory_space<vmem>>
      %dma_wait3A_145 = tpu.memref_squeeze %dma_wait3A_144 : memref<1x128xi32, #tpu.memory_space<vmem>> -> memref<128xi32, #tpu.memory_space<vmem>>
      %dma_wait3A_146 = arith.constant 0 : i32
      %dma_wait3A_147 = arith.constant 0 : i32
      %dma_wait3A_148 = tpu.memref_slice %arg2[%dma_wait3A_146, %dma_wait3A_147] : memref<10000x32xf32, #tpu.memory_space<hbm>> -> memref<10000x32xf32, #tpu.memory_space<hbm>>
      tpu.wait_indirect_dma semaphore(%arg12 : memref<!tpu.dma_semaphore, #tpu.memory_space<semaphore_mem>>) src(%dma_wait3A_148 : memref<10000x32xf32, #tpu.memory_space<hbm>>) dst(%dma_wait3A_142 : memref<128x32xf32, #tpu.memory_space<vmem>>)
      %dma_wait3A_149 = arith.constant 128 : i32
      %dma_wait3A_150 = arith.constant 0 : i32
      %dma_wait3A_151 = tpu.memref_slice %arg11[%dma_wait3A_149, %dma_wait3A_150] : memref<640x32xf32, #tpu.memory_space<vmem>> -> memref<128x32xf32, #tpu.memory_space<vmem>>
      %dma_wait3A_152 = arith.constant 0 : i32
      %dma_wait3A_153 = tpu.memref_slice %arg9[%add3A_38, %dma_wait3A_152] : memref<10x128xi32, #tpu.memory_space<vmem>> -> memref<1x128xi32, #tpu.memory_space<vmem>>
      %dma_wait3A_154 = tpu.memref_squeeze %dma_wait3A_153 : memref<1x128xi32, #tpu.memory_space<vmem>> -> memref<128xi32, #tpu.memory_space<vmem>>
      %dma_wait3A_155 = arith.constant 0 : i32
      %dma_wait3A_156 = arith.constant 0 : i32
      %dma_wait3A_157 = tpu.memref_slice %arg3[%dma_wait3A_155, %dma_wait3A_156] : memref<10000x32xf32, #tpu.memory_space<hbm>> -> memref<10000x32xf32, #tpu.memory_space<hbm>>
      tpu.wait_indirect_dma semaphore(%arg13 : memref<!tpu.dma_semaphore, #tpu.memory_space<semaphore_mem>>) src(%dma_wait3A_157 : memref<10000x32xf32, #tpu.memory_space<hbm>>) dst(%dma_wait3A_151 : memref<128x32xf32, #tpu.memory_space<vmem>>)
      %dma_wait3A_158 = arith.constant 256 : i32
      %dma_wait3A_159 = arith.constant 0 : i32
      %dma_wait3A_160 = tpu.memref_slice %arg10[%dma_wait3A_158, %dma_wait3A_159] : memref<640x32xf32, #tpu.memory_space<vmem>> -> memref<128x32xf32, #tpu.memory_space<vmem>>
      %dma_wait3A_161 = arith.constant 0 : i32
      %dma_wait3A_162 = tpu.memref_slice %arg8[%add3A_60, %dma_wait3A_161] : memref<10x128xi32, #tpu.memory_space<vmem>> -> memref<1x128xi32, #tpu.memory_space<vmem>>
      %dma_wait3A_163 = tpu.memref_squeeze %dma_wait3A_162 : memref<1x128xi32, #tpu.memory_space<vmem>> -> memref<128xi32, #tpu.memory_space<vmem>>
      %dma_wait3A_164 = arith.constant 0 : i32
      %dma_wait3A_165 = arith.constant 0 : i32
      %dma_wait3A_166 = tpu.memref_slice %arg2[%dma_wait3A_164, %dma_wait3A_165] : memref<10000x32xf32, #tpu.memory_space<hbm>> -> memref<10000x32xf32, #tpu.memory_space<hbm>>
      tpu.wait_indirect_dma semaphore(%arg12 : memref<!tpu.dma_semaphore, #tpu.memory_space<semaphore_mem>>) src(%dma_wait3A_166 : memref<10000x32xf32, #tpu.memory_space<hbm>>) dst(%dma_wait3A_160 : memref<128x32xf32, #tpu.memory_space<vmem>>)
      %dma_wait3A_167 = arith.constant 256 : i32
      %dma_wait3A_168 = arith.constant 0 : i32
      %dma_wait3A_169 = tpu.memref_slice %arg11[%dma_wait3A_167, %dma_wait3A_168] : memref<640x32xf32, #tpu.memory_space<vmem>> -> memref<128x32xf32, #tpu.memory_space<vmem>>
      %dma_wait3A_170 = arith.constant 0 : i32
      %dma_wait3A_171 = tpu.memref_slice %arg9[%add3A_60, %dma_wait3A_170] : memref<10x128xi32, #tpu.memory_space<vmem>> -> memref<1x128xi32, #tpu.memory_space<vmem>>
      %dma_wait3A_172 = tpu.memref_squeeze %dma_wait3A_171 : memref<1x128xi32, #tpu.memory_space<vmem>> -> memref<128xi32, #tpu.memory_space<vmem>>
      %dma_wait3A_173 = arith.constant 0 : i32
      %dma_wait3A_174 = arith.constant 0 : i32
      %dma_wait3A_175 = tpu.memref_slice %arg3[%dma_wait3A_173, %dma_wait3A_174] : memref<10000x32xf32, #tpu.memory_space<hbm>> -> memref<10000x32xf32, #tpu.memory_space<hbm>>
      tpu.wait_indirect_dma semaphore(%arg13 : memref<!tpu.dma_semaphore, #tpu.memory_space<semaphore_mem>>) src(%dma_wait3A_175 : memref<10000x32xf32, #tpu.memory_space<hbm>>) dst(%dma_wait3A_169 : memref<128x32xf32, #tpu.memory_space<vmem>>)
      %dma_wait3A_176 = arith.constant 384 : i32
      %dma_wait3A_177 = arith.constant 0 : i32
      %dma_wait3A_178 = tpu.memref_slice %arg10[%dma_wait3A_176, %dma_wait3A_177] : memref<640x32xf32, #tpu.memory_space<vmem>> -> memref<128x32xf32, #tpu.memory_space<vmem>>
      %dma_wait3A_179 = arith.constant 0 : i32
      %dma_wait3A_180 = tpu.memref_slice %arg8[%add3A_82, %dma_wait3A_179] : memref<10x128xi32, #tpu.memory_space<vmem>> -> memref<1x128xi32, #tpu.memory_space<vmem>>
      %dma_wait3A_181 = tpu.memref_squeeze %dma_wait3A_180 : memref<1x128xi32, #tpu.memory_space<vmem>> -> memref<128xi32, #tpu.memory_space<vmem>>
      %dma_wait3A_182 = arith.constant 0 : i32
      %dma_wait3A_183 = arith.constant 0 : i32
      %dma_wait3A_184 = tpu.memref_slice %arg2[%dma_wait3A_182, %dma_wait3A_183] : memref<10000x32xf32, #tpu.memory_space<hbm>> -> memref<10000x32xf32, #tpu.memory_space<hbm>>
      tpu.wait_indirect_dma semaphore(%arg12 : memref<!tpu.dma_semaphore, #tpu.memory_space<semaphore_mem>>) src(%dma_wait3A_184 : memref<10000x32xf32, #tpu.memory_space<hbm>>) dst(%dma_wait3A_178 : memref<128x32xf32, #tpu.memory_space<vmem>>)
      %dma_wait3A_185 = arith.constant 384 : i32
      %dma_wait3A_186 = arith.constant 0 : i32
      %dma_wait3A_187 = tpu.memref_slice %arg11[%dma_wait3A_185, %dma_wait3A_186] : memref<640x32xf32, #tpu.memory_space<vmem>> -> memref<128x32xf32, #tpu.memory_space<vmem>>
      %dma_wait3A_188 = arith.constant 0 : i32
      %dma_wait3A_189 = tpu.memref_slice %arg9[%add3A_82, %dma_wait3A_188] : memref<10x128xi32, #tpu.memory_space<vmem>> -> memref<1x128xi32, #tpu.memory_space<vmem>>
      %dma_wait3A_190 = tpu.memref_squeeze %dma_wait3A_189 : memref<1x128xi32, #tpu.memory_space<vmem>> -> memref<128xi32, #tpu.memory_space<vmem>>
      %dma_wait3A_191 = arith.constant 0 : i32
      %dma_wait3A_192 = arith.constant 0 : i32
      %dma_wait3A_193 = tpu.memref_slice %arg3[%dma_wait3A_191, %dma_wait3A_192] : memref<10000x32xf32, #tpu.memory_space<hbm>> -> memref<10000x32xf32, #tpu.memory_space<hbm>>
      tpu.wait_indirect_dma semaphore(%arg13 : memref<!tpu.dma_semaphore, #tpu.memory_space<semaphore_mem>>) src(%dma_wait3A_193 : memref<10000x32xf32, #tpu.memory_space<hbm>>) dst(%dma_wait3A_187 : memref<128x32xf32, #tpu.memory_space<vmem>>)
      %dma_wait3A_194 = arith.constant 512 : i32
      %dma_wait3A_195 = arith.constant 0 : i32
      %dma_wait3A_196 = tpu.memref_slice %arg10[%dma_wait3A_194, %dma_wait3A_195] : memref<640x32xf32, #tpu.memory_space<vmem>> -> memref<128x32xf32, #tpu.memory_space<vmem>>
      %dma_wait3A_197 = arith.constant 0 : i32
      %dma_wait3A_198 = tpu.memref_slice %arg8[%add3A_104, %dma_wait3A_197] : memref<10x128xi32, #tpu.memory_space<vmem>> -> memref<1x128xi32, #tpu.memory_space<vmem>>
      %dma_wait3A_199 = tpu.memref_squeeze %dma_wait3A_198 : memref<1x128xi32, #tpu.memory_space<vmem>> -> memref<128xi32, #tpu.memory_space<vmem>>
      %dma_wait3A_200 = arith.constant 0 : i32
      %dma_wait3A_201 = arith.constant 0 : i32
      %dma_wait3A_202 = tpu.memref_slice %arg2[%dma_wait3A_200, %dma_wait3A_201] : memref<10000x32xf32, #tpu.memory_space<hbm>> -> memref<10000x32xf32, #tpu.memory_space<hbm>>
      tpu.wait_indirect_dma semaphore(%arg12 : memref<!tpu.dma_semaphore, #tpu.memory_space<semaphore_mem>>) src(%dma_wait3A_202 : memref<10000x32xf32, #tpu.memory_space<hbm>>) dst(%dma_wait3A_196 : memref<128x32xf32, #tpu.memory_space<vmem>>)
      %dma_wait3A_203 = arith.constant 512 : i32
      %dma_wait3A_204 = arith.constant 0 : i32
      %dma_wait3A_205 = tpu.memref_slice %arg11[%dma_wait3A_203, %dma_wait3A_204] : memref<640x32xf32, #tpu.memory_space<vmem>> -> memref<128x32xf32, #tpu.memory_space<vmem>>
      %dma_wait3A_206 = arith.constant 0 : i32
      %dma_wait3A_207 = tpu.memref_slice %arg9[%add3A_104, %dma_wait3A_206] : memref<10x128xi32, #tpu.memory_space<vmem>> -> memref<1x128xi32, #tpu.memory_space<vmem>>
      %dma_wait3A_208 = tpu.memref_squeeze %dma_wait3A_207 : memref<1x128xi32, #tpu.memory_space<vmem>> -> memref<128xi32, #tpu.memory_space<vmem>>
      %dma_wait3A_209 = arith.constant 0 : i32
      %dma_wait3A_210 = arith.constant 0 : i32
      %dma_wait3A_211 = tpu.memref_slice %arg3[%dma_wait3A_209, %dma_wait3A_210] : memref<10000x32xf32, #tpu.memory_space<hbm>> -> memref<10000x32xf32, #tpu.memory_space<hbm>>
      tpu.wait_indirect_dma semaphore(%arg13 : memref<!tpu.dma_semaphore, #tpu.memory_space<semaphore_mem>>) src(%dma_wait3A_211 : memref<10000x32xf32, #tpu.memory_space<hbm>>) dst(%dma_wait3A_205 : memref<128x32xf32, #tpu.memory_space<vmem>>)
      %mul3A_212 = arith.constant 640 : i32
      %mul3A_213 = arith.muli %add3A_13, %mul3A_212 : i32
      %add3A_214 = arith.addi %mul3A_4, %mul3A_213 : i32
      "tpu.region"() ({
        %run_scoped3A = tpu.sem_alloc : memref<!tpu.dma_semaphore, #tpu.memory_space<semaphore_mem>>
        %dma_start3A_215 = arith.constant 0 : i32
        %dma_start3A_216 = tpu.memref_slice %arg6[%add3A_214, %dma_start3A_215] : memref<40960x32xf32, #tpu.memory_space<hbm>> -> memref<640x32xf32, #tpu.memory_space<hbm>>
        %dma_start3A_217 = arith.constant 0 : i32
        %dma_start3A_218 = tpu.memref_slice %arg6[%add3A_214, %dma_start3A_217] : memref<40960x32xf32, #tpu.memory_space<hbm>> -> memref<640x32xf32, #tpu.memory_space<hbm>>
        tpu.enqueue_dma source(%arg10 : memref<640x32xf32, #tpu.memory_space<vmem>>) target(%dma_start3A_218 : memref<640x32xf32, #tpu.memory_space<hbm>>) target_semaphore(%run_scoped3A : memref<!tpu.dma_semaphore, #tpu.memory_space<semaphore_mem>>)
        %dma_wait3A_219 = arith.constant 0 : i32
        %dma_wait3A_220 = tpu.memref_slice %arg6[%add3A_214, %dma_wait3A_219] : memref<40960x32xf32, #tpu.memory_space<hbm>> -> memref<640x32xf32, #tpu.memory_space<hbm>>
        %dma_wait3A_221 = arith.constant 0 : i32
        %dma_wait3A_222 = tpu.memref_slice %arg6[%add3A_214, %dma_wait3A_221] : memref<40960x32xf32, #tpu.memory_space<hbm>> -> memref<640x32xf32, #tpu.memory_space<hbm>>
        tpu.wait_dma2 semaphore(%run_scoped3A : memref<!tpu.dma_semaphore, #tpu.memory_space<semaphore_mem>>) src(%arg10 : memref<640x32xf32, #tpu.memory_space<vmem>>) dst(%dma_wait3A_222 : memref<640x32xf32, #tpu.memory_space<hbm>>)
        tpu.yield
      }) : () -> ()
      "tpu.region"() ({
        %run_scoped3A = tpu.sem_alloc : memref<!tpu.dma_semaphore, #tpu.memory_space<semaphore_mem>>
        %dma_start3A_215 = arith.constant 0 : i32
        %dma_start3A_216 = tpu.memref_slice %arg7[%add3A_214, %dma_start3A_215] : memref<40960x32xf32, #tpu.memory_space<hbm>> -> memref<640x32xf32, #tpu.memory_space<hbm>>
        %dma_start3A_217 = arith.constant 0 : i32
        %dma_start3A_218 = tpu.memref_slice %arg7[%add3A_214, %dma_start3A_217] : memref<40960x32xf32, #tpu.memory_space<hbm>> -> memref<640x32xf32, #tpu.memory_space<hbm>>
        tpu.enqueue_dma source(%arg11 : memref<640x32xf32, #tpu.memory_space<vmem>>) target(%dma_start3A_218 : memref<640x32xf32, #tpu.memory_space<hbm>>) target_semaphore(%run_scoped3A : memref<!tpu.dma_semaphore, #tpu.memory_space<semaphore_mem>>)
        %dma_wait3A_219 = arith.constant 0 : i32
        %dma_wait3A_220 = tpu.memref_slice %arg7[%add3A_214, %dma_wait3A_219] : memref<40960x32xf32, #tpu.memory_space<hbm>> -> memref<640x32xf32, #tpu.memory_space<hbm>>
        %dma_wait3A_221 = arith.constant 0 : i32
        %dma_wait3A_222 = tpu.memref_slice %arg7[%add3A_214, %dma_wait3A_221] : memref<40960x32xf32, #tpu.memory_space<hbm>> -> memref<640x32xf32, #tpu.memory_space<hbm>>
        tpu.wait_dma2 semaphore(%run_scoped3A : memref<!tpu.dma_semaphore, #tpu.memory_space<semaphore_mem>>) src(%arg11 : memref<640x32xf32, #tpu.memory_space<vmem>>) dst(%dma_wait3A_222 : memref<640x32xf32, #tpu.memory_space<hbm>>)
        tpu.yield
      }) : () -> ()
    }
    %scan3A_8 = arith.constant 2 : i32
    return
  }
}

#map = affine_map<(d0, d1) -> (0, 0)>
#map1 = affine_map<(d0, d1) -> (0, 0, 0)>
module attributes {stable_mosaic.version = 14 : i64} {
  func.func @_scatter_body(%arg0: i32, %arg1: i32, %arg2: memref<40960x16xf32, #tpu.memory_space<hbm>>, %arg3: memref<40960x16xf32, #tpu.memory_space<hbm>>, %arg4: memref<1280x128xi32, #tpu.memory_space<hbm>>, %arg5: memref<10016x16xf32, #tpu.memory_space<hbm>>, %arg6: memref<2x10000x16xf32, #tpu.memory_space<hbm>>, %arg7: memref<20x128xi32, #tpu.memory_space<vmem>>, %arg8: memref<640x16xf32, #tpu.memory_space<vmem>>, %arg9: memref<10016x16xf32, #tpu.memory_space<vmem_shared>>) attributes {dimension_semantics = [#tpu.dimension_semantics<core_parallel>, #tpu.dimension_semantics<subcore_parallel>], iteration_bounds = array<i64: 2, 16>, scalar_prefetch = 0 : i64, scratch_operands = 3 : i64, tpu.core_type = #tpu.core_type<sc_vector_subcore>, window_params = [{transform_indices = #map}, {transform_indices = #map}, {transform_indices = #map}, {transform_indices = #map}, {transform_indices = #map1}]} {
    %mul3A = arith.constant 626 : i32
    %mul3A_0 = arith.muli %arg1, %mul3A : i32
    %mul3A_1 = arith.constant 626 : i32
    %mul3A_2 = arith.muli %arg1, %mul3A_1 : i32
    "tpu.region"() ({
      %run_scoped3A = tpu.sem_alloc : memref<!tpu.dma_semaphore, #tpu.memory_space<semaphore_mem>>
      %dma_start3A = arith.constant 0 : i32
      %dma_start3A_23 = tpu.memref_slice %arg9[%mul3A_2, %dma_start3A] : memref<10016x16xf32, #tpu.memory_space<vmem_shared>> -> memref<626x16xf32, #tpu.memory_space<vmem_shared>>
      %dma_start3A_24 = arith.constant 0 : i32
      %dma_start3A_25 = tpu.memref_slice %arg5[%mul3A_0, %dma_start3A_24] : memref<10016x16xf32, #tpu.memory_space<hbm>> -> memref<626x16xf32, #tpu.memory_space<hbm>>
      tpu.enqueue_dma source(%dma_start3A_25 : memref<626x16xf32, #tpu.memory_space<hbm>>) target(%dma_start3A_23 : memref<626x16xf32, #tpu.memory_space<vmem_shared>>) target_semaphore(%run_scoped3A : memref<!tpu.dma_semaphore, #tpu.memory_space<semaphore_mem>>)
      %dma_wait3A = arith.constant 0 : i32
      %dma_wait3A_26 = tpu.memref_slice %arg9[%mul3A_2, %dma_wait3A] : memref<10016x16xf32, #tpu.memory_space<vmem_shared>> -> memref<626x16xf32, #tpu.memory_space<vmem_shared>>
      %dma_wait3A_27 = arith.constant 0 : i32
      %dma_wait3A_28 = tpu.memref_slice %arg5[%mul3A_0, %dma_wait3A_27] : memref<10016x16xf32, #tpu.memory_space<hbm>> -> memref<626x16xf32, #tpu.memory_space<hbm>>
      tpu.wait_dma2 semaphore(%run_scoped3A : memref<!tpu.dma_semaphore, #tpu.memory_space<semaphore_mem>>) src(%dma_wait3A_28 : memref<626x16xf32, #tpu.memory_space<hbm>>) dst(%dma_wait3A_26 : memref<626x16xf32, #tpu.memory_space<vmem_shared>>)
      tpu.yield
    }) : () -> ()
    %barrier3A = arith.constant 0 : index
    tpu.barrier barrier_id(%barrier3A)
    %mul3A_3 = arith.constant 20 : i32
    %mul3A_4 = arith.muli %arg1, %mul3A_3 : i32
    %mul3A_5 = arith.constant 128 : i32
    %mul3A_6 = arith.muli %mul3A_4, %mul3A_5 : i32
    %add3A = arith.constant 0 : i32
    %add3A_7 = arith.addi %add3A, %arg0 : i32
    %mul3A_8 = arith.constant 320 : i32
    %mul3A_9 = arith.muli %add3A_7, %mul3A_8 : i32
    %add3A_10 = arith.addi %mul3A_9, %mul3A_4 : i32
    "tpu.region"() ({
      %run_scoped3A = tpu.sem_alloc : memref<!tpu.dma_semaphore, #tpu.memory_space<semaphore_mem>>
      %dma_start3A = arith.constant 0 : i32
      %dma_start3A_23 = tpu.memref_slice %arg4[%add3A_10, %dma_start3A] : memref<1280x128xi32, #tpu.memory_space<hbm>> -> memref<20x128xi32, #tpu.memory_space<hbm>>
      %dma_start3A_24 = arith.constant 0 : i32
      %dma_start3A_25 = tpu.memref_slice %arg4[%add3A_10, %dma_start3A_24] : memref<1280x128xi32, #tpu.memory_space<hbm>> -> memref<20x128xi32, #tpu.memory_space<hbm>>
      tpu.enqueue_dma source(%dma_start3A_25 : memref<20x128xi32, #tpu.memory_space<hbm>>) target(%arg7 : memref<20x128xi32, #tpu.memory_space<vmem>>) target_semaphore(%run_scoped3A : memref<!tpu.dma_semaphore, #tpu.memory_space<semaphore_mem>>)
      %dma_wait3A = arith.constant 0 : i32
      %dma_wait3A_26 = tpu.memref_slice %arg4[%add3A_10, %dma_wait3A] : memref<1280x128xi32, #tpu.memory_space<hbm>> -> memref<20x128xi32, #tpu.memory_space<hbm>>
      %dma_wait3A_27 = arith.constant 0 : i32
      %dma_wait3A_28 = tpu.memref_slice %arg4[%add3A_10, %dma_wait3A_27] : memref<1280x128xi32, #tpu.memory_space<hbm>> -> memref<20x128xi32, #tpu.memory_space<hbm>>
      tpu.wait_dma2 semaphore(%run_scoped3A : memref<!tpu.dma_semaphore, #tpu.memory_space<semaphore_mem>>) src(%dma_wait3A_28 : memref<20x128xi32, #tpu.memory_space<hbm>>) dst(%arg7 : memref<20x128xi32, #tpu.memory_space<vmem>>)
      tpu.yield
    }) : () -> ()
    %eq3A = arith.constant 0 : i32
    %eq3A_11 = arith.cmpi eq, %arg0, %eq3A : i32
    %convert_element_type3A = arith.extui %eq3A_11 : i1 to i32
    %cond3A = arith.constant 0 : i32
    %cond3A_12 = arith.cmpi ne, %convert_element_type3A, %cond3A : i32
    scf.if %cond3A_12 {
      %scan3A = arith.constant 0 : i32
      %scan3A_23 = arith.constant 4 : i32
      %scan3A_24 = arith.addi %scan3A, %scan3A_23 : i32
      %scan3A_25 = arith.constant 1 : i32
      scf.for %scan3A_27 = %scan3A to %scan3A_24 step %scan3A_25  : i32 {
        %mul3A_28 = arith.constant 1 : i32
        %mul3A_29 = arith.muli %scan3A_27, %mul3A_28 : i32
        %add3A_30 = arith.constant 0 : i32
        %add3A_31 = arith.addi %add3A_30, %mul3A_29 : i32
        %mul3A_32 = arith.constant 640 : i32
        %mul3A_33 = arith.muli %add3A_31, %mul3A_32 : i32
        %add3A_34 = arith.addi %mul3A_6, %mul3A_33 : i32
        "tpu.region"() ({
          %run_scoped3A = tpu.sem_alloc : memref<!tpu.dma_semaphore, #tpu.memory_space<semaphore_mem>>
          %dma_start3A = arith.constant 0 : i32
          %dma_start3A_55 = tpu.memref_slice %arg2[%add3A_34, %dma_start3A] : memref<40960x16xf32, #tpu.memory_space<hbm>> -> memref<640x16xf32, #tpu.memory_space<hbm>>
          %dma_start3A_56 = arith.constant 0 : i32
          %dma_start3A_57 = tpu.memref_slice %arg2[%add3A_34, %dma_start3A_56] : memref<40960x16xf32, #tpu.memory_space<hbm>> -> memref<640x16xf32, #tpu.memory_space<hbm>>
          tpu.enqueue_dma source(%dma_start3A_57 : memref<640x16xf32, #tpu.memory_space<hbm>>) target(%arg8 : memref<640x16xf32, #tpu.memory_space<vmem>>) target_semaphore(%run_scoped3A : memref<!tpu.dma_semaphore, #tpu.memory_space<semaphore_mem>>)
          %dma_wait3A = arith.constant 0 : i32
          %dma_wait3A_58 = tpu.memref_slice %arg2[%add3A_34, %dma_wait3A] : memref<40960x16xf32, #tpu.memory_space<hbm>> -> memref<640x16xf32, #tpu.memory_space<hbm>>
          %dma_wait3A_59 = arith.constant 0 : i32
          %dma_wait3A_60 = tpu.memref_slice %arg2[%add3A_34, %dma_wait3A_59] : memref<40960x16xf32, #tpu.memory_space<hbm>> -> memref<640x16xf32, #tpu.memory_space<hbm>>
          tpu.wait_dma2 semaphore(%run_scoped3A : memref<!tpu.dma_semaphore, #tpu.memory_space<semaphore_mem>>) src(%dma_wait3A_60 : memref<640x16xf32, #tpu.memory_space<hbm>>) dst(%arg8 : memref<640x16xf32, #tpu.memory_space<vmem>>)
          tpu.yield
        }) : () -> ()
        %mul3A_35 = arith.constant 5 : i32
        %mul3A_36 = arith.muli %add3A_31, %mul3A_35 : i32
        %add3A_37 = arith.constant 0 : i32
        %add3A_38 = arith.addi %mul3A_36, %add3A_37 : i32
        "tpu.region"() ({
          %run_scoped3A = tpu.sem_alloc : memref<!tpu.dma_semaphore, #tpu.memory_space<semaphore_mem>>
          %dma_start3A = arith.constant 0 : i32
          %dma_start3A_55 = arith.constant 0 : i32
          %dma_start3A_56 = tpu.memref_slice %arg8[%dma_start3A, %dma_start3A_55] : memref<640x16xf32, #tpu.memory_space<vmem>> -> memref<128x16xf32, #tpu.memory_space<vmem>>
          %dma_start3A_57 = arith.constant 0 : i32
          %dma_start3A_58 = tpu.memref_slice %arg7[%add3A_38, %dma_start3A_57] : memref<20x128xi32, #tpu.memory_space<vmem>> -> memref<1x128xi32, #tpu.memory_space<vmem>>
          %dma_start3A_59 = tpu.memref_squeeze %dma_start3A_58 : memref<1x128xi32, #tpu.memory_space<vmem>> -> memref<128xi32, #tpu.memory_space<vmem>>
          %dma_start3A_60 = arith.constant 0 : i32
          %dma_start3A_61 = arith.constant 0 : i32
          %dma_start3A_62 = tpu.memref_slice %arg9[%dma_start3A_60, %dma_start3A_61] : memref<10016x16xf32, #tpu.memory_space<vmem_shared>> -> memref<10016x16xf32, #tpu.memory_space<vmem_shared>>
          tpu.enqueue_indirect_dma source(%dma_start3A_56 : memref<128x16xf32, #tpu.memory_space<vmem>>) target(%dma_start3A_62 : memref<10016x16xf32, #tpu.memory_space<vmem_shared>>) offsets(%dma_start3A_59 : memref<128xi32, #tpu.memory_space<vmem>>) semaphore(%run_scoped3A : memref<!tpu.dma_semaphore, #tpu.memory_space<semaphore_mem>>) {add = true}
          %dma_wait3A = arith.constant 0 : i32
          %dma_wait3A_63 = arith.constant 0 : i32
          %dma_wait3A_64 = tpu.memref_slice %arg8[%dma_wait3A, %dma_wait3A_63] : memref<640x16xf32, #tpu.memory_space<vmem>> -> memref<128x16xf32, #tpu.memory_space<vmem>>
          %dma_wait3A_65 = arith.constant 0 : i32
          %dma_wait3A_66 = tpu.memref_slice %arg7[%add3A_38, %dma_wait3A_65] : memref<20x128xi32, #tpu.memory_space<vmem>> -> memref<1x128xi32, #tpu.memory_space<vmem>>
          %dma_wait3A_67 = tpu.memref_squeeze %dma_wait3A_66 : memref<1x128xi32, #tpu.memory_space<vmem>> -> memref<128xi32, #tpu.memory_space<vmem>>
          %dma_wait3A_68 = arith.constant 0 : i32
          %dma_wait3A_69 = arith.constant 0 : i32
          %dma_wait3A_70 = tpu.memref_slice %arg9[%dma_wait3A_68, %dma_wait3A_69] : memref<10016x16xf32, #tpu.memory_space<vmem_shared>> -> memref<10016x16xf32, #tpu.memory_space<vmem_shared>>
          tpu.wait_indirect_dma semaphore(%run_scoped3A : memref<!tpu.dma_semaphore, #tpu.memory_space<semaphore_mem>>) src(%dma_wait3A_64 : memref<128x16xf32, #tpu.memory_space<vmem>>) dst(%dma_wait3A_70 : memref<10016x16xf32, #tpu.memory_space<vmem_shared>>)
          tpu.yield
        }) : () -> ()
        %mul3A_39 = arith.constant 5 : i32
        %mul3A_40 = arith.muli %add3A_31, %mul3A_39 : i32
        %add3A_41 = arith.constant 1 : i32
        %add3A_42 = arith.addi %mul3A_40, %add3A_41 : i32
        "tpu.region"() ({
          %run_scoped3A = tpu.sem_alloc : memref<!tpu.dma_semaphore, #tpu.memory_space<semaphore_mem>>
          %dma_start3A = arith.constant 128 : i32
          %dma_start3A_55 = arith.constant 0 : i32
          %dma_start3A_56 = tpu.memref_slice %arg8[%dma_start3A, %dma_start3A_55] : memref<640x16xf32, #tpu.memory_space<vmem>> -> memref<128x16xf32, #tpu.memory_space<vmem>>
          %dma_start3A_57 = arith.constant 0 : i32
          %dma_start3A_58 = tpu.memref_slice %arg7[%add3A_42, %dma_start3A_57] : memref<20x128xi32, #tpu.memory_space<vmem>> -> memref<1x128xi32, #tpu.memory_space<vmem>>
          %dma_start3A_59 = tpu.memref_squeeze %dma_start3A_58 : memref<1x128xi32, #tpu.memory_space<vmem>> -> memref<128xi32, #tpu.memory_space<vmem>>
          %dma_start3A_60 = arith.constant 0 : i32
          %dma_start3A_61 = arith.constant 0 : i32
          %dma_start3A_62 = tpu.memref_slice %arg9[%dma_start3A_60, %dma_start3A_61] : memref<10016x16xf32, #tpu.memory_space<vmem_shared>> -> memref<10016x16xf32, #tpu.memory_space<vmem_shared>>
          tpu.enqueue_indirect_dma source(%dma_start3A_56 : memref<128x16xf32, #tpu.memory_space<vmem>>) target(%dma_start3A_62 : memref<10016x16xf32, #tpu.memory_space<vmem_shared>>) offsets(%dma_start3A_59 : memref<128xi32, #tpu.memory_space<vmem>>) semaphore(%run_scoped3A : memref<!tpu.dma_semaphore, #tpu.memory_space<semaphore_mem>>) {add = true}
          %dma_wait3A = arith.constant 128 : i32
          %dma_wait3A_63 = arith.constant 0 : i32
          %dma_wait3A_64 = tpu.memref_slice %arg8[%dma_wait3A, %dma_wait3A_63] : memref<640x16xf32, #tpu.memory_space<vmem>> -> memref<128x16xf32, #tpu.memory_space<vmem>>
          %dma_wait3A_65 = arith.constant 0 : i32
          %dma_wait3A_66 = tpu.memref_slice %arg7[%add3A_42, %dma_wait3A_65] : memref<20x128xi32, #tpu.memory_space<vmem>> -> memref<1x128xi32, #tpu.memory_space<vmem>>
          %dma_wait3A_67 = tpu.memref_squeeze %dma_wait3A_66 : memref<1x128xi32, #tpu.memory_space<vmem>> -> memref<128xi32, #tpu.memory_space<vmem>>
          %dma_wait3A_68 = arith.constant 0 : i32
          %dma_wait3A_69 = arith.constant 0 : i32
          %dma_wait3A_70 = tpu.memref_slice %arg9[%dma_wait3A_68, %dma_wait3A_69] : memref<10016x16xf32, #tpu.memory_space<vmem_shared>> -> memref<10016x16xf32, #tpu.memory_space<vmem_shared>>
          tpu.wait_indirect_dma semaphore(%run_scoped3A : memref<!tpu.dma_semaphore, #tpu.memory_space<semaphore_mem>>) src(%dma_wait3A_64 : memref<128x16xf32, #tpu.memory_space<vmem>>) dst(%dma_wait3A_70 : memref<10016x16xf32, #tpu.memory_space<vmem_shared>>)
          tpu.yield
        }) : () -> ()
        %mul3A_43 = arith.constant 5 : i32
        %mul3A_44 = arith.muli %add3A_31, %mul3A_43 : i32
        %add3A_45 = arith.constant 2 : i32
        %add3A_46 = arith.addi %mul3A_44, %add3A_45 : i32
        "tpu.region"() ({
          %run_scoped3A = tpu.sem_alloc : memref<!tpu.dma_semaphore, #tpu.memory_space<semaphore_mem>>
          %dma_start3A = arith.constant 256 : i32
          %dma_start3A_55 = arith.constant 0 : i32
          %dma_start3A_56 = tpu.memref_slice %arg8[%dma_start3A, %dma_start3A_55] : memref<640x16xf32, #tpu.memory_space<vmem>> -> memref<128x16xf32, #tpu.memory_space<vmem>>
          %dma_start3A_57 = arith.constant 0 : i32
          %dma_start3A_58 = tpu.memref_slice %arg7[%add3A_46, %dma_start3A_57] : memref<20x128xi32, #tpu.memory_space<vmem>> -> memref<1x128xi32, #tpu.memory_space<vmem>>
          %dma_start3A_59 = tpu.memref_squeeze %dma_start3A_58 : memref<1x128xi32, #tpu.memory_space<vmem>> -> memref<128xi32, #tpu.memory_space<vmem>>
          %dma_start3A_60 = arith.constant 0 : i32
          %dma_start3A_61 = arith.constant 0 : i32
          %dma_start3A_62 = tpu.memref_slice %arg9[%dma_start3A_60, %dma_start3A_61] : memref<10016x16xf32, #tpu.memory_space<vmem_shared>> -> memref<10016x16xf32, #tpu.memory_space<vmem_shared>>
          tpu.enqueue_indirect_dma source(%dma_start3A_56 : memref<128x16xf32, #tpu.memory_space<vmem>>) target(%dma_start3A_62 : memref<10016x16xf32, #tpu.memory_space<vmem_shared>>) offsets(%dma_start3A_59 : memref<128xi32, #tpu.memory_space<vmem>>) semaphore(%run_scoped3A : memref<!tpu.dma_semaphore, #tpu.memory_space<semaphore_mem>>) {add = true}
          %dma_wait3A = arith.constant 256 : i32
          %dma_wait3A_63 = arith.constant 0 : i32
          %dma_wait3A_64 = tpu.memref_slice %arg8[%dma_wait3A, %dma_wait3A_63] : memref<640x16xf32, #tpu.memory_space<vmem>> -> memref<128x16xf32, #tpu.memory_space<vmem>>
          %dma_wait3A_65 = arith.constant 0 : i32
          %dma_wait3A_66 = tpu.memref_slice %arg7[%add3A_46, %dma_wait3A_65] : memref<20x128xi32, #tpu.memory_space<vmem>> -> memref<1x128xi32, #tpu.memory_space<vmem>>
          %dma_wait3A_67 = tpu.memref_squeeze %dma_wait3A_66 : memref<1x128xi32, #tpu.memory_space<vmem>> -> memref<128xi32, #tpu.memory_space<vmem>>
          %dma_wait3A_68 = arith.constant 0 : i32
          %dma_wait3A_69 = arith.constant 0 : i32
          %dma_wait3A_70 = tpu.memref_slice %arg9[%dma_wait3A_68, %dma_wait3A_69] : memref<10016x16xf32, #tpu.memory_space<vmem_shared>> -> memref<10016x16xf32, #tpu.memory_space<vmem_shared>>
          tpu.wait_indirect_dma semaphore(%run_scoped3A : memref<!tpu.dma_semaphore, #tpu.memory_space<semaphore_mem>>) src(%dma_wait3A_64 : memref<128x16xf32, #tpu.memory_space<vmem>>) dst(%dma_wait3A_70 : memref<10016x16xf32, #tpu.memory_space<vmem_shared>>)
          tpu.yield
        }) : () -> ()
        %mul3A_47 = arith.constant 5 : i32
        %mul3A_48 = arith.muli %add3A_31, %mul3A_47 : i32
        %add3A_49 = arith.constant 3 : i32
        %add3A_50 = arith.addi %mul3A_48, %add3A_49 : i32
        "tpu.region"() ({
          %run_scoped3A = tpu.sem_alloc : memref<!tpu.dma_semaphore, #tpu.memory_space<semaphore_mem>>
          %dma_start3A = arith.constant 384 : i32
          %dma_start3A_55 = arith.constant 0 : i32
          %dma_start3A_56 = tpu.memref_slice %arg8[%dma_start3A, %dma_start3A_55] : memref<640x16xf32, #tpu.memory_space<vmem>> -> memref<128x16xf32, #tpu.memory_space<vmem>>
          %dma_start3A_57 = arith.constant 0 : i32
          %dma_start3A_58 = tpu.memref_slice %arg7[%add3A_50, %dma_start3A_57] : memref<20x128xi32, #tpu.memory_space<vmem>> -> memref<1x128xi32, #tpu.memory_space<vmem>>
          %dma_start3A_59 = tpu.memref_squeeze %dma_start3A_58 : memref<1x128xi32, #tpu.memory_space<vmem>> -> memref<128xi32, #tpu.memory_space<vmem>>
          %dma_start3A_60 = arith.constant 0 : i32
          %dma_start3A_61 = arith.constant 0 : i32
          %dma_start3A_62 = tpu.memref_slice %arg9[%dma_start3A_60, %dma_start3A_61] : memref<10016x16xf32, #tpu.memory_space<vmem_shared>> -> memref<10016x16xf32, #tpu.memory_space<vmem_shared>>
          tpu.enqueue_indirect_dma source(%dma_start3A_56 : memref<128x16xf32, #tpu.memory_space<vmem>>) target(%dma_start3A_62 : memref<10016x16xf32, #tpu.memory_space<vmem_shared>>) offsets(%dma_start3A_59 : memref<128xi32, #tpu.memory_space<vmem>>) semaphore(%run_scoped3A : memref<!tpu.dma_semaphore, #tpu.memory_space<semaphore_mem>>) {add = true}
          %dma_wait3A = arith.constant 384 : i32
          %dma_wait3A_63 = arith.constant 0 : i32
          %dma_wait3A_64 = tpu.memref_slice %arg8[%dma_wait3A, %dma_wait3A_63] : memref<640x16xf32, #tpu.memory_space<vmem>> -> memref<128x16xf32, #tpu.memory_space<vmem>>
          %dma_wait3A_65 = arith.constant 0 : i32
          %dma_wait3A_66 = tpu.memref_slice %arg7[%add3A_50, %dma_wait3A_65] : memref<20x128xi32, #tpu.memory_space<vmem>> -> memref<1x128xi32, #tpu.memory_space<vmem>>
          %dma_wait3A_67 = tpu.memref_squeeze %dma_wait3A_66 : memref<1x128xi32, #tpu.memory_space<vmem>> -> memref<128xi32, #tpu.memory_space<vmem>>
          %dma_wait3A_68 = arith.constant 0 : i32
          %dma_wait3A_69 = arith.constant 0 : i32
          %dma_wait3A_70 = tpu.memref_slice %arg9[%dma_wait3A_68, %dma_wait3A_69] : memref<10016x16xf32, #tpu.memory_space<vmem_shared>> -> memref<10016x16xf32, #tpu.memory_space<vmem_shared>>
          tpu.wait_indirect_dma semaphore(%run_scoped3A : memref<!tpu.dma_semaphore, #tpu.memory_space<semaphore_mem>>) src(%dma_wait3A_64 : memref<128x16xf32, #tpu.memory_space<vmem>>) dst(%dma_wait3A_70 : memref<10016x16xf32, #tpu.memory_space<vmem_shared>>)
          tpu.yield
        }) : () -> ()
        %mul3A_51 = arith.constant 5 : i32
        %mul3A_52 = arith.muli %add3A_31, %mul3A_51 : i32
        %add3A_53 = arith.constant 4 : i32
        %add3A_54 = arith.addi %mul3A_52, %add3A_53 : i32
        "tpu.region"() ({
          %run_scoped3A = tpu.sem_alloc : memref<!tpu.dma_semaphore, #tpu.memory_space<semaphore_mem>>
          %dma_start3A = arith.constant 512 : i32
          %dma_start3A_55 = arith.constant 0 : i32
          %dma_start3A_56 = tpu.memref_slice %arg8[%dma_start3A, %dma_start3A_55] : memref<640x16xf32, #tpu.memory_space<vmem>> -> memref<128x16xf32, #tpu.memory_space<vmem>>
          %dma_start3A_57 = arith.constant 0 : i32
          %dma_start3A_58 = tpu.memref_slice %arg7[%add3A_54, %dma_start3A_57] : memref<20x128xi32, #tpu.memory_space<vmem>> -> memref<1x128xi32, #tpu.memory_space<vmem>>
          %dma_start3A_59 = tpu.memref_squeeze %dma_start3A_58 : memref<1x128xi32, #tpu.memory_space<vmem>> -> memref<128xi32, #tpu.memory_space<vmem>>
          %dma_start3A_60 = arith.constant 0 : i32
          %dma_start3A_61 = arith.constant 0 : i32
          %dma_start3A_62 = tpu.memref_slice %arg9[%dma_start3A_60, %dma_start3A_61] : memref<10016x16xf32, #tpu.memory_space<vmem_shared>> -> memref<10016x16xf32, #tpu.memory_space<vmem_shared>>
          tpu.enqueue_indirect_dma source(%dma_start3A_56 : memref<128x16xf32, #tpu.memory_space<vmem>>) target(%dma_start3A_62 : memref<10016x16xf32, #tpu.memory_space<vmem_shared>>) offsets(%dma_start3A_59 : memref<128xi32, #tpu.memory_space<vmem>>) semaphore(%run_scoped3A : memref<!tpu.dma_semaphore, #tpu.memory_space<semaphore_mem>>) {add = true}
          %dma_wait3A = arith.constant 512 : i32
          %dma_wait3A_63 = arith.constant 0 : i32
          %dma_wait3A_64 = tpu.memref_slice %arg8[%dma_wait3A, %dma_wait3A_63] : memref<640x16xf32, #tpu.memory_space<vmem>> -> memref<128x16xf32, #tpu.memory_space<vmem>>
          %dma_wait3A_65 = arith.constant 0 : i32
          %dma_wait3A_66 = tpu.memref_slice %arg7[%add3A_54, %dma_wait3A_65] : memref<20x128xi32, #tpu.memory_space<vmem>> -> memref<1x128xi32, #tpu.memory_space<vmem>>
          %dma_wait3A_67 = tpu.memref_squeeze %dma_wait3A_66 : memref<1x128xi32, #tpu.memory_space<vmem>> -> memref<128xi32, #tpu.memory_space<vmem>>
          %dma_wait3A_68 = arith.constant 0 : i32
          %dma_wait3A_69 = arith.constant 0 : i32
          %dma_wait3A_70 = tpu.memref_slice %arg9[%dma_wait3A_68, %dma_wait3A_69] : memref<10016x16xf32, #tpu.memory_space<vmem_shared>> -> memref<10016x16xf32, #tpu.memory_space<vmem_shared>>
          tpu.wait_indirect_dma semaphore(%run_scoped3A : memref<!tpu.dma_semaphore, #tpu.memory_space<semaphore_mem>>) src(%dma_wait3A_64 : memref<128x16xf32, #tpu.memory_space<vmem>>) dst(%dma_wait3A_70 : memref<10016x16xf32, #tpu.memory_space<vmem_shared>>)
          tpu.yield
        }) : () -> ()
      }
      %scan3A_26 = arith.constant 4 : i32
    } else {
    }
    %eq3A_13 = arith.constant 1 : i32
    %eq3A_14 = arith.cmpi eq, %arg0, %eq3A_13 : i32
    %convert_element_type3A_15 = arith.extui %eq3A_14 : i1 to i32
    %cond3A_16 = arith.constant 0 : i32
    %cond3A_17 = arith.cmpi ne, %convert_element_type3A_15, %cond3A_16 : i32
    scf.if %cond3A_17 {
      %scan3A = arith.constant 0 : i32
      %scan3A_23 = arith.constant 4 : i32
      %scan3A_24 = arith.addi %scan3A, %scan3A_23 : i32
      %scan3A_25 = arith.constant 1 : i32
      scf.for %scan3A_27 = %scan3A to %scan3A_24 step %scan3A_25  : i32 {
        %mul3A_28 = arith.constant 1 : i32
        %mul3A_29 = arith.muli %scan3A_27, %mul3A_28 : i32
        %add3A_30 = arith.constant 0 : i32
        %add3A_31 = arith.addi %add3A_30, %mul3A_29 : i32
        %mul3A_32 = arith.constant 640 : i32
        %mul3A_33 = arith.muli %add3A_31, %mul3A_32 : i32
        %add3A_34 = arith.addi %mul3A_6, %mul3A_33 : i32
        "tpu.region"() ({
          %run_scoped3A = tpu.sem_alloc : memref<!tpu.dma_semaphore, #tpu.memory_space<semaphore_mem>>
          %dma_start3A = arith.constant 0 : i32
          %dma_start3A_55 = tpu.memref_slice %arg3[%add3A_34, %dma_start3A] : memref<40960x16xf32, #tpu.memory_space<hbm>> -> memref<640x16xf32, #tpu.memory_space<hbm>>
          %dma_start3A_56 = arith.constant 0 : i32
          %dma_start3A_57 = tpu.memref_slice %arg3[%add3A_34, %dma_start3A_56] : memref<40960x16xf32, #tpu.memory_space<hbm>> -> memref<640x16xf32, #tpu.memory_space<hbm>>
          tpu.enqueue_dma source(%dma_start3A_57 : memref<640x16xf32, #tpu.memory_space<hbm>>) target(%arg8 : memref<640x16xf32, #tpu.memory_space<vmem>>) target_semaphore(%run_scoped3A : memref<!tpu.dma_semaphore, #tpu.memory_space<semaphore_mem>>)
          %dma_wait3A = arith.constant 0 : i32
          %dma_wait3A_58 = tpu.memref_slice %arg3[%add3A_34, %dma_wait3A] : memref<40960x16xf32, #tpu.memory_space<hbm>> -> memref<640x16xf32, #tpu.memory_space<hbm>>
          %dma_wait3A_59 = arith.constant 0 : i32
          %dma_wait3A_60 = tpu.memref_slice %arg3[%add3A_34, %dma_wait3A_59] : memref<40960x16xf32, #tpu.memory_space<hbm>> -> memref<640x16xf32, #tpu.memory_space<hbm>>
          tpu.wait_dma2 semaphore(%run_scoped3A : memref<!tpu.dma_semaphore, #tpu.memory_space<semaphore_mem>>) src(%dma_wait3A_60 : memref<640x16xf32, #tpu.memory_space<hbm>>) dst(%arg8 : memref<640x16xf32, #tpu.memory_space<vmem>>)
          tpu.yield
        }) : () -> ()
        %mul3A_35 = arith.constant 5 : i32
        %mul3A_36 = arith.muli %add3A_31, %mul3A_35 : i32
        %add3A_37 = arith.constant 0 : i32
        %add3A_38 = arith.addi %mul3A_36, %add3A_37 : i32
        "tpu.region"() ({
          %run_scoped3A = tpu.sem_alloc : memref<!tpu.dma_semaphore, #tpu.memory_space<semaphore_mem>>
          %dma_start3A = arith.constant 0 : i32
          %dma_start3A_55 = arith.constant 0 : i32
          %dma_start3A_56 = tpu.memref_slice %arg8[%dma_start3A, %dma_start3A_55] : memref<640x16xf32, #tpu.memory_space<vmem>> -> memref<128x16xf32, #tpu.memory_space<vmem>>
          %dma_start3A_57 = arith.constant 0 : i32
          %dma_start3A_58 = tpu.memref_slice %arg7[%add3A_38, %dma_start3A_57] : memref<20x128xi32, #tpu.memory_space<vmem>> -> memref<1x128xi32, #tpu.memory_space<vmem>>
          %dma_start3A_59 = tpu.memref_squeeze %dma_start3A_58 : memref<1x128xi32, #tpu.memory_space<vmem>> -> memref<128xi32, #tpu.memory_space<vmem>>
          %dma_start3A_60 = arith.constant 0 : i32
          %dma_start3A_61 = arith.constant 0 : i32
          %dma_start3A_62 = tpu.memref_slice %arg9[%dma_start3A_60, %dma_start3A_61] : memref<10016x16xf32, #tpu.memory_space<vmem_shared>> -> memref<10016x16xf32, #tpu.memory_space<vmem_shared>>
          tpu.enqueue_indirect_dma source(%dma_start3A_56 : memref<128x16xf32, #tpu.memory_space<vmem>>) target(%dma_start3A_62 : memref<10016x16xf32, #tpu.memory_space<vmem_shared>>) offsets(%dma_start3A_59 : memref<128xi32, #tpu.memory_space<vmem>>) semaphore(%run_scoped3A : memref<!tpu.dma_semaphore, #tpu.memory_space<semaphore_mem>>) {add = true}
          %dma_wait3A = arith.constant 0 : i32
          %dma_wait3A_63 = arith.constant 0 : i32
          %dma_wait3A_64 = tpu.memref_slice %arg8[%dma_wait3A, %dma_wait3A_63] : memref<640x16xf32, #tpu.memory_space<vmem>> -> memref<128x16xf32, #tpu.memory_space<vmem>>
          %dma_wait3A_65 = arith.constant 0 : i32
          %dma_wait3A_66 = tpu.memref_slice %arg7[%add3A_38, %dma_wait3A_65] : memref<20x128xi32, #tpu.memory_space<vmem>> -> memref<1x128xi32, #tpu.memory_space<vmem>>
          %dma_wait3A_67 = tpu.memref_squeeze %dma_wait3A_66 : memref<1x128xi32, #tpu.memory_space<vmem>> -> memref<128xi32, #tpu.memory_space<vmem>>
          %dma_wait3A_68 = arith.constant 0 : i32
          %dma_wait3A_69 = arith.constant 0 : i32
          %dma_wait3A_70 = tpu.memref_slice %arg9[%dma_wait3A_68, %dma_wait3A_69] : memref<10016x16xf32, #tpu.memory_space<vmem_shared>> -> memref<10016x16xf32, #tpu.memory_space<vmem_shared>>
          tpu.wait_indirect_dma semaphore(%run_scoped3A : memref<!tpu.dma_semaphore, #tpu.memory_space<semaphore_mem>>) src(%dma_wait3A_64 : memref<128x16xf32, #tpu.memory_space<vmem>>) dst(%dma_wait3A_70 : memref<10016x16xf32, #tpu.memory_space<vmem_shared>>)
          tpu.yield
        }) : () -> ()
        %mul3A_39 = arith.constant 5 : i32
        %mul3A_40 = arith.muli %add3A_31, %mul3A_39 : i32
        %add3A_41 = arith.constant 1 : i32
        %add3A_42 = arith.addi %mul3A_40, %add3A_41 : i32
        "tpu.region"() ({
          %run_scoped3A = tpu.sem_alloc : memref<!tpu.dma_semaphore, #tpu.memory_space<semaphore_mem>>
          %dma_start3A = arith.constant 128 : i32
          %dma_start3A_55 = arith.constant 0 : i32
          %dma_start3A_56 = tpu.memref_slice %arg8[%dma_start3A, %dma_start3A_55] : memref<640x16xf32, #tpu.memory_space<vmem>> -> memref<128x16xf32, #tpu.memory_space<vmem>>
          %dma_start3A_57 = arith.constant 0 : i32
          %dma_start3A_58 = tpu.memref_slice %arg7[%add3A_42, %dma_start3A_57] : memref<20x128xi32, #tpu.memory_space<vmem>> -> memref<1x128xi32, #tpu.memory_space<vmem>>
          %dma_start3A_59 = tpu.memref_squeeze %dma_start3A_58 : memref<1x128xi32, #tpu.memory_space<vmem>> -> memref<128xi32, #tpu.memory_space<vmem>>
          %dma_start3A_60 = arith.constant 0 : i32
          %dma_start3A_61 = arith.constant 0 : i32
          %dma_start3A_62 = tpu.memref_slice %arg9[%dma_start3A_60, %dma_start3A_61] : memref<10016x16xf32, #tpu.memory_space<vmem_shared>> -> memref<10016x16xf32, #tpu.memory_space<vmem_shared>>
          tpu.enqueue_indirect_dma source(%dma_start3A_56 : memref<128x16xf32, #tpu.memory_space<vmem>>) target(%dma_start3A_62 : memref<10016x16xf32, #tpu.memory_space<vmem_shared>>) offsets(%dma_start3A_59 : memref<128xi32, #tpu.memory_space<vmem>>) semaphore(%run_scoped3A : memref<!tpu.dma_semaphore, #tpu.memory_space<semaphore_mem>>) {add = true}
          %dma_wait3A = arith.constant 128 : i32
          %dma_wait3A_63 = arith.constant 0 : i32
          %dma_wait3A_64 = tpu.memref_slice %arg8[%dma_wait3A, %dma_wait3A_63] : memref<640x16xf32, #tpu.memory_space<vmem>> -> memref<128x16xf32, #tpu.memory_space<vmem>>
          %dma_wait3A_65 = arith.constant 0 : i32
          %dma_wait3A_66 = tpu.memref_slice %arg7[%add3A_42, %dma_wait3A_65] : memref<20x128xi32, #tpu.memory_space<vmem>> -> memref<1x128xi32, #tpu.memory_space<vmem>>
          %dma_wait3A_67 = tpu.memref_squeeze %dma_wait3A_66 : memref<1x128xi32, #tpu.memory_space<vmem>> -> memref<128xi32, #tpu.memory_space<vmem>>
          %dma_wait3A_68 = arith.constant 0 : i32
          %dma_wait3A_69 = arith.constant 0 : i32
          %dma_wait3A_70 = tpu.memref_slice %arg9[%dma_wait3A_68, %dma_wait3A_69] : memref<10016x16xf32, #tpu.memory_space<vmem_shared>> -> memref<10016x16xf32, #tpu.memory_space<vmem_shared>>
          tpu.wait_indirect_dma semaphore(%run_scoped3A : memref<!tpu.dma_semaphore, #tpu.memory_space<semaphore_mem>>) src(%dma_wait3A_64 : memref<128x16xf32, #tpu.memory_space<vmem>>) dst(%dma_wait3A_70 : memref<10016x16xf32, #tpu.memory_space<vmem_shared>>)
          tpu.yield
        }) : () -> ()
        %mul3A_43 = arith.constant 5 : i32
        %mul3A_44 = arith.muli %add3A_31, %mul3A_43 : i32
        %add3A_45 = arith.constant 2 : i32
        %add3A_46 = arith.addi %mul3A_44, %add3A_45 : i32
        "tpu.region"() ({
          %run_scoped3A = tpu.sem_alloc : memref<!tpu.dma_semaphore, #tpu.memory_space<semaphore_mem>>
          %dma_start3A = arith.constant 256 : i32
          %dma_start3A_55 = arith.constant 0 : i32
          %dma_start3A_56 = tpu.memref_slice %arg8[%dma_start3A, %dma_start3A_55] : memref<640x16xf32, #tpu.memory_space<vmem>> -> memref<128x16xf32, #tpu.memory_space<vmem>>
          %dma_start3A_57 = arith.constant 0 : i32
          %dma_start3A_58 = tpu.memref_slice %arg7[%add3A_46, %dma_start3A_57] : memref<20x128xi32, #tpu.memory_space<vmem>> -> memref<1x128xi32, #tpu.memory_space<vmem>>
          %dma_start3A_59 = tpu.memref_squeeze %dma_start3A_58 : memref<1x128xi32, #tpu.memory_space<vmem>> -> memref<128xi32, #tpu.memory_space<vmem>>
          %dma_start3A_60 = arith.constant 0 : i32
          %dma_start3A_61 = arith.constant 0 : i32
          %dma_start3A_62 = tpu.memref_slice %arg9[%dma_start3A_60, %dma_start3A_61] : memref<10016x16xf32, #tpu.memory_space<vmem_shared>> -> memref<10016x16xf32, #tpu.memory_space<vmem_shared>>
          tpu.enqueue_indirect_dma source(%dma_start3A_56 : memref<128x16xf32, #tpu.memory_space<vmem>>) target(%dma_start3A_62 : memref<10016x16xf32, #tpu.memory_space<vmem_shared>>) offsets(%dma_start3A_59 : memref<128xi32, #tpu.memory_space<vmem>>) semaphore(%run_scoped3A : memref<!tpu.dma_semaphore, #tpu.memory_space<semaphore_mem>>) {add = true}
          %dma_wait3A = arith.constant 256 : i32
          %dma_wait3A_63 = arith.constant 0 : i32
          %dma_wait3A_64 = tpu.memref_slice %arg8[%dma_wait3A, %dma_wait3A_63] : memref<640x16xf32, #tpu.memory_space<vmem>> -> memref<128x16xf32, #tpu.memory_space<vmem>>
          %dma_wait3A_65 = arith.constant 0 : i32
          %dma_wait3A_66 = tpu.memref_slice %arg7[%add3A_46, %dma_wait3A_65] : memref<20x128xi32, #tpu.memory_space<vmem>> -> memref<1x128xi32, #tpu.memory_space<vmem>>
          %dma_wait3A_67 = tpu.memref_squeeze %dma_wait3A_66 : memref<1x128xi32, #tpu.memory_space<vmem>> -> memref<128xi32, #tpu.memory_space<vmem>>
          %dma_wait3A_68 = arith.constant 0 : i32
          %dma_wait3A_69 = arith.constant 0 : i32
          %dma_wait3A_70 = tpu.memref_slice %arg9[%dma_wait3A_68, %dma_wait3A_69] : memref<10016x16xf32, #tpu.memory_space<vmem_shared>> -> memref<10016x16xf32, #tpu.memory_space<vmem_shared>>
          tpu.wait_indirect_dma semaphore(%run_scoped3A : memref<!tpu.dma_semaphore, #tpu.memory_space<semaphore_mem>>) src(%dma_wait3A_64 : memref<128x16xf32, #tpu.memory_space<vmem>>) dst(%dma_wait3A_70 : memref<10016x16xf32, #tpu.memory_space<vmem_shared>>)
          tpu.yield
        }) : () -> ()
        %mul3A_47 = arith.constant 5 : i32
        %mul3A_48 = arith.muli %add3A_31, %mul3A_47 : i32
        %add3A_49 = arith.constant 3 : i32
        %add3A_50 = arith.addi %mul3A_48, %add3A_49 : i32
        "tpu.region"() ({
          %run_scoped3A = tpu.sem_alloc : memref<!tpu.dma_semaphore, #tpu.memory_space<semaphore_mem>>
          %dma_start3A = arith.constant 384 : i32
          %dma_start3A_55 = arith.constant 0 : i32
          %dma_start3A_56 = tpu.memref_slice %arg8[%dma_start3A, %dma_start3A_55] : memref<640x16xf32, #tpu.memory_space<vmem>> -> memref<128x16xf32, #tpu.memory_space<vmem>>
          %dma_start3A_57 = arith.constant 0 : i32
          %dma_start3A_58 = tpu.memref_slice %arg7[%add3A_50, %dma_start3A_57] : memref<20x128xi32, #tpu.memory_space<vmem>> -> memref<1x128xi32, #tpu.memory_space<vmem>>
          %dma_start3A_59 = tpu.memref_squeeze %dma_start3A_58 : memref<1x128xi32, #tpu.memory_space<vmem>> -> memref<128xi32, #tpu.memory_space<vmem>>
          %dma_start3A_60 = arith.constant 0 : i32
          %dma_start3A_61 = arith.constant 0 : i32
          %dma_start3A_62 = tpu.memref_slice %arg9[%dma_start3A_60, %dma_start3A_61] : memref<10016x16xf32, #tpu.memory_space<vmem_shared>> -> memref<10016x16xf32, #tpu.memory_space<vmem_shared>>
          tpu.enqueue_indirect_dma source(%dma_start3A_56 : memref<128x16xf32, #tpu.memory_space<vmem>>) target(%dma_start3A_62 : memref<10016x16xf32, #tpu.memory_space<vmem_shared>>) offsets(%dma_start3A_59 : memref<128xi32, #tpu.memory_space<vmem>>) semaphore(%run_scoped3A : memref<!tpu.dma_semaphore, #tpu.memory_space<semaphore_mem>>) {add = true}
          %dma_wait3A = arith.constant 384 : i32
          %dma_wait3A_63 = arith.constant 0 : i32
          %dma_wait3A_64 = tpu.memref_slice %arg8[%dma_wait3A, %dma_wait3A_63] : memref<640x16xf32, #tpu.memory_space<vmem>> -> memref<128x16xf32, #tpu.memory_space<vmem>>
          %dma_wait3A_65 = arith.constant 0 : i32
          %dma_wait3A_66 = tpu.memref_slice %arg7[%add3A_50, %dma_wait3A_65] : memref<20x128xi32, #tpu.memory_space<vmem>> -> memref<1x128xi32, #tpu.memory_space<vmem>>
          %dma_wait3A_67 = tpu.memref_squeeze %dma_wait3A_66 : memref<1x128xi32, #tpu.memory_space<vmem>> -> memref<128xi32, #tpu.memory_space<vmem>>
          %dma_wait3A_68 = arith.constant 0 : i32
          %dma_wait3A_69 = arith.constant 0 : i32
          %dma_wait3A_70 = tpu.memref_slice %arg9[%dma_wait3A_68, %dma_wait3A_69] : memref<10016x16xf32, #tpu.memory_space<vmem_shared>> -> memref<10016x16xf32, #tpu.memory_space<vmem_shared>>
          tpu.wait_indirect_dma semaphore(%run_scoped3A : memref<!tpu.dma_semaphore, #tpu.memory_space<semaphore_mem>>) src(%dma_wait3A_64 : memref<128x16xf32, #tpu.memory_space<vmem>>) dst(%dma_wait3A_70 : memref<10016x16xf32, #tpu.memory_space<vmem_shared>>)
          tpu.yield
        }) : () -> ()
        %mul3A_51 = arith.constant 5 : i32
        %mul3A_52 = arith.muli %add3A_31, %mul3A_51 : i32
        %add3A_53 = arith.constant 4 : i32
        %add3A_54 = arith.addi %mul3A_52, %add3A_53 : i32
        "tpu.region"() ({
          %run_scoped3A = tpu.sem_alloc : memref<!tpu.dma_semaphore, #tpu.memory_space<semaphore_mem>>
          %dma_start3A = arith.constant 512 : i32
          %dma_start3A_55 = arith.constant 0 : i32
          %dma_start3A_56 = tpu.memref_slice %arg8[%dma_start3A, %dma_start3A_55] : memref<640x16xf32, #tpu.memory_space<vmem>> -> memref<128x16xf32, #tpu.memory_space<vmem>>
          %dma_start3A_57 = arith.constant 0 : i32
          %dma_start3A_58 = tpu.memref_slice %arg7[%add3A_54, %dma_start3A_57] : memref<20x128xi32, #tpu.memory_space<vmem>> -> memref<1x128xi32, #tpu.memory_space<vmem>>
          %dma_start3A_59 = tpu.memref_squeeze %dma_start3A_58 : memref<1x128xi32, #tpu.memory_space<vmem>> -> memref<128xi32, #tpu.memory_space<vmem>>
          %dma_start3A_60 = arith.constant 0 : i32
          %dma_start3A_61 = arith.constant 0 : i32
          %dma_start3A_62 = tpu.memref_slice %arg9[%dma_start3A_60, %dma_start3A_61] : memref<10016x16xf32, #tpu.memory_space<vmem_shared>> -> memref<10016x16xf32, #tpu.memory_space<vmem_shared>>
          tpu.enqueue_indirect_dma source(%dma_start3A_56 : memref<128x16xf32, #tpu.memory_space<vmem>>) target(%dma_start3A_62 : memref<10016x16xf32, #tpu.memory_space<vmem_shared>>) offsets(%dma_start3A_59 : memref<128xi32, #tpu.memory_space<vmem>>) semaphore(%run_scoped3A : memref<!tpu.dma_semaphore, #tpu.memory_space<semaphore_mem>>) {add = true}
          %dma_wait3A = arith.constant 512 : i32
          %dma_wait3A_63 = arith.constant 0 : i32
          %dma_wait3A_64 = tpu.memref_slice %arg8[%dma_wait3A, %dma_wait3A_63] : memref<640x16xf32, #tpu.memory_space<vmem>> -> memref<128x16xf32, #tpu.memory_space<vmem>>
          %dma_wait3A_65 = arith.constant 0 : i32
          %dma_wait3A_66 = tpu.memref_slice %arg7[%add3A_54, %dma_wait3A_65] : memref<20x128xi32, #tpu.memory_space<vmem>> -> memref<1x128xi32, #tpu.memory_space<vmem>>
          %dma_wait3A_67 = tpu.memref_squeeze %dma_wait3A_66 : memref<1x128xi32, #tpu.memory_space<vmem>> -> memref<128xi32, #tpu.memory_space<vmem>>
          %dma_wait3A_68 = arith.constant 0 : i32
          %dma_wait3A_69 = arith.constant 0 : i32
          %dma_wait3A_70 = tpu.memref_slice %arg9[%dma_wait3A_68, %dma_wait3A_69] : memref<10016x16xf32, #tpu.memory_space<vmem_shared>> -> memref<10016x16xf32, #tpu.memory_space<vmem_shared>>
          tpu.wait_indirect_dma semaphore(%run_scoped3A : memref<!tpu.dma_semaphore, #tpu.memory_space<semaphore_mem>>) src(%dma_wait3A_64 : memref<128x16xf32, #tpu.memory_space<vmem>>) dst(%dma_wait3A_70 : memref<10016x16xf32, #tpu.memory_space<vmem_shared>>)
          tpu.yield
        }) : () -> ()
      }
      %scan3A_26 = arith.constant 4 : i32
    } else {
    }
    %barrier3A_18 = arith.constant 0 : index
    tpu.barrier barrier_id(%barrier3A_18)
    %mul3A_19 = arith.constant 625 : i32
    %mul3A_20 = arith.muli %arg1, %mul3A_19 : i32
    %mul3A_21 = arith.constant 625 : i32
    %mul3A_22 = arith.muli %arg1, %mul3A_21 : i32
    "tpu.region"() ({
      %run_scoped3A = tpu.sem_alloc : memref<!tpu.dma_semaphore, #tpu.memory_space<semaphore_mem>>
      %dma_start3A = arith.constant 0 : i32
      %dma_start3A_23 = tpu.memref_slice %arg6[%arg0, %mul3A_22, %dma_start3A] : memref<2x10000x16xf32, #tpu.memory_space<hbm>> -> memref<1x625x16xf32, #tpu.memory_space<hbm>>
      %dma_start3A_24 = tpu.memref_squeeze %dma_start3A_23 : memref<1x625x16xf32, #tpu.memory_space<hbm>> -> memref<625x16xf32, #tpu.memory_space<hbm>>
      %dma_start3A_25 = arith.constant 0 : i32
      %dma_start3A_26 = tpu.memref_slice %arg9[%mul3A_20, %dma_start3A_25] : memref<10016x16xf32, #tpu.memory_space<vmem_shared>> -> memref<625x16xf32, #tpu.memory_space<vmem_shared>>
      tpu.enqueue_dma source(%dma_start3A_26 : memref<625x16xf32, #tpu.memory_space<vmem_shared>>) target(%dma_start3A_24 : memref<625x16xf32, #tpu.memory_space<hbm>>) target_semaphore(%run_scoped3A : memref<!tpu.dma_semaphore, #tpu.memory_space<semaphore_mem>>)
      %dma_wait3A = arith.constant 0 : i32
      %dma_wait3A_27 = tpu.memref_slice %arg6[%arg0, %mul3A_22, %dma_wait3A] : memref<2x10000x16xf32, #tpu.memory_space<hbm>> -> memref<1x625x16xf32, #tpu.memory_space<hbm>>
      %dma_wait3A_28 = tpu.memref_squeeze %dma_wait3A_27 : memref<1x625x16xf32, #tpu.memory_space<hbm>> -> memref<625x16xf32, #tpu.memory_space<hbm>>
      %dma_wait3A_29 = arith.constant 0 : i32
      %dma_wait3A_30 = tpu.memref_slice %arg9[%mul3A_20, %dma_wait3A_29] : memref<10016x16xf32, #tpu.memory_space<vmem_shared>> -> memref<625x16xf32, #tpu.memory_space<vmem_shared>>
      tpu.wait_dma2 semaphore(%run_scoped3A : memref<!tpu.dma_semaphore, #tpu.memory_space<semaphore_mem>>) src(%dma_wait3A_30 : memref<625x16xf32, #tpu.memory_space<vmem_shared>>) dst(%dma_wait3A_28 : memref<625x16xf32, #tpu.memory_space<hbm>>)
      tpu.yield
    }) : () -> ()
    return
  }
}

#map = affine_map<(d0, d1) -> (0, 0)>
#map1 = affine_map<(d0, d1) -> (0, 0, 0)>
module attributes {stable_mosaic.version = 14 : i64} {
  func.func @_scatter_body(%arg0: i32, %arg1: i32, %arg2: memref<40960x16xf32, #tpu.memory_space<hbm>>, %arg3: memref<40960x16xf32, #tpu.memory_space<hbm>>, %arg4: memref<1280x128xi32, #tpu.memory_space<hbm>>, %arg5: memref<10016x16xf32, #tpu.memory_space<hbm>>, %arg6: memref<2x10000x16xf32, #tpu.memory_space<hbm>>, %arg7: memref<20x128xi32, #tpu.memory_space<vmem>>, %arg8: memref<640x16xf32, #tpu.memory_space<vmem>>, %arg9: memref<10016x16xf32, #tpu.memory_space<vmem_shared>>) attributes {dimension_semantics = [#tpu.dimension_semantics<core_parallel>, #tpu.dimension_semantics<subcore_parallel>], iteration_bounds = array<i64: 2, 16>, scalar_prefetch = 0 : i64, scratch_operands = 3 : i64, tpu.core_type = #tpu.core_type<sc_vector_subcore>, window_params = [{transform_indices = #map}, {transform_indices = #map}, {transform_indices = #map}, {transform_indices = #map}, {transform_indices = #map1}]} {
    %mul3A = arith.constant 626 : i32
    %mul3A_0 = arith.muli %arg1, %mul3A : i32
    %mul3A_1 = arith.constant 626 : i32
    %mul3A_2 = arith.muli %arg1, %mul3A_1 : i32
    "tpu.region"() ({
      %run_scoped3A = tpu.sem_alloc : memref<!tpu.dma_semaphore, #tpu.memory_space<semaphore_mem>>
      %dma_start3A = arith.constant 0 : i32
      %dma_start3A_23 = tpu.memref_slice %arg9[%mul3A_2, %dma_start3A] : memref<10016x16xf32, #tpu.memory_space<vmem_shared>> -> memref<626x16xf32, #tpu.memory_space<vmem_shared>>
      %dma_start3A_24 = arith.constant 0 : i32
      %dma_start3A_25 = tpu.memref_slice %arg5[%mul3A_0, %dma_start3A_24] : memref<10016x16xf32, #tpu.memory_space<hbm>> -> memref<626x16xf32, #tpu.memory_space<hbm>>
      tpu.enqueue_dma source(%dma_start3A_25 : memref<626x16xf32, #tpu.memory_space<hbm>>) target(%dma_start3A_23 : memref<626x16xf32, #tpu.memory_space<vmem_shared>>) target_semaphore(%run_scoped3A : memref<!tpu.dma_semaphore, #tpu.memory_space<semaphore_mem>>)
      %dma_wait3A = arith.constant 0 : i32
      %dma_wait3A_26 = tpu.memref_slice %arg9[%mul3A_2, %dma_wait3A] : memref<10016x16xf32, #tpu.memory_space<vmem_shared>> -> memref<626x16xf32, #tpu.memory_space<vmem_shared>>
      %dma_wait3A_27 = arith.constant 0 : i32
      %dma_wait3A_28 = tpu.memref_slice %arg5[%mul3A_0, %dma_wait3A_27] : memref<10016x16xf32, #tpu.memory_space<hbm>> -> memref<626x16xf32, #tpu.memory_space<hbm>>
      tpu.wait_dma2 semaphore(%run_scoped3A : memref<!tpu.dma_semaphore, #tpu.memory_space<semaphore_mem>>) src(%dma_wait3A_28 : memref<626x16xf32, #tpu.memory_space<hbm>>) dst(%dma_wait3A_26 : memref<626x16xf32, #tpu.memory_space<vmem_shared>>)
      tpu.yield
    }) : () -> ()
    %barrier3A = arith.constant 0 : index
    tpu.barrier barrier_id(%barrier3A)
    %mul3A_3 = arith.constant 20 : i32
    %mul3A_4 = arith.muli %arg1, %mul3A_3 : i32
    %mul3A_5 = arith.constant 128 : i32
    %mul3A_6 = arith.muli %mul3A_4, %mul3A_5 : i32
    %add3A = arith.constant 2 : i32
    %add3A_7 = arith.addi %add3A, %arg0 : i32
    %mul3A_8 = arith.constant 320 : i32
    %mul3A_9 = arith.muli %add3A_7, %mul3A_8 : i32
    %add3A_10 = arith.addi %mul3A_9, %mul3A_4 : i32
    "tpu.region"() ({
      %run_scoped3A = tpu.sem_alloc : memref<!tpu.dma_semaphore, #tpu.memory_space<semaphore_mem>>
      %dma_start3A = arith.constant 0 : i32
      %dma_start3A_23 = tpu.memref_slice %arg4[%add3A_10, %dma_start3A] : memref<1280x128xi32, #tpu.memory_space<hbm>> -> memref<20x128xi32, #tpu.memory_space<hbm>>
      %dma_start3A_24 = arith.constant 0 : i32
      %dma_start3A_25 = tpu.memref_slice %arg4[%add3A_10, %dma_start3A_24] : memref<1280x128xi32, #tpu.memory_space<hbm>> -> memref<20x128xi32, #tpu.memory_space<hbm>>
      tpu.enqueue_dma source(%dma_start3A_25 : memref<20x128xi32, #tpu.memory_space<hbm>>) target(%arg7 : memref<20x128xi32, #tpu.memory_space<vmem>>) target_semaphore(%run_scoped3A : memref<!tpu.dma_semaphore, #tpu.memory_space<semaphore_mem>>)
      %dma_wait3A = arith.constant 0 : i32
      %dma_wait3A_26 = tpu.memref_slice %arg4[%add3A_10, %dma_wait3A] : memref<1280x128xi32, #tpu.memory_space<hbm>> -> memref<20x128xi32, #tpu.memory_space<hbm>>
      %dma_wait3A_27 = arith.constant 0 : i32
      %dma_wait3A_28 = tpu.memref_slice %arg4[%add3A_10, %dma_wait3A_27] : memref<1280x128xi32, #tpu.memory_space<hbm>> -> memref<20x128xi32, #tpu.memory_space<hbm>>
      tpu.wait_dma2 semaphore(%run_scoped3A : memref<!tpu.dma_semaphore, #tpu.memory_space<semaphore_mem>>) src(%dma_wait3A_28 : memref<20x128xi32, #tpu.memory_space<hbm>>) dst(%arg7 : memref<20x128xi32, #tpu.memory_space<vmem>>)
      tpu.yield
    }) : () -> ()
    %eq3A = arith.constant 0 : i32
    %eq3A_11 = arith.cmpi eq, %arg0, %eq3A : i32
    %convert_element_type3A = arith.extui %eq3A_11 : i1 to i32
    %cond3A = arith.constant 0 : i32
    %cond3A_12 = arith.cmpi ne, %convert_element_type3A, %cond3A : i32
    scf.if %cond3A_12 {
      %scan3A = arith.constant 0 : i32
      %scan3A_23 = arith.constant 4 : i32
      %scan3A_24 = arith.addi %scan3A, %scan3A_23 : i32
      %scan3A_25 = arith.constant 1 : i32
      scf.for %scan3A_27 = %scan3A to %scan3A_24 step %scan3A_25  : i32 {
        %mul3A_28 = arith.constant 1 : i32
        %mul3A_29 = arith.muli %scan3A_27, %mul3A_28 : i32
        %add3A_30 = arith.constant 0 : i32
        %add3A_31 = arith.addi %add3A_30, %mul3A_29 : i32
        %mul3A_32 = arith.constant 640 : i32
        %mul3A_33 = arith.muli %add3A_31, %mul3A_32 : i32
        %add3A_34 = arith.addi %mul3A_6, %mul3A_33 : i32
        "tpu.region"() ({
          %run_scoped3A = tpu.sem_alloc : memref<!tpu.dma_semaphore, #tpu.memory_space<semaphore_mem>>
          %dma_start3A = arith.constant 0 : i32
          %dma_start3A_55 = tpu.memref_slice %arg2[%add3A_34, %dma_start3A] : memref<40960x16xf32, #tpu.memory_space<hbm>> -> memref<640x16xf32, #tpu.memory_space<hbm>>
          %dma_start3A_56 = arith.constant 0 : i32
          %dma_start3A_57 = tpu.memref_slice %arg2[%add3A_34, %dma_start3A_56] : memref<40960x16xf32, #tpu.memory_space<hbm>> -> memref<640x16xf32, #tpu.memory_space<hbm>>
          tpu.enqueue_dma source(%dma_start3A_57 : memref<640x16xf32, #tpu.memory_space<hbm>>) target(%arg8 : memref<640x16xf32, #tpu.memory_space<vmem>>) target_semaphore(%run_scoped3A : memref<!tpu.dma_semaphore, #tpu.memory_space<semaphore_mem>>)
          %dma_wait3A = arith.constant 0 : i32
          %dma_wait3A_58 = tpu.memref_slice %arg2[%add3A_34, %dma_wait3A] : memref<40960x16xf32, #tpu.memory_space<hbm>> -> memref<640x16xf32, #tpu.memory_space<hbm>>
          %dma_wait3A_59 = arith.constant 0 : i32
          %dma_wait3A_60 = tpu.memref_slice %arg2[%add3A_34, %dma_wait3A_59] : memref<40960x16xf32, #tpu.memory_space<hbm>> -> memref<640x16xf32, #tpu.memory_space<hbm>>
          tpu.wait_dma2 semaphore(%run_scoped3A : memref<!tpu.dma_semaphore, #tpu.memory_space<semaphore_mem>>) src(%dma_wait3A_60 : memref<640x16xf32, #tpu.memory_space<hbm>>) dst(%arg8 : memref<640x16xf32, #tpu.memory_space<vmem>>)
          tpu.yield
        }) : () -> ()
        %mul3A_35 = arith.constant 5 : i32
        %mul3A_36 = arith.muli %add3A_31, %mul3A_35 : i32
        %add3A_37 = arith.constant 0 : i32
        %add3A_38 = arith.addi %mul3A_36, %add3A_37 : i32
        "tpu.region"() ({
          %run_scoped3A = tpu.sem_alloc : memref<!tpu.dma_semaphore, #tpu.memory_space<semaphore_mem>>
          %dma_start3A = arith.constant 0 : i32
          %dma_start3A_55 = arith.constant 0 : i32
          %dma_start3A_56 = tpu.memref_slice %arg8[%dma_start3A, %dma_start3A_55] : memref<640x16xf32, #tpu.memory_space<vmem>> -> memref<128x16xf32, #tpu.memory_space<vmem>>
          %dma_start3A_57 = arith.constant 0 : i32
          %dma_start3A_58 = tpu.memref_slice %arg7[%add3A_38, %dma_start3A_57] : memref<20x128xi32, #tpu.memory_space<vmem>> -> memref<1x128xi32, #tpu.memory_space<vmem>>
          %dma_start3A_59 = tpu.memref_squeeze %dma_start3A_58 : memref<1x128xi32, #tpu.memory_space<vmem>> -> memref<128xi32, #tpu.memory_space<vmem>>
          %dma_start3A_60 = arith.constant 0 : i32
          %dma_start3A_61 = arith.constant 0 : i32
          %dma_start3A_62 = tpu.memref_slice %arg9[%dma_start3A_60, %dma_start3A_61] : memref<10016x16xf32, #tpu.memory_space<vmem_shared>> -> memref<10016x16xf32, #tpu.memory_space<vmem_shared>>
          tpu.enqueue_indirect_dma source(%dma_start3A_56 : memref<128x16xf32, #tpu.memory_space<vmem>>) target(%dma_start3A_62 : memref<10016x16xf32, #tpu.memory_space<vmem_shared>>) offsets(%dma_start3A_59 : memref<128xi32, #tpu.memory_space<vmem>>) semaphore(%run_scoped3A : memref<!tpu.dma_semaphore, #tpu.memory_space<semaphore_mem>>) {add = true}
          %dma_wait3A = arith.constant 0 : i32
          %dma_wait3A_63 = arith.constant 0 : i32
          %dma_wait3A_64 = tpu.memref_slice %arg8[%dma_wait3A, %dma_wait3A_63] : memref<640x16xf32, #tpu.memory_space<vmem>> -> memref<128x16xf32, #tpu.memory_space<vmem>>
          %dma_wait3A_65 = arith.constant 0 : i32
          %dma_wait3A_66 = tpu.memref_slice %arg7[%add3A_38, %dma_wait3A_65] : memref<20x128xi32, #tpu.memory_space<vmem>> -> memref<1x128xi32, #tpu.memory_space<vmem>>
          %dma_wait3A_67 = tpu.memref_squeeze %dma_wait3A_66 : memref<1x128xi32, #tpu.memory_space<vmem>> -> memref<128xi32, #tpu.memory_space<vmem>>
          %dma_wait3A_68 = arith.constant 0 : i32
          %dma_wait3A_69 = arith.constant 0 : i32
          %dma_wait3A_70 = tpu.memref_slice %arg9[%dma_wait3A_68, %dma_wait3A_69] : memref<10016x16xf32, #tpu.memory_space<vmem_shared>> -> memref<10016x16xf32, #tpu.memory_space<vmem_shared>>
          tpu.wait_indirect_dma semaphore(%run_scoped3A : memref<!tpu.dma_semaphore, #tpu.memory_space<semaphore_mem>>) src(%dma_wait3A_64 : memref<128x16xf32, #tpu.memory_space<vmem>>) dst(%dma_wait3A_70 : memref<10016x16xf32, #tpu.memory_space<vmem_shared>>)
          tpu.yield
        }) : () -> ()
        %mul3A_39 = arith.constant 5 : i32
        %mul3A_40 = arith.muli %add3A_31, %mul3A_39 : i32
        %add3A_41 = arith.constant 1 : i32
        %add3A_42 = arith.addi %mul3A_40, %add3A_41 : i32
        "tpu.region"() ({
          %run_scoped3A = tpu.sem_alloc : memref<!tpu.dma_semaphore, #tpu.memory_space<semaphore_mem>>
          %dma_start3A = arith.constant 128 : i32
          %dma_start3A_55 = arith.constant 0 : i32
          %dma_start3A_56 = tpu.memref_slice %arg8[%dma_start3A, %dma_start3A_55] : memref<640x16xf32, #tpu.memory_space<vmem>> -> memref<128x16xf32, #tpu.memory_space<vmem>>
          %dma_start3A_57 = arith.constant 0 : i32
          %dma_start3A_58 = tpu.memref_slice %arg7[%add3A_42, %dma_start3A_57] : memref<20x128xi32, #tpu.memory_space<vmem>> -> memref<1x128xi32, #tpu.memory_space<vmem>>
          %dma_start3A_59 = tpu.memref_squeeze %dma_start3A_58 : memref<1x128xi32, #tpu.memory_space<vmem>> -> memref<128xi32, #tpu.memory_space<vmem>>
          %dma_start3A_60 = arith.constant 0 : i32
          %dma_start3A_61 = arith.constant 0 : i32
          %dma_start3A_62 = tpu.memref_slice %arg9[%dma_start3A_60, %dma_start3A_61] : memref<10016x16xf32, #tpu.memory_space<vmem_shared>> -> memref<10016x16xf32, #tpu.memory_space<vmem_shared>>
          tpu.enqueue_indirect_dma source(%dma_start3A_56 : memref<128x16xf32, #tpu.memory_space<vmem>>) target(%dma_start3A_62 : memref<10016x16xf32, #tpu.memory_space<vmem_shared>>) offsets(%dma_start3A_59 : memref<128xi32, #tpu.memory_space<vmem>>) semaphore(%run_scoped3A : memref<!tpu.dma_semaphore, #tpu.memory_space<semaphore_mem>>) {add = true}
          %dma_wait3A = arith.constant 128 : i32
          %dma_wait3A_63 = arith.constant 0 : i32
          %dma_wait3A_64 = tpu.memref_slice %arg8[%dma_wait3A, %dma_wait3A_63] : memref<640x16xf32, #tpu.memory_space<vmem>> -> memref<128x16xf32, #tpu.memory_space<vmem>>
          %dma_wait3A_65 = arith.constant 0 : i32
          %dma_wait3A_66 = tpu.memref_slice %arg7[%add3A_42, %dma_wait3A_65] : memref<20x128xi32, #tpu.memory_space<vmem>> -> memref<1x128xi32, #tpu.memory_space<vmem>>
          %dma_wait3A_67 = tpu.memref_squeeze %dma_wait3A_66 : memref<1x128xi32, #tpu.memory_space<vmem>> -> memref<128xi32, #tpu.memory_space<vmem>>
          %dma_wait3A_68 = arith.constant 0 : i32
          %dma_wait3A_69 = arith.constant 0 : i32
          %dma_wait3A_70 = tpu.memref_slice %arg9[%dma_wait3A_68, %dma_wait3A_69] : memref<10016x16xf32, #tpu.memory_space<vmem_shared>> -> memref<10016x16xf32, #tpu.memory_space<vmem_shared>>
          tpu.wait_indirect_dma semaphore(%run_scoped3A : memref<!tpu.dma_semaphore, #tpu.memory_space<semaphore_mem>>) src(%dma_wait3A_64 : memref<128x16xf32, #tpu.memory_space<vmem>>) dst(%dma_wait3A_70 : memref<10016x16xf32, #tpu.memory_space<vmem_shared>>)
          tpu.yield
        }) : () -> ()
        %mul3A_43 = arith.constant 5 : i32
        %mul3A_44 = arith.muli %add3A_31, %mul3A_43 : i32
        %add3A_45 = arith.constant 2 : i32
        %add3A_46 = arith.addi %mul3A_44, %add3A_45 : i32
        "tpu.region"() ({
          %run_scoped3A = tpu.sem_alloc : memref<!tpu.dma_semaphore, #tpu.memory_space<semaphore_mem>>
          %dma_start3A = arith.constant 256 : i32
          %dma_start3A_55 = arith.constant 0 : i32
          %dma_start3A_56 = tpu.memref_slice %arg8[%dma_start3A, %dma_start3A_55] : memref<640x16xf32, #tpu.memory_space<vmem>> -> memref<128x16xf32, #tpu.memory_space<vmem>>
          %dma_start3A_57 = arith.constant 0 : i32
          %dma_start3A_58 = tpu.memref_slice %arg7[%add3A_46, %dma_start3A_57] : memref<20x128xi32, #tpu.memory_space<vmem>> -> memref<1x128xi32, #tpu.memory_space<vmem>>
          %dma_start3A_59 = tpu.memref_squeeze %dma_start3A_58 : memref<1x128xi32, #tpu.memory_space<vmem>> -> memref<128xi32, #tpu.memory_space<vmem>>
          %dma_start3A_60 = arith.constant 0 : i32
          %dma_start3A_61 = arith.constant 0 : i32
          %dma_start3A_62 = tpu.memref_slice %arg9[%dma_start3A_60, %dma_start3A_61] : memref<10016x16xf32, #tpu.memory_space<vmem_shared>> -> memref<10016x16xf32, #tpu.memory_space<vmem_shared>>
          tpu.enqueue_indirect_dma source(%dma_start3A_56 : memref<128x16xf32, #tpu.memory_space<vmem>>) target(%dma_start3A_62 : memref<10016x16xf32, #tpu.memory_space<vmem_shared>>) offsets(%dma_start3A_59 : memref<128xi32, #tpu.memory_space<vmem>>) semaphore(%run_scoped3A : memref<!tpu.dma_semaphore, #tpu.memory_space<semaphore_mem>>) {add = true}
          %dma_wait3A = arith.constant 256 : i32
          %dma_wait3A_63 = arith.constant 0 : i32
          %dma_wait3A_64 = tpu.memref_slice %arg8[%dma_wait3A, %dma_wait3A_63] : memref<640x16xf32, #tpu.memory_space<vmem>> -> memref<128x16xf32, #tpu.memory_space<vmem>>
          %dma_wait3A_65 = arith.constant 0 : i32
          %dma_wait3A_66 = tpu.memref_slice %arg7[%add3A_46, %dma_wait3A_65] : memref<20x128xi32, #tpu.memory_space<vmem>> -> memref<1x128xi32, #tpu.memory_space<vmem>>
          %dma_wait3A_67 = tpu.memref_squeeze %dma_wait3A_66 : memref<1x128xi32, #tpu.memory_space<vmem>> -> memref<128xi32, #tpu.memory_space<vmem>>
          %dma_wait3A_68 = arith.constant 0 : i32
          %dma_wait3A_69 = arith.constant 0 : i32
          %dma_wait3A_70 = tpu.memref_slice %arg9[%dma_wait3A_68, %dma_wait3A_69] : memref<10016x16xf32, #tpu.memory_space<vmem_shared>> -> memref<10016x16xf32, #tpu.memory_space<vmem_shared>>
          tpu.wait_indirect_dma semaphore(%run_scoped3A : memref<!tpu.dma_semaphore, #tpu.memory_space<semaphore_mem>>) src(%dma_wait3A_64 : memref<128x16xf32, #tpu.memory_space<vmem>>) dst(%dma_wait3A_70 : memref<10016x16xf32, #tpu.memory_space<vmem_shared>>)
          tpu.yield
        }) : () -> ()
        %mul3A_47 = arith.constant 5 : i32
        %mul3A_48 = arith.muli %add3A_31, %mul3A_47 : i32
        %add3A_49 = arith.constant 3 : i32
        %add3A_50 = arith.addi %mul3A_48, %add3A_49 : i32
        "tpu.region"() ({
          %run_scoped3A = tpu.sem_alloc : memref<!tpu.dma_semaphore, #tpu.memory_space<semaphore_mem>>
          %dma_start3A = arith.constant 384 : i32
          %dma_start3A_55 = arith.constant 0 : i32
          %dma_start3A_56 = tpu.memref_slice %arg8[%dma_start3A, %dma_start3A_55] : memref<640x16xf32, #tpu.memory_space<vmem>> -> memref<128x16xf32, #tpu.memory_space<vmem>>
          %dma_start3A_57 = arith.constant 0 : i32
          %dma_start3A_58 = tpu.memref_slice %arg7[%add3A_50, %dma_start3A_57] : memref<20x128xi32, #tpu.memory_space<vmem>> -> memref<1x128xi32, #tpu.memory_space<vmem>>
          %dma_start3A_59 = tpu.memref_squeeze %dma_start3A_58 : memref<1x128xi32, #tpu.memory_space<vmem>> -> memref<128xi32, #tpu.memory_space<vmem>>
          %dma_start3A_60 = arith.constant 0 : i32
          %dma_start3A_61 = arith.constant 0 : i32
          %dma_start3A_62 = tpu.memref_slice %arg9[%dma_start3A_60, %dma_start3A_61] : memref<10016x16xf32, #tpu.memory_space<vmem_shared>> -> memref<10016x16xf32, #tpu.memory_space<vmem_shared>>
          tpu.enqueue_indirect_dma source(%dma_start3A_56 : memref<128x16xf32, #tpu.memory_space<vmem>>) target(%dma_start3A_62 : memref<10016x16xf32, #tpu.memory_space<vmem_shared>>) offsets(%dma_start3A_59 : memref<128xi32, #tpu.memory_space<vmem>>) semaphore(%run_scoped3A : memref<!tpu.dma_semaphore, #tpu.memory_space<semaphore_mem>>) {add = true}
          %dma_wait3A = arith.constant 384 : i32
          %dma_wait3A_63 = arith.constant 0 : i32
          %dma_wait3A_64 = tpu.memref_slice %arg8[%dma_wait3A, %dma_wait3A_63] : memref<640x16xf32, #tpu.memory_space<vmem>> -> memref<128x16xf32, #tpu.memory_space<vmem>>
          %dma_wait3A_65 = arith.constant 0 : i32
          %dma_wait3A_66 = tpu.memref_slice %arg7[%add3A_50, %dma_wait3A_65] : memref<20x128xi32, #tpu.memory_space<vmem>> -> memref<1x128xi32, #tpu.memory_space<vmem>>
          %dma_wait3A_67 = tpu.memref_squeeze %dma_wait3A_66 : memref<1x128xi32, #tpu.memory_space<vmem>> -> memref<128xi32, #tpu.memory_space<vmem>>
          %dma_wait3A_68 = arith.constant 0 : i32
          %dma_wait3A_69 = arith.constant 0 : i32
          %dma_wait3A_70 = tpu.memref_slice %arg9[%dma_wait3A_68, %dma_wait3A_69] : memref<10016x16xf32, #tpu.memory_space<vmem_shared>> -> memref<10016x16xf32, #tpu.memory_space<vmem_shared>>
          tpu.wait_indirect_dma semaphore(%run_scoped3A : memref<!tpu.dma_semaphore, #tpu.memory_space<semaphore_mem>>) src(%dma_wait3A_64 : memref<128x16xf32, #tpu.memory_space<vmem>>) dst(%dma_wait3A_70 : memref<10016x16xf32, #tpu.memory_space<vmem_shared>>)
          tpu.yield
        }) : () -> ()
        %mul3A_51 = arith.constant 5 : i32
        %mul3A_52 = arith.muli %add3A_31, %mul3A_51 : i32
        %add3A_53 = arith.constant 4 : i32
        %add3A_54 = arith.addi %mul3A_52, %add3A_53 : i32
        "tpu.region"() ({
          %run_scoped3A = tpu.sem_alloc : memref<!tpu.dma_semaphore, #tpu.memory_space<semaphore_mem>>
          %dma_start3A = arith.constant 512 : i32
          %dma_start3A_55 = arith.constant 0 : i32
          %dma_start3A_56 = tpu.memref_slice %arg8[%dma_start3A, %dma_start3A_55] : memref<640x16xf32, #tpu.memory_space<vmem>> -> memref<128x16xf32, #tpu.memory_space<vmem>>
          %dma_start3A_57 = arith.constant 0 : i32
          %dma_start3A_58 = tpu.memref_slice %arg7[%add3A_54, %dma_start3A_57] : memref<20x128xi32, #tpu.memory_space<vmem>> -> memref<1x128xi32, #tpu.memory_space<vmem>>
          %dma_start3A_59 = tpu.memref_squeeze %dma_start3A_58 : memref<1x128xi32, #tpu.memory_space<vmem>> -> memref<128xi32, #tpu.memory_space<vmem>>
          %dma_start3A_60 = arith.constant 0 : i32
          %dma_start3A_61 = arith.constant 0 : i32
          %dma_start3A_62 = tpu.memref_slice %arg9[%dma_start3A_60, %dma_start3A_61] : memref<10016x16xf32, #tpu.memory_space<vmem_shared>> -> memref<10016x16xf32, #tpu.memory_space<vmem_shared>>
          tpu.enqueue_indirect_dma source(%dma_start3A_56 : memref<128x16xf32, #tpu.memory_space<vmem>>) target(%dma_start3A_62 : memref<10016x16xf32, #tpu.memory_space<vmem_shared>>) offsets(%dma_start3A_59 : memref<128xi32, #tpu.memory_space<vmem>>) semaphore(%run_scoped3A : memref<!tpu.dma_semaphore, #tpu.memory_space<semaphore_mem>>) {add = true}
          %dma_wait3A = arith.constant 512 : i32
          %dma_wait3A_63 = arith.constant 0 : i32
          %dma_wait3A_64 = tpu.memref_slice %arg8[%dma_wait3A, %dma_wait3A_63] : memref<640x16xf32, #tpu.memory_space<vmem>> -> memref<128x16xf32, #tpu.memory_space<vmem>>
          %dma_wait3A_65 = arith.constant 0 : i32
          %dma_wait3A_66 = tpu.memref_slice %arg7[%add3A_54, %dma_wait3A_65] : memref<20x128xi32, #tpu.memory_space<vmem>> -> memref<1x128xi32, #tpu.memory_space<vmem>>
          %dma_wait3A_67 = tpu.memref_squeeze %dma_wait3A_66 : memref<1x128xi32, #tpu.memory_space<vmem>> -> memref<128xi32, #tpu.memory_space<vmem>>
          %dma_wait3A_68 = arith.constant 0 : i32
          %dma_wait3A_69 = arith.constant 0 : i32
          %dma_wait3A_70 = tpu.memref_slice %arg9[%dma_wait3A_68, %dma_wait3A_69] : memref<10016x16xf32, #tpu.memory_space<vmem_shared>> -> memref<10016x16xf32, #tpu.memory_space<vmem_shared>>
          tpu.wait_indirect_dma semaphore(%run_scoped3A : memref<!tpu.dma_semaphore, #tpu.memory_space<semaphore_mem>>) src(%dma_wait3A_64 : memref<128x16xf32, #tpu.memory_space<vmem>>) dst(%dma_wait3A_70 : memref<10016x16xf32, #tpu.memory_space<vmem_shared>>)
          tpu.yield
        }) : () -> ()
      }
      %scan3A_26 = arith.constant 4 : i32
    } else {
    }
    %eq3A_13 = arith.constant 1 : i32
    %eq3A_14 = arith.cmpi eq, %arg0, %eq3A_13 : i32
    %convert_element_type3A_15 = arith.extui %eq3A_14 : i1 to i32
    %cond3A_16 = arith.constant 0 : i32
    %cond3A_17 = arith.cmpi ne, %convert_element_type3A_15, %cond3A_16 : i32
    scf.if %cond3A_17 {
      %scan3A = arith.constant 0 : i32
      %scan3A_23 = arith.constant 4 : i32
      %scan3A_24 = arith.addi %scan3A, %scan3A_23 : i32
      %scan3A_25 = arith.constant 1 : i32
      scf.for %scan3A_27 = %scan3A to %scan3A_24 step %scan3A_25  : i32 {
        %mul3A_28 = arith.constant 1 : i32
        %mul3A_29 = arith.muli %scan3A_27, %mul3A_28 : i32
        %add3A_30 = arith.constant 0 : i32
        %add3A_31 = arith.addi %add3A_30, %mul3A_29 : i32
        %mul3A_32 = arith.constant 640 : i32
        %mul3A_33 = arith.muli %add3A_31, %mul3A_32 : i32
        %add3A_34 = arith.addi %mul3A_6, %mul3A_33 : i32
        "tpu.region"() ({
          %run_scoped3A = tpu.sem_alloc : memref<!tpu.dma_semaphore, #tpu.memory_space<semaphore_mem>>
          %dma_start3A = arith.constant 0 : i32
          %dma_start3A_55 = tpu.memref_slice %arg3[%add3A_34, %dma_start3A] : memref<40960x16xf32, #tpu.memory_space<hbm>> -> memref<640x16xf32, #tpu.memory_space<hbm>>
          %dma_start3A_56 = arith.constant 0 : i32
          %dma_start3A_57 = tpu.memref_slice %arg3[%add3A_34, %dma_start3A_56] : memref<40960x16xf32, #tpu.memory_space<hbm>> -> memref<640x16xf32, #tpu.memory_space<hbm>>
          tpu.enqueue_dma source(%dma_start3A_57 : memref<640x16xf32, #tpu.memory_space<hbm>>) target(%arg8 : memref<640x16xf32, #tpu.memory_space<vmem>>) target_semaphore(%run_scoped3A : memref<!tpu.dma_semaphore, #tpu.memory_space<semaphore_mem>>)
          %dma_wait3A = arith.constant 0 : i32
          %dma_wait3A_58 = tpu.memref_slice %arg3[%add3A_34, %dma_wait3A] : memref<40960x16xf32, #tpu.memory_space<hbm>> -> memref<640x16xf32, #tpu.memory_space<hbm>>
          %dma_wait3A_59 = arith.constant 0 : i32
          %dma_wait3A_60 = tpu.memref_slice %arg3[%add3A_34, %dma_wait3A_59] : memref<40960x16xf32, #tpu.memory_space<hbm>> -> memref<640x16xf32, #tpu.memory_space<hbm>>
          tpu.wait_dma2 semaphore(%run_scoped3A : memref<!tpu.dma_semaphore, #tpu.memory_space<semaphore_mem>>) src(%dma_wait3A_60 : memref<640x16xf32, #tpu.memory_space<hbm>>) dst(%arg8 : memref<640x16xf32, #tpu.memory_space<vmem>>)
          tpu.yield
        }) : () -> ()
        %mul3A_35 = arith.constant 5 : i32
        %mul3A_36 = arith.muli %add3A_31, %mul3A_35 : i32
        %add3A_37 = arith.constant 0 : i32
        %add3A_38 = arith.addi %mul3A_36, %add3A_37 : i32
        "tpu.region"() ({
          %run_scoped3A = tpu.sem_alloc : memref<!tpu.dma_semaphore, #tpu.memory_space<semaphore_mem>>
          %dma_start3A = arith.constant 0 : i32
          %dma_start3A_55 = arith.constant 0 : i32
          %dma_start3A_56 = tpu.memref_slice %arg8[%dma_start3A, %dma_start3A_55] : memref<640x16xf32, #tpu.memory_space<vmem>> -> memref<128x16xf32, #tpu.memory_space<vmem>>
          %dma_start3A_57 = arith.constant 0 : i32
          %dma_start3A_58 = tpu.memref_slice %arg7[%add3A_38, %dma_start3A_57] : memref<20x128xi32, #tpu.memory_space<vmem>> -> memref<1x128xi32, #tpu.memory_space<vmem>>
          %dma_start3A_59 = tpu.memref_squeeze %dma_start3A_58 : memref<1x128xi32, #tpu.memory_space<vmem>> -> memref<128xi32, #tpu.memory_space<vmem>>
          %dma_start3A_60 = arith.constant 0 : i32
          %dma_start3A_61 = arith.constant 0 : i32
          %dma_start3A_62 = tpu.memref_slice %arg9[%dma_start3A_60, %dma_start3A_61] : memref<10016x16xf32, #tpu.memory_space<vmem_shared>> -> memref<10016x16xf32, #tpu.memory_space<vmem_shared>>
          tpu.enqueue_indirect_dma source(%dma_start3A_56 : memref<128x16xf32, #tpu.memory_space<vmem>>) target(%dma_start3A_62 : memref<10016x16xf32, #tpu.memory_space<vmem_shared>>) offsets(%dma_start3A_59 : memref<128xi32, #tpu.memory_space<vmem>>) semaphore(%run_scoped3A : memref<!tpu.dma_semaphore, #tpu.memory_space<semaphore_mem>>) {add = true}
          %dma_wait3A = arith.constant 0 : i32
          %dma_wait3A_63 = arith.constant 0 : i32
          %dma_wait3A_64 = tpu.memref_slice %arg8[%dma_wait3A, %dma_wait3A_63] : memref<640x16xf32, #tpu.memory_space<vmem>> -> memref<128x16xf32, #tpu.memory_space<vmem>>
          %dma_wait3A_65 = arith.constant 0 : i32
          %dma_wait3A_66 = tpu.memref_slice %arg7[%add3A_38, %dma_wait3A_65] : memref<20x128xi32, #tpu.memory_space<vmem>> -> memref<1x128xi32, #tpu.memory_space<vmem>>
          %dma_wait3A_67 = tpu.memref_squeeze %dma_wait3A_66 : memref<1x128xi32, #tpu.memory_space<vmem>> -> memref<128xi32, #tpu.memory_space<vmem>>
          %dma_wait3A_68 = arith.constant 0 : i32
          %dma_wait3A_69 = arith.constant 0 : i32
          %dma_wait3A_70 = tpu.memref_slice %arg9[%dma_wait3A_68, %dma_wait3A_69] : memref<10016x16xf32, #tpu.memory_space<vmem_shared>> -> memref<10016x16xf32, #tpu.memory_space<vmem_shared>>
          tpu.wait_indirect_dma semaphore(%run_scoped3A : memref<!tpu.dma_semaphore, #tpu.memory_space<semaphore_mem>>) src(%dma_wait3A_64 : memref<128x16xf32, #tpu.memory_space<vmem>>) dst(%dma_wait3A_70 : memref<10016x16xf32, #tpu.memory_space<vmem_shared>>)
          tpu.yield
        }) : () -> ()
        %mul3A_39 = arith.constant 5 : i32
        %mul3A_40 = arith.muli %add3A_31, %mul3A_39 : i32
        %add3A_41 = arith.constant 1 : i32
        %add3A_42 = arith.addi %mul3A_40, %add3A_41 : i32
        "tpu.region"() ({
          %run_scoped3A = tpu.sem_alloc : memref<!tpu.dma_semaphore, #tpu.memory_space<semaphore_mem>>
          %dma_start3A = arith.constant 128 : i32
          %dma_start3A_55 = arith.constant 0 : i32
          %dma_start3A_56 = tpu.memref_slice %arg8[%dma_start3A, %dma_start3A_55] : memref<640x16xf32, #tpu.memory_space<vmem>> -> memref<128x16xf32, #tpu.memory_space<vmem>>
          %dma_start3A_57 = arith.constant 0 : i32
          %dma_start3A_58 = tpu.memref_slice %arg7[%add3A_42, %dma_start3A_57] : memref<20x128xi32, #tpu.memory_space<vmem>> -> memref<1x128xi32, #tpu.memory_space<vmem>>
          %dma_start3A_59 = tpu.memref_squeeze %dma_start3A_58 : memref<1x128xi32, #tpu.memory_space<vmem>> -> memref<128xi32, #tpu.memory_space<vmem>>
          %dma_start3A_60 = arith.constant 0 : i32
          %dma_start3A_61 = arith.constant 0 : i32
          %dma_start3A_62 = tpu.memref_slice %arg9[%dma_start3A_60, %dma_start3A_61] : memref<10016x16xf32, #tpu.memory_space<vmem_shared>> -> memref<10016x16xf32, #tpu.memory_space<vmem_shared>>
          tpu.enqueue_indirect_dma source(%dma_start3A_56 : memref<128x16xf32, #tpu.memory_space<vmem>>) target(%dma_start3A_62 : memref<10016x16xf32, #tpu.memory_space<vmem_shared>>) offsets(%dma_start3A_59 : memref<128xi32, #tpu.memory_space<vmem>>) semaphore(%run_scoped3A : memref<!tpu.dma_semaphore, #tpu.memory_space<semaphore_mem>>) {add = true}
          %dma_wait3A = arith.constant 128 : i32
          %dma_wait3A_63 = arith.constant 0 : i32
          %dma_wait3A_64 = tpu.memref_slice %arg8[%dma_wait3A, %dma_wait3A_63] : memref<640x16xf32, #tpu.memory_space<vmem>> -> memref<128x16xf32, #tpu.memory_space<vmem>>
          %dma_wait3A_65 = arith.constant 0 : i32
          %dma_wait3A_66 = tpu.memref_slice %arg7[%add3A_42, %dma_wait3A_65] : memref<20x128xi32, #tpu.memory_space<vmem>> -> memref<1x128xi32, #tpu.memory_space<vmem>>
          %dma_wait3A_67 = tpu.memref_squeeze %dma_wait3A_66 : memref<1x128xi32, #tpu.memory_space<vmem>> -> memref<128xi32, #tpu.memory_space<vmem>>
          %dma_wait3A_68 = arith.constant 0 : i32
          %dma_wait3A_69 = arith.constant 0 : i32
          %dma_wait3A_70 = tpu.memref_slice %arg9[%dma_wait3A_68, %dma_wait3A_69] : memref<10016x16xf32, #tpu.memory_space<vmem_shared>> -> memref<10016x16xf32, #tpu.memory_space<vmem_shared>>
          tpu.wait_indirect_dma semaphore(%run_scoped3A : memref<!tpu.dma_semaphore, #tpu.memory_space<semaphore_mem>>) src(%dma_wait3A_64 : memref<128x16xf32, #tpu.memory_space<vmem>>) dst(%dma_wait3A_70 : memref<10016x16xf32, #tpu.memory_space<vmem_shared>>)
          tpu.yield
        }) : () -> ()
        %mul3A_43 = arith.constant 5 : i32
        %mul3A_44 = arith.muli %add3A_31, %mul3A_43 : i32
        %add3A_45 = arith.constant 2 : i32
        %add3A_46 = arith.addi %mul3A_44, %add3A_45 : i32
        "tpu.region"() ({
          %run_scoped3A = tpu.sem_alloc : memref<!tpu.dma_semaphore, #tpu.memory_space<semaphore_mem>>
          %dma_start3A = arith.constant 256 : i32
          %dma_start3A_55 = arith.constant 0 : i32
          %dma_start3A_56 = tpu.memref_slice %arg8[%dma_start3A, %dma_start3A_55] : memref<640x16xf32, #tpu.memory_space<vmem>> -> memref<128x16xf32, #tpu.memory_space<vmem>>
          %dma_start3A_57 = arith.constant 0 : i32
          %dma_start3A_58 = tpu.memref_slice %arg7[%add3A_46, %dma_start3A_57] : memref<20x128xi32, #tpu.memory_space<vmem>> -> memref<1x128xi32, #tpu.memory_space<vmem>>
          %dma_start3A_59 = tpu.memref_squeeze %dma_start3A_58 : memref<1x128xi32, #tpu.memory_space<vmem>> -> memref<128xi32, #tpu.memory_space<vmem>>
          %dma_start3A_60 = arith.constant 0 : i32
          %dma_start3A_61 = arith.constant 0 : i32
          %dma_start3A_62 = tpu.memref_slice %arg9[%dma_start3A_60, %dma_start3A_61] : memref<10016x16xf32, #tpu.memory_space<vmem_shared>> -> memref<10016x16xf32, #tpu.memory_space<vmem_shared>>
          tpu.enqueue_indirect_dma source(%dma_start3A_56 : memref<128x16xf32, #tpu.memory_space<vmem>>) target(%dma_start3A_62 : memref<10016x16xf32, #tpu.memory_space<vmem_shared>>) offsets(%dma_start3A_59 : memref<128xi32, #tpu.memory_space<vmem>>) semaphore(%run_scoped3A : memref<!tpu.dma_semaphore, #tpu.memory_space<semaphore_mem>>) {add = true}
          %dma_wait3A = arith.constant 256 : i32
          %dma_wait3A_63 = arith.constant 0 : i32
          %dma_wait3A_64 = tpu.memref_slice %arg8[%dma_wait3A, %dma_wait3A_63] : memref<640x16xf32, #tpu.memory_space<vmem>> -> memref<128x16xf32, #tpu.memory_space<vmem>>
          %dma_wait3A_65 = arith.constant 0 : i32
          %dma_wait3A_66 = tpu.memref_slice %arg7[%add3A_46, %dma_wait3A_65] : memref<20x128xi32, #tpu.memory_space<vmem>> -> memref<1x128xi32, #tpu.memory_space<vmem>>
          %dma_wait3A_67 = tpu.memref_squeeze %dma_wait3A_66 : memref<1x128xi32, #tpu.memory_space<vmem>> -> memref<128xi32, #tpu.memory_space<vmem>>
          %dma_wait3A_68 = arith.constant 0 : i32
          %dma_wait3A_69 = arith.constant 0 : i32
          %dma_wait3A_70 = tpu.memref_slice %arg9[%dma_wait3A_68, %dma_wait3A_69] : memref<10016x16xf32, #tpu.memory_space<vmem_shared>> -> memref<10016x16xf32, #tpu.memory_space<vmem_shared>>
          tpu.wait_indirect_dma semaphore(%run_scoped3A : memref<!tpu.dma_semaphore, #tpu.memory_space<semaphore_mem>>) src(%dma_wait3A_64 : memref<128x16xf32, #tpu.memory_space<vmem>>) dst(%dma_wait3A_70 : memref<10016x16xf32, #tpu.memory_space<vmem_shared>>)
          tpu.yield
        }) : () -> ()
        %mul3A_47 = arith.constant 5 : i32
        %mul3A_48 = arith.muli %add3A_31, %mul3A_47 : i32
        %add3A_49 = arith.constant 3 : i32
        %add3A_50 = arith.addi %mul3A_48, %add3A_49 : i32
        "tpu.region"() ({
          %run_scoped3A = tpu.sem_alloc : memref<!tpu.dma_semaphore, #tpu.memory_space<semaphore_mem>>
          %dma_start3A = arith.constant 384 : i32
          %dma_start3A_55 = arith.constant 0 : i32
          %dma_start3A_56 = tpu.memref_slice %arg8[%dma_start3A, %dma_start3A_55] : memref<640x16xf32, #tpu.memory_space<vmem>> -> memref<128x16xf32, #tpu.memory_space<vmem>>
          %dma_start3A_57 = arith.constant 0 : i32
          %dma_start3A_58 = tpu.memref_slice %arg7[%add3A_50, %dma_start3A_57] : memref<20x128xi32, #tpu.memory_space<vmem>> -> memref<1x128xi32, #tpu.memory_space<vmem>>
          %dma_start3A_59 = tpu.memref_squeeze %dma_start3A_58 : memref<1x128xi32, #tpu.memory_space<vmem>> -> memref<128xi32, #tpu.memory_space<vmem>>
          %dma_start3A_60 = arith.constant 0 : i32
          %dma_start3A_61 = arith.constant 0 : i32
          %dma_start3A_62 = tpu.memref_slice %arg9[%dma_start3A_60, %dma_start3A_61] : memref<10016x16xf32, #tpu.memory_space<vmem_shared>> -> memref<10016x16xf32, #tpu.memory_space<vmem_shared>>
          tpu.enqueue_indirect_dma source(%dma_start3A_56 : memref<128x16xf32, #tpu.memory_space<vmem>>) target(%dma_start3A_62 : memref<10016x16xf32, #tpu.memory_space<vmem_shared>>) offsets(%dma_start3A_59 : memref<128xi32, #tpu.memory_space<vmem>>) semaphore(%run_scoped3A : memref<!tpu.dma_semaphore, #tpu.memory_space<semaphore_mem>>) {add = true}
          %dma_wait3A = arith.constant 384 : i32
          %dma_wait3A_63 = arith.constant 0 : i32
          %dma_wait3A_64 = tpu.memref_slice %arg8[%dma_wait3A, %dma_wait3A_63] : memref<640x16xf32, #tpu.memory_space<vmem>> -> memref<128x16xf32, #tpu.memory_space<vmem>>
          %dma_wait3A_65 = arith.constant 0 : i32
          %dma_wait3A_66 = tpu.memref_slice %arg7[%add3A_50, %dma_wait3A_65] : memref<20x128xi32, #tpu.memory_space<vmem>> -> memref<1x128xi32, #tpu.memory_space<vmem>>
          %dma_wait3A_67 = tpu.memref_squeeze %dma_wait3A_66 : memref<1x128xi32, #tpu.memory_space<vmem>> -> memref<128xi32, #tpu.memory_space<vmem>>
          %dma_wait3A_68 = arith.constant 0 : i32
          %dma_wait3A_69 = arith.constant 0 : i32
          %dma_wait3A_70 = tpu.memref_slice %arg9[%dma_wait3A_68, %dma_wait3A_69] : memref<10016x16xf32, #tpu.memory_space<vmem_shared>> -> memref<10016x16xf32, #tpu.memory_space<vmem_shared>>
          tpu.wait_indirect_dma semaphore(%run_scoped3A : memref<!tpu.dma_semaphore, #tpu.memory_space<semaphore_mem>>) src(%dma_wait3A_64 : memref<128x16xf32, #tpu.memory_space<vmem>>) dst(%dma_wait3A_70 : memref<10016x16xf32, #tpu.memory_space<vmem_shared>>)
          tpu.yield
        }) : () -> ()
        %mul3A_51 = arith.constant 5 : i32
        %mul3A_52 = arith.muli %add3A_31, %mul3A_51 : i32
        %add3A_53 = arith.constant 4 : i32
        %add3A_54 = arith.addi %mul3A_52, %add3A_53 : i32
        "tpu.region"() ({
          %run_scoped3A = tpu.sem_alloc : memref<!tpu.dma_semaphore, #tpu.memory_space<semaphore_mem>>
          %dma_start3A = arith.constant 512 : i32
          %dma_start3A_55 = arith.constant 0 : i32
          %dma_start3A_56 = tpu.memref_slice %arg8[%dma_start3A, %dma_start3A_55] : memref<640x16xf32, #tpu.memory_space<vmem>> -> memref<128x16xf32, #tpu.memory_space<vmem>>
          %dma_start3A_57 = arith.constant 0 : i32
          %dma_start3A_58 = tpu.memref_slice %arg7[%add3A_54, %dma_start3A_57] : memref<20x128xi32, #tpu.memory_space<vmem>> -> memref<1x128xi32, #tpu.memory_space<vmem>>
          %dma_start3A_59 = tpu.memref_squeeze %dma_start3A_58 : memref<1x128xi32, #tpu.memory_space<vmem>> -> memref<128xi32, #tpu.memory_space<vmem>>
          %dma_start3A_60 = arith.constant 0 : i32
          %dma_start3A_61 = arith.constant 0 : i32
          %dma_start3A_62 = tpu.memref_slice %arg9[%dma_start3A_60, %dma_start3A_61] : memref<10016x16xf32, #tpu.memory_space<vmem_shared>> -> memref<10016x16xf32, #tpu.memory_space<vmem_shared>>
          tpu.enqueue_indirect_dma source(%dma_start3A_56 : memref<128x16xf32, #tpu.memory_space<vmem>>) target(%dma_start3A_62 : memref<10016x16xf32, #tpu.memory_space<vmem_shared>>) offsets(%dma_start3A_59 : memref<128xi32, #tpu.memory_space<vmem>>) semaphore(%run_scoped3A : memref<!tpu.dma_semaphore, #tpu.memory_space<semaphore_mem>>) {add = true}
          %dma_wait3A = arith.constant 512 : i32
          %dma_wait3A_63 = arith.constant 0 : i32
          %dma_wait3A_64 = tpu.memref_slice %arg8[%dma_wait3A, %dma_wait3A_63] : memref<640x16xf32, #tpu.memory_space<vmem>> -> memref<128x16xf32, #tpu.memory_space<vmem>>
          %dma_wait3A_65 = arith.constant 0 : i32
          %dma_wait3A_66 = tpu.memref_slice %arg7[%add3A_54, %dma_wait3A_65] : memref<20x128xi32, #tpu.memory_space<vmem>> -> memref<1x128xi32, #tpu.memory_space<vmem>>
          %dma_wait3A_67 = tpu.memref_squeeze %dma_wait3A_66 : memref<1x128xi32, #tpu.memory_space<vmem>> -> memref<128xi32, #tpu.memory_space<vmem>>
          %dma_wait3A_68 = arith.constant 0 : i32
          %dma_wait3A_69 = arith.constant 0 : i32
          %dma_wait3A_70 = tpu.memref_slice %arg9[%dma_wait3A_68, %dma_wait3A_69] : memref<10016x16xf32, #tpu.memory_space<vmem_shared>> -> memref<10016x16xf32, #tpu.memory_space<vmem_shared>>
          tpu.wait_indirect_dma semaphore(%run_scoped3A : memref<!tpu.dma_semaphore, #tpu.memory_space<semaphore_mem>>) src(%dma_wait3A_64 : memref<128x16xf32, #tpu.memory_space<vmem>>) dst(%dma_wait3A_70 : memref<10016x16xf32, #tpu.memory_space<vmem_shared>>)
          tpu.yield
        }) : () -> ()
      }
      %scan3A_26 = arith.constant 4 : i32
    } else {
    }
    %barrier3A_18 = arith.constant 0 : index
    tpu.barrier barrier_id(%barrier3A_18)
    %mul3A_19 = arith.constant 625 : i32
    %mul3A_20 = arith.muli %arg1, %mul3A_19 : i32
    %mul3A_21 = arith.constant 625 : i32
    %mul3A_22 = arith.muli %arg1, %mul3A_21 : i32
    "tpu.region"() ({
      %run_scoped3A = tpu.sem_alloc : memref<!tpu.dma_semaphore, #tpu.memory_space<semaphore_mem>>
      %dma_start3A = arith.constant 0 : i32
      %dma_start3A_23 = tpu.memref_slice %arg6[%arg0, %mul3A_22, %dma_start3A] : memref<2x10000x16xf32, #tpu.memory_space<hbm>> -> memref<1x625x16xf32, #tpu.memory_space<hbm>>
      %dma_start3A_24 = tpu.memref_squeeze %dma_start3A_23 : memref<1x625x16xf32, #tpu.memory_space<hbm>> -> memref<625x16xf32, #tpu.memory_space<hbm>>
      %dma_start3A_25 = arith.constant 0 : i32
      %dma_start3A_26 = tpu.memref_slice %arg9[%mul3A_20, %dma_start3A_25] : memref<10016x16xf32, #tpu.memory_space<vmem_shared>> -> memref<625x16xf32, #tpu.memory_space<vmem_shared>>
      tpu.enqueue_dma source(%dma_start3A_26 : memref<625x16xf32, #tpu.memory_space<vmem_shared>>) target(%dma_start3A_24 : memref<625x16xf32, #tpu.memory_space<hbm>>) target_semaphore(%run_scoped3A : memref<!tpu.dma_semaphore, #tpu.memory_space<semaphore_mem>>)
      %dma_wait3A = arith.constant 0 : i32
      %dma_wait3A_27 = tpu.memref_slice %arg6[%arg0, %mul3A_22, %dma_wait3A] : memref<2x10000x16xf32, #tpu.memory_space<hbm>> -> memref<1x625x16xf32, #tpu.memory_space<hbm>>
      %dma_wait3A_28 = tpu.memref_squeeze %dma_wait3A_27 : memref<1x625x16xf32, #tpu.memory_space<hbm>> -> memref<625x16xf32, #tpu.memory_space<hbm>>
      %dma_wait3A_29 = arith.constant 0 : i32
      %dma_wait3A_30 = tpu.memref_slice %arg9[%mul3A_20, %dma_wait3A_29] : memref<10016x16xf32, #tpu.memory_space<vmem_shared>> -> memref<625x16xf32, #tpu.memory_space<vmem_shared>>
      tpu.wait_dma2 semaphore(%run_scoped3A : memref<!tpu.dma_semaphore, #tpu.memory_space<semaphore_mem>>) src(%dma_wait3A_30 : memref<625x16xf32, #tpu.memory_space<vmem_shared>>) dst(%dma_wait3A_28 : memref<625x16xf32, #tpu.memory_space<hbm>>)
      tpu.yield
    }) : () -> ()
    return
  }
}

#map = affine_map<(d0, d1) -> (0, 0)>
module attributes {stable_mosaic.version = 14 : i64} {
  func.func @_warm_body(%arg0: i32, %arg1: i32, %arg2: memref<10016x16xf32, #tpu.memory_space<hbm>>, %arg3: memref<16x16xf32, #tpu.memory_space<hbm>>, %arg4: memref<16x16xf32, #tpu.memory_space<vmem>>) attributes {dimension_semantics = [#tpu.dimension_semantics<core_parallel>, #tpu.dimension_semantics<subcore_parallel>], iteration_bounds = array<i64: 2, 16>, scalar_prefetch = 0 : i64, scratch_operands = 1 : i64, tpu.core_type = #tpu.core_type<sc_vector_subcore>, window_params = [{transform_indices = #map}, {transform_indices = #map}]} {
    %eq3A = arith.constant 0 : i32
    %eq3A_0 = arith.cmpi eq, %arg0, %eq3A : i32
    %eq3A_1 = arith.constant 0 : i32
    %eq3A_2 = arith.cmpi eq, %arg1, %eq3A_1 : i32
    %and3A = arith.andi %eq3A_0, %eq3A_2 : i1
    %convert_element_type3A = arith.extui %and3A : i1 to i32
    %cond3A = arith.constant 0 : i32
    %cond3A_3 = arith.cmpi ne, %convert_element_type3A, %cond3A : i32
    scf.if %cond3A_3 {
      "tpu.region"() ({
        %run_scoped3A = tpu.sem_alloc : memref<!tpu.dma_semaphore, #tpu.memory_space<semaphore_mem>>
        %dma_start3A = arith.constant 0 : i32
        %dma_start3A_4 = arith.constant 0 : i32
        %dma_start3A_5 = tpu.memref_slice %arg2[%dma_start3A, %dma_start3A_4] : memref<10016x16xf32, #tpu.memory_space<hbm>> -> memref<16x16xf32, #tpu.memory_space<hbm>>
        %dma_start3A_6 = arith.constant 0 : i32
        %dma_start3A_7 = arith.constant 0 : i32
        %dma_start3A_8 = tpu.memref_slice %arg2[%dma_start3A_6, %dma_start3A_7] : memref<10016x16xf32, #tpu.memory_space<hbm>> -> memref<16x16xf32, #tpu.memory_space<hbm>>
        tpu.enqueue_dma source(%dma_start3A_8 : memref<16x16xf32, #tpu.memory_space<hbm>>) target(%arg4 : memref<16x16xf32, #tpu.memory_space<vmem>>) target_semaphore(%run_scoped3A : memref<!tpu.dma_semaphore, #tpu.memory_space<semaphore_mem>>)
        %dma_wait3A = arith.constant 0 : i32
        %dma_wait3A_9 = arith.constant 0 : i32
        %dma_wait3A_10 = tpu.memref_slice %arg2[%dma_wait3A, %dma_wait3A_9] : memref<10016x16xf32, #tpu.memory_space<hbm>> -> memref<16x16xf32, #tpu.memory_space<hbm>>
        %dma_wait3A_11 = arith.constant 0 : i32
        %dma_wait3A_12 = arith.constant 0 : i32
        %dma_wait3A_13 = tpu.memref_slice %arg2[%dma_wait3A_11, %dma_wait3A_12] : memref<10016x16xf32, #tpu.memory_space<hbm>> -> memref<16x16xf32, #tpu.memory_space<hbm>>
        tpu.wait_dma2 semaphore(%run_scoped3A : memref<!tpu.dma_semaphore, #tpu.memory_space<semaphore_mem>>) src(%dma_wait3A_13 : memref<16x16xf32, #tpu.memory_space<hbm>>) dst(%arg4 : memref<16x16xf32, #tpu.memory_space<vmem>>)
        tpu.yield
      }) : () -> ()
      "tpu.region"() ({
        %run_scoped3A = tpu.sem_alloc : memref<!tpu.dma_semaphore, #tpu.memory_space<semaphore_mem>>
        tpu.enqueue_dma source(%arg4 : memref<16x16xf32, #tpu.memory_space<vmem>>) target(%arg3 : memref<16x16xf32, #tpu.memory_space<hbm>>) target_semaphore(%run_scoped3A : memref<!tpu.dma_semaphore, #tpu.memory_space<semaphore_mem>>)
        tpu.wait_dma2 semaphore(%run_scoped3A : memref<!tpu.dma_semaphore, #tpu.memory_space<semaphore_mem>>) src(%arg4 : memref<16x16xf32, #tpu.memory_space<vmem>>) dst(%arg3 : memref<16x16xf32, #tpu.memory_space<hbm>>)
        tpu.yield
      }) : () -> ()
    } else {
    }
    return
  }
}

module attributes {stable_mosaic.version = 14 : i64} {
  func.func @_mlp_body(%arg0: i32, %arg1: memref<2048x128xf32, #tpu.memory_space<vmem>>, %arg2: memref<2048x128xf32, #tpu.memory_space<vmem>>, %arg3: memref<128x256xbf16, #tpu.memory_space<vmem>>, %arg4: memref<128x256xbf16, #tpu.memory_space<vmem>>, %arg5: memref<1x256xf32, #tpu.memory_space<vmem>>, %arg6: memref<256x1024xbf16, #tpu.memory_space<vmem>>, %arg7: memref<1x1024xf32, #tpu.memory_space<vmem>>, %arg8: memref<128x1024xbf16, #tpu.memory_space<vmem>>, %arg9: memref<1024x64xbf16, #tpu.memory_space<vmem>>, %arg10: memref<2048x64xf32, #tpu.memory_space<vmem>>) attributes {dimension_semantics = [#tpu.dimension_semantics<arbitrary>], iteration_bounds = array<i64: 5>, scalar_prefetch = 0 : i64, scratch_operands = 0 : i64, tpu.core_type = #tpu.core_type<tc>, window_params = [{transform_indices = @transform_0, window_bounds = array<i64: 2048, 128>}, {transform_indices = @transform_1, window_bounds = array<i64: 2048, 128>}, {pipeline_mode = #tpu.pipeline_mode<synchronous>, transform_indices = @transform_2, window_bounds = array<i64: 128, 256>}, {pipeline_mode = #tpu.pipeline_mode<synchronous>, transform_indices = @transform_3, window_bounds = array<i64: 128, 256>}, {pipeline_mode = #tpu.pipeline_mode<synchronous>, transform_indices = @transform_4, window_bounds = array<i64: 1, 256>}, {pipeline_mode = #tpu.pipeline_mode<synchronous>, transform_indices = @transform_5, window_bounds = array<i64: 256, 1024>}, {pipeline_mode = #tpu.pipeline_mode<synchronous>, transform_indices = @transform_6, window_bounds = array<i64: 1, 1024>}, {pipeline_mode = #tpu.pipeline_mode<synchronous>, transform_indices = @transform_7, window_bounds = array<i64: 128, 1024>}, {pipeline_mode = #tpu.pipeline_mode<synchronous>, transform_indices = @transform_8, window_bounds = array<i64: 1024, 64>}, {transform_indices = @transform_9, window_bounds = array<i64: 2048, 64>}]} {
    %get3A = arith.constant 0 : index
    %get3A_0 = arith.constant 0 : index
    %get3A_1 = vector.load %arg1[%get3A, %get3A_0] : memref<2048x128xf32, #tpu.memory_space<vmem>>, vector<2048x128xf32>
    %convert_element_type3A = arith.truncf %get3A_1 : vector<2048x128xf32> to vector<2048x128xbf16>
    %get3A_2 = arith.constant 0 : index
    %get3A_3 = arith.constant 0 : index
    %get3A_4 = vector.load %arg2[%get3A_2, %get3A_3] : memref<2048x128xf32, #tpu.memory_space<vmem>>, vector<2048x128xf32>
    %convert_element_type3A_5 = arith.truncf %get3A_4 : vector<2048x128xf32> to vector<2048x128xbf16>
    %get3A_6 = arith.constant 0 : index
    %get3A_7 = arith.constant 0 : index
    %get3A_8 = vector.load %arg3[%get3A_6, %get3A_7] : memref<128x256xbf16, #tpu.memory_space<vmem>>, vector<128x256xbf16>
    %dot_general3A = arith.constant dense<0.000000e+00> : vector<2048x256xf32>
    %dot_general3A_9 = tpu.matmul %convert_element_type3A, %get3A_8, %dot_general3A {dimension_numbers = #tpu.dot_dimension_numbers<[1], [0], [0], [1], [0, 0, 1, 1], [], []>, transpose_lhs_hint = false} : vector<2048x128xbf16>, vector<128x256xbf16>, vector<2048x256xf32> -> vector<2048x256xf32>
    %get3A_10 = arith.constant 0 : index
    %get3A_11 = arith.constant 0 : index
    %get3A_12 = vector.load %arg4[%get3A_10, %get3A_11] : memref<128x256xbf16, #tpu.memory_space<vmem>>, vector<128x256xbf16>
    %dot_general3A_13 = arith.constant dense<0.000000e+00> : vector<2048x256xf32>
    %dot_general3A_14 = tpu.matmul %convert_element_type3A_5, %get3A_12, %dot_general3A_13 {dimension_numbers = #tpu.dot_dimension_numbers<[1], [0], [0], [1], [0, 0, 1, 1], [], []>, transpose_lhs_hint = false} : vector<2048x128xbf16>, vector<128x256xbf16>, vector<2048x256xf32> -> vector<2048x256xf32>
    %add3A = arith.addf %dot_general3A_9, %dot_general3A_14 : vector<2048x256xf32>
    %get3A_15 = arith.constant 0 : index
    %get3A_16 = arith.constant 0 : index
    %get3A_17 = vector.load %arg5[%get3A_15, %get3A_16] : memref<1x256xf32, #tpu.memory_space<vmem>>, vector<1x256xf32>
    %add3A_18 = vector.broadcast %get3A_17 : vector<1x256xf32> to vector<2048x256xf32>
    %add3A_19 = arith.addf %add3A, %add3A_18 : vector<2048x256xf32>
    %mul3A = arith.constant 5.000000e-01 : f32
    %mul3A_20 = vector.broadcast %mul3A : f32 to vector<2048x256xf32>
    %mul3A_21 = arith.mulf %mul3A_20, %add3A_19 : vector<2048x256xf32>
    %mul3A_22 = arith.constant 0.707106769 : f32
    %mul3A_23 = vector.broadcast %mul3A_22 : f32 to vector<2048x256xf32>
    %mul3A_24 = arith.mulf %add3A_19, %mul3A_23 : vector<2048x256xf32>
    %erf3A = math.erf %mul3A_24 : vector<2048x256xf32>
    %add3A_25 = arith.constant 1.000000e+00 : f32
    %add3A_26 = vector.broadcast %add3A_25 : f32 to vector<2048x256xf32>
    %add3A_27 = arith.addf %add3A_26, %erf3A : vector<2048x256xf32>
    %mul3A_28 = arith.mulf %mul3A_21, %add3A_27 : vector<2048x256xf32>
    %convert_element_type3A_29 = arith.truncf %mul3A_28 : vector<2048x256xf32> to vector<2048x256xbf16>
    %get3A_30 = arith.constant 0 : index
    %get3A_31 = arith.constant 0 : index
    %get3A_32 = vector.load %arg6[%get3A_30, %get3A_31] : memref<256x1024xbf16, #tpu.memory_space<vmem>>, vector<256x1024xbf16>
    %dot_general3A_33 = arith.constant dense<0.000000e+00> : vector<2048x1024xf32>
    %dot_general3A_34 = tpu.matmul %convert_element_type3A_29, %get3A_32, %dot_general3A_33 {dimension_numbers = #tpu.dot_dimension_numbers<[1], [0], [0], [1], [0, 0, 1, 1], [], []>, transpose_lhs_hint = false} : vector<2048x256xbf16>, vector<256x1024xbf16>, vector<2048x1024xf32> -> vector<2048x1024xf32>
    %get3A_35 = arith.constant 0 : index
    %get3A_36 = arith.constant 0 : index
    %get3A_37 = vector.load %arg7[%get3A_35, %get3A_36] : memref<1x1024xf32, #tpu.memory_space<vmem>>, vector<1x1024xf32>
    %add3A_38 = vector.broadcast %get3A_37 : vector<1x1024xf32> to vector<2048x1024xf32>
    %add3A_39 = arith.addf %dot_general3A_34, %add3A_38 : vector<2048x1024xf32>
    %get3A_40 = arith.constant 0 : index
    %get3A_41 = arith.constant 0 : index
    %get3A_42 = vector.load %arg8[%get3A_40, %get3A_41] : memref<128x1024xbf16, #tpu.memory_space<vmem>>, vector<128x1024xbf16>
    %dot_general3A_43 = arith.constant dense<0.000000e+00> : vector<2048x1024xf32>
    %dot_general3A_44 = tpu.matmul %convert_element_type3A, %get3A_42, %dot_general3A_43 {dimension_numbers = #tpu.dot_dimension_numbers<[1], [0], [0], [1], [0, 0, 1, 1], [], []>, transpose_lhs_hint = false} : vector<2048x128xbf16>, vector<128x1024xbf16>, vector<2048x1024xf32> -> vector<2048x1024xf32>
    %mul3A_45 = arith.mulf %add3A_39, %dot_general3A_44 : vector<2048x1024xf32>
    %convert_element_type3A_46 = arith.truncf %mul3A_45 : vector<2048x1024xf32> to vector<2048x1024xbf16>
    %get3A_47 = arith.constant 0 : index
    %get3A_48 = arith.constant 0 : index
    %get3A_49 = vector.load %arg9[%get3A_47, %get3A_48] : memref<1024x64xbf16, #tpu.memory_space<vmem>>, vector<1024x64xbf16>
    %dot_general3A_50 = arith.constant dense<0.000000e+00> : vector<2048x64xf32>
    %dot_general3A_51 = tpu.matmul %convert_element_type3A_46, %get3A_49, %dot_general3A_50 {dimension_numbers = #tpu.dot_dimension_numbers<[1], [0], [0], [1], [0, 0, 1, 1], [], []>, transpose_lhs_hint = false} : vector<2048x1024xbf16>, vector<1024x64xbf16>, vector<2048x64xf32> -> vector<2048x64xf32>
    %swap3A = arith.constant 0 : index
    %swap3A_52 = arith.constant 0 : index
    %swap3A_53 = vector.load %arg10[%swap3A, %swap3A_52] : memref<2048x64xf32, #tpu.memory_space<vmem>>, vector<2048x64xf32>
    tpu.vector_store %arg10[%swap3A, %swap3A_52], %dot_general3A_51 {strides = array<i32>} : memref<2048x64xf32, #tpu.memory_space<vmem>>, vector<2048x64xf32>,
    return
  }
  func.func @transform_0(%arg0: i32) -> (i32, i32) {
    %c0_i32 = arith.constant 0 : i32
    %c0_i32_0 = arith.constant 0 : i32
    return %arg0, %c0_i32 : i32, i32
  }
  func.func @transform_1(%arg0: i32) -> (i32, i32) {
    %c0_i32 = arith.constant 0 : i32
    %c0_i32_0 = arith.constant 0 : i32
    return %arg0, %c0_i32 : i32, i32
  }
  func.func @transform_2(%arg0: i32) -> (i32, i32) {
    %c0_i32 = arith.constant 0 : i32
    %c0_i32_0 = arith.constant 0 : i32
    %c0_i32_1 = arith.constant 0 : i32
    return %c0_i32, %c0_i32_0 : i32, i32
  }
  func.func @transform_3(%arg0: i32) -> (i32, i32) {
    %c0_i32 = arith.constant 0 : i32
    %c0_i32_0 = arith.constant 0 : i32
    %c0_i32_1 = arith.constant 0 : i32
    return %c0_i32, %c0_i32_0 : i32, i32
  }
  func.func @transform_4(%arg0: i32) -> (i32, i32) {
    %c0_i32 = arith.constant 0 : i32
    %c0_i32_0 = arith.constant 0 : i32
    %c0_i32_1 = arith.constant 0 : i32
    return %c0_i32, %c0_i32_0 : i32, i32
  }
  func.func @transform_5(%arg0: i32) -> (i32, i32) {
    %c0_i32 = arith.constant 0 : i32
    %c0_i32_0 = arith.constant 0 : i32
    %c0_i32_1 = arith.constant 0 : i32
    return %c0_i32, %c0_i32_0 : i32, i32
  }
  func.func @transform_6(%arg0: i32) -> (i32, i32) {
    %c0_i32 = arith.constant 0 : i32
    %c0_i32_0 = arith.constant 0 : i32
    %c0_i32_1 = arith.constant 0 : i32
    return %c0_i32, %c0_i32_0 : i32, i32
  }
  func.func @transform_7(%arg0: i32) -> (i32, i32) {
    %c0_i32 = arith.constant 0 : i32
    %c0_i32_0 = arith.constant 0 : i32
    %c0_i32_1 = arith.constant 0 : i32
    return %c0_i32, %c0_i32_0 : i32, i32
  }
  func.func @transform_8(%arg0: i32) -> (i32, i32) {
    %c0_i32 = arith.constant 0 : i32
    %c0_i32_0 = arith.constant 0 : i32
    %c0_i32_1 = arith.constant 0 : i32
    return %c0_i32, %c0_i32_0 : i32, i32
  }
  func.func @transform_9(%arg0: i32) -> (i32, i32) {
    %c0_i32 = arith.constant 0 : i32
    %c0_i32_0 = arith.constant 0 : i32
    return %arg0, %c0_i32 : i32, i32
  }
}

module attributes {stable_mosaic.version = 14 : i64} {
  func.func @_combine_body(%arg0: memref<2x1250x128xf32, #tpu.memory_space<vmem>>, %arg1: memref<2x1250x128xf32, #tpu.memory_space<vmem>>, %arg2: memref<1250x128xf32, #tpu.memory_space<vmem>>) attributes {dimension_semantics = [], scalar_prefetch = 0 : i64, scratch_operands = 0 : i64, tpu.core_type = #tpu.core_type<tc>} {
    %get3A = arith.constant 0 : index
    %get3A_0 = arith.constant 0 : index
    %get3A_1 = arith.constant 0 : index
    %get3A_2 = vector.load %arg0[%get3A, %get3A_0, %get3A_1] : memref<2x1250x128xf32, #tpu.memory_space<vmem>>, vector<1x1250x128xf32>
    %get3A_3 = vector.shape_cast %get3A_2 : vector<1x1250x128xf32> to vector<1250x128xf32>
    %get3A_4 = arith.constant 1 : index
    %get3A_5 = arith.constant 0 : index
    %get3A_6 = arith.constant 0 : index
    %get3A_7 = vector.load %arg0[%get3A_4, %get3A_5, %get3A_6] : memref<2x1250x128xf32, #tpu.memory_space<vmem>>, vector<1x1250x128xf32>
    %get3A_8 = vector.shape_cast %get3A_7 : vector<1x1250x128xf32> to vector<1250x128xf32>
    %add3A = arith.addf %get3A_3, %get3A_8 : vector<1250x128xf32>
    %get3A_9 = arith.constant 0 : index
    %get3A_10 = arith.constant 0 : index
    %get3A_11 = arith.constant 0 : index
    %get3A_12 = vector.load %arg1[%get3A_9, %get3A_10, %get3A_11] : memref<2x1250x128xf32, #tpu.memory_space<vmem>>, vector<1x1250x128xf32>
    %get3A_13 = vector.shape_cast %get3A_12 : vector<1x1250x128xf32> to vector<1250x128xf32>
    %get3A_14 = arith.constant 1 : index
    %get3A_15 = arith.constant 0 : index
    %get3A_16 = arith.constant 0 : index
    %get3A_17 = vector.load %arg1[%get3A_14, %get3A_15, %get3A_16] : memref<2x1250x128xf32, #tpu.memory_space<vmem>>, vector<1x1250x128xf32>
    %get3A_18 = vector.shape_cast %get3A_17 : vector<1x1250x128xf32> to vector<1250x128xf32>
    %add3A_19 = arith.addf %get3A_13, %get3A_18 : vector<1250x128xf32>
    %add3A_20 = arith.addf %add3A, %add3A_19 : vector<1250x128xf32>
    %swap3A = arith.constant 0 : index
    %swap3A_21 = arith.constant 0 : index
    %swap3A_22 = vector.load %arg2[%swap3A, %swap3A_21] : memref<1250x128xf32, #tpu.memory_space<vmem>>, vector<1250x128xf32>
    tpu.vector_store %arg2[%swap3A, %swap3A_21], %add3A_20 {strides = array<i32>} : memref<1250x128xf32, #tpu.memory_space<vmem>>, vector<1250x128xf32>,
    return
  }
}

</mosaic_0001>

<sc_bundles>
// kernel: kernel.14.cloned.1.call-start
scs
__scs_entry_jumppad:
0x0: {  	(pc) =	sbr.rel $0x88, $3  }
0x1: {  	(tag) =	ssettag $0x0;
	lr =	simm.s32 $0x1  }
0x2: {  	[smem:$0x3F9A] =	sst lr;
	_ =	strace $0xD0000000  }
0x3: {  	_ = 	snop  }
0x4: {  	_ = 	snop  }
0x5: {  	_ = 	snop  }
0x6: {  	_ = 	snop  }
0x7: {  	_ = 	snop  }
__scs_overlays_trampoline_lowered:
0x8: {  	[smem:$0x3FA9] =	sst s0  }
0x9: {  	[smem:$0x3FAA] =	sst s1  }
0xa: {  	[smem:$0x3FAB] =	sst s2  }
0xb: {  	[smem:$0x3FAC] =	sst s3  }
0xc: {  	[smem:$0x3FAD] =	sst s4  }
0xd: {  	[smem:$0x3FAE] =	sst s5  }
0xe: {  	[smem:$0x3FAF] =	sst s6  }
0xf: {  	[smem:$0x3FB0] =	sst s7  }
0x10: {  	[smem:$0x3FB1] =	sst s8  }
0x11: {  	[smem:$0x3FB2] =	sst s9;
	s0 =	simm.s32 @!p0 $0x0  }
0x12: {  	s1 =	sld [smem:$0x3F98];
	s0 =	simm.s32 @p0 $0x1  }
0x13: {  	[smem:$0x3FB3] =	sst s0;
	s0 =	simm.s32 @!p1 $0x0  }
0x14: {  	s2 =	sld [smem:$0x3F97];
	s0 =	simm.s32 @p1 $0x1  }
0x15: {  	[smem:$0x3FB4] =	sst s0;
	s0 =	simm.s32 @!p2 $0x0  }
0x16: {  	s3 =	sld [smem:$0x3FDB];
	s0 =	simm.s32 @p2 $0x1  }
0x17: {  	s4 =	simm.s32 $0x1BF5;
	[smem:$0x3FB6] =	sst s0  }
0x18: {  	s0 =	sld [smem:$0x3F99];
	_ =	swait.ge [sflag:s4], $0x0  }
0x19: {  	s7 =	sld [smem:$0x3F9A]  }
0x1a: {  	s8 =	sadd.s32 $0xFFFFE003, lr  }
0x1b: {  	s9 =	sadd.s32 $0xFFFFFEF7, lr;
	s5 =	simm.s32 $0xFFFFFFFF;
	p2 =	slt.u32 s8, $0xFFFFF086  }
0x1c: {  	p1 =	slt.u32 s9, $0xF7A;
	s5 =	simm.s32 @!p2 $0x0  }
0x1d: {  	s5 =	simm.s32 @p1 $0x1;
	p0 =	seq.s32 s7, s2  }
0x1e: {  	s7 =	smul.u32 @!p0 $0xF7A, s2;
	p2 =	seq.s32 @!p0 s5, $0x0  }
0x1f: {  	s9 =	smul.u32 $0xF7A, s1;
	s8 =	simm.s32 @!p0 $0x1BF5;
	p2 =	por !p2, p0  }
0x20: {  	[sflag:s8] =	ssyncset.s32 @!p0 $0xFFFFF086;
	s6 =	sadd.s32 @!p0 s3, s7;
	s7 =	simm.s32 @!p0 $0x108  }
0x21: {  	s3 =	sadd.s32 s3, s9;
	s6 =	sadd.s32 @!p0 $0x88, s6;
	s7 =	simm.s32 @p2 $0x1082  }
0x22: {  	[simem:s7], [sflag:s8] =	dma.local @!p0 [hbm:s6], $0xF7A  }
0x23: {  	s9 =	sor.u32 $0xD0000000, s2;
	s6 =	simm.s32 $0x108;
	_ =	swait.ge @!p0 [sflag:s8], $0x0  }
0x24: {  	s3 =	sadd.s32 $0x88, s3;
	s6 =	simm.s32 @!p1 $0x1082;
	[sflag:s4] =	ssyncset.s32 $0xFFFFF086  }
0x25: {  	[simem:s6], [sflag:s4] =	dma.local [hbm:s3], $0xF7A  }
0x26: {  	[smem:$0x3F9A] =	sst s1;
	(tag) =	ssettag s2;
	_ =	strace s9  }
0x27: {  	s1 =	sld [smem:$0x3FAA]  }
0x28: {  	s2 =	sld [smem:$0x3FAB]  }
0x29: {  	s4 =	sld [smem:$0x3FAD]  }
0x2a: {  	p0 =	seq.s32 s5, $0x0;
	s5 =	sld [smem:$0x3FAE]  }
0x2b: {  	s6 =	sld [smem:$0x3FAF]  }
0x2c: {  	s7 =	sld [smem:$0x3FB0]  }
0x2d: {  	s3 =	simm.s32 $0x108;
	s8 =	sld [smem:$0x3FB1]  }
0x2e: {  	s3 =	simm.s32 @!p0 $0x1082;
	s9 =	sld [smem:$0x3FB2]  }
0x2f: {  	lr =	sadd.s32 s0, s3;
	s0 =	sld [smem:$0x3FA9]  }
0x30: {  	s3 =	sld [smem:$0x3FAC]  }
0x31: {  	[smem:$0x3FB5] =	sst s10  }
0x32: {  	s10 =	sld [smem:$0x3FB3];
	_ =	sdelay $0x3  }
0x33: {  	p0 =	seq.s32 s10, $0x1;
	s10 =	sld [smem:$0x3FB5];
	_ =	sdelay $0x3  }
0x34: {  	[smem:$0x3FB5] =	sst s10  }
0x35: {  	s10 =	sld [smem:$0x3FB4];
	_ =	sdelay $0x3  }
0x36: {  	p1 =	seq.s32 s10, $0x1;
	s10 =	sld [smem:$0x3FB5];
	_ =	sdelay $0x3  }
0x37: {  	[smem:$0x3FB5] =	sst s10  }
0x38: {  	s10 =	sld [smem:$0x3FB6]  }
0x39: {  	_ = 	snop;
	(pc) =	sbr.ind lr, $3  }
0x3a: {  	_ = 	snop  }
0x3b: {  	_ = 	snop  }
0x3c: {  	p2 =	seq.s32 s10, $0x1;
	s10 =	sld [smem:$0x3FB5]  }
0x3d: {  	_ =	shalt  }
0x3e: {  	_ =	shalt  }
0x3f: {  	_ =	shalt  }
0x40: {  	_ =	shalt  }
0x41: {  	_ =	shalt  }
0x42: {  	_ =	shalt  }
0x43: {  	_ =	shalt  }
0x44: {  	_ =	shalt  }
0x45: {  	_ =	shalt  }
0x46: {  	_ =	shalt  }
0x47: {  	_ =	shalt  }
0x48: {  	_ =	shalt  }
0x49: {  	_ =	shalt  }
0x4a: {  	_ =	shalt  }
0x4b: {  	_ =	shalt  }
0x4c: {  	_ =	shalt  }
0x4d: {  	_ =	shalt  }
0x4e: {  	_ =	shalt  }
0x4f: {  	_ =	shalt  }
0x50: {  	_ =	shalt  }
0x51: {  	_ =	shalt  }
0x52: {  	_ =	shalt  }
0x53: {  	_ =	shalt  }
0x54: {  	_ =	shalt  }
0x55: {  	_ =	shalt  }
0x56: {  	_ =	shalt  }
0x57: {  	_ =	shalt  }
0x58: {  	_ =	shalt  }
0x59: {  	_ =	shalt  }
0x5a: {  	_ =	shalt  }
0x5b: {  	_ =	shalt  }
0x5c: {  	_ =	shalt  }
0x5d: {  	_ =	shalt  }
0x5e: {  	_ =	shalt  }
0x5f: {  	_ =	shalt  }
0x60: {  	_ =	shalt  }
0x61: {  	_ =	shalt  }
0x62: {  	_ =	shalt  }
0x63: {  	_ =	shalt  }
0x64: {  	_ =	shalt  }
0x65: {  	_ =	shalt  }
0x66: {  	_ =	shalt  }
0x67: {  	_ =	shalt  }
0x68: {  	_ =	shalt  }
0x69: {  	_ =	shalt  }
0x6a: {  	_ =	shalt  }
0x6b: {  	_ =	shalt  }
0x6c: {  	_ =	shalt  }
0x6d: {  	_ =	shalt  }
0x6e: {  	_ =	shalt  }
0x6f: {  	_ =	shalt  }
0x70: {  	_ =	shalt  }
0x71: {  	_ =	shalt  }
0x72: {  	_ =	shalt  }
0x73: {  	_ =	shalt  }
0x74: {  	_ =	shalt  }
0x75: {  	_ =	shalt  }
0x76: {  	_ =	shalt  }
0x77: {  	_ =	shalt  }
0x78: {  	_ =	shalt  }
0x79: {  	_ =	shalt  }
0x7a: {  	_ =	shalt  }
0x7b: {  	_ =	shalt  }
0x7c: {  	_ =	shalt  }
0x7d: {  	_ =	shalt  }
0x7e: {  	_ =	shalt  }
0x7f: {  	_ =	shalt  }
0x80: {  	_ =	shalt  }
0x81: {  	_ =	shalt  }
0x82: {  	_ =	shalt  }
0x83: {  	_ =	shalt  }
0x84: {  	_ =	shalt  }
0x85: {  	_ =	shalt  }
0x86: {  	_ =	shalt  }
0x87: {  	_ =	shalt  }
.Lfunc_end0:
.L_simem_size_0:
called_computation_lowered:
.L_overlay_start_0:
0x88: {  	s2 =	sld [smem:$0x3FD9]  }
0x89: {  	s3 =	sld [smem:$0x3FFE];
	_ =	sdelay $0x1  }
0x8a: {  	s1 =	srdreg.scid  }
0x8b: {  	s0 =	sand.u32 $0x1, s1  }
0x8c: {  	s17 =	sshll.u32 s0, $0xA;
	s2 =	sadd.s32 s3, s2  }
0x8d: {  	s2 =	sadd.s32 s2, s17  }
0x8e: {  	[smem:$0x3FC1] =	sst s2  }
0x8f: {  	_ = 	snop  }
0x90: {  	(tm) =	ssettm $0x1  }
0x91: {  	s18 =	sld [smem:$0x3FFB];
	_ =	sdelay $0x3  }
0x92: {  	_ =	strace s18  }
0x93: {  	s2 =	sld [smem:$0x3FFC];
	_ =	sdelay $0x3  }
0x94: {  	_ =	strace s2  }
0x95: {  	s2 =	sld [smem:$0x3FFD];
	_ =	sdelay $0x3  }
0x96: {  	_ =	strace s2  }
0x97: {  	_ =	strace $0x8FFFFFFF  }
0x98: {  	s19 =	sld [smem:$0x3FDB];
	_ =	sdelay $0x1  }
0x99: {  	s20 =	simm.s32 $_scs_section_size  }
0x9a: {  	s4 =	simm.s32 $_size__tile_overlayer_lowered;
	s5 =	simm.s32 $_tile_overlayer_lowered  }
0x9b: {  	s6 =	simm.s32 $0x1BFF;
	s21 =	sshll.u32 s5, $0x1;
	s3 =	sadd.s32 s20, s19  }
0x9c: {  	s22 =	simm.s32 $0x0;
	s4 =	sshll.u32 s4, $0x1;
	s5 =	sadd.s32 s21, s3  }
0x9d: {  	[timem:s22], [sflag:s6] =	dma.local [hbm:s5], s4  }
0x9e: {  	_ =	swait.ge [sflag:s6], s4  }
0x9f: {  	s4 =	ssub.s32 $0x0, s4;
	[sflag:s6] =	ssyncset.done $0x0  }
0xa0: {  	[sflag:s6] =	ssyncadd.s32 s4;
	_ =	sdelay $0x1  }
0xa1: {  	s23 =	simm.s32 $0x1B8B  }
0xa2: {  	_ =	swait.ge [sflag:s23], $0x1  }
0xa3: {  	[sflag:s23] =	ssyncset.done $0x0  }
0xa4: {  	[sflag:s23] =	ssyncadd.s32 $0xFFFFFFFF  }
0xa5: {  	s4 =	sld [smem:$0x0]  }
0xa6: {  	s5 =	sand.u32 $0xFFFFFFFE, s1  }
0xa7: {  	p0 =	sne.s32 s1, s5  }
0xa8: {  	s5 =	sshll.u32 @p0 s5, $0xE  }
0xa9: {  	s5 =	sadd.s32 @p0 $0x11B8D, s5;
	s6 =	sshll.u32 @p0 s4, $0x11  }
0xaa: {  	s5 =	sor.u32 @p0 s6, s5  }
0xab: {  	[sflag:s5] =	ssyncadd.remote.s32 @p0 $0x1;
	_ =	sdelay $0x1  }
0xac: {  	s5 =	simm.s32 @p0 $0x1B8D  }
0xad: {  	_ =	swait.eq @p0 [sflag:s5], $0x1  }
0xae: {  	[sflag:s5] =	ssyncadd.s32 @p0 $0xFFFFFFFF  }
0xaf: {  	s6 =	sshll.u32 @!p0 s1, $0xE  }
0xb0: {  	s6 =	sor.u32 @!p0 $0x4000, s6;
	s5 =	simm.s32 @!p0 $0x1B8D  }
0xb1: {  	s4 =	sshll.u32 @!p0 s4, $0x11;
	s6 =	sadd.s32 @!p0 $0x11B8D, s6;
	_ =	swait.eq @!p0 [sflag:s5], $0x1  }
0xb2: {  	s4 =	sor.u32 @!p0 s4, s6;
	[sflag:s5] =	ssyncadd.s32 @!p0 $0xFFFFFFFF  }
0xb3: {  	s25 =	simm.s32 $0x1B8E;
	s24 =	sld [smem:$0x3FFE];
	[sflag:s4] =	ssyncadd.remote.s32 @!p0 $0x1  }
0xb4: {  	s26 =	simm.s32 $execute0_lowered;
	[smem:$0x3FD2] =	sst s25  }
0xb5: {  	s5 =	sshll.u32 s26, $0x1;
	_ =	strace $0x80000058;
	[dreg:$0x1] =	wrdreg $0xFFFFFFFF  }
0xb6: {  	s28 =	simm.s32 $_size_execute0_lowered;
	s3 =	sadd.s32 s3, s5;
	[dreg:$0x0] =	wrdreg $0x0  }
0xb7: {  	s5 =	sshll.u32 s28, $0x1;
	[dreg:$0x2] =	wrdreg s3  }
0xb8: {  	[dreg:$0x3] =	wrdreg s5  }
0xb9: {  	[dreg:$0x4] =	wrdreg $0xC0  }
0xba: {  	_ =	task [dreg:s22], $0x5FFFF  }
0xbb: {  	[dreg:$0x1] =	wrdreg $0xFFFFFFFF  }
0xbc: {  	[dreg:$0x0] =	wrdreg $0x60  }
0xbd: {  	[dreg:$0x2] =	wrdreg s24  }
0xbe: {  	[dreg:$0x3] =	wrdreg $0x9  }
0xbf: {  	_ =	task.clear_ibuf [dreg:s22], $0x4FFFF;
	_ =	strace $0x90000058  }
0xc0: {  	s29 =	simm.s32 $0x9;
	_ =	strace $0x8000005A  }
0xc1: {  	_ =	swait.ge [sflag:s29], $0x1  }
0xc2: {  	[sflag:s29] =	ssyncadd.s32 $0xFFFFFFFF  }
0xc3: {  	_ =	strace $0x9000005A  }
0xc4: {  	_ =	sfence  }
0xc5: {  	s30 =	sld [smem:$0x0];
	_ =	sdelay $0x2  }
0xc6: {  	s31 =	sshll.u32 s1, $0xD;
	s1 =	sshrl.u32 s1, $0x2  }
0xc7: {  	s4 =	sand.u32 $0x4000, s31;
	s1 =	sadd.s32 s1, s30  }
0xc8: {  	s0 =	sor.u32 s4, s0;
	s1 =	sshll.u32 s1, $0x11  }
0xc9: {  	s0 =	sor.u32 s1, s0  }
0xca: {  	s0 =	sadd.s32 $0x8F2B, s0  }
0xcb: {  	[sflag:s0] =	ssyncadd.remote.s32 $0x1  }
0xcc: {  	_ =	sfence.sel $0xFFFF  }
0xcd: {  	[dreg:$0x0] =	wrdreg $0xFFFFFFFF;
	(pc) =	sbr.abs _section_cstart, $3  }
0xce: {  	[dreg:$0x1] =	wrdreg $0xFFFFFFFF  }
0xcf: {  	_ =	task.clear_ibuf [dreg:s22], $0x2FFFF;
	_ =	strace $0x9FFFFFFF  }
0xd0: {  	(tm) =	ssettm $0x7FFFFFFF  }
0xd1: {  	_ =	shalt  }
tec
execute0_lowered:
.L_overlay_start_1:
0x0: {  	(tag) =	ssettag $0x1  }
0x1: {  	s0 =	srdreg.scid  }
0x2: {  	s6 =	sand.u32 $0x1, s0;
	s0 =	stileid.u32  }
0x3: {  	s2 =	sor.u32 s0, s6  }
0x4: {  	p0 =	sne.s32 s2, $0x0  }
.Ltmp0:
0x5: {  	_ = 	snop;
	(pc) =	sbr.rel @p0 .LBB2_4-.Ltmp0, $3  }
0x6: {  	_ =	sdelay $0x1  }
0x7: {  	s5 =	rddreg [dreg:$0x0]  }
0x8: {  	s1 =	rddreg [dreg:$0x1];
	_ =	strace $0x80000059  }
0x9: {  	s2 =	sadd.s32 $0x41000, s5;
	s4 =	simm.s32 $0x0;
	s6 =	ssub.s32 $0x2, s6  }
0xa: {  	[tilespmem:s4], [sflag:$0x1] =	stream.linear.gather [hbm4b:s2+s4], $0x100, $0x38;
	[tilespmem:$0x100] =	vst v63  }
0xb: {  	s7 =	sshrl.u32 s6, $0x1  }
0xc: {  	s3 =	simm.s32 $0x1;
	s6 =	ssub.s32 s6, s7  }
0xd: {  	_ =	swait.ge [sflag:s3], $0x100;
	p0 =	sne.s32 s6, $0x1  }
.Ltmp1:
0xe: {  	[sflag:s3] =	ssyncset.done $0x0;
	(pc) =	sbr.rel @!p0 .LBB2_3-.Ltmp1, $4  }
0xf: {  	s5 =	sadd.s32 $0x6DC00, s5;
	[sflag:s3] =	ssyncadd.s32 $0xFFFFFF00  }
0x10: {  	[hbm4b:s5+s4] =	stream.linear.scatter [tilespmem:s4], [sflag:$0x1], $0x100, $0x38;
	[tilespmem:$0x100] =	vst v63  }
0x11: {  	_ =	swait.ge [sflag:s3], $0x100  }
0x12: {  	s6 =	sadd.s32 $0xFFFFFFFF, s6;
	[sflag:s3] =	ssyncset.done $0x0  }
.LBB2_2:
0x13: {  	p0 =	sne.s32 s6, $0x1;
	s6 =	sadd.s32 $0xFFFFFFFF, s6;
	[sflag:s3] =	ssyncadd.s32 $0xFFFFFF00  }
0x14: {  	[tilespmem:s4], [sflag:$0x1] =	stream.linear.gather [hbm4b:s2+s4], $0x100, $0x38;
	[tilespmem:$0x100] =	vst v63  }
0x15: {  	_ =	swait.ge [sflag:s3], $0x100  }
.Ltmp2:
0x16: {  	[sflag:s3] =	ssyncset.done $0x0;
	(pc) =	sbr.rel @p0 .LBB2_2-.Ltmp2, $4  }
0x17: {  	[sflag:s3] =	ssyncadd.s32 $0xFFFFFF00  }
0x18: {  	[hbm4b:s5+s4] =	stream.linear.scatter [tilespmem:s4], [sflag:$0x1], $0x100, $0x38;
	[tilespmem:$0x100] =	vst v63  }
0x19: {  	_ =	swait.ge [sflag:s3], $0x100  }
0x1a: {  	[sflag:s3] =	ssyncset.done $0x0  }
.LBB2_3:
0x1b: {  	[sflag:s3] =	ssyncadd.s32 $0xFFFFFF00  }
.LBB2_4:
0x1c: {  	_ =	sfence.sel $0x180000  }
0x1d: {  	[bflag:$0x0] =	sbarrier.arrive $0xFFFF  }
0x1e: {  	p0 =	sne.s32 s0, $0x0;
	_ =	strace $0x90000059  }
0x1f: {  	s0 =	sadd.s32 @!p0 $0x100000, s1;
	[bflag:$0x2] =	sbarrier.arrive $0xFFFF  }
0x20: {  	[sflag:s0] =	ssyncadd.tile.s32 @!p0 $0x1;
	_ =	shalt  }
.Lfunc_end2:
_tile_overlayer_lowered:
.L_overlay_start_2:
0x21: {  	(tag) =	ssettag $0x2  }
0x22: {  	s0 =	rddreg [dreg:$0x0];
	s2 =	stileid.u32  }
0x23: {  	s1 =	rddreg [dreg:$0x1];
	p0 =	sne.s32 s2, $0x0  }
0x24: {  	s3 =	rddreg [dreg:$0x2];
	[bflag:$0x3] =	sbarrier.arrive $0xFFFF;
	s2 =	simm.s32 @!p0 $0x1C01  }
0x25: {  	[timem:s3], [sflag:s2] =	dma.local @!p0 [hbm:s0], s1  }
0x26: {  	s0 =	simm.s32 @!p0 $0x1  }
0x27: {  	_ =	swait.ge @!p0 [sflag:s0], s1  }
0x28: {  	s1 =	ssub.s32 @!p0 $0x0, s1;
	[sflag:s0] =	ssyncset.done @!p0 $0x0  }
0x29: {  	[sflag:s0] =	ssyncadd.s32 @!p0 s1  }
0x2a: {  	[bflag:$0x3] =	sbarrier.arrive $0xFFFF  }
0x2b: {  	_ =	shalt  }

// kernel: kernel.17.cloned.1.call-start
scs
__scs_entry_jumppad:
0x0: {  	(pc) =	sbr.rel $0x88, $3  }
0x1: {  	(tag) =	ssettag $0x0;
	lr =	simm.s32 $0x1  }
0x2: {  	[smem:$0x3F9A] =	sst lr;
	_ =	strace $0xD0000000  }
0x3: {  	_ = 	snop  }
0x4: {  	_ = 	snop  }
0x5: {  	_ = 	snop  }
0x6: {  	_ = 	snop  }
0x7: {  	_ = 	snop  }
__scs_overlays_trampoline_lowered:
0x8: {  	[smem:$0x3FA9] =	sst s0  }
0x9: {  	[smem:$0x3FAA] =	sst s1  }
0xa: {  	[smem:$0x3FAB] =	sst s2  }
0xb: {  	[smem:$0x3FAC] =	sst s3  }
0xc: {  	[smem:$0x3FAD] =	sst s4  }
0xd: {  	[smem:$0x3FAE] =	sst s5  }
0xe: {  	[smem:$0x3FAF] =	sst s6  }
0xf: {  	[smem:$0x3FB0] =	sst s7  }
0x10: {  	[smem:$0x3FB1] =	sst s8  }
0x11: {  	[smem:$0x3FB2] =	sst s9;
	s0 =	simm.s32 @!p0 $0x0  }
0x12: {  	s1 =	sld [smem:$0x3F98];
	s0 =	simm.s32 @p0 $0x1  }
0x13: {  	[smem:$0x3FB3] =	sst s0;
	s0 =	simm.s32 @!p1 $0x0  }
0x14: {  	s2 =	sld [smem:$0x3F97];
	s0 =	simm.s32 @p1 $0x1  }
0x15: {  	[smem:$0x3FB4] =	sst s0;
	s0 =	simm.s32 @!p2 $0x0  }
0x16: {  	s3 =	sld [smem:$0x3FDB];
	s0 =	simm.s32 @p2 $0x1  }
0x17: {  	s4 =	simm.s32 $0x1BF5;
	[smem:$0x3FB6] =	sst s0  }
0x18: {  	s0 =	sld [smem:$0x3F99];
	_ =	swait.ge [sflag:s4], $0x0  }
0x19: {  	s7 =	sld [smem:$0x3F9A]  }
0x1a: {  	s8 =	sadd.s32 $0xFFFFE003, lr  }
0x1b: {  	s9 =	sadd.s32 $0xFFFFFEF7, lr;
	s5 =	simm.s32 $0xFFFFFFFF;
	p2 =	slt.u32 s8, $0xFFFFF086  }
0x1c: {  	p1 =	slt.u32 s9, $0xF7A;
	s5 =	simm.s32 @!p2 $0x0  }
0x1d: {  	s5 =	simm.s32 @p1 $0x1;
	p0 =	seq.s32 s7, s2  }
0x1e: {  	s7 =	smul.u32 @!p0 $0xF7A, s2;
	p2 =	seq.s32 @!p0 s5, $0x0  }
0x1f: {  	s9 =	smul.u32 $0xF7A, s1;
	s8 =	simm.s32 @!p0 $0x1BF5;
	p2 =	por !p2, p0  }
0x20: {  	[sflag:s8] =	ssyncset.s32 @!p0 $0xFFFFF086;
	s6 =	sadd.s32 @!p0 s3, s7;
	s7 =	simm.s32 @!p0 $0x108  }
0x21: {  	s3 =	sadd.s32 s3, s9;
	s6 =	sadd.s32 @!p0 $0x88, s6;
	s7 =	simm.s32 @p2 $0x1082  }
0x22: {  	[simem:s7], [sflag:s8] =	dma.local @!p0 [hbm:s6], $0xF7A  }
0x23: {  	s9 =	sor.u32 $0xD0000000, s2;
	s6 =	simm.s32 $0x108;
	_ =	swait.ge @!p0 [sflag:s8], $0x0  }
0x24: {  	s3 =	sadd.s32 $0x88, s3;
	s6 =	simm.s32 @!p1 $0x1082;
	[sflag:s4] =	ssyncset.s32 $0xFFFFF086  }
0x25: {  	[simem:s6], [sflag:s4] =	dma.local [hbm:s3], $0xF7A  }
0x26: {  	[smem:$0x3F9A] =	sst s1;
	(tag) =	ssettag s2;
	_ =	strace s9  }
0x27: {  	s1 =	sld [smem:$0x3FAA]  }
0x28: {  	s2 =	sld [smem:$0x3FAB]  }
0x29: {  	s4 =	sld [smem:$0x3FAD]  }
0x2a: {  	p0 =	seq.s32 s5, $0x0;
	s5 =	sld [smem:$0x3FAE]  }
0x2b: {  	s6 =	sld [smem:$0x3FAF]  }
0x2c: {  	s7 =	sld [smem:$0x3FB0]  }
0x2d: {  	s3 =	simm.s32 $0x108;
	s8 =	sld [smem:$0x3FB1]  }
0x2e: {  	s3 =	simm.s32 @!p0 $0x1082;
	s9 =	sld [smem:$0x3FB2]  }
0x2f: {  	lr =	sadd.s32 s0, s3;
	s0 =	sld [smem:$0x3FA9]  }
0x30: {  	s3 =	sld [smem:$0x3FAC]  }
0x31: {  	[smem:$0x3FB5] =	sst s10  }
0x32: {  	s10 =	sld [smem:$0x3FB3];
	_ =	sdelay $0x3  }
0x33: {  	p0 =	seq.s32 s10, $0x1;
	s10 =	sld [smem:$0x3FB5];
	_ =	sdelay $0x3  }
0x34: {  	[smem:$0x3FB5] =	sst s10  }
0x35: {  	s10 =	sld [smem:$0x3FB4];
	_ =	sdelay $0x3  }
0x36: {  	p1 =	seq.s32 s10, $0x1;
	s10 =	sld [smem:$0x3FB5];
	_ =	sdelay $0x3  }
0x37: {  	[smem:$0x3FB5] =	sst s10  }
0x38: {  	s10 =	sld [smem:$0x3FB6]  }
0x39: {  	_ = 	snop;
	(pc) =	sbr.ind lr, $3  }
0x3a: {  	_ = 	snop  }
0x3b: {  	_ = 	snop  }
0x3c: {  	p2 =	seq.s32 s10, $0x1;
	s10 =	sld [smem:$0x3FB5]  }
0x3d: {  	_ =	shalt  }
0x3e: {  	_ =	shalt  }
0x3f: {  	_ =	shalt  }
0x40: {  	_ =	shalt  }
0x41: {  	_ =	shalt  }
0x42: {  	_ =	shalt  }
0x43: {  	_ =	shalt  }
0x44: {  	_ =	shalt  }
0x45: {  	_ =	shalt  }
0x46: {  	_ =	shalt  }
0x47: {  	_ =	shalt  }
0x48: {  	_ =	shalt  }
0x49: {  	_ =	shalt  }
0x4a: {  	_ =	shalt  }
0x4b: {  	_ =	shalt  }
0x4c: {  	_ =	shalt  }
0x4d: {  	_ =	shalt  }
0x4e: {  	_ =	shalt  }
0x4f: {  	_ =	shalt  }
0x50: {  	_ =	shalt  }
0x51: {  	_ =	shalt  }
0x52: {  	_ =	shalt  }
0x53: {  	_ =	shalt  }
0x54: {  	_ =	shalt  }
0x55: {  	_ =	shalt  }
0x56: {  	_ =	shalt  }
0x57: {  	_ =	shalt  }
0x58: {  	_ =	shalt  }
0x59: {  	_ =	shalt  }
0x5a: {  	_ =	shalt  }
0x5b: {  	_ =	shalt  }
0x5c: {  	_ =	shalt  }
0x5d: {  	_ =	shalt  }
0x5e: {  	_ =	shalt  }
0x5f: {  	_ =	shalt  }
0x60: {  	_ =	shalt  }
0x61: {  	_ =	shalt  }
0x62: {  	_ =	shalt  }
0x63: {  	_ =	shalt  }
0x64: {  	_ =	shalt  }
0x65: {  	_ =	shalt  }
0x66: {  	_ =	shalt  }
0x67: {  	_ =	shalt  }
0x68: {  	_ =	shalt  }
0x69: {  	_ =	shalt  }
0x6a: {  	_ =	shalt  }
0x6b: {  	_ =	shalt  }
0x6c: {  	_ =	shalt  }
0x6d: {  	_ =	shalt  }
0x6e: {  	_ =	shalt  }
0x6f: {  	_ =	shalt  }
0x70: {  	_ =	shalt  }
0x71: {  	_ =	shalt  }
0x72: {  	_ =	shalt  }
0x73: {  	_ =	shalt  }
0x74: {  	_ =	shalt  }
0x75: {  	_ =	shalt  }
0x76: {  	_ =	shalt  }
0x77: {  	_ =	shalt  }
0x78: {  	_ =	shalt  }
0x79: {  	_ =	shalt  }
0x7a: {  	_ =	shalt  }
0x7b: {  	_ =	shalt  }
0x7c: {  	_ =	shalt  }
0x7d: {  	_ =	shalt  }
0x7e: {  	_ =	shalt  }
0x7f: {  	_ =	shalt  }
0x80: {  	_ =	shalt  }
0x81: {  	_ =	shalt  }
0x82: {  	_ =	shalt  }
0x83: {  	_ =	shalt  }
0x84: {  	_ =	shalt  }
0x85: {  	_ =	shalt  }
0x86: {  	_ =	shalt  }
0x87: {  	_ =	shalt  }
.Lfunc_end0:
.L_simem_size_0:
called_computation.1_lowered:
.L_overlay_start_0:
0x88: {  	s2 =	sld [smem:$0x3FD9]  }
0x89: {  	s3 =	sld [smem:$0x3FFE];
	_ =	sdelay $0x1  }
0x8a: {  	s1 =	srdreg.scid  }
0x8b: {  	s0 =	sand.u32 $0x1, s1  }
0x8c: {  	s17 =	sshll.u32 s0, $0xA;
	s2 =	sadd.s32 s3, s2  }
0x8d: {  	s2 =	sadd.s32 s2, s17  }
0x8e: {  	[smem:$0x3FC1] =	sst s2  }
0x8f: {  	_ = 	snop  }
0x90: {  	s2 =	sld [smem:$0x3FD0];
	(tm) =	ssettm $0x1  }
0x91: {  	s18 =	sld [smem:$0x3FFB];
	_ =	sdelay $0x3  }
0x92: {  	_ =	strace s18  }
0x93: {  	s3 =	sld [smem:$0x3FFC];
	_ =	sdelay $0x3  }
0x94: {  	_ =	strace s3  }
0x95: {  	s3 =	sld [smem:$0x3FFD];
	_ =	sdelay $0x3  }
0x96: {  	_ =	strace s3  }
0x97: {  	_ =	strace $0x8FFFFFFF  }
0x98: {  	s19 =	sld [smem:$0x3FDB];
	_ =	sdelay $0x1  }
0x99: {  	s4 =	simm.s32 $_scs_section_size  }
0x9a: {  	s5 =	simm.s32 $_size__tile_overlayer_lowered;
	s6 =	simm.s32 $_tile_overlayer_lowered  }
0x9b: {  	s22 =	simm.s32 $0x1BFF;
	s21 =	sshll.u32 s6, $0x1;
	s3 =	sadd.s32 s4, s19  }
0x9c: {  	s7 =	simm.s32 $0x0;
	s20 =	sshll.u32 s5, $0x1;
	s5 =	sadd.s32 s21, s3  }
0x9d: {  	[timem:s7], [sflag:s22] =	dma.local [hbm:s5], s20  }
0x9e: {  	_ =	swait.ge [sflag:s22], s20  }
0x9f: {  	s4 =	ssub.s32 $0x0, s20;
	[sflag:s22] =	ssyncset.done $0x0  }
0xa0: {  	[sflag:s22] =	ssyncadd.s32 s4;
	_ =	sdelay $0x1  }
0xa1: {  	s23 =	simm.s32 $0x1B8B  }
0xa2: {  	_ =	swait.ge [sflag:s23], $0x1  }
0xa3: {  	[sflag:s23] =	ssyncset.done $0x0  }
0xa4: {  	s25 =	simm.s32 $0x1B8E;
	s24 =	sld [smem:$0x3FFE];
	[sflag:s23] =	ssyncadd.s32 $0xFFFFFFFF  }
0xa5: {  	s26 =	simm.s32 $execute0_lowered;
	[smem:$0x3FD2] =	sst s25  }
0xa6: {  	s5 =	sshll.u32 s26, $0x1;
	_ =	strace $0x80000046;
	[dreg:$0x1] =	wrdreg $0xFFFFFFFF  }
0xa7: {  	s28 =	simm.s32 $_size_execute0_lowered;
	s3 =	sadd.s32 s3, s5;
	[dreg:$0x0] =	wrdreg $0x0  }
0xa8: {  	s5 =	sshll.u32 s28, $0x1;
	[dreg:$0x2] =	wrdreg s3  }
0xa9: {  	[dreg:$0x3] =	wrdreg s5  }
0xaa: {  	[dreg:$0x4] =	wrdreg $0xC0  }
0xab: {  	_ =	task [dreg:s7], $0x5FFFF  }
0xac: {  	[dreg:$0x1] =	wrdreg $0xFFFFFFFF  }
0xad: {  	[dreg:$0x0] =	wrdreg $0x60  }
0xae: {  	[dreg:$0x2] =	wrdreg s24  }
0xaf: {  	[dreg:$0x3] =	wrdreg s2  }
0xb0: {  	[dreg:$0x4] =	wrdreg $0xB  }
0xb1: {  	_ =	task.clear_ibuf [dreg:s7], $0x5FFFF;
	_ =	strace $0x90000046  }
0xb2: {  	s29 =	simm.s32 $0xB;
	_ =	strace $0x80000048  }
0xb3: {  	_ =	swait.ge [sflag:s29], $0x1  }
0xb4: {  	[sflag:s29] =	ssyncadd.s32 $0xFFFFFFFF  }
0xb5: {  	_ =	strace $0x90000048  }
0xb6: {  	_ =	sfence  }
0xb7: {  	s30 =	sld [smem:$0x0];
	_ =	sdelay $0x2  }
0xb8: {  	s31 =	sshll.u32 s1, $0xD;
	s1 =	sshrl.u32 s1, $0x2  }
0xb9: {  	s3 =	sand.u32 $0x4000, s31;
	s1 =	sadd.s32 s1, s30  }
0xba: {  	s0 =	sor.u32 s3, s0;
	s1 =	sshll.u32 s1, $0x11  }
0xbb: {  	s0 =	sor.u32 s1, s0  }
0xbc: {  	s0 =	sadd.s32 $0x8F2B, s0  }
0xbd: {  	[sflag:s0] =	ssyncadd.remote.s32 $0x1  }
0xbe: {  	_ =	sfence.sel $0xFFFF  }
0xbf: {  	[dreg:$0x0] =	wrdreg $0xFFFFFFFF;
	(pc) =	sbr.abs _section_cstart, $3  }
0xc0: {  	[dreg:$0x1] =	wrdreg $0xFFFFFFFF  }
0xc1: {  	_ =	task.clear_ibuf [dreg:s7], $0x2FFFF;
	_ =	strace $0x9FFFFFFF  }
0xc2: {  	(tm) =	ssettm $0x7FFFFFFF  }
0xc3: {  	_ =	shalt  }
tec
execute0_lowered:
.L_overlay_start_1:
0x0: {  	(tag) =	ssettag $0x1  }
0x1: {  	s0 =	srdreg.scid;
	s1 =	rddreg [dreg:$0x0]  }
0x2: {  	s19 =	stileid.u32;
	s3 =	rddreg [dreg:$0x1]  }
0x3: {  	s30 =	simm.s32 $0x500;
	s10 =	simm.s32 $0x80;
	s21 =	simm.s32 $0x580  }
0x4: {  	s11 =	simm.s32 $0x1A00;
	s22 =	simm.s32 $0x100;
	s12 =	simm.s32 $0x6A00  }
0x5: {  	s23 =	simm.s32 $0x600;
	s13 =	simm.s32 $0x2A00;
	s24 =	simm.s32 $0x180  }
0x6: {  	s14 =	simm.s32 $0x7A00;
	s0 =	sand.u32 $0x1, s0;
	s2 =	sshll.u32 s19, $0x1  }
0x7: {  	s25 =	simm.s32 $0x680;
	s4 =	sor.u32 s0, s2;
	s2 =	simm.s32 $0x0  }
0x8: {  	s26 =	simm.s32 $0x200;
	p0 =	por $0x0, $0x0;
	[smem:$0x7FF] =	sst s2  }
0x9: {  	s28 =	simm.s32 $0x900;
	_ =	strace $0x80000047;
	[dreg:$0x9] =	wrdreg s21  }
0xa: {  	s29 =	simm.s32 $0x480;
	s31 =	simm.s32 $0x980;
	[dreg:$0xa] =	wrdreg s22  }
0xb: {  	s6 =	sadd.s32 $0x5400, s1;
	s8 =	sadd.s32 $0x1A400, s1;
	[dreg:$0xb] =	wrdreg s23  }
0xc: {  	s9 =	sadd.s32 $0x42400, s1;
	s0 =	ssub.s32 $0x2, s0;
	[dreg:$0xc] =	wrdreg s24  }
0xd: {  	s5 =	smul.u32 $0xA0, s4;
	s17 =	sshrl.u32 s0, $0x1;
	[dreg:$0xd] =	wrdreg s25  }
0xe: {  	s4 =	smul.u32 $0x1400, s4;
	s0 =	ssub.s32 s0, s17;
	[dreg:$0xe] =	wrdreg s26  }
0xf: {  	s17 =	simm.s32 $0x4A00;
	s21 =	simm.s32 $0x780;
	s22 =	simm.s32 $0x300  }
0x10: {  	s23 =	simm.s32 $0x800;
	s24 =	simm.s32 $0x380;
	s25 =	simm.s32 $0x880  }
0x11: {  	s26 =	simm.s32 $0x400;
	s7 =	sadd.s32 s5, s1;
	s3 =	sadd.s32 s3, s5  }
0x12: {  	s15 =	sadd.s32 s8, s4;
	s16 =	sadd.s32 s9, s4;
	[dreg:$0x4] =	wrdreg s3  }
0x13: {  	s4 =	sadd.s32 $0xA00, s4;
	s0 =	smax.u32 s0, $0x1;
	[dreg:$0x5] =	wrdreg s15  }
0x14: {  	s5 =	simm.s32 $0xA00;
	s7 =	sadd.s32 $0x19000, s7;
	[dreg:$0x6] =	wrdreg s16  }
0x15: {  	s18 =	sadd.s32 s8, s4;
	s20 =	sadd.s32 s9, s4;
	p1 =	sne.s32 s0, $0x1  }
.Ltmp0:
0x16: {  	s8 =	sadd.s32 $0xF200, s1;
	s3 =	simm.s32 $0x3;
	(pc) =	sbr.rel @!p1 .LBB2_1-.Ltmp0, $4  }
0x17: {  	s4 =	simm.s32 $0x5A00;
	s15 =	simm.s32 $0x3A00;
	[dreg:$0x3] =	wrdreg s7  }
0x18: {  	s16 =	simm.s32 $0x8A00;
	s9 =	simm.s32 $0x1;
	[dreg:$0x7] =	wrdreg s18  }
0x19: {  	s1 =	sadd.s32 $0xFFFFFFFF, s0;
	[dreg:$0x8] =	wrdreg s20;
	s20 =	simm.s32 $0x700  }
0x1a: {  	s18 =	simm.s32 $0x9A00;
	s7 =	simm.s32 $0x2;
	s0 =	rddreg [dreg:$0x3]  }
0x1b: {  	[tilespmem:s2], [sflag:$0x3] =	stream.linear.gather [hbm4b:s0+s2], $0x500, $0x38;
	[tilespmem:$0xAA00] =	vst v63  }
0x1c: {  	_ =	swait.ge [sflag:s3], $0x500  }
0x1d: {  	[sflag:s3] =	ssyncset.done $0x0  }
0x1e: {  	s19 =	rddreg [dreg:$0x4];
	[sflag:s3] =	ssyncadd.s32 $0xFFFFFB00  }
0x1f: {  	[tilespmem:s30], [sflag:$0x3] =	stream.linear.gather [hbm4b:s19+s2], $0x500, $0x38;
	[tilespmem:$0xAA00] =	vst v63  }
0x20: {  	_ =	swait.ge [sflag:s3], $0x500  }
0x21: {  	[sflag:s3] =	ssyncset.done $0x0  }
0x22: {  	[sflag:s3] =	ssyncadd.s32 $0xFFFFFB00  }
0x23: {  	[tilespmem:s5], [sflag:$0x1] =	stream.indirect.gather [hbm4b:s6+s10], $0x20, s2, s10, $0xb8;
	[tilespmem:$0xAA00] =	vst v63  }
0x24: {  	_ = 	snop  }
0x25: {  	[tilespmem:s4], [sflag:$0x2] =	stream.indirect.gather [hbm4b:s8+s10], $0x20, s30, s10, $0xb8;
	[tilespmem:$0xAA00] =	vst v63  }
0x26: {  	_ = 	snop  }
0x27: {  	[tilespmem:s11], [sflag:$0x1] =	stream.indirect.gather [hbm4b:s6+s10], $0x20, s10, s10, $0xb8;
	[tilespmem:$0xAA00] =	vst v63  }
0x28: {  	s0 =	rddreg [dreg:$0x9]  }
0x29: {  	[tilespmem:s12], [sflag:$0x2] =	stream.indirect.gather [hbm4b:s8+s10], $0x20, s0, s10, $0xb8;
	[tilespmem:$0xAA00] =	vst v63  }
0x2a: {  	s19 =	smov.u32 s1;
	s1 =	rddreg [dreg:$0xa]  }
0x2b: {  	[tilespmem:s13], [sflag:$0x1] =	stream.indirect.gather [hbm4b:s6+s10], $0x20, s1, s10, $0xb8;
	[tilespmem:$0xAA00] =	vst v63  }
0x2c: {  	s0 =	rddreg [dreg:$0xb]  }
0x2d: {  	[tilespmem:s14], [sflag:$0x2] =	stream.indirect.gather [hbm4b:s8+s10], $0x20, s0, s10, $0xb8;
	[tilespmem:$0xAA00] =	vst v63  }
0x2e: {  	s1 =	rddreg [dreg:$0xc]  }
0x2f: {  	[tilespmem:s15], [sflag:$0x1] =	stream.indirect.gather [hbm4b:s6+s10], $0x20, s1, s10, $0xb8;
	[tilespmem:$0xAA00] =	vst v63  }
0x30: {  	s0 =	rddreg [dreg:$0xd]  }
0x31: {  	[tilespmem:s16], [sflag:$0x2] =	stream.indirect.gather [hbm4b:s8+s10], $0x20, s0, s10, $0xb8;
	[tilespmem:$0xAA00] =	vst v63  }
0x32: {  	s1 =	rddreg [dreg:$0xe]  }
0x33: {  	[tilespmem:s17], [sflag:$0x1] =	stream.indirect.gather [hbm4b:s6+s10], $0x20, s1, s10, $0xb8;
	[tilespmem:$0xAA00] =	vst v63  }
0x34: {  	_ = 	snop  }
0x35: {  	[tilespmem:s18], [sflag:$0x2] =	stream.indirect.gather [hbm4b:s8+s10], $0x20, s20, s10, $0xb8;
	[tilespmem:$0xAA00] =	vst v63  }
0x36: {  	_ =	swait.ge [sflag:s9], $0x1000  }
0x37: {  	[sflag:s9] =	ssyncset.done $0x0  }
0x38: {  	[sflag:s9] =	ssyncadd.s32 $0xFFFFF000  }
0x39: {  	_ =	swait.ge [sflag:s7], $0x1000  }
0x3a: {  	[sflag:s7] =	ssyncset.done $0x0  }
0x3b: {  	[sflag:s7] =	ssyncadd.s32 $0xFFFFF000  }
0x3c: {  	_ =	swait.ge [sflag:s9], $0x1000  }
0x3d: {  	[sflag:s9] =	ssyncset.done $0x0  }
0x3e: {  	[sflag:s9] =	ssyncadd.s32 $0xFFFFF000  }
0x3f: {  	_ =	swait.ge [sflag:s7], $0x1000  }
0x40: {  	[sflag:s7] =	ssyncset.done $0x0  }
0x41: {  	[sflag:s7] =	ssyncadd.s32 $0xFFFFF000  }
0x42: {  	_ =	swait.ge [sflag:s9], $0x1000  }
0x43: {  	[sflag:s9] =	ssyncset.done $0x0  }
0x44: {  	[sflag:s9] =	ssyncadd.s32 $0xFFFFF000  }
0x45: {  	_ =	swait.ge [sflag:s7], $0x1000  }
0x46: {  	[sflag:s7] =	ssyncset.done $0x0  }
0x47: {  	[sflag:s7] =	ssyncadd.s32 $0xFFFFF000  }
0x48: {  	_ =	swait.ge [sflag:s9], $0x1000  }
0x49: {  	[sflag:s9] =	ssyncset.done $0x0  }
0x4a: {  	[sflag:s9] =	ssyncadd.s32 $0xFFFFF000  }
0x4b: {  	_ =	swait.ge [sflag:s7], $0x1000  }
0x4c: {  	[sflag:s7] =	ssyncset.done $0x0  }
0x4d: {  	[sflag:s7] =	ssyncadd.s32 $0xFFFFF000  }
0x4e: {  	_ =	swait.ge [sflag:s9], $0x1000  }
0x4f: {  	[sflag:s9] =	ssyncset.done $0x0  }
0x50: {  	[sflag:s9] =	ssyncadd.s32 $0xFFFFF000  }
0x51: {  	_ =	swait.ge [sflag:s7], $0x1000  }
0x52: {  	[sflag:s7] =	ssyncset.done $0x0  }
0x53: {  	s1 =	rddreg [dreg:$0x5];
	[sflag:s7] =	ssyncadd.s32 $0xFFFFF000  }
0x54: {  	[hbm4b:s1+s2] =	stream.linear.scatter [tilespmem:s5], [sflag:$0x3], $0x5000, $0x38;
	[tilespmem:$0xAA00] =	vst v63  }
0x55: {  	_ =	swait.ge [sflag:s3], $0x5000  }
0x56: {  	[sflag:s3] =	ssyncset.done $0x0  }
0x57: {  	s1 =	rddreg [dreg:$0x6];
	[sflag:s3] =	ssyncadd.s32 $0xFFFFB000  }
0x58: {  	[hbm4b:s1+s2] =	stream.linear.scatter [tilespmem:s4], [sflag:$0x3], $0x5000, $0x38;
	[tilespmem:$0xAA00] =	vst v63  }
0x59: {  	_ =	swait.ge [sflag:s3], $0x5000  }
0x5a: {  	[sflag:s3] =	ssyncset.done $0x0  }
0x5b: {  	s1 =	simm.s32 $0x280;
	[sflag:s3] =	ssyncadd.s32 $0xFFFFB000  }
0x5c: {  	[tilespmem:s5], [sflag:$0x1] =	stream.indirect.gather [hbm4b:s6+s10], $0x20, s1, s10, $0xb8;
	[tilespmem:$0xAA00] =	vst v63  }
0x5d: {  	_ = 	snop  }
0x5e: {  	[tilespmem:s4], [sflag:$0x2] =	stream.indirect.gather [hbm4b:s8+s10], $0x20, s21, s10, $0xb8;
	[tilespmem:$0xAA00] =	vst v63  }
0x5f: {  	_ = 	snop  }
0x60: {  	[tilespmem:s11], [sflag:$0x1] =	stream.indirect.gather [hbm4b:s6+s10], $0x20, s22, s10, $0xb8;
	[tilespmem:$0xAA00] =	vst v63  }
0x61: {  	_ = 	snop  }
0x62: {  	[tilespmem:s12], [sflag:$0x2] =	stream.indirect.gather [hbm4b:s8+s10], $0x20, s23, s10, $0xb8;
	[tilespmem:$0xAA00] =	vst v63  }
0x63: {  	_ = 	snop  }
0x64: {  	[tilespmem:s13], [sflag:$0x1] =	stream.indirect.gather [hbm4b:s6+s10], $0x20, s24, s10, $0xb8;
	[tilespmem:$0xAA00] =	vst v63  }
0x65: {  	_ = 	snop  }
0x66: {  	[tilespmem:s14], [sflag:$0x2] =	stream.indirect.gather [hbm4b:s8+s10], $0x20, s25, s10, $0xb8;
	[tilespmem:$0xAA00] =	vst v63  }
0x67: {  	_ = 	snop  }
0x68: {  	[tilespmem:s15], [sflag:$0x1] =	stream.indirect.gather [hbm4b:s6+s10], $0x20, s26, s10, $0xb8;
	[tilespmem:$0xAA00] =	vst v63  }
0x69: {  	_ = 	snop  }
0x6a: {  	[tilespmem:s16], [sflag:$0x2] =	stream.indirect.gather [hbm4b:s8+s10], $0x20, s28, s10, $0xb8;
	[tilespmem:$0xAA00] =	vst v63  }
0x6b: {  	_ = 	snop  }
0x6c: {  	[tilespmem:s17], [sflag:$0x1] =	stream.indirect.gather [hbm4b:s6+s10], $0x20, s29, s10, $0xb8;
	[tilespmem:$0xAA00] =	vst v63  }
0x6d: {  	_ = 	snop  }
0x6e: {  	[tilespmem:s18], [sflag:$0x2] =	stream.indirect.gather [hbm4b:s8+s10], $0x20, s31, s10, $0xb8;
	[tilespmem:$0xAA00] =	vst v63  }
0x6f: {  	_ =	swait.ge [sflag:s9], $0x1000  }
0x70: {  	[sflag:s9] =	ssyncset.done $0x0  }
0x71: {  	[sflag:s9] =	ssyncadd.s32 $0xFFFFF000  }
0x72: {  	_ =	swait.ge [sflag:s7], $0x1000  }
0x73: {  	[sflag:s7] =	ssyncset.done $0x0  }
0x74: {  	[sflag:s7] =	ssyncadd.s32 $0xFFFFF000  }
0x75: {  	_ =	swait.ge [sflag:s9], $0x1000  }
0x76: {  	[sflag:s9] =	ssyncset.done $0x0  }
0x77: {  	[sflag:s9] =	ssyncadd.s32 $0xFFFFF000  }
0x78: {  	_ =	swait.ge [sflag:s7], $0x1000  }
0x79: {  	[sflag:s7] =	ssyncset.done $0x0  }
0x7a: {  	[sflag:s7] =	ssyncadd.s32 $0xFFFFF000  }
0x7b: {  	_ =	swait.ge [sflag:s9], $0x1000  }
0x7c: {  	[sflag:s9] =	ssyncset.done $0x0  }
0x7d: {  	[sflag:s9] =	ssyncadd.s32 $0xFFFFF000  }
0x7e: {  	_ =	swait.ge [sflag:s7], $0x1000  }
0x7f: {  	[sflag:s7] =	ssyncset.done $0x0  }
0x80: {  	[sflag:s7] =	ssyncadd.s32 $0xFFFFF000  }
0x81: {  	_ =	swait.ge [sflag:s9], $0x1000  }
0x82: {  	[sflag:s9] =	ssyncset.done $0x0  }
0x83: {  	[sflag:s9] =	ssyncadd.s32 $0xFFFFF000  }
0x84: {  	_ =	swait.ge [sflag:s7], $0x1000  }
0x85: {  	[sflag:s7] =	ssyncset.done $0x0  }
0x86: {  	[sflag:s7] =	ssyncadd.s32 $0xFFFFF000  }
0x87: {  	_ =	swait.ge [sflag:s9], $0x1000  }
0x88: {  	[sflag:s9] =	ssyncset.done $0x0  }
0x89: {  	[sflag:s9] =	ssyncadd.s32 $0xFFFFF000  }
0x8a: {  	_ =	swait.ge [sflag:s7], $0x1000  }
0x8b: {  	[sflag:s7] =	ssyncset.done $0x0  }
0x8c: {  	s1 =	rddreg [dreg:$0x7];
	[sflag:s7] =	ssyncadd.s32 $0xFFFFF000  }
0x8d: {  	[hbm4b:s1+s2] =	stream.linear.scatter [tilespmem:s5], [sflag:$0x3], $0x5000, $0x38;
	[tilespmem:$0xAA00] =	vst v63  }
0x8e: {  	p1 =	sne.s32 s19, $0x1;
	_ =	swait.ge [sflag:s3], $0x5000  }
.Ltmp1:
0x8f: {  	[sflag:s3] =	ssyncset.done $0x0;
	(pc) =	sbr.rel @!p1 .LBB2_3-.Ltmp1, $4  }
0x90: {  	s1 =	rddreg [dreg:$0x8];
	[sflag:s3] =	ssyncadd.s32 $0xFFFFB000  }
0x91: {  	[hbm4b:s1+s2] =	stream.linear.scatter [tilespmem:s4], [sflag:$0x3], $0x5000, $0x38;
	[tilespmem:$0xAA00] =	vst v63  }
0x92: {  	p0 =	por $0x1, $0x1;
	_ =	swait.ge [sflag:s3], $0x5000  }
0x93: {  	s1 =	sadd.s32 $0xFFFFFFFF, s19;
	s0 =	rddreg [dreg:$0x3];
	[sflag:s3] =	ssyncset.done $0x0  }
.LBB2_4:
0x94: {  	[sflag:s3] =	ssyncadd.s32 $0xFFFFB000  }
0x95: {  	[tilespmem:s2], [sflag:$0x3] =	stream.linear.gather [hbm4b:s0+s2], $0x500, $0x38;
	[tilespmem:$0xAA00] =	vst v63  }
0x96: {  	_ =	swait.ge [sflag:s3], $0x500  }
0x97: {  	[sflag:s3] =	ssyncset.done $0x0  }
0x98: {  	s19 =	rddreg [dreg:$0x4];
	[sflag:s3] =	ssyncadd.s32 $0xFFFFFB00  }
0x99: {  	[tilespmem:s30], [sflag:$0x3] =	stream.linear.gather [hbm4b:s19+s2], $0x500, $0x38;
	[tilespmem:$0xAA00] =	vst v63  }
0x9a: {  	_ =	swait.ge [sflag:s3], $0x500  }
0x9b: {  	[sflag:s3] =	ssyncset.done $0x0  }
0x9c: {  	[sflag:s3] =	ssyncadd.s32 $0xFFFFFB00  }
0x9d: {  	[tilespmem:s5], [sflag:$0x1] =	stream.indirect.gather [hbm4b:s6+s10], $0x20, s2, s10, $0xb8;
	[tilespmem:$0xAA00] =	vst v63  }
0x9e: {  	_ = 	snop  }
0x9f: {  	[tilespmem:s4], [sflag:$0x2] =	stream.indirect.gather [hbm4b:s8+s10], $0x20, s30, s10, $0xb8;
	[tilespmem:$0xAA00] =	vst v63  }
0xa0: {  	_ = 	snop  }
0xa1: {  	[tilespmem:s11], [sflag:$0x1] =	stream.indirect.gather [hbm4b:s6+s10], $0x20, s10, s10, $0xb8;
	[tilespmem:$0xAA00] =	vst v63  }
0xa2: {  	s0 =	rddreg [dreg:$0x9]  }
0xa3: {  	[tilespmem:s12], [sflag:$0x2] =	stream.indirect.gather [hbm4b:s8+s10], $0x20, s0, s10, $0xb8;
	[tilespmem:$0xAA00] =	vst v63  }
0xa4: {  	s19 =	rddreg [dreg:$0xa]  }
0xa5: {  	[tilespmem:s13], [sflag:$0x1] =	stream.indirect.gather [hbm4b:s6+s10], $0x20, s19, s10, $0xb8;
	[tilespmem:$0xAA00] =	vst v63  }
0xa6: {  	s0 =	rddreg [dreg:$0xb]  }
0xa7: {  	[tilespmem:s14], [sflag:$0x2] =	stream.indirect.gather [hbm4b:s8+s10], $0x20, s0, s10, $0xb8;
	[tilespmem:$0xAA00] =	vst v63  }
0xa8: {  	s19 =	rddreg [dreg:$0xc]  }
0xa9: {  	[tilespmem:s15], [sflag:$0x1] =	stream.indirect.gather [hbm4b:s6+s10], $0x20, s19, s10, $0xb8;
	[tilespmem:$0xAA00] =	vst v63  }
0xaa: {  	s0 =	rddreg [dreg:$0xd]  }
0xab: {  	[tilespmem:s16], [sflag:$0x2] =	stream.indirect.gather [hbm4b:s8+s10], $0x20, s0, s10, $0xb8;
	[tilespmem:$0xAA00] =	vst v63  }
0xac: {  	s19 =	rddreg [dreg:$0xe]  }
0xad: {  	[tilespmem:s17], [sflag:$0x1] =	stream.indirect.gather [hbm4b:s6+s10], $0x20, s19, s10, $0xb8;
	[tilespmem:$0xAA00] =	vst v63  }
0xae: {  	_ = 	snop  }
0xaf: {  	[tilespmem:s18], [sflag:$0x2] =	stream.indirect.gather [hbm4b:s8+s10], $0x20, s20, s10, $0xb8;
	[tilespmem:$0xAA00] =	vst v63  }
0xb0: {  	_ =	swait.ge [sflag:s9], $0x1000  }
0xb1: {  	[sflag:s9] =	ssyncset.done $0x0  }
0xb2: {  	[sflag:s9] =	ssyncadd.s32 $0xFFFFF000  }
0xb3: {  	_ =	swait.ge [sflag:s7], $0x1000  }
0xb4: {  	[sflag:s7] =	ssyncset.done $0x0  }
0xb5: {  	[sflag:s7] =	ssyncadd.s32 $0xFFFFF000  }
0xb6: {  	_ =	swait.ge [sflag:s9], $0x1000  }
0xb7: {  	[sflag:s9] =	ssyncset.done $0x0  }
0xb8: {  	[sflag:s9] =	ssyncadd.s32 $0xFFFFF000  }
0xb9: {  	_ =	swait.ge [sflag:s7], $0x1000  }
0xba: {  	[sflag:s7] =	ssyncset.done $0x0  }
0xbb: {  	[sflag:s7] =	ssyncadd.s32 $0xFFFFF000  }
0xbc: {  	_ =	swait.ge [sflag:s9], $0x1000  }
0xbd: {  	[sflag:s9] =	ssyncset.done $0x0  }
0xbe: {  	[sflag:s9] =	ssyncadd.s32 $0xFFFFF000  }
0xbf: {  	_ =	swait.ge [sflag:s7], $0x1000  }
0xc0: {  	[sflag:s7] =	ssyncset.done $0x0  }
0xc1: {  	[sflag:s7] =	ssyncadd.s32 $0xFFFFF000  }
0xc2: {  	_ =	swait.ge [sflag:s9], $0x1000  }
0xc3: {  	[sflag:s9] =	ssyncset.done $0x0  }
0xc4: {  	[sflag:s9] =	ssyncadd.s32 $0xFFFFF000  }
0xc5: {  	_ =	swait.ge [sflag:s7], $0x1000  }
0xc6: {  	[sflag:s7] =	ssyncset.done $0x0  }
0xc7: {  	[sflag:s7] =	ssyncadd.s32 $0xFFFFF000  }
0xc8: {  	_ =	swait.ge [sflag:s9], $0x1000  }
0xc9: {  	[sflag:s9] =	ssyncset.done $0x0  }
0xca: {  	[sflag:s9] =	ssyncadd.s32 $0xFFFFF000  }
0xcb: {  	_ =	swait.ge [sflag:s7], $0x1000  }
0xcc: {  	[sflag:s7] =	ssyncset.done $0x0  }
0xcd: {  	s19 =	rddreg [dreg:$0x5];
	[sflag:s7] =	ssyncadd.s32 $0xFFFFF000  }
0xce: {  	[hbm4b:s19+s2] =	stream.linear.scatter [tilespmem:s5], [sflag:$0x3], $0x5000, $0x38;
	[tilespmem:$0xAA00] =	vst v63  }
0xcf: {  	_ =	swait.ge [sflag:s3], $0x5000  }
0xd0: {  	[sflag:s3] =	ssyncset.done $0x0  }
0xd1: {  	s19 =	rddreg [dreg:$0x6];
	[sflag:s3] =	ssyncadd.s32 $0xFFFFB000  }
0xd2: {  	[hbm4b:s19+s2] =	stream.linear.scatter [tilespmem:s4], [sflag:$0x3], $0x5000, $0x38;
	[tilespmem:$0xAA00] =	vst v63  }
0xd3: {  	_ =	swait.ge [sflag:s3], $0x5000  }
0xd4: {  	[sflag:s3] =	ssyncset.done $0x0  }
0xd5: {  	s19 =	simm.s32 $0x280;
	[sflag:s3] =	ssyncadd.s32 $0xFFFFB000  }
0xd6: {  	[tilespmem:s5], [sflag:$0x1] =	stream.indirect.gather [hbm4b:s6+s10], $0x20, s19, s10, $0xb8;
	[tilespmem:$0xAA00] =	vst v63  }
0xd7: {  	_ = 	snop  }
0xd8: {  	[tilespmem:s4], [sflag:$0x2] =	stream.indirect.gather [hbm4b:s8+s10], $0x20, s21, s10, $0xb8;
	[tilespmem:$0xAA00] =	vst v63  }
0xd9: {  	_ = 	snop  }
0xda: {  	[tilespmem:s11], [sflag:$0x1] =	stream.indirect.gather [hbm4b:s6+s10], $0x20, s22, s10, $0xb8;
	[tilespmem:$0xAA00] =	vst v63  }
0xdb: {  	_ = 	snop  }
0xdc: {  	[tilespmem:s12], [sflag:$0x2] =	stream.indirect.gather [hbm4b:s8+s10], $0x20, s23, s10, $0xb8;
	[tilespmem:$0xAA00] =	vst v63  }
0xdd: {  	_ = 	snop  }
0xde: {  	[tilespmem:s13], [sflag:$0x1] =	stream.indirect.gather [hbm4b:s6+s10], $0x20, s24, s10, $0xb8;
	[tilespmem:$0xAA00] =	vst v63  }
0xdf: {  	_ = 	snop  }
0xe0: {  	[tilespmem:s14], [sflag:$0x2] =	stream.indirect.gather [hbm4b:s8+s10], $0x20, s25, s10, $0xb8;
	[tilespmem:$0xAA00] =	vst v63  }
0xe1: {  	_ = 	snop  }
0xe2: {  	[tilespmem:s15], [sflag:$0x1] =	stream.indirect.gather [hbm4b:s6+s10], $0x20, s26, s10, $0xb8;
	[tilespmem:$0xAA00] =	vst v63  }
0xe3: {  	_ = 	snop  }
0xe4: {  	[tilespmem:s16], [sflag:$0x2] =	stream.indirect.gather [hbm4b:s8+s10], $0x20, s28, s10, $0xb8;
	[tilespmem:$0xAA00] =	vst v63  }
0xe5: {  	_ = 	snop  }
0xe6: {  	[tilespmem:s17], [sflag:$0x1] =	stream.indirect.gather [hbm4b:s6+s10], $0x20, s29, s10, $0xb8;
	[tilespmem:$0xAA00] =	vst v63  }
0xe7: {  	_ = 	snop  }
0xe8: {  	[tilespmem:s18], [sflag:$0x2] =	stream.indirect.gather [hbm4b:s8+s10], $0x20, s31, s10, $0xb8;
	[tilespmem:$0xAA00] =	vst v63  }
0xe9: {  	_ =	swait.ge [sflag:s9], $0x1000  }
0xea: {  	[sflag:s9] =	ssyncset.done $0x0  }
0xeb: {  	[sflag:s9] =	ssyncadd.s32 $0xFFFFF000  }
0xec: {  	_ =	swait.ge [sflag:s7], $0x1000  }
0xed: {  	[sflag:s7] =	ssyncset.done $0x0  }
0xee: {  	[sflag:s7] =	ssyncadd.s32 $0xFFFFF000  }
0xef: {  	_ =	swait.ge [sflag:s9], $0x1000  }
0xf0: {  	[sflag:s9] =	ssyncset.done $0x0  }
0xf1: {  	[sflag:s9] =	ssyncadd.s32 $0xFFFFF000  }
0xf2: {  	_ =	swait.ge [sflag:s7], $0x1000  }
0xf3: {  	[sflag:s7] =	ssyncset.done $0x0  }
0xf4: {  	[sflag:s7] =	ssyncadd.s32 $0xFFFFF000  }
0xf5: {  	_ =	swait.ge [sflag:s9], $0x1000  }
0xf6: {  	[sflag:s9] =	ssyncset.done $0x0  }
0xf7: {  	[sflag:s9] =	ssyncadd.s32 $0xFFFFF000  }
0xf8: {  	_ =	swait.ge [sflag:s7], $0x1000  }
0xf9: {  	[sflag:s7] =	ssyncset.done $0x0  }
0xfa: {  	[sflag:s7] =	ssyncadd.s32 $0xFFFFF000  }
0xfb: {  	_ =	swait.ge [sflag:s9], $0x1000  }
0xfc: {  	[sflag:s9] =	ssyncset.done $0x0  }
0xfd: {  	[sflag:s9] =	ssyncadd.s32 $0xFFFFF000  }
0xfe: {  	_ =	swait.ge [sflag:s7], $0x1000  }
0xff: {  	[sflag:s7] =	ssyncset.done $0x0  }
0x100: {  	[sflag:s7] =	ssyncadd.s32 $0xFFFFF000  }
0x101: {  	_ =	swait.ge [sflag:s9], $0x1000  }
0x102: {  	[sflag:s9] =	ssyncset.done $0x0  }
0x103: {  	[sflag:s9] =	ssyncadd.s32 $0xFFFFF000  }
0x104: {  	_ =	swait.ge [sflag:s7], $0x1000  }
0x105: {  	[sflag:s7] =	ssyncset.done $0x0  }
0x106: {  	s19 =	rddreg [dreg:$0x7];
	[sflag:s7] =	ssyncadd.s32 $0xFFFFF000  }
0x107: {  	[hbm4b:s19+s2] =	stream.linear.scatter [tilespmem:s5], [sflag:$0x3], $0x5000, $0x38;
	[tilespmem:$0xAA00] =	vst v63  }
0x108: {  	p1 =	sne.s32 s1, $0x1;
	_ =	swait.ge [sflag:s3], $0x5000  }
.Ltmp2:
0x109: {  	[sflag:s3] =	ssyncset.done $0x0;
	(pc) =	sbr.rel @p1 .LBB2_4-.Ltmp2, $4  }
0x10a: {  	s19 =	rddreg [dreg:$0x8];
	[sflag:s3] =	ssyncadd.s32 $0xFFFFB000  }
0x10b: {  	[hbm4b:s19+s2] =	stream.linear.scatter [tilespmem:s4], [sflag:$0x3], $0x5000, $0x38;
	[tilespmem:$0xAA00] =	vst v63  }
0x10c: {  	_ =	swait.ge [sflag:s3], $0x5000  }
0x10d: {  	s1 =	sadd.s32 $0xFFFFFFFF, s1;
	s0 =	rddreg [dreg:$0x3];
	[sflag:s3] =	ssyncset.done $0x0  }
0x10e: {  	s31 =	simm.s32 $0x700;
	s29 =	simm.s32 $0x480  }
0x10f: {  	s28 =	simm.s32 $0x900;
	s26 =	simm.s32 $0x400;
	s25 =	simm.s32 $0x880  }
0x110: {  	s24 =	simm.s32 $0x380;
	s23 =	simm.s32 $0x800;
	s22 =	simm.s32 $0x300  }
0x111: {  	s21 =	simm.s32 $0x780;
	s20 =	simm.s32 $0x280;
	s19 =	stileid.u32  }
.LBB2_6:
0x112: {  	[sflag:s3] =	ssyncadd.s32 @p0 $0xFFFFB000  }
0x113: {  	[tilespmem:s2], [sflag:$0x3] =	stream.linear.gather [hbm4b:s0+s2], $0x500, $0x38;
	[tilespmem:$0xAA00] =	vst v63  }
0x114: {  	_ =	swait.ge [sflag:s3], $0x500  }
0x115: {  	[sflag:s3] =	ssyncset.done $0x0  }
0x116: {  	s1 =	rddreg [dreg:$0x4];
	[sflag:s3] =	ssyncadd.s32 $0xFFFFFB00  }
0x117: {  	[tilespmem:s30], [sflag:$0x3] =	stream.linear.gather [hbm4b:s1+s2], $0x500, $0x38;
	[tilespmem:$0xAA00] =	vst v63  }
0x118: {  	_ =	swait.ge [sflag:s3], $0x500  }
0x119: {  	[sflag:s3] =	ssyncset.done $0x0  }
0x11a: {  	[sflag:s3] =	ssyncadd.s32 $0xFFFFFB00  }
0x11b: {  	[tilespmem:s5], [sflag:$0x1] =	stream.indirect.gather [hbm4b:s6+s10], $0x20, s2, s10, $0xb8;
	[tilespmem:$0xAA00] =	vst v63  }
0x11c: {  	_ = 	snop  }
0x11d: {  	[tilespmem:s4], [sflag:$0x2] =	stream.indirect.gather [hbm4b:s8+s10], $0x20, s30, s10, $0xb8;
	[tilespmem:$0xAA00] =	vst v63  }
0x11e: {  	_ = 	snop  }
0x11f: {  	[tilespmem:s11], [sflag:$0x1] =	stream.indirect.gather [hbm4b:s6+s10], $0x20, s10, s10, $0xb8;
	[tilespmem:$0xAA00] =	vst v63  }
0x120: {  	s30 =	rddreg [dreg:$0x9]  }
0x121: {  	[tilespmem:s12], [sflag:$0x2] =	stream.indirect.gather [hbm4b:s8+s10], $0x20, s30, s10, $0xb8;
	[tilespmem:$0xAA00] =	vst v63  }
0x122: {  	s1 =	rddreg [dreg:$0xa]  }
0x123: {  	[tilespmem:s13], [sflag:$0x1] =	stream.indirect.gather [hbm4b:s6+s10], $0x20, s1, s10, $0xb8;
	[tilespmem:$0xAA00] =	vst v63  }
0x124: {  	s0 =	rddreg [dreg:$0xb]  }
0x125: {  	[tilespmem:s14], [sflag:$0x2] =	stream.indirect.gather [hbm4b:s8+s10], $0x20, s0, s10, $0xb8;
	[tilespmem:$0xAA00] =	vst v63  }
0x126: {  	s30 =	rddreg [dreg:$0xc]  }
0x127: {  	[tilespmem:s15], [sflag:$0x1] =	stream.indirect.gather [hbm4b:s6+s10], $0x20, s30, s10, $0xb8;
	[tilespmem:$0xAA00] =	vst v63  }
0x128: {  	s0 =	rddreg [dreg:$0xd]  }
0x129: {  	[tilespmem:s16], [sflag:$0x2] =	stream.indirect.gather [hbm4b:s8+s10], $0x20, s0, s10, $0xb8;
	[tilespmem:$0xAA00] =	vst v63  }
0x12a: {  	s30 =	rddreg [dreg:$0xe]  }
0x12b: {  	[tilespmem:s17], [sflag:$0x1] =	stream.indirect.gather [hbm4b:s6+s10], $0x20, s30, s10, $0xb8;
	[tilespmem:$0xAA00] =	vst v63  }
0x12c: {  	_ = 	snop  }
0x12d: {  	[tilespmem:s18], [sflag:$0x2] =	stream.indirect.gather [hbm4b:s8+s10], $0x20, s31, s10, $0xb8;
	[tilespmem:$0xAA00] =	vst v63  }
0x12e: {  	_ =	swait.ge [sflag:s9], $0x1000  }
0x12f: {  	[sflag:s9] =	ssyncset.done $0x0  }
0x130: {  	[sflag:s9] =	ssyncadd.s32 $0xFFFFF000  }
0x131: {  	_ =	swait.ge [sflag:s7], $0x1000  }
0x132: {  	[sflag:s7] =	ssyncset.done $0x0  }
0x133: {  	[sflag:s7] =	ssyncadd.s32 $0xFFFFF000  }
0x134: {  	_ =	swait.ge [sflag:s9], $0x1000  }
0x135: {  	[sflag:s9] =	ssyncset.done $0x0  }
0x136: {  	[sflag:s9] =	ssyncadd.s32 $0xFFFFF000  }
0x137: {  	_ =	swait.ge [sflag:s7], $0x1000  }
0x138: {  	[sflag:s7] =	ssyncset.done $0x0  }
0x139: {  	[sflag:s7] =	ssyncadd.s32 $0xFFFFF000  }
0x13a: {  	_ =	swait.ge [sflag:s9], $0x1000  }
0x13b: {  	[sflag:s9] =	ssyncset.done $0x0  }
0x13c: {  	[sflag:s9] =	ssyncadd.s32 $0xFFFFF000  }
0x13d: {  	_ =	swait.ge [sflag:s7], $0x1000  }
0x13e: {  	[sflag:s7] =	ssyncset.done $0x0  }
0x13f: {  	[sflag:s7] =	ssyncadd.s32 $0xFFFFF000  }
0x140: {  	_ =	swait.ge [sflag:s9], $0x1000  }
0x141: {  	[sflag:s9] =	ssyncset.done $0x0  }
0x142: {  	[sflag:s9] =	ssyncadd.s32 $0xFFFFF000  }
0x143: {  	_ =	swait.ge [sflag:s7], $0x1000  }
0x144: {  	[sflag:s7] =	ssyncset.done $0x0  }
0x145: {  	[sflag:s7] =	ssyncadd.s32 $0xFFFFF000  }
0x146: {  	_ =	swait.ge [sflag:s9], $0x1000  }
0x147: {  	[sflag:s9] =	ssyncset.done $0x0  }
0x148: {  	[sflag:s9] =	ssyncadd.s32 $0xFFFFF000  }
0x149: {  	_ =	swait.ge [sflag:s7], $0x1000  }
0x14a: {  	[sflag:s7] =	ssyncset.done $0x0  }
0x14b: {  	s31 =	rddreg [dreg:$0x5];
	[sflag:s7] =	ssyncadd.s32 $0xFFFFF000  }
0x14c: {  	[hbm4b:s31+s2] =	stream.linear.scatter [tilespmem:s5], [sflag:$0x3], $0x5000, $0x38;
	[tilespmem:$0xAA00] =	vst v63  }
0x14d: {  	_ =	swait.ge [sflag:s3], $0x5000  }
0x14e: {  	[sflag:s3] =	ssyncset.done $0x0  }
0x14f: {  	s1 =	rddreg [dreg:$0x6];
	[sflag:s3] =	ssyncadd.s32 $0xFFFFB000  }
0x150: {  	[hbm4b:s1+s2] =	stream.linear.scatter [tilespmem:s4], [sflag:$0x3], $0x5000, $0x38;
	[tilespmem:$0xAA00] =	vst v63  }
0x151: {  	_ =	swait.ge [sflag:s3], $0x5000  }
0x152: {  	[sflag:s3] =	ssyncset.done $0x0  }
0x153: {  	[sflag:s3] =	ssyncadd.s32 $0xFFFFB000  }
0x154: {  	[tilespmem:s5], [sflag:$0x1] =	stream.indirect.gather [hbm4b:s6+s10], $0x20, s20, s10, $0xb8;
	[tilespmem:$0xAA00] =	vst v63  }
0x155: {  	_ = 	snop  }
0x156: {  	[tilespmem:s4], [sflag:$0x2] =	stream.indirect.gather [hbm4b:s8+s10], $0x20, s21, s10, $0xb8;
	[tilespmem:$0xAA00] =	vst v63  }
0x157: {  	_ = 	snop  }
0x158: {  	[tilespmem:s11], [sflag:$0x1] =	stream.indirect.gather [hbm4b:s6+s10], $0x20, s22, s10, $0xb8;
	[tilespmem:$0xAA00] =	vst v63  }
0x159: {  	_ = 	snop  }
0x15a: {  	[tilespmem:s12], [sflag:$0x2] =	stream.indirect.gather [hbm4b:s8+s10], $0x20, s23, s10, $0xb8;
	[tilespmem:$0xAA00] =	vst v63  }
0x15b: {  	_ = 	snop  }
0x15c: {  	[tilespmem:s13], [sflag:$0x1] =	stream.indirect.gather [hbm4b:s6+s10], $0x20, s24, s10, $0xb8;
	[tilespmem:$0xAA00] =	vst v63  }
0x15d: {  	_ = 	snop  }
0x15e: {  	[tilespmem:s14], [sflag:$0x2] =	stream.indirect.gather [hbm4b:s8+s10], $0x20, s25, s10, $0xb8;
	[tilespmem:$0xAA00] =	vst v63  }
0x15f: {  	_ = 	snop  }
0x160: {  	[tilespmem:s15], [sflag:$0x1] =	stream.indirect.gather [hbm4b:s6+s10], $0x20, s26, s10, $0xb8;
	[tilespmem:$0xAA00] =	vst v63  }
0x161: {  	_ = 	snop  }
0x162: {  	[tilespmem:s16], [sflag:$0x2] =	stream.indirect.gather [hbm4b:s8+s10], $0x20, s28, s10, $0xb8;
	[tilespmem:$0xAA00] =	vst v63  }
0x163: {  	_ = 	snop  }
0x164: {  	[tilespmem:s17], [sflag:$0x1] =	stream.indirect.gather [hbm4b:s6+s10], $0x20, s29, s10, $0xb8;
	[tilespmem:$0xAA00] =	vst v63  }
0x165: {  	s29 =	simm.s32 $0x980  }
0x166: {  	[tilespmem:s18], [sflag:$0x2] =	stream.indirect.gather [hbm4b:s8+s10], $0x20, s29, s10, $0xb8;
	[tilespmem:$0xAA00] =	vst v63  }
0x167: {  	_ =	swait.ge [sflag:s9], $0x1000  }
0x168: {  	[sflag:s9] =	ssyncset.done $0x0  }
0x169: {  	[sflag:s9] =	ssyncadd.s32 $0xFFFFF000  }
0x16a: {  	_ =	swait.ge [sflag:s7], $0x1000  }
0x16b: {  	[sflag:s7] =	ssyncset.done $0x0  }
0x16c: {  	[sflag:s7] =	ssyncadd.s32 $0xFFFFF000  }
0x16d: {  	_ =	swait.ge [sflag:s9], $0x1000  }
0x16e: {  	[sflag:s9] =	ssyncset.done $0x0  }
0x16f: {  	[sflag:s9] =	ssyncadd.s32 $0xFFFFF000  }
0x170: {  	_ =	swait.ge [sflag:s7], $0x1000  }
0x171: {  	[sflag:s7] =	ssyncset.done $0x0  }
0x172: {  	[sflag:s7] =	ssyncadd.s32 $0xFFFFF000  }
0x173: {  	_ =	swait.ge [sflag:s9], $0x1000  }
0x174: {  	[sflag:s9] =	ssyncset.done $0x0  }
0x175: {  	[sflag:s9] =	ssyncadd.s32 $0xFFFFF000  }
0x176: {  	_ =	swait.ge [sflag:s7], $0x1000  }
0x177: {  	[sflag:s7] =	ssyncset.done $0x0  }
0x178: {  	[sflag:s7] =	ssyncadd.s32 $0xFFFFF000  }
0x179: {  	_ =	swait.ge [sflag:s9], $0x1000  }
0x17a: {  	[sflag:s9] =	ssyncset.done $0x0  }
0x17b: {  	[sflag:s9] =	ssyncadd.s32 $0xFFFFF000  }
0x17c: {  	_ =	swait.ge [sflag:s7], $0x1000  }
0x17d: {  	[sflag:s7] =	ssyncset.done $0x0  }
0x17e: {  	[sflag:s7] =	ssyncadd.s32 $0xFFFFF000  }
0x17f: {  	_ =	swait.ge [sflag:s9], $0x1000  }
0x180: {  	[sflag:s9] =	ssyncset.done $0x0  }
0x181: {  	[sflag:s9] =	ssyncadd.s32 $0xFFFFF000  }
0x182: {  	_ =	swait.ge [sflag:s7], $0x1000  }
0x183: {  	[sflag:s7] =	ssyncset.done $0x0  }
0x184: {  	s30 =	rddreg [dreg:$0x7];
	[sflag:s7] =	ssyncadd.s32 $0xFFFFF000  }
0x185: {  	[hbm4b:s30+s2] =	stream.linear.scatter [tilespmem:s5], [sflag:$0x3], $0x5000, $0x38;
	[tilespmem:$0xAA00] =	vst v63  }
0x186: {  	_ =	swait.ge [sflag:s3], $0x5000  }
0x187: {  	[sflag:s3] =	ssyncset.done $0x0  }
0x188: {  	s31 =	rddreg [dreg:$0x8];
	[sflag:s3] =	ssyncadd.s32 $0xFFFFB000  }
0x189: {  	[hbm4b:s31+s2] =	stream.linear.scatter [tilespmem:s4], [sflag:$0x3], $0x5000, $0x38;
	[tilespmem:$0xAA00] =	vst v63  }
0x18a: {  	_ =	swait.ge [sflag:s3], $0x5000  }
0x18b: {  	[sflag:s3] =	ssyncset.done $0x0  }
0x18c: {  	[sflag:s3] =	ssyncadd.s32 $0xFFFFB000  }
0x18d: {  	_ =	sfence.sel $0x180000  }
0x18e: {  	[bflag:$0x0] =	sbarrier.arrive $0xFFFF  }
0x18f: {  	_ =	strace $0x90000047  }
0x190: {  	[bflag:$0x2] =	sbarrier.arrive $0xFFFF  }
0x191: {  	p0 =	sne.s32 s19, $0x0;
	s0 =	rddreg [dreg:$0x2]  }
0x192: {  	s0 =	sadd.s32 @!p0 $0x100000, s0  }
0x193: {  	[sflag:s0] =	ssyncadd.tile.s32 @!p0 $0x1;
	_ =	shalt  }
.LBB2_1:
.Ltmp3:
0x194: {  	(pc) =	sbr.rel .LBB2_6-.Ltmp3, $4  }
0x195: {  	s31 =	simm.s32 $0x700  }
0x196: {  	s29 =	simm.s32 $0x480;
	s28 =	simm.s32 $0x900;
	s26 =	simm.s32 $0x400  }
0x197: {  	s25 =	simm.s32 $0x880;
	s24 =	simm.s32 $0x380;
	s23 =	simm.s32 $0x800  }
0x198: {  	s22 =	simm.s32 $0x300;
	s21 =	simm.s32 $0x780;
	s20 =	simm.s32 $0x280  }
.LBB2_3:
.Ltmp4:
0x199: {  	(pc) =	sbr.rel .LBB2_6-.Ltmp4, $4  }
0x19a: {  	s31 =	simm.s32 $0x700;
	s29 =	simm.s32 $0x480  }
0x19b: {  	s28 =	simm.s32 $0x900;
	s26 =	simm.s32 $0x400;
	s25 =	simm.s32 $0x880  }
0x19c: {  	s24 =	simm.s32 $0x380;
	s23 =	simm.s32 $0x800;
	s22 =	simm.s32 $0x300  }
0x19d: {  	s21 =	simm.s32 $0x780;
	s20 =	simm.s32 $0x280;
	s19 =	stileid.u32  }
.Lfunc_end2:
_tile_overlayer_lowered:
.L_overlay_start_2:
0x19e: {  	(tag) =	ssettag $0x2  }
0x19f: {  	s0 =	rddreg [dreg:$0x0];
	s2 =	stileid.u32  }
0x1a0: {  	s1 =	rddreg [dreg:$0x1];
	p0 =	sne.s32 s2, $0x0  }
0x1a1: {  	s3 =	rddreg [dreg:$0x2];
	[bflag:$0x3] =	sbarrier.arrive $0xFFFF;
	s2 =	simm.s32 @!p0 $0x1C03  }
0x1a2: {  	[timem:s3], [sflag:s2] =	dma.local @!p0 [hbm:s0], s1  }
0x1a3: {  	s0 =	simm.s32 @!p0 $0x3  }
0x1a4: {  	_ =	swait.ge @!p0 [sflag:s0], s1  }
0x1a5: {  	s1 =	ssub.s32 @!p0 $0x0, s1;
	[sflag:s0] =	ssyncset.done @!p0 $0x0  }
0x1a6: {  	[sflag:s0] =	ssyncadd.s32 @!p0 s1  }
0x1a7: {  	[bflag:$0x3] =	sbarrier.arrive $0xFFFF  }
0x1a8: {  	_ =	shalt  }

// kernel: kernel.20.cloned.1.call-start
scs
__scs_entry_jumppad:
0x0: {  	(pc) =	sbr.rel $0x88, $3  }
0x1: {  	(tag) =	ssettag $0x0;
	lr =	simm.s32 $0x1  }
0x2: {  	[smem:$0x3F9A] =	sst lr;
	_ =	strace $0xD0000000  }
0x3: {  	_ = 	snop  }
0x4: {  	_ = 	snop  }
0x5: {  	_ = 	snop  }
0x6: {  	_ = 	snop  }
0x7: {  	_ = 	snop  }
__scs_overlays_trampoline_lowered:
0x8: {  	[smem:$0x3FA9] =	sst s0  }
0x9: {  	[smem:$0x3FAA] =	sst s1  }
0xa: {  	[smem:$0x3FAB] =	sst s2  }
0xb: {  	[smem:$0x3FAC] =	sst s3  }
0xc: {  	[smem:$0x3FAD] =	sst s4  }
0xd: {  	[smem:$0x3FAE] =	sst s5  }
0xe: {  	[smem:$0x3FAF] =	sst s6  }
0xf: {  	[smem:$0x3FB0] =	sst s7  }
0x10: {  	[smem:$0x3FB1] =	sst s8  }
0x11: {  	[smem:$0x3FB2] =	sst s9;
	s0 =	simm.s32 @!p0 $0x0  }
0x12: {  	s1 =	sld [smem:$0x3F98];
	s0 =	simm.s32 @p0 $0x1  }
0x13: {  	[smem:$0x3FB3] =	sst s0;
	s0 =	simm.s32 @!p1 $0x0  }
0x14: {  	s2 =	sld [smem:$0x3F97];
	s0 =	simm.s32 @p1 $0x1  }
0x15: {  	[smem:$0x3FB4] =	sst s0;
	s0 =	simm.s32 @!p2 $0x0  }
0x16: {  	s3 =	sld [smem:$0x3FDB];
	s0 =	simm.s32 @p2 $0x1  }
0x17: {  	s4 =	simm.s32 $0x1BF5;
	[smem:$0x3FB6] =	sst s0  }
0x18: {  	s0 =	sld [smem:$0x3F99];
	_ =	swait.ge [sflag:s4], $0x0  }
0x19: {  	s7 =	sld [smem:$0x3F9A]  }
0x1a: {  	s8 =	sadd.s32 $0xFFFFE003, lr  }
0x1b: {  	s9 =	sadd.s32 $0xFFFFFEF7, lr;
	s5 =	simm.s32 $0xFFFFFFFF;
	p2 =	slt.u32 s8, $0xFFFFF086  }
0x1c: {  	p1 =	slt.u32 s9, $0xF7A;
	s5 =	simm.s32 @!p2 $0x0  }
0x1d: {  	s5 =	simm.s32 @p1 $0x1;
	p0 =	seq.s32 s7, s2  }
0x1e: {  	s7 =	smul.u32 @!p0 $0xF7A, s2;
	p2 =	seq.s32 @!p0 s5, $0x0  }
0x1f: {  	s9 =	smul.u32 $0xF7A, s1;
	s8 =	simm.s32 @!p0 $0x1BF5;
	p2 =	por !p2, p0  }
0x20: {  	[sflag:s8] =	ssyncset.s32 @!p0 $0xFFFFF086;
	s6 =	sadd.s32 @!p0 s3, s7;
	s7 =	simm.s32 @!p0 $0x108  }
0x21: {  	s3 =	sadd.s32 s3, s9;
	s6 =	sadd.s32 @!p0 $0x88, s6;
	s7 =	simm.s32 @p2 $0x1082  }
0x22: {  	[simem:s7], [sflag:s8] =	dma.local @!p0 [hbm:s6], $0xF7A  }
0x23: {  	s9 =	sor.u32 $0xD0000000, s2;
	s6 =	simm.s32 $0x108;
	_ =	swait.ge @!p0 [sflag:s8], $0x0  }
0x24: {  	s3 =	sadd.s32 $0x88, s3;
	s6 =	simm.s32 @!p1 $0x1082;
	[sflag:s4] =	ssyncset.s32 $0xFFFFF086  }
0x25: {  	[simem:s6], [sflag:s4] =	dma.local [hbm:s3], $0xF7A  }
0x26: {  	[smem:$0x3F9A] =	sst s1;
	(tag) =	ssettag s2;
	_ =	strace s9  }
0x27: {  	s1 =	sld [smem:$0x3FAA]  }
0x28: {  	s2 =	sld [smem:$0x3FAB]  }
0x29: {  	s4 =	sld [smem:$0x3FAD]  }
0x2a: {  	p0 =	seq.s32 s5, $0x0;
	s5 =	sld [smem:$0x3FAE]  }
0x2b: {  	s6 =	sld [smem:$0x3FAF]  }
0x2c: {  	s7 =	sld [smem:$0x3FB0]  }
0x2d: {  	s3 =	simm.s32 $0x108;
	s8 =	sld [smem:$0x3FB1]  }
0x2e: {  	s3 =	simm.s32 @!p0 $0x1082;
	s9 =	sld [smem:$0x3FB2]  }
0x2f: {  	lr =	sadd.s32 s0, s3;
	s0 =	sld [smem:$0x3FA9]  }
0x30: {  	s3 =	sld [smem:$0x3FAC]  }
0x31: {  	[smem:$0x3FB5] =	sst s10  }
0x32: {  	s10 =	sld [smem:$0x3FB3];
	_ =	sdelay $0x3  }
0x33: {  	p0 =	seq.s32 s10, $0x1;
	s10 =	sld [smem:$0x3FB5];
	_ =	sdelay $0x3  }
0x34: {  	[smem:$0x3FB5] =	sst s10  }
0x35: {  	s10 =	sld [smem:$0x3FB4];
	_ =	sdelay $0x3  }
0x36: {  	p1 =	seq.s32 s10, $0x1;
	s10 =	sld [smem:$0x3FB5];
	_ =	sdelay $0x3  }
0x37: {  	[smem:$0x3FB5] =	sst s10  }
0x38: {  	s10 =	sld [smem:$0x3FB6]  }
0x39: {  	_ = 	snop;
	(pc) =	sbr.ind lr, $3  }
0x3a: {  	_ = 	snop  }
0x3b: {  	_ = 	snop  }
0x3c: {  	p2 =	seq.s32 s10, $0x1;
	s10 =	sld [smem:$0x3FB5]  }
0x3d: {  	_ =	shalt  }
0x3e: {  	_ =	shalt  }
0x3f: {  	_ =	shalt  }
0x40: {  	_ =	shalt  }
0x41: {  	_ =	shalt  }
0x42: {  	_ =	shalt  }
0x43: {  	_ =	shalt  }
0x44: {  	_ =	shalt  }
0x45: {  	_ =	shalt  }
0x46: {  	_ =	shalt  }
0x47: {  	_ =	shalt  }
0x48: {  	_ =	shalt  }
0x49: {  	_ =	shalt  }
0x4a: {  	_ =	shalt  }
0x4b: {  	_ =	shalt  }
0x4c: {  	_ =	shalt  }
0x4d: {  	_ =	shalt  }
0x4e: {  	_ =	shalt  }
0x4f: {  	_ =	shalt  }
0x50: {  	_ =	shalt  }
0x51: {  	_ =	shalt  }
0x52: {  	_ =	shalt  }
0x53: {  	_ =	shalt  }
0x54: {  	_ =	shalt  }
0x55: {  	_ =	shalt  }
0x56: {  	_ =	shalt  }
0x57: {  	_ =	shalt  }
0x58: {  	_ =	shalt  }
0x59: {  	_ =	shalt  }
0x5a: {  	_ =	shalt  }
0x5b: {  	_ =	shalt  }
0x5c: {  	_ =	shalt  }
0x5d: {  	_ =	shalt  }
0x5e: {  	_ =	shalt  }
0x5f: {  	_ =	shalt  }
0x60: {  	_ =	shalt  }
0x61: {  	_ =	shalt  }
0x62: {  	_ =	shalt  }
0x63: {  	_ =	shalt  }
0x64: {  	_ =	shalt  }
0x65: {  	_ =	shalt  }
0x66: {  	_ =	shalt  }
0x67: {  	_ =	shalt  }
0x68: {  	_ =	shalt  }
0x69: {  	_ =	shalt  }
0x6a: {  	_ =	shalt  }
0x6b: {  	_ =	shalt  }
0x6c: {  	_ =	shalt  }
0x6d: {  	_ =	shalt  }
0x6e: {  	_ =	shalt  }
0x6f: {  	_ =	shalt  }
0x70: {  	_ =	shalt  }
0x71: {  	_ =	shalt  }
0x72: {  	_ =	shalt  }
0x73: {  	_ =	shalt  }
0x74: {  	_ =	shalt  }
0x75: {  	_ =	shalt  }
0x76: {  	_ =	shalt  }
0x77: {  	_ =	shalt  }
0x78: {  	_ =	shalt  }
0x79: {  	_ =	shalt  }
0x7a: {  	_ =	shalt  }
0x7b: {  	_ =	shalt  }
0x7c: {  	_ =	shalt  }
0x7d: {  	_ =	shalt  }
0x7e: {  	_ =	shalt  }
0x7f: {  	_ =	shalt  }
0x80: {  	_ =	shalt  }
0x81: {  	_ =	shalt  }
0x82: {  	_ =	shalt  }
0x83: {  	_ =	shalt  }
0x84: {  	_ =	shalt  }
0x85: {  	_ =	shalt  }
0x86: {  	_ =	shalt  }
0x87: {  	_ =	shalt  }
.Lfunc_end0:
.L_simem_size_0:
called_computation.2_lowered:
.L_overlay_start_0:
0x88: {  	s2 =	sld [smem:$0x3FD9]  }
0x89: {  	s3 =	sld [smem:$0x3FFE];
	_ =	sdelay $0x1  }
0x8a: {  	s1 =	srdreg.scid  }
0x8b: {  	s0 =	sand.u32 $0x1, s1  }
0x8c: {  	s17 =	sshll.u32 s0, $0xA;
	s2 =	sadd.s32 s3, s2  }
0x8d: {  	s2 =	sadd.s32 s2, s17  }
0x8e: {  	[smem:$0x3FC1] =	sst s2  }
0x8f: {  	_ = 	snop  }
0x90: {  	(tm) =	ssettm $0x1  }
0x91: {  	s18 =	sld [smem:$0x3FFB];
	_ =	sdelay $0x3  }
0x92: {  	_ =	strace s18  }
0x93: {  	s2 =	sld [smem:$0x3FFC];
	_ =	sdelay $0x3  }
0x94: {  	_ =	strace s2  }
0x95: {  	s2 =	sld [smem:$0x3FFD];
	_ =	sdelay $0x3  }
0x96: {  	_ =	strace s2  }
0x97: {  	_ =	strace $0x8FFFFFFF  }
0x98: {  	s19 =	sld [smem:$0x3FDB];
	_ =	sdelay $0x1  }
0x99: {  	s20 =	simm.s32 $_scs_section_size  }
0x9a: {  	s4 =	simm.s32 $_size__tile_overlayer_lowered;
	s5 =	simm.s32 $_tile_overlayer_lowered  }
0x9b: {  	s6 =	simm.s32 $0x1BFF;
	s21 =	sshll.u32 s5, $0x1;
	s3 =	sadd.s32 s20, s19  }
0x9c: {  	s22 =	simm.s32 $0x0;
	s4 =	sshll.u32 s4, $0x1;
	s5 =	sadd.s32 s21, s3  }
0x9d: {  	[timem:s22], [sflag:s6] =	dma.local [hbm:s5], s4  }
0x9e: {  	_ =	swait.ge [sflag:s6], s4  }
0x9f: {  	s4 =	ssub.s32 $0x0, s4;
	[sflag:s6] =	ssyncset.done $0x0  }
0xa0: {  	[sflag:s6] =	ssyncadd.s32 s4;
	_ =	sdelay $0x1  }
0xa1: {  	s23 =	simm.s32 $0x1B8B  }
0xa2: {  	_ =	swait.ge [sflag:s23], $0x1  }
0xa3: {  	[sflag:s23] =	ssyncset.done $0x0  }
0xa4: {  	[sflag:s23] =	ssyncadd.s32 $0xFFFFFFFF  }
0xa5: {  	s4 =	sld [smem:$0x0]  }
0xa6: {  	s5 =	sand.u32 $0xFFFFFFFE, s1  }
0xa7: {  	p0 =	sne.s32 s1, s5  }
0xa8: {  	s5 =	sshll.u32 @p0 s5, $0xE  }
0xa9: {  	s5 =	sadd.s32 @p0 $0x11B8D, s5;
	s6 =	sshll.u32 @p0 s4, $0x11  }
0xaa: {  	s5 =	sor.u32 @p0 s6, s5  }
0xab: {  	[sflag:s5] =	ssyncadd.remote.s32 @p0 $0x1;
	_ =	sdelay $0x1  }
0xac: {  	s5 =	simm.s32 @p0 $0x1B8D  }
0xad: {  	_ =	swait.eq @p0 [sflag:s5], $0x1  }
0xae: {  	[sflag:s5] =	ssyncadd.s32 @p0 $0xFFFFFFFF  }
0xaf: {  	s6 =	sshll.u32 @!p0 s1, $0xE  }
0xb0: {  	s6 =	sor.u32 @!p0 $0x4000, s6;
	s5 =	simm.s32 @!p0 $0x1B8D  }
0xb1: {  	s4 =	sshll.u32 @!p0 s4, $0x11;
	s6 =	sadd.s32 @!p0 $0x11B8D, s6;
	_ =	swait.eq @!p0 [sflag:s5], $0x1  }
0xb2: {  	s4 =	sor.u32 @!p0 s4, s6;
	[sflag:s5] =	ssyncadd.s32 @!p0 $0xFFFFFFFF  }
0xb3: {  	s25 =	simm.s32 $0x1B8E;
	s24 =	sld [smem:$0x3FFE];
	[sflag:s4] =	ssyncadd.remote.s32 @!p0 $0x1  }
0xb4: {  	s26 =	simm.s32 $execute0_lowered;
	[smem:$0x3FD2] =	sst s25  }
0xb5: {  	s5 =	sshll.u32 s26, $0x1;
	_ =	strace $0x80000049;
	[dreg:$0x1] =	wrdreg $0xFFFFFFFF  }
0xb6: {  	s28 =	simm.s32 $_size_execute0_lowered;
	s3 =	sadd.s32 s3, s5;
	[dreg:$0x0] =	wrdreg $0x0  }
0xb7: {  	s5 =	sshll.u32 s28, $0x1;
	[dreg:$0x2] =	wrdreg s3  }
0xb8: {  	[dreg:$0x3] =	wrdreg s5  }
0xb9: {  	[dreg:$0x4] =	wrdreg $0xC0  }
0xba: {  	_ =	task [dreg:s22], $0x5FFFF  }
0xbb: {  	[dreg:$0x1] =	wrdreg $0xFFFFFFFF  }
0xbc: {  	[dreg:$0x0] =	wrdreg $0x60  }
0xbd: {  	[dreg:$0x2] =	wrdreg s24  }
0xbe: {  	[dreg:$0x3] =	wrdreg $0xC  }
0xbf: {  	_ =	task.clear_ibuf [dreg:s22], $0x4FFFF;
	_ =	strace $0x90000049  }
0xc0: {  	s29 =	simm.s32 $0xC;
	_ =	strace $0x8000004B  }
0xc1: {  	_ =	swait.ge [sflag:s29], $0x1  }
0xc2: {  	[sflag:s29] =	ssyncadd.s32 $0xFFFFFFFF  }
0xc3: {  	_ =	strace $0x9000004B  }
0xc4: {  	_ =	sfence  }
0xc5: {  	s30 =	sld [smem:$0x0];
	_ =	sdelay $0x2  }
0xc6: {  	s31 =	sshll.u32 s1, $0xD;
	s1 =	sshrl.u32 s1, $0x2  }
0xc7: {  	s4 =	sand.u32 $0x4000, s31;
	s1 =	sadd.s32 s1, s30  }
0xc8: {  	s0 =	sor.u32 s4, s0;
	s1 =	sshll.u32 s1, $0x11  }
0xc9: {  	s0 =	sor.u32 s1, s0  }
0xca: {  	s0 =	sadd.s32 $0x8F2B, s0  }
0xcb: {  	[sflag:s0] =	ssyncadd.remote.s32 $0x1  }
0xcc: {  	_ =	sfence.sel $0xFFFF  }
0xcd: {  	[dreg:$0x0] =	wrdreg $0xFFFFFFFF;
	(pc) =	sbr.abs _section_cstart, $3  }
0xce: {  	[dreg:$0x1] =	wrdreg $0xFFFFFFFF  }
0xcf: {  	_ =	task.clear_ibuf [dreg:s22], $0x2FFFF;
	_ =	strace $0x9FFFFFFF  }
0xd0: {  	(tm) =	ssettm $0x7FFFFFFF  }
0xd1: {  	_ =	shalt  }
tec
execute0_lowered:
.L_overlay_start_1:
0x0: {  	(tag) =	ssettag $0x1  }
0x1: {  	s0 =	srdreg.scid  }
0x2: {  	s19 =	stileid.u32;
	s3 =	rddreg [dreg:$0x0]  }
0x3: {  	s2 =	simm.s32 $0x0;
	s30 =	simm.s32 $0x500;
	s10 =	simm.s32 $0x80  }
0x4: {  	s21 =	simm.s32 $0x580;
	s11 =	simm.s32 $0x1A00;
	s22 =	simm.s32 $0x100  }
0x5: {  	s12 =	simm.s32 $0x6A00;
	s23 =	simm.s32 $0x600;
	s13 =	simm.s32 $0x2A00  }
0x6: {  	s24 =	simm.s32 $0x180;
	s14 =	simm.s32 $0x7A00;
	s25 =	simm.s32 $0x680  }
0x7: {  	s15 =	simm.s32 $0x3A00;
	s26 =	simm.s32 $0x200;
	s9 =	simm.s32 $0x1  }
0x8: {  	p0 =	por $0x0, $0x0;
	s28 =	simm.s32 $0x900;
	[smem:$0x7FF] =	sst s2  }
0x9: {  	s29 =	simm.s32 $0x480;
	_ =	strace $0x8000004A;
	[dreg:$0x8] =	wrdreg s21  }
0xa: {  	s31 =	simm.s32 $0x980;
	s0 =	sand.u32 $0x1, s0;
	[dreg:$0x9] =	wrdreg s22  }
0xb: {  	s1 =	sshll.u32 s19, $0x1;
	s6 =	sadd.s32 $0x5400, s3;
	[dreg:$0xa] =	wrdreg s23  }
0xc: {  	s5 =	sadd.s32 $0x76C00, s3;
	s8 =	sadd.s32 $0x9EC00, s3;
	[dreg:$0xb] =	wrdreg s24  }
0xd: {  	s1 =	sor.u32 s0, s1;
	s0 =	ssub.s32 $0x2, s0;
	[dreg:$0xc] =	wrdreg s25  }
0xe: {  	[dreg:$0xd] =	wrdreg s26;
	s21 =	simm.s32 $0x780;
	s22 =	simm.s32 $0x300  }
0xf: {  	s23 =	simm.s32 $0x800;
	s24 =	simm.s32 $0x380;
	s4 =	smul.u32 $0xA0, s1  }
0x10: {  	s25 =	simm.s32 $0x880;
	s1 =	smul.u32 $0x1400, s1;
	s18 =	sshrl.u32 s0, $0x1  }
0x11: {  	s26 =	simm.s32 $0x400;
	s0 =	ssub.s32 s0, s18;
	s18 =	simm.s32 $0x9A00  }
0x12: {  	s4 =	sadd.s32 s4, s3;
	s16 =	sadd.s32 s5, s1;
	s17 =	sadd.s32 s8, s1  }
0x13: {  	s1 =	sadd.s32 $0xA00, s1;
	s0 =	smax.u32 s0, $0x1;
	[dreg:$0x4] =	wrdreg s16  }
0x14: {  	s7 =	sadd.s32 $0x6A400, s4;
	s4 =	sadd.s32 $0x73000, s4;
	[dreg:$0x5] =	wrdreg s17  }
0x15: {  	s20 =	sadd.s32 s5, s1;
	s1 =	sadd.s32 s8, s1;
	p1 =	sne.s32 s0, $0x1  }
.Ltmp0:
0x16: {  	s8 =	sadd.s32 $0xF200, s3;
	[dreg:$0x2] =	wrdreg s7;
	(pc) =	sbr.rel @!p1 .LBB2_1-.Ltmp0, $4  }
0x17: {  	s3 =	simm.s32 $0x3;
	s5 =	simm.s32 $0xA00;
	[dreg:$0x3] =	wrdreg s4  }
0x18: {  	s16 =	simm.s32 $0x8A00;
	s17 =	simm.s32 $0x4A00;
	[dreg:$0x6] =	wrdreg s20  }
0x19: {  	[dreg:$0x7] =	wrdreg s1;
	s4 =	simm.s32 $0x5A00;
	s20 =	simm.s32 $0x700  }
0x1a: {  	s7 =	simm.s32 $0x2;
	s1 =	sadd.s32 $0xFFFFFFFF, s0;
	s0 =	rddreg [dreg:$0x2]  }
0x1b: {  	[tilespmem:s2], [sflag:$0x3] =	stream.linear.gather [hbm4b:s0+s2], $0x500, $0x38;
	[tilespmem:$0xAA00] =	vst v63  }
0x1c: {  	_ =	swait.ge [sflag:s3], $0x500  }
0x1d: {  	[sflag:s3] =	ssyncset.done $0x0  }
0x1e: {  	s19 =	rddreg [dreg:$0x3];
	[sflag:s3] =	ssyncadd.s32 $0xFFFFFB00  }
0x1f: {  	[tilespmem:s30], [sflag:$0x3] =	stream.linear.gather [hbm4b:s19+s2], $0x500, $0x38;
	[tilespmem:$0xAA00] =	vst v63  }
0x20: {  	_ =	swait.ge [sflag:s3], $0x500  }
0x21: {  	[sflag:s3] =	ssyncset.done $0x0  }
0x22: {  	[sflag:s3] =	ssyncadd.s32 $0xFFFFFB00  }
0x23: {  	[tilespmem:s5], [sflag:$0x1] =	stream.indirect.gather [hbm4b:s6+s10], $0x20, s2, s10, $0xb8;
	[tilespmem:$0xAA00] =	vst v63  }
0x24: {  	_ = 	snop  }
0x25: {  	[tilespmem:s4], [sflag:$0x2] =	stream.indirect.gather [hbm4b:s8+s10], $0x20, s30, s10, $0xb8;
	[tilespmem:$0xAA00] =	vst v63  }
0x26: {  	_ = 	snop  }
0x27: {  	[tilespmem:s11], [sflag:$0x1] =	stream.indirect.gather [hbm4b:s6+s10], $0x20, s10, s10, $0xb8;
	[tilespmem:$0xAA00] =	vst v63  }
0x28: {  	s0 =	rddreg [dreg:$0x8]  }
0x29: {  	[tilespmem:s12], [sflag:$0x2] =	stream.indirect.gather [hbm4b:s8+s10], $0x20, s0, s10, $0xb8;
	[tilespmem:$0xAA00] =	vst v63  }
0x2a: {  	s19 =	smov.u32 s1;
	s1 =	rddreg [dreg:$0x9]  }
0x2b: {  	[tilespmem:s13], [sflag:$0x1] =	stream.indirect.gather [hbm4b:s6+s10], $0x20, s1, s10, $0xb8;
	[tilespmem:$0xAA00] =	vst v63  }
0x2c: {  	s0 =	rddreg [dreg:$0xa]  }
0x2d: {  	[tilespmem:s14], [sflag:$0x2] =	stream.indirect.gather [hbm4b:s8+s10], $0x20, s0, s10, $0xb8;
	[tilespmem:$0xAA00] =	vst v63  }
0x2e: {  	s1 =	rddreg [dreg:$0xb]  }
0x2f: {  	[tilespmem:s15], [sflag:$0x1] =	stream.indirect.gather [hbm4b:s6+s10], $0x20, s1, s10, $0xb8;
	[tilespmem:$0xAA00] =	vst v63  }
0x30: {  	s0 =	rddreg [dreg:$0xc]  }
0x31: {  	[tilespmem:s16], [sflag:$0x2] =	stream.indirect.gather [hbm4b:s8+s10], $0x20, s0, s10, $0xb8;
	[tilespmem:$0xAA00] =	vst v63  }
0x32: {  	s1 =	rddreg [dreg:$0xd]  }
0x33: {  	[tilespmem:s17], [sflag:$0x1] =	stream.indirect.gather [hbm4b:s6+s10], $0x20, s1, s10, $0xb8;
	[tilespmem:$0xAA00] =	vst v63  }
0x34: {  	_ = 	snop  }
0x35: {  	[tilespmem:s18], [sflag:$0x2] =	stream.indirect.gather [hbm4b:s8+s10], $0x20, s20, s10, $0xb8;
	[tilespmem:$0xAA00] =	vst v63  }
0x36: {  	_ =	swait.ge [sflag:s9], $0x1000  }
0x37: {  	[sflag:s9] =	ssyncset.done $0x0  }
0x38: {  	[sflag:s9] =	ssyncadd.s32 $0xFFFFF000  }
0x39: {  	_ =	swait.ge [sflag:s7], $0x1000  }
0x3a: {  	[sflag:s7] =	ssyncset.done $0x0  }
0x3b: {  	[sflag:s7] =	ssyncadd.s32 $0xFFFFF000  }
0x3c: {  	_ =	swait.ge [sflag:s9], $0x1000  }
0x3d: {  	[sflag:s9] =	ssyncset.done $0x0  }
0x3e: {  	[sflag:s9] =	ssyncadd.s32 $0xFFFFF000  }
0x3f: {  	_ =	swait.ge [sflag:s7], $0x1000  }
0x40: {  	[sflag:s7] =	ssyncset.done $0x0  }
0x41: {  	[sflag:s7] =	ssyncadd.s32 $0xFFFFF000  }
0x42: {  	_ =	swait.ge [sflag:s9], $0x1000  }
0x43: {  	[sflag:s9] =	ssyncset.done $0x0  }
0x44: {  	[sflag:s9] =	ssyncadd.s32 $0xFFFFF000  }
0x45: {  	_ =	swait.ge [sflag:s7], $0x1000  }
0x46: {  	[sflag:s7] =	ssyncset.done $0x0  }
0x47: {  	[sflag:s7] =	ssyncadd.s32 $0xFFFFF000  }
0x48: {  	_ =	swait.ge [sflag:s9], $0x1000  }
0x49: {  	[sflag:s9] =	ssyncset.done $0x0  }
0x4a: {  	[sflag:s9] =	ssyncadd.s32 $0xFFFFF000  }
0x4b: {  	_ =	swait.ge [sflag:s7], $0x1000  }
0x4c: {  	[sflag:s7] =	ssyncset.done $0x0  }
0x4d: {  	[sflag:s7] =	ssyncadd.s32 $0xFFFFF000  }
0x4e: {  	_ =	swait.ge [sflag:s9], $0x1000  }
0x4f: {  	[sflag:s9] =	ssyncset.done $0x0  }
0x50: {  	[sflag:s9] =	ssyncadd.s32 $0xFFFFF000  }
0x51: {  	_ =	swait.ge [sflag:s7], $0x1000  }
0x52: {  	[sflag:s7] =	ssyncset.done $0x0  }
0x53: {  	s1 =	rddreg [dreg:$0x4];
	[sflag:s7] =	ssyncadd.s32 $0xFFFFF000  }
0x54: {  	[hbm4b:s1+s2] =	stream.linear.scatter [tilespmem:s5], [sflag:$0x3], $0x5000, $0x38;
	[tilespmem:$0xAA00] =	vst v63  }
0x55: {  	_ =	swait.ge [sflag:s3], $0x5000  }
0x56: {  	[sflag:s3] =	ssyncset.done $0x0  }
0x57: {  	s1 =	rddreg [dreg:$0x5];
	[sflag:s3] =	ssyncadd.s32 $0xFFFFB000  }
0x58: {  	[hbm4b:s1+s2] =	stream.linear.scatter [tilespmem:s4], [sflag:$0x3], $0x5000, $0x38;
	[tilespmem:$0xAA00] =	vst v63  }
0x59: {  	_ =	swait.ge [sflag:s3], $0x5000  }
0x5a: {  	[sflag:s3] =	ssyncset.done $0x0  }
0x5b: {  	s1 =	simm.s32 $0x280;
	[sflag:s3] =	ssyncadd.s32 $0xFFFFB000  }
0x5c: {  	[tilespmem:s5], [sflag:$0x1] =	stream.indirect.gather [hbm4b:s6+s10], $0x20, s1, s10, $0xb8;
	[tilespmem:$0xAA00] =	vst v63  }
0x5d: {  	_ = 	snop  }
0x5e: {  	[tilespmem:s4], [sflag:$0x2] =	stream.indirect.gather [hbm4b:s8+s10], $0x20, s21, s10, $0xb8;
	[tilespmem:$0xAA00] =	vst v63  }
0x5f: {  	_ = 	snop  }
0x60: {  	[tilespmem:s11], [sflag:$0x1] =	stream.indirect.gather [hbm4b:s6+s10], $0x20, s22, s10, $0xb8;
	[tilespmem:$0xAA00] =	vst v63  }
0x61: {  	_ = 	snop  }
0x62: {  	[tilespmem:s12], [sflag:$0x2] =	stream.indirect.gather [hbm4b:s8+s10], $0x20, s23, s10, $0xb8;
	[tilespmem:$0xAA00] =	vst v63  }
0x63: {  	_ = 	snop  }
0x64: {  	[tilespmem:s13], [sflag:$0x1] =	stream.indirect.gather [hbm4b:s6+s10], $0x20, s24, s10, $0xb8;
	[tilespmem:$0xAA00] =	vst v63  }
0x65: {  	_ = 	snop  }
0x66: {  	[tilespmem:s14], [sflag:$0x2] =	stream.indirect.gather [hbm4b:s8+s10], $0x20, s25, s10, $0xb8;
	[tilespmem:$0xAA00] =	vst v63  }
0x67: {  	_ = 	snop  }
0x68: {  	[tilespmem:s15], [sflag:$0x1] =	stream.indirect.gather [hbm4b:s6+s10], $0x20, s26, s10, $0xb8;
	[tilespmem:$0xAA00] =	vst v63  }
0x69: {  	_ = 	snop  }
0x6a: {  	[tilespmem:s16], [sflag:$0x2] =	stream.indirect.gather [hbm4b:s8+s10], $0x20, s28, s10, $0xb8;
	[tilespmem:$0xAA00] =	vst v63  }
0x6b: {  	_ = 	snop  }
0x6c: {  	[tilespmem:s17], [sflag:$0x1] =	stream.indirect.gather [hbm4b:s6+s10], $0x20, s29, s10, $0xb8;
	[tilespmem:$0xAA00] =	vst v63  }
0x6d: {  	_ = 	snop  }
0x6e: {  	[tilespmem:s18], [sflag:$0x2] =	stream.indirect.gather [hbm4b:s8+s10], $0x20, s31, s10, $0xb8;
	[tilespmem:$0xAA00] =	vst v63  }
0x6f: {  	_ =	swait.ge [sflag:s9], $0x1000  }
0x70: {  	[sflag:s9] =	ssyncset.done $0x0  }
0x71: {  	[sflag:s9] =	ssyncadd.s32 $0xFFFFF000  }
0x72: {  	_ =	swait.ge [sflag:s7], $0x1000  }
0x73: {  	[sflag:s7] =	ssyncset.done $0x0  }
0x74: {  	[sflag:s7] =	ssyncadd.s32 $0xFFFFF000  }
0x75: {  	_ =	swait.ge [sflag:s9], $0x1000  }
0x76: {  	[sflag:s9] =	ssyncset.done $0x0  }
0x77: {  	[sflag:s9] =	ssyncadd.s32 $0xFFFFF000  }
0x78: {  	_ =	swait.ge [sflag:s7], $0x1000  }
0x79: {  	[sflag:s7] =	ssyncset.done $0x0  }
0x7a: {  	[sflag:s7] =	ssyncadd.s32 $0xFFFFF000  }
0x7b: {  	_ =	swait.ge [sflag:s9], $0x1000  }
0x7c: {  	[sflag:s9] =	ssyncset.done $0x0  }
0x7d: {  	[sflag:s9] =	ssyncadd.s32 $0xFFFFF000  }
0x7e: {  	_ =	swait.ge [sflag:s7], $0x1000  }
0x7f: {  	[sflag:s7] =	ssyncset.done $0x0  }
0x80: {  	[sflag:s7] =	ssyncadd.s32 $0xFFFFF000  }
0x81: {  	_ =	swait.ge [sflag:s9], $0x1000  }
0x82: {  	[sflag:s9] =	ssyncset.done $0x0  }
0x83: {  	[sflag:s9] =	ssyncadd.s32 $0xFFFFF000  }
0x84: {  	_ =	swait.ge [sflag:s7], $0x1000  }
0x85: {  	[sflag:s7] =	ssyncset.done $0x0  }
0x86: {  	[sflag:s7] =	ssyncadd.s32 $0xFFFFF000  }
0x87: {  	_ =	swait.ge [sflag:s9], $0x1000  }
0x88: {  	[sflag:s9] =	ssyncset.done $0x0  }
0x89: {  	[sflag:s9] =	ssyncadd.s32 $0xFFFFF000  }
0x8a: {  	_ =	swait.ge [sflag:s7], $0x1000  }
0x8b: {  	[sflag:s7] =	ssyncset.done $0x0  }
0x8c: {  	s1 =	rddreg [dreg:$0x6];
	[sflag:s7] =	ssyncadd.s32 $0xFFFFF000  }
0x8d: {  	[hbm4b:s1+s2] =	stream.linear.scatter [tilespmem:s5], [sflag:$0x3], $0x5000, $0x38;
	[tilespmem:$0xAA00] =	vst v63  }
0x8e: {  	p1 =	sne.s32 s19, $0x1;
	_ =	swait.ge [sflag:s3], $0x5000  }
.Ltmp1:
0x8f: {  	[sflag:s3] =	ssyncset.done $0x0;
	(pc) =	sbr.rel @!p1 .LBB2_3-.Ltmp1, $4  }
0x90: {  	s1 =	rddreg [dreg:$0x7];
	[sflag:s3] =	ssyncadd.s32 $0xFFFFB000  }
0x91: {  	[hbm4b:s1+s2] =	stream.linear.scatter [tilespmem:s4], [sflag:$0x3], $0x5000, $0x38;
	[tilespmem:$0xAA00] =	vst v63  }
0x92: {  	p0 =	por $0x1, $0x1;
	_ =	swait.ge [sflag:s3], $0x5000  }
0x93: {  	s1 =	sadd.s32 $0xFFFFFFFF, s19;
	s0 =	rddreg [dreg:$0x2];
	[sflag:s3] =	ssyncset.done $0x0  }
.LBB2_4:
0x94: {  	[sflag:s3] =	ssyncadd.s32 $0xFFFFB000  }
0x95: {  	[tilespmem:s2], [sflag:$0x3] =	stream.linear.gather [hbm4b:s0+s2], $0x500, $0x38;
	[tilespmem:$0xAA00] =	vst v63  }
0x96: {  	_ =	swait.ge [sflag:s3], $0x500  }
0x97: {  	[sflag:s3] =	ssyncset.done $0x0  }
0x98: {  	s19 =	rddreg [dreg:$0x3];
	[sflag:s3] =	ssyncadd.s32 $0xFFFFFB00  }
0x99: {  	[tilespmem:s30], [sflag:$0x3] =	stream.linear.gather [hbm4b:s19+s2], $0x500, $0x38;
	[tilespmem:$0xAA00] =	vst v63  }
0x9a: {  	_ =	swait.ge [sflag:s3], $0x500  }
0x9b: {  	[sflag:s3] =	ssyncset.done $0x0  }
0x9c: {  	[sflag:s3] =	ssyncadd.s32 $0xFFFFFB00  }
0x9d: {  	[tilespmem:s5], [sflag:$0x1] =	stream.indirect.gather [hbm4b:s6+s10], $0x20, s2, s10, $0xb8;
	[tilespmem:$0xAA00] =	vst v63  }
0x9e: {  	_ = 	snop  }
0x9f: {  	[tilespmem:s4], [sflag:$0x2] =	stream.indirect.gather [hbm4b:s8+s10], $0x20, s30, s10, $0xb8;
	[tilespmem:$0xAA00] =	vst v63  }
0xa0: {  	_ = 	snop  }
0xa1: {  	[tilespmem:s11], [sflag:$0x1] =	stream.indirect.gather [hbm4b:s6+s10], $0x20, s10, s10, $0xb8;
	[tilespmem:$0xAA00] =	vst v63  }
0xa2: {  	s0 =	rddreg [dreg:$0x8]  }
0xa3: {  	[tilespmem:s12], [sflag:$0x2] =	stream.indirect.gather [hbm4b:s8+s10], $0x20, s0, s10, $0xb8;
	[tilespmem:$0xAA00] =	vst v63  }
0xa4: {  	s19 =	rddreg [dreg:$0x9]  }
0xa5: {  	[tilespmem:s13], [sflag:$0x1] =	stream.indirect.gather [hbm4b:s6+s10], $0x20, s19, s10, $0xb8;
	[tilespmem:$0xAA00] =	vst v63  }
0xa6: {  	s0 =	rddreg [dreg:$0xa]  }
0xa7: {  	[tilespmem:s14], [sflag:$0x2] =	stream.indirect.gather [hbm4b:s8+s10], $0x20, s0, s10, $0xb8;
	[tilespmem:$0xAA00] =	vst v63  }
0xa8: {  	s19 =	rddreg [dreg:$0xb]  }
0xa9: {  	[tilespmem:s15], [sflag:$0x1] =	stream.indirect.gather [hbm4b:s6+s10], $0x20, s19, s10, $0xb8;
	[tilespmem:$0xAA00] =	vst v63  }
0xaa: {  	s0 =	rddreg [dreg:$0xc]  }
0xab: {  	[tilespmem:s16], [sflag:$0x2] =	stream.indirect.gather [hbm4b:s8+s10], $0x20, s0, s10, $0xb8;
	[tilespmem:$0xAA00] =	vst v63  }
0xac: {  	s19 =	rddreg [dreg:$0xd]  }
0xad: {  	[tilespmem:s17], [sflag:$0x1] =	stream.indirect.gather [hbm4b:s6+s10], $0x20, s19, s10, $0xb8;
	[tilespmem:$0xAA00] =	vst v63  }
0xae: {  	_ = 	snop  }
0xaf: {  	[tilespmem:s18], [sflag:$0x2] =	stream.indirect.gather [hbm4b:s8+s10], $0x20, s20, s10, $0xb8;
	[tilespmem:$0xAA00] =	vst v63  }
0xb0: {  	_ =	swait.ge [sflag:s9], $0x1000  }
0xb1: {  	[sflag:s9] =	ssyncset.done $0x0  }
0xb2: {  	[sflag:s9] =	ssyncadd.s32 $0xFFFFF000  }
0xb3: {  	_ =	swait.ge [sflag:s7], $0x1000  }
0xb4: {  	[sflag:s7] =	ssyncset.done $0x0  }
0xb5: {  	[sflag:s7] =	ssyncadd.s32 $0xFFFFF000  }
0xb6: {  	_ =	swait.ge [sflag:s9], $0x1000  }
0xb7: {  	[sflag:s9] =	ssyncset.done $0x0  }
0xb8: {  	[sflag:s9] =	ssyncadd.s32 $0xFFFFF000  }
0xb9: {  	_ =	swait.ge [sflag:s7], $0x1000  }
0xba: {  	[sflag:s7] =	ssyncset.done $0x0  }
0xbb: {  	[sflag:s7] =	ssyncadd.s32 $0xFFFFF000  }
0xbc: {  	_ =	swait.ge [sflag:s9], $0x1000  }
0xbd: {  	[sflag:s9] =	ssyncset.done $0x0  }
0xbe: {  	[sflag:s9] =	ssyncadd.s32 $0xFFFFF000  }
0xbf: {  	_ =	swait.ge [sflag:s7], $0x1000  }
0xc0: {  	[sflag:s7] =	ssyncset.done $0x0  }
0xc1: {  	[sflag:s7] =	ssyncadd.s32 $0xFFFFF000  }
0xc2: {  	_ =	swait.ge [sflag:s9], $0x1000  }
0xc3: {  	[sflag:s9] =	ssyncset.done $0x0  }
0xc4: {  	[sflag:s9] =	ssyncadd.s32 $0xFFFFF000  }
0xc5: {  	_ =	swait.ge [sflag:s7], $0x1000  }
0xc6: {  	[sflag:s7] =	ssyncset.done $0x0  }
0xc7: {  	[sflag:s7] =	ssyncadd.s32 $0xFFFFF000  }
0xc8: {  	_ =	swait.ge [sflag:s9], $0x1000  }
0xc9: {  	[sflag:s9] =	ssyncset.done $0x0  }
0xca: {  	[sflag:s9] =	ssyncadd.s32 $0xFFFFF000  }
0xcb: {  	_ =	swait.ge [sflag:s7], $0x1000  }
0xcc: {  	[sflag:s7] =	ssyncset.done $0x0  }
0xcd: {  	s19 =	rddreg [dreg:$0x4];
	[sflag:s7] =	ssyncadd.s32 $0xFFFFF000  }
0xce: {  	[hbm4b:s19+s2] =	stream.linear.scatter [tilespmem:s5], [sflag:$0x3], $0x5000, $0x38;
	[tilespmem:$0xAA00] =	vst v63  }
0xcf: {  	_ =	swait.ge [sflag:s3], $0x5000  }
0xd0: {  	[sflag:s3] =	ssyncset.done $0x0  }
0xd1: {  	s19 =	rddreg [dreg:$0x5];
	[sflag:s3] =	ssyncadd.s32 $0xFFFFB000  }
0xd2: {  	[hbm4b:s19+s2] =	stream.linear.scatter [tilespmem:s4], [sflag:$0x3], $0x5000, $0x38;
	[tilespmem:$0xAA00] =	vst v63  }
0xd3: {  	_ =	swait.ge [sflag:s3], $0x5000  }
0xd4: {  	[sflag:s3] =	ssyncset.done $0x0  }
0xd5: {  	s19 =	simm.s32 $0x280;
	[sflag:s3] =	ssyncadd.s32 $0xFFFFB000  }
0xd6: {  	[tilespmem:s5], [sflag:$0x1] =	stream.indirect.gather [hbm4b:s6+s10], $0x20, s19, s10, $0xb8;
	[tilespmem:$0xAA00] =	vst v63  }
0xd7: {  	_ = 	snop  }
0xd8: {  	[tilespmem:s4], [sflag:$0x2] =	stream.indirect.gather [hbm4b:s8+s10], $0x20, s21, s10, $0xb8;
	[tilespmem:$0xAA00] =	vst v63  }
0xd9: {  	_ = 	snop  }
0xda: {  	[tilespmem:s11], [sflag:$0x1] =	stream.indirect.gather [hbm4b:s6+s10], $0x20, s22, s10, $0xb8;
	[tilespmem:$0xAA00] =	vst v63  }
0xdb: {  	_ = 	snop  }
0xdc: {  	[tilespmem:s12], [sflag:$0x2] =	stream.indirect.gather [hbm4b:s8+s10], $0x20, s23, s10, $0xb8;
	[tilespmem:$0xAA00] =	vst v63  }
0xdd: {  	_ = 	snop  }
0xde: {  	[tilespmem:s13], [sflag:$0x1] =	stream.indirect.gather [hbm4b:s6+s10], $0x20, s24, s10, $0xb8;
	[tilespmem:$0xAA00] =	vst v63  }
0xdf: {  	_ = 	snop  }
0xe0: {  	[tilespmem:s14], [sflag:$0x2] =	stream.indirect.gather [hbm4b:s8+s10], $0x20, s25, s10, $0xb8;
	[tilespmem:$0xAA00] =	vst v63  }
0xe1: {  	_ = 	snop  }
0xe2: {  	[tilespmem:s15], [sflag:$0x1] =	stream.indirect.gather [hbm4b:s6+s10], $0x20, s26, s10, $0xb8;
	[tilespmem:$0xAA00] =	vst v63  }
0xe3: {  	_ = 	snop  }
0xe4: {  	[tilespmem:s16], [sflag:$0x2] =	stream.indirect.gather [hbm4b:s8+s10], $0x20, s28, s10, $0xb8;
	[tilespmem:$0xAA00] =	vst v63  }
0xe5: {  	_ = 	snop  }
0xe6: {  	[tilespmem:s17], [sflag:$0x1] =	stream.indirect.gather [hbm4b:s6+s10], $0x20, s29, s10, $0xb8;
	[tilespmem:$0xAA00] =	vst v63  }
0xe7: {  	_ = 	snop  }
0xe8: {  	[tilespmem:s18], [sflag:$0x2] =	stream.indirect.gather [hbm4b:s8+s10], $0x20, s31, s10, $0xb8;
	[tilespmem:$0xAA00] =	vst v63  }
0xe9: {  	_ =	swait.ge [sflag:s9], $0x1000  }
0xea: {  	[sflag:s9] =	ssyncset.done $0x0  }
0xeb: {  	[sflag:s9] =	ssyncadd.s32 $0xFFFFF000  }
0xec: {  	_ =	swait.ge [sflag:s7], $0x1000  }
0xed: {  	[sflag:s7] =	ssyncset.done $0x0  }
0xee: {  	[sflag:s7] =	ssyncadd.s32 $0xFFFFF000  }
0xef: {  	_ =	swait.ge [sflag:s9], $0x1000  }
0xf0: {  	[sflag:s9] =	ssyncset.done $0x0  }
0xf1: {  	[sflag:s9] =	ssyncadd.s32 $0xFFFFF000  }
0xf2: {  	_ =	swait.ge [sflag:s7], $0x1000  }
0xf3: {  	[sflag:s7] =	ssyncset.done $0x0  }
0xf4: {  	[sflag:s7] =	ssyncadd.s32 $0xFFFFF000  }
0xf5: {  	_ =	swait.ge [sflag:s9], $0x1000  }
0xf6: {  	[sflag:s9] =	ssyncset.done $0x0  }
0xf7: {  	[sflag:s9] =	ssyncadd.s32 $0xFFFFF000  }
0xf8: {  	_ =	swait.ge [sflag:s7], $0x1000  }
0xf9: {  	[sflag:s7] =	ssyncset.done $0x0  }
0xfa: {  	[sflag:s7] =	ssyncadd.s32 $0xFFFFF000  }
0xfb: {  	_ =	swait.ge [sflag:s9], $0x1000  }
0xfc: {  	[sflag:s9] =	ssyncset.done $0x0  }
0xfd: {  	[sflag:s9] =	ssyncadd.s32 $0xFFFFF000  }
0xfe: {  	_ =	swait.ge [sflag:s7], $0x1000  }
0xff: {  	[sflag:s7] =	ssyncset.done $0x0  }
0x100: {  	[sflag:s7] =	ssyncadd.s32 $0xFFFFF000  }
0x101: {  	_ =	swait.ge [sflag:s9], $0x1000  }
0x102: {  	[sflag:s9] =	ssyncset.done $0x0  }
0x103: {  	[sflag:s9] =	ssyncadd.s32 $0xFFFFF000  }
0x104: {  	_ =	swait.ge [sflag:s7], $0x1000  }
0x105: {  	[sflag:s7] =	ssyncset.done $0x0  }
0x106: {  	s19 =	rddreg [dreg:$0x6];
	[sflag:s7] =	ssyncadd.s32 $0xFFFFF000  }
0x107: {  	[hbm4b:s19+s2] =	stream.linear.scatter [tilespmem:s5], [sflag:$0x3], $0x5000, $0x38;
	[tilespmem:$0xAA00] =	vst v63  }
0x108: {  	p1 =	sne.s32 s1, $0x1;
	_ =	swait.ge [sflag:s3], $0x5000  }
.Ltmp2:
0x109: {  	[sflag:s3] =	ssyncset.done $0x0;
	(pc) =	sbr.rel @p1 .LBB2_4-.Ltmp2, $4  }
0x10a: {  	s19 =	rddreg [dreg:$0x7];
	[sflag:s3] =	ssyncadd.s32 $0xFFFFB000  }
0x10b: {  	[hbm4b:s19+s2] =	stream.linear.scatter [tilespmem:s4], [sflag:$0x3], $0x5000, $0x38;
	[tilespmem:$0xAA00] =	vst v63  }
0x10c: {  	_ =	swait.ge [sflag:s3], $0x5000  }
0x10d: {  	s1 =	sadd.s32 $0xFFFFFFFF, s1;
	s0 =	rddreg [dreg:$0x2];
	[sflag:s3] =	ssyncset.done $0x0  }
0x10e: {  	s31 =	simm.s32 $0x700;
	s29 =	simm.s32 $0x480  }
0x10f: {  	s28 =	simm.s32 $0x900;
	s26 =	simm.s32 $0x400;
	s25 =	simm.s32 $0x880  }
0x110: {  	s24 =	simm.s32 $0x380;
	s23 =	simm.s32 $0x800;
	s22 =	simm.s32 $0x300  }
0x111: {  	s21 =	simm.s32 $0x780;
	s20 =	simm.s32 $0x280;
	s19 =	stileid.u32  }
.LBB2_6:
0x112: {  	[sflag:s3] =	ssyncadd.s32 @p0 $0xFFFFB000  }
0x113: {  	[tilespmem:s2], [sflag:$0x3] =	stream.linear.gather [hbm4b:s0+s2], $0x500, $0x38;
	[tilespmem:$0xAA00] =	vst v63  }
0x114: {  	_ =	swait.ge [sflag:s3], $0x500  }
0x115: {  	[sflag:s3] =	ssyncset.done $0x0  }
0x116: {  	s1 =	rddreg [dreg:$0x3];
	[sflag:s3] =	ssyncadd.s32 $0xFFFFFB00  }
0x117: {  	[tilespmem:s30], [sflag:$0x3] =	stream.linear.gather [hbm4b:s1+s2], $0x500, $0x38;
	[tilespmem:$0xAA00] =	vst v63  }
0x118: {  	_ =	swait.ge [sflag:s3], $0x500  }
0x119: {  	[sflag:s3] =	ssyncset.done $0x0  }
0x11a: {  	[sflag:s3] =	ssyncadd.s32 $0xFFFFFB00  }
0x11b: {  	[tilespmem:s5], [sflag:$0x1] =	stream.indirect.gather [hbm4b:s6+s10], $0x20, s2, s10, $0xb8;
	[tilespmem:$0xAA00] =	vst v63  }
0x11c: {  	_ = 	snop  }
0x11d: {  	[tilespmem:s4], [sflag:$0x2] =	stream.indirect.gather [hbm4b:s8+s10], $0x20, s30, s10, $0xb8;
	[tilespmem:$0xAA00] =	vst v63  }
0x11e: {  	_ = 	snop  }
0x11f: {  	[tilespmem:s11], [sflag:$0x1] =	stream.indirect.gather [hbm4b:s6+s10], $0x20, s10, s10, $0xb8;
	[tilespmem:$0xAA00] =	vst v63  }
0x120: {  	s30 =	rddreg [dreg:$0x8]  }
0x121: {  	[tilespmem:s12], [sflag:$0x2] =	stream.indirect.gather [hbm4b:s8+s10], $0x20, s30, s10, $0xb8;
	[tilespmem:$0xAA00] =	vst v63  }
0x122: {  	s1 =	rddreg [dreg:$0x9]  }
0x123: {  	[tilespmem:s13], [sflag:$0x1] =	stream.indirect.gather [hbm4b:s6+s10], $0x20, s1, s10, $0xb8;
	[tilespmem:$0xAA00] =	vst v63  }
0x124: {  	s0 =	rddreg [dreg:$0xa]  }
0x125: {  	[tilespmem:s14], [sflag:$0x2] =	stream.indirect.gather [hbm4b:s8+s10], $0x20, s0, s10, $0xb8;
	[tilespmem:$0xAA00] =	vst v63  }
0x126: {  	s30 =	rddreg [dreg:$0xb]  }
0x127: {  	[tilespmem:s15], [sflag:$0x1] =	stream.indirect.gather [hbm4b:s6+s10], $0x20, s30, s10, $0xb8;
	[tilespmem:$0xAA00] =	vst v63  }
0x128: {  	s0 =	rddreg [dreg:$0xc]  }
0x129: {  	[tilespmem:s16], [sflag:$0x2] =	stream.indirect.gather [hbm4b:s8+s10], $0x20, s0, s10, $0xb8;
	[tilespmem:$0xAA00] =	vst v63  }
0x12a: {  	s30 =	rddreg [dreg:$0xd]  }
0x12b: {  	[tilespmem:s17], [sflag:$0x1] =	stream.indirect.gather [hbm4b:s6+s10], $0x20, s30, s10, $0xb8;
	[tilespmem:$0xAA00] =	vst v63  }
0x12c: {  	_ = 	snop  }
0x12d: {  	[tilespmem:s18], [sflag:$0x2] =	stream.indirect.gather [hbm4b:s8+s10], $0x20, s31, s10, $0xb8;
	[tilespmem:$0xAA00] =	vst v63  }
0x12e: {  	_ =	swait.ge [sflag:s9], $0x1000  }
0x12f: {  	[sflag:s9] =	ssyncset.done $0x0  }
0x130: {  	[sflag:s9] =	ssyncadd.s32 $0xFFFFF000  }
0x131: {  	_ =	swait.ge [sflag:s7], $0x1000  }
0x132: {  	[sflag:s7] =	ssyncset.done $0x0  }
0x133: {  	[sflag:s7] =	ssyncadd.s32 $0xFFFFF000  }
0x134: {  	_ =	swait.ge [sflag:s9], $0x1000  }
0x135: {  	[sflag:s9] =	ssyncset.done $0x0  }
0x136: {  	[sflag:s9] =	ssyncadd.s32 $0xFFFFF000  }
0x137: {  	_ =	swait.ge [sflag:s7], $0x1000  }
0x138: {  	[sflag:s7] =	ssyncset.done $0x0  }
0x139: {  	[sflag:s7] =	ssyncadd.s32 $0xFFFFF000  }
0x13a: {  	_ =	swait.ge [sflag:s9], $0x1000  }
0x13b: {  	[sflag:s9] =	ssyncset.done $0x0  }
0x13c: {  	[sflag:s9] =	ssyncadd.s32 $0xFFFFF000  }
0x13d: {  	_ =	swait.ge [sflag:s7], $0x1000  }
0x13e: {  	[sflag:s7] =	ssyncset.done $0x0  }
0x13f: {  	[sflag:s7] =	ssyncadd.s32 $0xFFFFF000  }
0x140: {  	_ =	swait.ge [sflag:s9], $0x1000  }
0x141: {  	[sflag:s9] =	ssyncset.done $0x0  }
0x142: {  	[sflag:s9] =	ssyncadd.s32 $0xFFFFF000  }
0x143: {  	_ =	swait.ge [sflag:s7], $0x1000  }
0x144: {  	[sflag:s7] =	ssyncset.done $0x0  }
0x145: {  	[sflag:s7] =	ssyncadd.s32 $0xFFFFF000  }
0x146: {  	_ =	swait.ge [sflag:s9], $0x1000  }
0x147: {  	[sflag:s9] =	ssyncset.done $0x0  }
0x148: {  	[sflag:s9] =	ssyncadd.s32 $0xFFFFF000  }
0x149: {  	_ =	swait.ge [sflag:s7], $0x1000  }
0x14a: {  	[sflag:s7] =	ssyncset.done $0x0  }
0x14b: {  	s31 =	rddreg [dreg:$0x4];
	[sflag:s7] =	ssyncadd.s32 $0xFFFFF000  }
0x14c: {  	[hbm4b:s31+s2] =	stream.linear.scatter [tilespmem:s5], [sflag:$0x3], $0x5000, $0x38;
	[tilespmem:$0xAA00] =	vst v63  }
0x14d: {  	_ =	swait.ge [sflag:s3], $0x5000  }
0x14e: {  	[sflag:s3] =	ssyncset.done $0x0  }
0x14f: {  	s1 =	rddreg [dreg:$0x5];
	[sflag:s3] =	ssyncadd.s32 $0xFFFFB000  }
0x150: {  	[hbm4b:s1+s2] =	stream.linear.scatter [tilespmem:s4], [sflag:$0x3], $0x5000, $0x38;
	[tilespmem:$0xAA00] =	vst v63  }
0x151: {  	_ =	swait.ge [sflag:s3], $0x5000  }
0x152: {  	[sflag:s3] =	ssyncset.done $0x0  }
0x153: {  	[sflag:s3] =	ssyncadd.s32 $0xFFFFB000  }
0x154: {  	[tilespmem:s5], [sflag:$0x1] =	stream.indirect.gather [hbm4b:s6+s10], $0x20, s20, s10, $0xb8;
	[tilespmem:$0xAA00] =	vst v63  }
0x155: {  	_ = 	snop  }
0x156: {  	[tilespmem:s4], [sflag:$0x2] =	stream.indirect.gather [hbm4b:s8+s10], $0x20, s21, s10, $0xb8;
	[tilespmem:$0xAA00] =	vst v63  }
0x157: {  	_ = 	snop  }
0x158: {  	[tilespmem:s11], [sflag:$0x1] =	stream.indirect.gather [hbm4b:s6+s10], $0x20, s22, s10, $0xb8;
	[tilespmem:$0xAA00] =	vst v63  }
0x159: {  	_ = 	snop  }
0x15a: {  	[tilespmem:s12], [sflag:$0x2] =	stream.indirect.gather [hbm4b:s8+s10], $0x20, s23, s10, $0xb8;
	[tilespmem:$0xAA00] =	vst v63  }
0x15b: {  	_ = 	snop  }
0x15c: {  	[tilespmem:s13], [sflag:$0x1] =	stream.indirect.gather [hbm4b:s6+s10], $0x20, s24, s10, $0xb8;
	[tilespmem:$0xAA00] =	vst v63  }
0x15d: {  	_ = 	snop  }
0x15e: {  	[tilespmem:s14], [sflag:$0x2] =	stream.indirect.gather [hbm4b:s8+s10], $0x20, s25, s10, $0xb8;
	[tilespmem:$0xAA00] =	vst v63  }
0x15f: {  	_ = 	snop  }
0x160: {  	[tilespmem:s15], [sflag:$0x1] =	stream.indirect.gather [hbm4b:s6+s10], $0x20, s26, s10, $0xb8;
	[tilespmem:$0xAA00] =	vst v63  }
0x161: {  	_ = 	snop  }
0x162: {  	[tilespmem:s16], [sflag:$0x2] =	stream.indirect.gather [hbm4b:s8+s10], $0x20, s28, s10, $0xb8;
	[tilespmem:$0xAA00] =	vst v63  }
0x163: {  	_ = 	snop  }
0x164: {  	[tilespmem:s17], [sflag:$0x1] =	stream.indirect.gather [hbm4b:s6+s10], $0x20, s29, s10, $0xb8;
	[tilespmem:$0xAA00] =	vst v63  }
0x165: {  	s29 =	simm.s32 $0x980  }
0x166: {  	[tilespmem:s18], [sflag:$0x2] =	stream.indirect.gather [hbm4b:s8+s10], $0x20, s29, s10, $0xb8;
	[tilespmem:$0xAA00] =	vst v63  }
0x167: {  	_ =	swait.ge [sflag:s9], $0x1000  }
0x168: {  	[sflag:s9] =	ssyncset.done $0x0  }
0x169: {  	[sflag:s9] =	ssyncadd.s32 $0xFFFFF000  }
0x16a: {  	_ =	swait.ge [sflag:s7], $0x1000  }
0x16b: {  	[sflag:s7] =	ssyncset.done $0x0  }
0x16c: {  	[sflag:s7] =	ssyncadd.s32 $0xFFFFF000  }
0x16d: {  	_ =	swait.ge [sflag:s9], $0x1000  }
0x16e: {  	[sflag:s9] =	ssyncset.done $0x0  }
0x16f: {  	[sflag:s9] =	ssyncadd.s32 $0xFFFFF000  }
0x170: {  	_ =	swait.ge [sflag:s7], $0x1000  }
0x171: {  	[sflag:s7] =	ssyncset.done $0x0  }
0x172: {  	[sflag:s7] =	ssyncadd.s32 $0xFFFFF000  }
0x173: {  	_ =	swait.ge [sflag:s9], $0x1000  }
0x174: {  	[sflag:s9] =	ssyncset.done $0x0  }
0x175: {  	[sflag:s9] =	ssyncadd.s32 $0xFFFFF000  }
0x176: {  	_ =	swait.ge [sflag:s7], $0x1000  }
0x177: {  	[sflag:s7] =	ssyncset.done $0x0  }
0x178: {  	[sflag:s7] =	ssyncadd.s32 $0xFFFFF000  }
0x179: {  	_ =	swait.ge [sflag:s9], $0x1000  }
0x17a: {  	[sflag:s9] =	ssyncset.done $0x0  }
0x17b: {  	[sflag:s9] =	ssyncadd.s32 $0xFFFFF000  }
0x17c: {  	_ =	swait.ge [sflag:s7], $0x1000  }
0x17d: {  	[sflag:s7] =	ssyncset.done $0x0  }
0x17e: {  	[sflag:s7] =	ssyncadd.s32 $0xFFFFF000  }
0x17f: {  	_ =	swait.ge [sflag:s9], $0x1000  }
0x180: {  	[sflag:s9] =	ssyncset.done $0x0  }
0x181: {  	[sflag:s9] =	ssyncadd.s32 $0xFFFFF000  }
0x182: {  	_ =	swait.ge [sflag:s7], $0x1000  }
0x183: {  	[sflag:s7] =	ssyncset.done $0x0  }
0x184: {  	s30 =	rddreg [dreg:$0x6];
	[sflag:s7] =	ssyncadd.s32 $0xFFFFF000  }
0x185: {  	[hbm4b:s30+s2] =	stream.linear.scatter [tilespmem:s5], [sflag:$0x3], $0x5000, $0x38;
	[tilespmem:$0xAA00] =	vst v63  }
0x186: {  	_ =	swait.ge [sflag:s3], $0x5000  }
0x187: {  	[sflag:s3] =	ssyncset.done $0x0  }
0x188: {  	s31 =	rddreg [dreg:$0x7];
	[sflag:s3] =	ssyncadd.s32 $0xFFFFB000  }
0x189: {  	[hbm4b:s31+s2] =	stream.linear.scatter [tilespmem:s4], [sflag:$0x3], $0x5000, $0x38;
	[tilespmem:$0xAA00] =	vst v63  }
0x18a: {  	_ =	swait.ge [sflag:s3], $0x5000  }
0x18b: {  	[sflag:s3] =	ssyncset.done $0x0  }
0x18c: {  	[sflag:s3] =	ssyncadd.s32 $0xFFFFB000  }
0x18d: {  	_ =	sfence.sel $0x180000  }
0x18e: {  	[bflag:$0x0] =	sbarrier.arrive $0xFFFF  }
0x18f: {  	_ =	strace $0x9000004A  }
0x190: {  	[bflag:$0x2] =	sbarrier.arrive $0xFFFF  }
0x191: {  	p0 =	sne.s32 s19, $0x0;
	s0 =	rddreg [dreg:$0x1]  }
0x192: {  	s0 =	sadd.s32 @!p0 $0x100000, s0  }
0x193: {  	[sflag:s0] =	ssyncadd.tile.s32 @!p0 $0x1;
	_ =	shalt  }
.LBB2_1:
.Ltmp3:
0x194: {  	(pc) =	sbr.rel .LBB2_6-.Ltmp3, $4  }
0x195: {  	s31 =	simm.s32 $0x700  }
0x196: {  	s29 =	simm.s32 $0x480;
	s28 =	simm.s32 $0x900;
	s26 =	simm.s32 $0x400  }
0x197: {  	s25 =	simm.s32 $0x880;
	s24 =	simm.s32 $0x380;
	s23 =	simm.s32 $0x800  }
0x198: {  	s22 =	simm.s32 $0x300;
	s21 =	simm.s32 $0x780;
	s20 =	simm.s32 $0x280  }
.LBB2_3:
.Ltmp4:
0x199: {  	(pc) =	sbr.rel .LBB2_6-.Ltmp4, $4  }
0x19a: {  	s31 =	simm.s32 $0x700;
	s29 =	simm.s32 $0x480  }
0x19b: {  	s28 =	simm.s32 $0x900;
	s26 =	simm.s32 $0x400;
	s25 =	simm.s32 $0x880  }
0x19c: {  	s24 =	simm.s32 $0x380;
	s23 =	simm.s32 $0x800;
	s22 =	simm.s32 $0x300  }
0x19d: {  	s21 =	simm.s32 $0x780;
	s20 =	simm.s32 $0x280;
	s19 =	stileid.u32  }
.Lfunc_end2:
_tile_overlayer_lowered:
.L_overlay_start_2:
0x19e: {  	(tag) =	ssettag $0x2  }
0x19f: {  	s0 =	rddreg [dreg:$0x0];
	s2 =	stileid.u32  }
0x1a0: {  	s1 =	rddreg [dreg:$0x1];
	p0 =	sne.s32 s2, $0x0  }
0x1a1: {  	s3 =	rddreg [dreg:$0x2];
	[bflag:$0x3] =	sbarrier.arrive $0xFFFF;
	s2 =	simm.s32 @!p0 $0x1C03  }
0x1a2: {  	[timem:s3], [sflag:s2] =	dma.local @!p0 [hbm:s0], s1  }
0x1a3: {  	s0 =	simm.s32 @!p0 $0x3  }
0x1a4: {  	_ =	swait.ge @!p0 [sflag:s0], s1  }
0x1a5: {  	s1 =	ssub.s32 @!p0 $0x0, s1;
	[sflag:s0] =	ssyncset.done @!p0 $0x0  }
0x1a6: {  	[sflag:s0] =	ssyncadd.s32 @!p0 s1  }
0x1a7: {  	[bflag:$0x3] =	sbarrier.arrive $0xFFFF  }
0x1a8: {  	_ =	shalt  }

// kernel: kernel.23.cloned.1.call-start
scs
__scs_entry_jumppad:
0x0: {  	(pc) =	sbr.rel $0x88, $3  }
0x1: {  	(tag) =	ssettag $0x0;
	lr =	simm.s32 $0x1  }
0x2: {  	[smem:$0x3F9A] =	sst lr;
	_ =	strace $0xD0000000  }
0x3: {  	_ = 	snop  }
0x4: {  	_ = 	snop  }
0x5: {  	_ = 	snop  }
0x6: {  	_ = 	snop  }
0x7: {  	_ = 	snop  }
__scs_overlays_trampoline_lowered:
0x8: {  	[smem:$0x3FA9] =	sst s0  }
0x9: {  	[smem:$0x3FAA] =	sst s1  }
0xa: {  	[smem:$0x3FAB] =	sst s2  }
0xb: {  	[smem:$0x3FAC] =	sst s3  }
0xc: {  	[smem:$0x3FAD] =	sst s4  }
0xd: {  	[smem:$0x3FAE] =	sst s5  }
0xe: {  	[smem:$0x3FAF] =	sst s6  }
0xf: {  	[smem:$0x3FB0] =	sst s7  }
0x10: {  	[smem:$0x3FB1] =	sst s8  }
0x11: {  	[smem:$0x3FB2] =	sst s9;
	s0 =	simm.s32 @!p0 $0x0  }
0x12: {  	s1 =	sld [smem:$0x3F98];
	s0 =	simm.s32 @p0 $0x1  }
0x13: {  	[smem:$0x3FB3] =	sst s0;
	s0 =	simm.s32 @!p1 $0x0  }
0x14: {  	s2 =	sld [smem:$0x3F97];
	s0 =	simm.s32 @p1 $0x1  }
0x15: {  	[smem:$0x3FB4] =	sst s0;
	s0 =	simm.s32 @!p2 $0x0  }
0x16: {  	s3 =	sld [smem:$0x3FDB];
	s0 =	simm.s32 @p2 $0x1  }
0x17: {  	s4 =	simm.s32 $0x1BF5;
	[smem:$0x3FB6] =	sst s0  }
0x18: {  	s0 =	sld [smem:$0x3F99];
	_ =	swait.ge [sflag:s4], $0x0  }
0x19: {  	s7 =	sld [smem:$0x3F9A]  }
0x1a: {  	s8 =	sadd.s32 $0xFFFFE003, lr  }
0x1b: {  	s9 =	sadd.s32 $0xFFFFFEF7, lr;
	s5 =	simm.s32 $0xFFFFFFFF;
	p2 =	slt.u32 s8, $0xFFFFF086  }
0x1c: {  	p1 =	slt.u32 s9, $0xF7A;
	s5 =	simm.s32 @!p2 $0x0  }
0x1d: {  	s5 =	simm.s32 @p1 $0x1;
	p0 =	seq.s32 s7, s2  }
0x1e: {  	s7 =	smul.u32 @!p0 $0xF7A, s2;
	p2 =	seq.s32 @!p0 s5, $0x0  }
0x1f: {  	s9 =	smul.u32 $0xF7A, s1;
	s8 =	simm.s32 @!p0 $0x1BF5;
	p2 =	por !p2, p0  }
0x20: {  	[sflag:s8] =	ssyncset.s32 @!p0 $0xFFFFF086;
	s6 =	sadd.s32 @!p0 s3, s7;
	s7 =	simm.s32 @!p0 $0x108  }
0x21: {  	s3 =	sadd.s32 s3, s9;
	s6 =	sadd.s32 @!p0 $0x88, s6;
	s7 =	simm.s32 @p2 $0x1082  }
0x22: {  	[simem:s7], [sflag:s8] =	dma.local @!p0 [hbm:s6], $0xF7A  }
0x23: {  	s9 =	sor.u32 $0xD0000000, s2;
	s6 =	simm.s32 $0x108;
	_ =	swait.ge @!p0 [sflag:s8], $0x0  }
0x24: {  	s3 =	sadd.s32 $0x88, s3;
	s6 =	simm.s32 @!p1 $0x1082;
	[sflag:s4] =	ssyncset.s32 $0xFFFFF086  }
0x25: {  	[simem:s6], [sflag:s4] =	dma.local [hbm:s3], $0xF7A  }
0x26: {  	[smem:$0x3F9A] =	sst s1;
	(tag) =	ssettag s2;
	_ =	strace s9  }
0x27: {  	s1 =	sld [smem:$0x3FAA]  }
0x28: {  	s2 =	sld [smem:$0x3FAB]  }
0x29: {  	s4 =	sld [smem:$0x3FAD]  }
0x2a: {  	p0 =	seq.s32 s5, $0x0;
	s5 =	sld [smem:$0x3FAE]  }
0x2b: {  	s6 =	sld [smem:$0x3FAF]  }
0x2c: {  	s7 =	sld [smem:$0x3FB0]  }
0x2d: {  	s3 =	simm.s32 $0x108;
	s8 =	sld [smem:$0x3FB1]  }
0x2e: {  	s3 =	simm.s32 @!p0 $0x1082;
	s9 =	sld [smem:$0x3FB2]  }
0x2f: {  	lr =	sadd.s32 s0, s3;
	s0 =	sld [smem:$0x3FA9]  }
0x30: {  	s3 =	sld [smem:$0x3FAC]  }
0x31: {  	[smem:$0x3FB5] =	sst s10  }
0x32: {  	s10 =	sld [smem:$0x3FB3];
	_ =	sdelay $0x3  }
0x33: {  	p0 =	seq.s32 s10, $0x1;
	s10 =	sld [smem:$0x3FB5];
	_ =	sdelay $0x3  }
0x34: {  	[smem:$0x3FB5] =	sst s10  }
0x35: {  	s10 =	sld [smem:$0x3FB4];
	_ =	sdelay $0x3  }
0x36: {  	p1 =	seq.s32 s10, $0x1;
	s10 =	sld [smem:$0x3FB5];
	_ =	sdelay $0x3  }
0x37: {  	[smem:$0x3FB5] =	sst s10  }
0x38: {  	s10 =	sld [smem:$0x3FB6]  }
0x39: {  	_ = 	snop;
	(pc) =	sbr.ind lr, $3  }
0x3a: {  	_ = 	snop  }
0x3b: {  	_ = 	snop  }
0x3c: {  	p2 =	seq.s32 s10, $0x1;
	s10 =	sld [smem:$0x3FB5]  }
0x3d: {  	_ =	shalt  }
0x3e: {  	_ =	shalt  }
0x3f: {  	_ =	shalt  }
0x40: {  	_ =	shalt  }
0x41: {  	_ =	shalt  }
0x42: {  	_ =	shalt  }
0x43: {  	_ =	shalt  }
0x44: {  	_ =	shalt  }
0x45: {  	_ =	shalt  }
0x46: {  	_ =	shalt  }
0x47: {  	_ =	shalt  }
0x48: {  	_ =	shalt  }
0x49: {  	_ =	shalt  }
0x4a: {  	_ =	shalt  }
0x4b: {  	_ =	shalt  }
0x4c: {  	_ =	shalt  }
0x4d: {  	_ =	shalt  }
0x4e: {  	_ =	shalt  }
0x4f: {  	_ =	shalt  }
0x50: {  	_ =	shalt  }
0x51: {  	_ =	shalt  }
0x52: {  	_ =	shalt  }
0x53: {  	_ =	shalt  }
0x54: {  	_ =	shalt  }
0x55: {  	_ =	shalt  }
0x56: {  	_ =	shalt  }
0x57: {  	_ =	shalt  }
0x58: {  	_ =	shalt  }
0x59: {  	_ =	shalt  }
0x5a: {  	_ =	shalt  }
0x5b: {  	_ =	shalt  }
0x5c: {  	_ =	shalt  }
0x5d: {  	_ =	shalt  }
0x5e: {  	_ =	shalt  }
0x5f: {  	_ =	shalt  }
0x60: {  	_ =	shalt  }
0x61: {  	_ =	shalt  }
0x62: {  	_ =	shalt  }
0x63: {  	_ =	shalt  }
0x64: {  	_ =	shalt  }
0x65: {  	_ =	shalt  }
0x66: {  	_ =	shalt  }
0x67: {  	_ =	shalt  }
0x68: {  	_ =	shalt  }
0x69: {  	_ =	shalt  }
0x6a: {  	_ =	shalt  }
0x6b: {  	_ =	shalt  }
0x6c: {  	_ =	shalt  }
0x6d: {  	_ =	shalt  }
0x6e: {  	_ =	shalt  }
0x6f: {  	_ =	shalt  }
0x70: {  	_ =	shalt  }
0x71: {  	_ =	shalt  }
0x72: {  	_ =	shalt  }
0x73: {  	_ =	shalt  }
0x74: {  	_ =	shalt  }
0x75: {  	_ =	shalt  }
0x76: {  	_ =	shalt  }
0x77: {  	_ =	shalt  }
0x78: {  	_ =	shalt  }
0x79: {  	_ =	shalt  }
0x7a: {  	_ =	shalt  }
0x7b: {  	_ =	shalt  }
0x7c: {  	_ =	shalt  }
0x7d: {  	_ =	shalt  }
0x7e: {  	_ =	shalt  }
0x7f: {  	_ =	shalt  }
0x80: {  	_ =	shalt  }
0x81: {  	_ =	shalt  }
0x82: {  	_ =	shalt  }
0x83: {  	_ =	shalt  }
0x84: {  	_ =	shalt  }
0x85: {  	_ =	shalt  }
0x86: {  	_ =	shalt  }
0x87: {  	_ =	shalt  }
.Lfunc_end0:
.L_simem_size_0:
called_computation.3_lowered:
.L_overlay_start_0:
0x88: {  	s2 =	sld [smem:$0x3FD9]  }
0x89: {  	s3 =	sld [smem:$0x3FFE];
	_ =	sdelay $0x1  }
0x8a: {  	s1 =	srdreg.scid  }
0x8b: {  	s0 =	sand.u32 $0x1, s1  }
0x8c: {  	s17 =	sshll.u32 s0, $0xA;
	s2 =	sadd.s32 s3, s2  }
0x8d: {  	s2 =	sadd.s32 s2, s17  }
0x8e: {  	[smem:$0x3FC1] =	sst s2  }
0x8f: {  	_ = 	snop  }
0x90: {  	(tm) =	ssettm $0x1  }
0x91: {  	s18 =	sld [smem:$0x3FFB];
	_ =	sdelay $0x3  }
0x92: {  	_ =	strace s18  }
0x93: {  	s2 =	sld [smem:$0x3FFC];
	_ =	sdelay $0x3  }
0x94: {  	_ =	strace s2  }
0x95: {  	s2 =	sld [smem:$0x3FFD];
	_ =	sdelay $0x3  }
0x96: {  	_ =	strace s2  }
0x97: {  	_ =	strace $0x8FFFFFFF  }
0x98: {  	s19 =	sld [smem:$0x3FDB];
	_ =	sdelay $0x1  }
0x99: {  	s20 =	simm.s32 $_scs_section_size  }
0x9a: {  	s4 =	simm.s32 $_size__tile_overlayer_lowered;
	s5 =	simm.s32 $_tile_overlayer_lowered  }
0x9b: {  	s6 =	simm.s32 $0x1BFF;
	s21 =	sshll.u32 s5, $0x1;
	s3 =	sadd.s32 s20, s19  }
0x9c: {  	s22 =	simm.s32 $0x0;
	s4 =	sshll.u32 s4, $0x1;
	s5 =	sadd.s32 s21, s3  }
0x9d: {  	[timem:s22], [sflag:s6] =	dma.local [hbm:s5], s4  }
0x9e: {  	_ =	swait.ge [sflag:s6], s4  }
0x9f: {  	s4 =	ssub.s32 $0x0, s4;
	[sflag:s6] =	ssyncset.done $0x0  }
0xa0: {  	[sflag:s6] =	ssyncadd.s32 s4;
	_ =	sdelay $0x1  }
0xa1: {  	s23 =	simm.s32 $0x1B8B  }
0xa2: {  	_ =	swait.ge [sflag:s23], $0x1  }
0xa3: {  	[sflag:s23] =	ssyncset.done $0x0  }
0xa4: {  	[sflag:s23] =	ssyncadd.s32 $0xFFFFFFFF  }
0xa5: {  	s4 =	sld [smem:$0x0]  }
0xa6: {  	s5 =	sand.u32 $0xFFFFFFFE, s1  }
0xa7: {  	p0 =	sne.s32 s1, s5  }
0xa8: {  	s5 =	sshll.u32 @p0 s5, $0xE  }
0xa9: {  	s5 =	sadd.s32 @p0 $0x11B8D, s5;
	s6 =	sshll.u32 @p0 s4, $0x11  }
0xaa: {  	s5 =	sor.u32 @p0 s6, s5  }
0xab: {  	[sflag:s5] =	ssyncadd.remote.s32 @p0 $0x1;
	_ =	sdelay $0x1  }
0xac: {  	s5 =	simm.s32 @p0 $0x1B8D  }
0xad: {  	_ =	swait.eq @p0 [sflag:s5], $0x1  }
0xae: {  	[sflag:s5] =	ssyncadd.s32 @p0 $0xFFFFFFFF  }
0xaf: {  	s6 =	sshll.u32 @!p0 s1, $0xE  }
0xb0: {  	s6 =	sor.u32 @!p0 $0x4000, s6;
	s5 =	simm.s32 @!p0 $0x1B8D  }
0xb1: {  	s4 =	sshll.u32 @!p0 s4, $0x11;
	s6 =	sadd.s32 @!p0 $0x11B8D, s6;
	_ =	swait.eq @!p0 [sflag:s5], $0x1  }
0xb2: {  	s4 =	sor.u32 @!p0 s4, s6;
	[sflag:s5] =	ssyncadd.s32 @!p0 $0xFFFFFFFF  }
0xb3: {  	s25 =	simm.s32 $0x1B8E;
	s24 =	sld [smem:$0x3FFE];
	[sflag:s4] =	ssyncadd.remote.s32 @!p0 $0x1  }
0xb4: {  	s26 =	simm.s32 $execute0_lowered;
	[smem:$0x3FD2] =	sst s25  }
0xb5: {  	s5 =	sshll.u32 s26, $0x1;
	_ =	strace $0x8000004C;
	[dreg:$0x1] =	wrdreg $0xFFFFFFFF  }
0xb6: {  	s28 =	simm.s32 $_size_execute0_lowered;
	s3 =	sadd.s32 s3, s5;
	[dreg:$0x0] =	wrdreg $0x0  }
0xb7: {  	s5 =	sshll.u32 s28, $0x1;
	[dreg:$0x2] =	wrdreg s3  }
0xb8: {  	[dreg:$0x3] =	wrdreg s5  }
0xb9: {  	[dreg:$0x4] =	wrdreg $0xC0  }
0xba: {  	_ =	task [dreg:s22], $0x5FFFF  }
0xbb: {  	[dreg:$0x1] =	wrdreg $0xFFFFFFFF  }
0xbc: {  	[dreg:$0x0] =	wrdreg $0x60  }
0xbd: {  	[dreg:$0x2] =	wrdreg s24  }
0xbe: {  	[dreg:$0x3] =	wrdreg $0x9  }
0xbf: {  	_ =	task.clear_ibuf [dreg:s22], $0x4FFFF;
	_ =	strace $0x9000004C  }
0xc0: {  	s29 =	simm.s32 $0x9;
	_ =	strace $0x8000004E  }
0xc1: {  	_ =	swait.ge [sflag:s29], $0x1  }
0xc2: {  	[sflag:s29] =	ssyncadd.s32 $0xFFFFFFFF  }
0xc3: {  	_ =	strace $0x9000004E  }
0xc4: {  	_ =	sfence  }
0xc5: {  	s30 =	sld [smem:$0x0];
	_ =	sdelay $0x2  }
0xc6: {  	s31 =	sshll.u32 s1, $0xD;
	s1 =	sshrl.u32 s1, $0x2  }
0xc7: {  	s4 =	sand.u32 $0x4000, s31;
	s1 =	sadd.s32 s1, s30  }
0xc8: {  	s0 =	sor.u32 s4, s0;
	s1 =	sshll.u32 s1, $0x11  }
0xc9: {  	s0 =	sor.u32 s1, s0  }
0xca: {  	s0 =	sadd.s32 $0x8F2B, s0  }
0xcb: {  	[sflag:s0] =	ssyncadd.remote.s32 $0x1  }
0xcc: {  	_ =	sfence.sel $0xFFFF  }
0xcd: {  	[dreg:$0x0] =	wrdreg $0xFFFFFFFF;
	(pc) =	sbr.abs _section_cstart, $3  }
0xce: {  	[dreg:$0x1] =	wrdreg $0xFFFFFFFF  }
0xcf: {  	_ =	task.clear_ibuf [dreg:s22], $0x2FFFF;
	_ =	strace $0x9FFFFFFF  }
0xd0: {  	(tm) =	ssettm $0x7FFFFFFF  }
0xd1: {  	_ =	shalt  }
tec
execute0_lowered:
.L_overlay_start_1:
0x0: {  	(tag) =	ssettag $0x1  }
0x1: {  	s0 =	srdreg.scid  }
0x2: {  	s19 =	stileid.u32;
	s3 =	rddreg [dreg:$0x0]  }
0x3: {  	s2 =	simm.s32 $0x0;
	s30 =	simm.s32 $0x500;
	s10 =	simm.s32 $0x80  }
0x4: {  	s21 =	simm.s32 $0x580;
	s11 =	simm.s32 $0x1A00;
	s22 =	simm.s32 $0x100  }
0x5: {  	s12 =	simm.s32 $0x6A00;
	s23 =	simm.s32 $0x600;
	s13 =	simm.s32 $0x2A00  }
0x6: {  	s24 =	simm.s32 $0x180;
	s14 =	simm.s32 $0x7A00;
	s25 =	simm.s32 $0x680  }
0x7: {  	s15 =	simm.s32 $0x3A00;
	s26 =	simm.s32 $0x200;
	s9 =	simm.s32 $0x1  }
0x8: {  	p0 =	por $0x0, $0x0;
	s28 =	simm.s32 $0x900;
	[smem:$0x7FF] =	sst s2  }
0x9: {  	s29 =	simm.s32 $0x480;
	_ =	strace $0x8000004D;
	[dreg:$0x8] =	wrdreg s21  }
0xa: {  	s31 =	simm.s32 $0x980;
	s0 =	sand.u32 $0x1, s0;
	[dreg:$0x9] =	wrdreg s22  }
0xb: {  	s1 =	sshll.u32 s19, $0x1;
	s6 =	sadd.s32 $0x5400, s3;
	[dreg:$0xa] =	wrdreg s23  }
0xc: {  	s5 =	sadd.s32 $0xC6C00, s3;
	s8 =	sadd.s32 $0xEEC00, s3;
	[dreg:$0xb] =	wrdreg s24  }
0xd: {  	s1 =	sor.u32 s0, s1;
	s0 =	ssub.s32 $0x2, s0;
	[dreg:$0xc] =	wrdreg s25  }
0xe: {  	[dreg:$0xd] =	wrdreg s26;
	s21 =	simm.s32 $0x780;
	s22 =	simm.s32 $0x300  }
0xf: {  	s23 =	simm.s32 $0x800;
	s24 =	simm.s32 $0x380;
	s4 =	smul.u32 $0xA0, s1  }
0x10: {  	s25 =	simm.s32 $0x880;
	s1 =	smul.u32 $0x1400, s1;
	s18 =	sshrl.u32 s0, $0x1  }
0x11: {  	s26 =	simm.s32 $0x400;
	s0 =	ssub.s32 s0, s18;
	s18 =	simm.s32 $0x9A00  }
0x12: {  	s4 =	sadd.s32 s4, s3;
	s16 =	sadd.s32 s5, s1;
	s17 =	sadd.s32 s8, s1  }
0x13: {  	s1 =	sadd.s32 $0xA00, s1;
	s0 =	smax.u32 s0, $0x1;
	[dreg:$0x4] =	wrdreg s16  }
0x14: {  	s7 =	sadd.s32 $0x6B800, s4;
	s4 =	sadd.s32 $0x74400, s4;
	[dreg:$0x5] =	wrdreg s17  }
0x15: {  	s20 =	sadd.s32 s5, s1;
	s1 =	sadd.s32 s8, s1;
	p1 =	sne.s32 s0, $0x1  }
.Ltmp0:
0x16: {  	s8 =	sadd.s32 $0xF200, s3;
	[dreg:$0x2] =	wrdreg s7;
	(pc) =	sbr.rel @!p1 .LBB2_1-.Ltmp0, $4  }
0x17: {  	s3 =	simm.s32 $0x3;
	s5 =	simm.s32 $0xA00;
	[dreg:$0x3] =	wrdreg s4  }
0x18: {  	s16 =	simm.s32 $0x8A00;
	s17 =	simm.s32 $0x4A00;
	[dreg:$0x6] =	wrdreg s20  }
0x19: {  	[dreg:$0x7] =	wrdreg s1;
	s4 =	simm.s32 $0x5A00;
	s20 =	simm.s32 $0x700  }
0x1a: {  	s7 =	simm.s32 $0x2;
	s1 =	sadd.s32 $0xFFFFFFFF, s0;
	s0 =	rddreg [dreg:$0x2]  }
0x1b: {  	[tilespmem:s2], [sflag:$0x3] =	stream.linear.gather [hbm4b:s0+s2], $0x500, $0x38;
	[tilespmem:$0xAA00] =	vst v63  }
0x1c: {  	_ =	swait.ge [sflag:s3], $0x500  }
0x1d: {  	[sflag:s3] =	ssyncset.done $0x0  }
0x1e: {  	s19 =	rddreg [dreg:$0x3];
	[sflag:s3] =	ssyncadd.s32 $0xFFFFFB00  }
0x1f: {  	[tilespmem:s30], [sflag:$0x3] =	stream.linear.gather [hbm4b:s19+s2], $0x500, $0x38;
	[tilespmem:$0xAA00] =	vst v63  }
0x20: {  	_ =	swait.ge [sflag:s3], $0x500  }
0x21: {  	[sflag:s3] =	ssyncset.done $0x0  }
0x22: {  	[sflag:s3] =	ssyncadd.s32 $0xFFFFFB00  }
0x23: {  	[tilespmem:s5], [sflag:$0x1] =	stream.indirect.gather [hbm4b:s6+s10], $0x20, s2, s10, $0xb8;
	[tilespmem:$0xAA00] =	vst v63  }
0x24: {  	_ = 	snop  }
0x25: {  	[tilespmem:s4], [sflag:$0x2] =	stream.indirect.gather [hbm4b:s8+s10], $0x20, s30, s10, $0xb8;
	[tilespmem:$0xAA00] =	vst v63  }
0x26: {  	_ = 	snop  }
0x27: {  	[tilespmem:s11], [sflag:$0x1] =	stream.indirect.gather [hbm4b:s6+s10], $0x20, s10, s10, $0xb8;
	[tilespmem:$0xAA00] =	vst v63  }
0x28: {  	s0 =	rddreg [dreg:$0x8]  }
0x29: {  	[tilespmem:s12], [sflag:$0x2] =	stream.indirect.gather [hbm4b:s8+s10], $0x20, s0, s10, $0xb8;
	[tilespmem:$0xAA00] =	vst v63  }
0x2a: {  	s19 =	smov.u32 s1;
	s1 =	rddreg [dreg:$0x9]  }
0x2b: {  	[tilespmem:s13], [sflag:$0x1] =	stream.indirect.gather [hbm4b:s6+s10], $0x20, s1, s10, $0xb8;
	[tilespmem:$0xAA00] =	vst v63  }
0x2c: {  	s0 =	rddreg [dreg:$0xa]  }
0x2d: {  	[tilespmem:s14], [sflag:$0x2] =	stream.indirect.gather [hbm4b:s8+s10], $0x20, s0, s10, $0xb8;
	[tilespmem:$0xAA00] =	vst v63  }
0x2e: {  	s1 =	rddreg [dreg:$0xb]  }
0x2f: {  	[tilespmem:s15], [sflag:$0x1] =	stream.indirect.gather [hbm4b:s6+s10], $0x20, s1, s10, $0xb8;
	[tilespmem:$0xAA00] =	vst v63  }
0x30: {  	s0 =	rddreg [dreg:$0xc]  }
0x31: {  	[tilespmem:s16], [sflag:$0x2] =	stream.indirect.gather [hbm4b:s8+s10], $0x20, s0, s10, $0xb8;
	[tilespmem:$0xAA00] =	vst v63  }
0x32: {  	s1 =	rddreg [dreg:$0xd]  }
0x33: {  	[tilespmem:s17], [sflag:$0x1] =	stream.indirect.gather [hbm4b:s6+s10], $0x20, s1, s10, $0xb8;
	[tilespmem:$0xAA00] =	vst v63  }
0x34: {  	_ = 	snop  }
0x35: {  	[tilespmem:s18], [sflag:$0x2] =	stream.indirect.gather [hbm4b:s8+s10], $0x20, s20, s10, $0xb8;
	[tilespmem:$0xAA00] =	vst v63  }
0x36: {  	_ =	swait.ge [sflag:s9], $0x1000  }
0x37: {  	[sflag:s9] =	ssyncset.done $0x0  }
0x38: {  	[sflag:s9] =	ssyncadd.s32 $0xFFFFF000  }
0x39: {  	_ =	swait.ge [sflag:s7], $0x1000  }
0x3a: {  	[sflag:s7] =	ssyncset.done $0x0  }
0x3b: {  	[sflag:s7] =	ssyncadd.s32 $0xFFFFF000  }
0x3c: {  	_ =	swait.ge [sflag:s9], $0x1000  }
0x3d: {  	[sflag:s9] =	ssyncset.done $0x0  }
0x3e: {  	[sflag:s9] =	ssyncadd.s32 $0xFFFFF000  }
0x3f: {  	_ =	swait.ge [sflag:s7], $0x1000  }
0x40: {  	[sflag:s7] =	ssyncset.done $0x0  }
0x41: {  	[sflag:s7] =	ssyncadd.s32 $0xFFFFF000  }
0x42: {  	_ =	swait.ge [sflag:s9], $0x1000  }
0x43: {  	[sflag:s9] =	ssyncset.done $0x0  }
0x44: {  	[sflag:s9] =	ssyncadd.s32 $0xFFFFF000  }
0x45: {  	_ =	swait.ge [sflag:s7], $0x1000  }
0x46: {  	[sflag:s7] =	ssyncset.done $0x0  }
0x47: {  	[sflag:s7] =	ssyncadd.s32 $0xFFFFF000  }
0x48: {  	_ =	swait.ge [sflag:s9], $0x1000  }
0x49: {  	[sflag:s9] =	ssyncset.done $0x0  }
0x4a: {  	[sflag:s9] =	ssyncadd.s32 $0xFFFFF000  }
0x4b: {  	_ =	swait.ge [sflag:s7], $0x1000  }
0x4c: {  	[sflag:s7] =	ssyncset.done $0x0  }
0x4d: {  	[sflag:s7] =	ssyncadd.s32 $0xFFFFF000  }
0x4e: {  	_ =	swait.ge [sflag:s9], $0x1000  }
0x4f: {  	[sflag:s9] =	ssyncset.done $0x0  }
0x50: {  	[sflag:s9] =	ssyncadd.s32 $0xFFFFF000  }
0x51: {  	_ =	swait.ge [sflag:s7], $0x1000  }
0x52: {  	[sflag:s7] =	ssyncset.done $0x0  }
0x53: {  	s1 =	rddreg [dreg:$0x4];
	[sflag:s7] =	ssyncadd.s32 $0xFFFFF000  }
0x54: {  	[hbm4b:s1+s2] =	stream.linear.scatter [tilespmem:s5], [sflag:$0x3], $0x5000, $0x38;
	[tilespmem:$0xAA00] =	vst v63  }
0x55: {  	_ =	swait.ge [sflag:s3], $0x5000  }
0x56: {  	[sflag:s3] =	ssyncset.done $0x0  }
0x57: {  	s1 =	rddreg [dreg:$0x5];
	[sflag:s3] =	ssyncadd.s32 $0xFFFFB000  }
0x58: {  	[hbm4b:s1+s2] =	stream.linear.scatter [tilespmem:s4], [sflag:$0x3], $0x5000, $0x38;
	[tilespmem:$0xAA00] =	vst v63  }
0x59: {  	_ =	swait.ge [sflag:s3], $0x5000  }
0x5a: {  	[sflag:s3] =	ssyncset.done $0x0  }
0x5b: {  	s1 =	simm.s32 $0x280;
	[sflag:s3] =	ssyncadd.s32 $0xFFFFB000  }
0x5c: {  	[tilespmem:s5], [sflag:$0x1] =	stream.indirect.gather [hbm4b:s6+s10], $0x20, s1, s10, $0xb8;
	[tilespmem:$0xAA00] =	vst v63  }
0x5d: {  	_ = 	snop  }
0x5e: {  	[tilespmem:s4], [sflag:$0x2] =	stream.indirect.gather [hbm4b:s8+s10], $0x20, s21, s10, $0xb8;
	[tilespmem:$0xAA00] =	vst v63  }
0x5f: {  	_ = 	snop  }
0x60: {  	[tilespmem:s11], [sflag:$0x1] =	stream.indirect.gather [hbm4b:s6+s10], $0x20, s22, s10, $0xb8;
	[tilespmem:$0xAA00] =	vst v63  }
0x61: {  	_ = 	snop  }
0x62: {  	[tilespmem:s12], [sflag:$0x2] =	stream.indirect.gather [hbm4b:s8+s10], $0x20, s23, s10, $0xb8;
	[tilespmem:$0xAA00] =	vst v63  }
0x63: {  	_ = 	snop  }
0x64: {  	[tilespmem:s13], [sflag:$0x1] =	stream.indirect.gather [hbm4b:s6+s10], $0x20, s24, s10, $0xb8;
	[tilespmem:$0xAA00] =	vst v63  }
0x65: {  	_ = 	snop  }
0x66: {  	[tilespmem:s14], [sflag:$0x2] =	stream.indirect.gather [hbm4b:s8+s10], $0x20, s25, s10, $0xb8;
	[tilespmem:$0xAA00] =	vst v63  }
0x67: {  	_ = 	snop  }
0x68: {  	[tilespmem:s15], [sflag:$0x1] =	stream.indirect.gather [hbm4b:s6+s10], $0x20, s26, s10, $0xb8;
	[tilespmem:$0xAA00] =	vst v63  }
0x69: {  	_ = 	snop  }
0x6a: {  	[tilespmem:s16], [sflag:$0x2] =	stream.indirect.gather [hbm4b:s8+s10], $0x20, s28, s10, $0xb8;
	[tilespmem:$0xAA00] =	vst v63  }
0x6b: {  	_ = 	snop  }
0x6c: {  	[tilespmem:s17], [sflag:$0x1] =	stream.indirect.gather [hbm4b:s6+s10], $0x20, s29, s10, $0xb8;
	[tilespmem:$0xAA00] =	vst v63  }
0x6d: {  	_ = 	snop  }
0x6e: {  	[tilespmem:s18], [sflag:$0x2] =	stream.indirect.gather [hbm4b:s8+s10], $0x20, s31, s10, $0xb8;
	[tilespmem:$0xAA00] =	vst v63  }
0x6f: {  	_ =	swait.ge [sflag:s9], $0x1000  }
0x70: {  	[sflag:s9] =	ssyncset.done $0x0  }
0x71: {  	[sflag:s9] =	ssyncadd.s32 $0xFFFFF000  }
0x72: {  	_ =	swait.ge [sflag:s7], $0x1000  }
0x73: {  	[sflag:s7] =	ssyncset.done $0x0  }
0x74: {  	[sflag:s7] =	ssyncadd.s32 $0xFFFFF000  }
0x75: {  	_ =	swait.ge [sflag:s9], $0x1000  }
0x76: {  	[sflag:s9] =	ssyncset.done $0x0  }
0x77: {  	[sflag:s9] =	ssyncadd.s32 $0xFFFFF000  }
0x78: {  	_ =	swait.ge [sflag:s7], $0x1000  }
0x79: {  	[sflag:s7] =	ssyncset.done $0x0  }
0x7a: {  	[sflag:s7] =	ssyncadd.s32 $0xFFFFF000  }
0x7b: {  	_ =	swait.ge [sflag:s9], $0x1000  }
0x7c: {  	[sflag:s9] =	ssyncset.done $0x0  }
0x7d: {  	[sflag:s9] =	ssyncadd.s32 $0xFFFFF000  }
0x7e: {  	_ =	swait.ge [sflag:s7], $0x1000  }
0x7f: {  	[sflag:s7] =	ssyncset.done $0x0  }
0x80: {  	[sflag:s7] =	ssyncadd.s32 $0xFFFFF000  }
0x81: {  	_ =	swait.ge [sflag:s9], $0x1000  }
0x82: {  	[sflag:s9] =	ssyncset.done $0x0  }
0x83: {  	[sflag:s9] =	ssyncadd.s32 $0xFFFFF000  }
0x84: {  	_ =	swait.ge [sflag:s7], $0x1000  }
0x85: {  	[sflag:s7] =	ssyncset.done $0x0  }
0x86: {  	[sflag:s7] =	ssyncadd.s32 $0xFFFFF000  }
0x87: {  	_ =	swait.ge [sflag:s9], $0x1000  }
0x88: {  	[sflag:s9] =	ssyncset.done $0x0  }
0x89: {  	[sflag:s9] =	ssyncadd.s32 $0xFFFFF000  }
0x8a: {  	_ =	swait.ge [sflag:s7], $0x1000  }
0x8b: {  	[sflag:s7] =	ssyncset.done $0x0  }
0x8c: {  	s1 =	rddreg [dreg:$0x6];
	[sflag:s7] =	ssyncadd.s32 $0xFFFFF000  }
0x8d: {  	[hbm4b:s1+s2] =	stream.linear.scatter [tilespmem:s5], [sflag:$0x3], $0x5000, $0x38;
	[tilespmem:$0xAA00] =	vst v63  }
0x8e: {  	p1 =	sne.s32 s19, $0x1;
	_ =	swait.ge [sflag:s3], $0x5000  }
.Ltmp1:
0x8f: {  	[sflag:s3] =	ssyncset.done $0x0;
	(pc) =	sbr.rel @!p1 .LBB2_3-.Ltmp1, $4  }
0x90: {  	s1 =	rddreg [dreg:$0x7];
	[sflag:s3] =	ssyncadd.s32 $0xFFFFB000  }
0x91: {  	[hbm4b:s1+s2] =	stream.linear.scatter [tilespmem:s4], [sflag:$0x3], $0x5000, $0x38;
	[tilespmem:$0xAA00] =	vst v63  }
0x92: {  	p0 =	por $0x1, $0x1;
	_ =	swait.ge [sflag:s3], $0x5000  }
0x93: {  	s1 =	sadd.s32 $0xFFFFFFFF, s19;
	s0 =	rddreg [dreg:$0x2];
	[sflag:s3] =	ssyncset.done $0x0  }
.LBB2_4:
0x94: {  	[sflag:s3] =	ssyncadd.s32 $0xFFFFB000  }
0x95: {  	[tilespmem:s2], [sflag:$0x3] =	stream.linear.gather [hbm4b:s0+s2], $0x500, $0x38;
	[tilespmem:$0xAA00] =	vst v63  }
0x96: {  	_ =	swait.ge [sflag:s3], $0x500  }
0x97: {  	[sflag:s3] =	ssyncset.done $0x0  }
0x98: {  	s19 =	rddreg [dreg:$0x3];
	[sflag:s3] =	ssyncadd.s32 $0xFFFFFB00  }
0x99: {  	[tilespmem:s30], [sflag:$0x3] =	stream.linear.gather [hbm4b:s19+s2], $0x500, $0x38;
	[tilespmem:$0xAA00] =	vst v63  }
0x9a: {  	_ =	swait.ge [sflag:s3], $0x500  }
0x9b: {  	[sflag:s3] =	ssyncset.done $0x0  }
0x9c: {  	[sflag:s3] =	ssyncadd.s32 $0xFFFFFB00  }
0x9d: {  	[tilespmem:s5], [sflag:$0x1] =	stream.indirect.gather [hbm4b:s6+s10], $0x20, s2, s10, $0xb8;
	[tilespmem:$0xAA00] =	vst v63  }
0x9e: {  	_ = 	snop  }
0x9f: {  	[tilespmem:s4], [sflag:$0x2] =	stream.indirect.gather [hbm4b:s8+s10], $0x20, s30, s10, $0xb8;
	[tilespmem:$0xAA00] =	vst v63  }
0xa0: {  	_ = 	snop  }
0xa1: {  	[tilespmem:s11], [sflag:$0x1] =	stream.indirect.gather [hbm4b:s6+s10], $0x20, s10, s10, $0xb8;
	[tilespmem:$0xAA00] =	vst v63  }
0xa2: {  	s0 =	rddreg [dreg:$0x8]  }
0xa3: {  	[tilespmem:s12], [sflag:$0x2] =	stream.indirect.gather [hbm4b:s8+s10], $0x20, s0, s10, $0xb8;
	[tilespmem:$0xAA00] =	vst v63  }
0xa4: {  	s19 =	rddreg [dreg:$0x9]  }
0xa5: {  	[tilespmem:s13], [sflag:$0x1] =	stream.indirect.gather [hbm4b:s6+s10], $0x20, s19, s10, $0xb8;
	[tilespmem:$0xAA00] =	vst v63  }
0xa6: {  	s0 =	rddreg [dreg:$0xa]  }
0xa7: {  	[tilespmem:s14], [sflag:$0x2] =	stream.indirect.gather [hbm4b:s8+s10], $0x20, s0, s10, $0xb8;
	[tilespmem:$0xAA00] =	vst v63  }
0xa8: {  	s19 =	rddreg [dreg:$0xb]  }
0xa9: {  	[tilespmem:s15], [sflag:$0x1] =	stream.indirect.gather [hbm4b:s6+s10], $0x20, s19, s10, $0xb8;
	[tilespmem:$0xAA00] =	vst v63  }
0xaa: {  	s0 =	rddreg [dreg:$0xc]  }
0xab: {  	[tilespmem:s16], [sflag:$0x2] =	stream.indirect.gather [hbm4b:s8+s10], $0x20, s0, s10, $0xb8;
	[tilespmem:$0xAA00] =	vst v63  }
0xac: {  	s19 =	rddreg [dreg:$0xd]  }
0xad: {  	[tilespmem:s17], [sflag:$0x1] =	stream.indirect.gather [hbm4b:s6+s10], $0x20, s19, s10, $0xb8;
	[tilespmem:$0xAA00] =	vst v63  }
0xae: {  	_ = 	snop  }
0xaf: {  	[tilespmem:s18], [sflag:$0x2] =	stream.indirect.gather [hbm4b:s8+s10], $0x20, s20, s10, $0xb8;
	[tilespmem:$0xAA00] =	vst v63  }
0xb0: {  	_ =	swait.ge [sflag:s9], $0x1000  }
0xb1: {  	[sflag:s9] =	ssyncset.done $0x0  }
0xb2: {  	[sflag:s9] =	ssyncadd.s32 $0xFFFFF000  }
0xb3: {  	_ =	swait.ge [sflag:s7], $0x1000  }
0xb4: {  	[sflag:s7] =	ssyncset.done $0x0  }
0xb5: {  	[sflag:s7] =	ssyncadd.s32 $0xFFFFF000  }
0xb6: {  	_ =	swait.ge [sflag:s9], $0x1000  }
0xb7: {  	[sflag:s9] =	ssyncset.done $0x0  }
0xb8: {  	[sflag:s9] =	ssyncadd.s32 $0xFFFFF000  }
0xb9: {  	_ =	swait.ge [sflag:s7], $0x1000  }
0xba: {  	[sflag:s7] =	ssyncset.done $0x0  }
0xbb: {  	[sflag:s7] =	ssyncadd.s32 $0xFFFFF000  }
0xbc: {  	_ =	swait.ge [sflag:s9], $0x1000  }
0xbd: {  	[sflag:s9] =	ssyncset.done $0x0  }
0xbe: {  	[sflag:s9] =	ssyncadd.s32 $0xFFFFF000  }
0xbf: {  	_ =	swait.ge [sflag:s7], $0x1000  }
0xc0: {  	[sflag:s7] =	ssyncset.done $0x0  }
0xc1: {  	[sflag:s7] =	ssyncadd.s32 $0xFFFFF000  }
0xc2: {  	_ =	swait.ge [sflag:s9], $0x1000  }
0xc3: {  	[sflag:s9] =	ssyncset.done $0x0  }
0xc4: {  	[sflag:s9] =	ssyncadd.s32 $0xFFFFF000  }
0xc5: {  	_ =	swait.ge [sflag:s7], $0x1000  }
0xc6: {  	[sflag:s7] =	ssyncset.done $0x0  }
0xc7: {  	[sflag:s7] =	ssyncadd.s32 $0xFFFFF000  }
0xc8: {  	_ =	swait.ge [sflag:s9], $0x1000  }
0xc9: {  	[sflag:s9] =	ssyncset.done $0x0  }
0xca: {  	[sflag:s9] =	ssyncadd.s32 $0xFFFFF000  }
0xcb: {  	_ =	swait.ge [sflag:s7], $0x1000  }
0xcc: {  	[sflag:s7] =	ssyncset.done $0x0  }
0xcd: {  	s19 =	rddreg [dreg:$0x4];
	[sflag:s7] =	ssyncadd.s32 $0xFFFFF000  }
0xce: {  	[hbm4b:s19+s2] =	stream.linear.scatter [tilespmem:s5], [sflag:$0x3], $0x5000, $0x38;
	[tilespmem:$0xAA00] =	vst v63  }
0xcf: {  	_ =	swait.ge [sflag:s3], $0x5000  }
0xd0: {  	[sflag:s3] =	ssyncset.done $0x0  }
0xd1: {  	s19 =	rddreg [dreg:$0x5];
	[sflag:s3] =	ssyncadd.s32 $0xFFFFB000  }
0xd2: {  	[hbm4b:s19+s2] =	stream.linear.scatter [tilespmem:s4], [sflag:$0x3], $0x5000, $0x38;
	[tilespmem:$0xAA00] =	vst v63  }
0xd3: {  	_ =	swait.ge [sflag:s3], $0x5000  }
0xd4: {  	[sflag:s3] =	ssyncset.done $0x0  }
0xd5: {  	s19 =	simm.s32 $0x280;
	[sflag:s3] =	ssyncadd.s32 $0xFFFFB000  }
0xd6: {  	[tilespmem:s5], [sflag:$0x1] =	stream.indirect.gather [hbm4b:s6+s10], $0x20, s19, s10, $0xb8;
	[tilespmem:$0xAA00] =	vst v63  }
0xd7: {  	_ = 	snop  }
0xd8: {  	[tilespmem:s4], [sflag:$0x2] =	stream.indirect.gather [hbm4b:s8+s10], $0x20, s21, s10, $0xb8;
	[tilespmem:$0xAA00] =	vst v63  }
0xd9: {  	_ = 	snop  }
0xda: {  	[tilespmem:s11], [sflag:$0x1] =	stream.indirect.gather [hbm4b:s6+s10], $0x20, s22, s10, $0xb8;
	[tilespmem:$0xAA00] =	vst v63  }
0xdb: {  	_ = 	snop  }
0xdc: {  	[tilespmem:s12], [sflag:$0x2] =	stream.indirect.gather [hbm4b:s8+s10], $0x20, s23, s10, $0xb8;
	[tilespmem:$0xAA00] =	vst v63  }
0xdd: {  	_ = 	snop  }
0xde: {  	[tilespmem:s13], [sflag:$0x1] =	stream.indirect.gather [hbm4b:s6+s10], $0x20, s24, s10, $0xb8;
	[tilespmem:$0xAA00] =	vst v63  }
0xdf: {  	_ = 	snop  }
0xe0: {  	[tilespmem:s14], [sflag:$0x2] =	stream.indirect.gather [hbm4b:s8+s10], $0x20, s25, s10, $0xb8;
	[tilespmem:$0xAA00] =	vst v63  }
0xe1: {  	_ = 	snop  }
0xe2: {  	[tilespmem:s15], [sflag:$0x1] =	stream.indirect.gather [hbm4b:s6+s10], $0x20, s26, s10, $0xb8;
	[tilespmem:$0xAA00] =	vst v63  }
0xe3: {  	_ = 	snop  }
0xe4: {  	[tilespmem:s16], [sflag:$0x2] =	stream.indirect.gather [hbm4b:s8+s10], $0x20, s28, s10, $0xb8;
	[tilespmem:$0xAA00] =	vst v63  }
0xe5: {  	_ = 	snop  }
0xe6: {  	[tilespmem:s17], [sflag:$0x1] =	stream.indirect.gather [hbm4b:s6+s10], $0x20, s29, s10, $0xb8;
	[tilespmem:$0xAA00] =	vst v63  }
0xe7: {  	_ = 	snop  }
0xe8: {  	[tilespmem:s18], [sflag:$0x2] =	stream.indirect.gather [hbm4b:s8+s10], $0x20, s31, s10, $0xb8;
	[tilespmem:$0xAA00] =	vst v63  }
0xe9: {  	_ =	swait.ge [sflag:s9], $0x1000  }
0xea: {  	[sflag:s9] =	ssyncset.done $0x0  }
0xeb: {  	[sflag:s9] =	ssyncadd.s32 $0xFFFFF000  }
0xec: {  	_ =	swait.ge [sflag:s7], $0x1000  }
0xed: {  	[sflag:s7] =	ssyncset.done $0x0  }
0xee: {  	[sflag:s7] =	ssyncadd.s32 $0xFFFFF000  }
0xef: {  	_ =	swait.ge [sflag:s9], $0x1000  }
0xf0: {  	[sflag:s9] =	ssyncset.done $0x0  }
0xf1: {  	[sflag:s9] =	ssyncadd.s32 $0xFFFFF000  }
0xf2: {  	_ =	swait.ge [sflag:s7], $0x1000  }
0xf3: {  	[sflag:s7] =	ssyncset.done $0x0  }
0xf4: {  	[sflag:s7] =	ssyncadd.s32 $0xFFFFF000  }
0xf5: {  	_ =	swait.ge [sflag:s9], $0x1000  }
0xf6: {  	[sflag:s9] =	ssyncset.done $0x0  }
0xf7: {  	[sflag:s9] =	ssyncadd.s32 $0xFFFFF000  }
0xf8: {  	_ =	swait.ge [sflag:s7], $0x1000  }
0xf9: {  	[sflag:s7] =	ssyncset.done $0x0  }
0xfa: {  	[sflag:s7] =	ssyncadd.s32 $0xFFFFF000  }
0xfb: {  	_ =	swait.ge [sflag:s9], $0x1000  }
0xfc: {  	[sflag:s9] =	ssyncset.done $0x0  }
0xfd: {  	[sflag:s9] =	ssyncadd.s32 $0xFFFFF000  }
0xfe: {  	_ =	swait.ge [sflag:s7], $0x1000  }
0xff: {  	[sflag:s7] =	ssyncset.done $0x0  }
0x100: {  	[sflag:s7] =	ssyncadd.s32 $0xFFFFF000  }
0x101: {  	_ =	swait.ge [sflag:s9], $0x1000  }
0x102: {  	[sflag:s9] =	ssyncset.done $0x0  }
0x103: {  	[sflag:s9] =	ssyncadd.s32 $0xFFFFF000  }
0x104: {  	_ =	swait.ge [sflag:s7], $0x1000  }
0x105: {  	[sflag:s7] =	ssyncset.done $0x0  }
0x106: {  	s19 =	rddreg [dreg:$0x6];
	[sflag:s7] =	ssyncadd.s32 $0xFFFFF000  }
0x107: {  	[hbm4b:s19+s2] =	stream.linear.scatter [tilespmem:s5], [sflag:$0x3], $0x5000, $0x38;
	[tilespmem:$0xAA00] =	vst v63  }
0x108: {  	p1 =	sne.s32 s1, $0x1;
	_ =	swait.ge [sflag:s3], $0x5000  }
.Ltmp2:
0x109: {  	[sflag:s3] =	ssyncset.done $0x0;
	(pc) =	sbr.rel @p1 .LBB2_4-.Ltmp2, $4  }
0x10a: {  	s19 =	rddreg [dreg:$0x7];
	[sflag:s3] =	ssyncadd.s32 $0xFFFFB000  }
0x10b: {  	[hbm4b:s19+s2] =	stream.linear.scatter [tilespmem:s4], [sflag:$0x3], $0x5000, $0x38;
	[tilespmem:$0xAA00] =	vst v63  }
0x10c: {  	_ =	swait.ge [sflag:s3], $0x5000  }
0x10d: {  	s1 =	sadd.s32 $0xFFFFFFFF, s1;
	s0 =	rddreg [dreg:$0x2];
	[sflag:s3] =	ssyncset.done $0x0  }
0x10e: {  	s31 =	simm.s32 $0x700;
	s29 =	simm.s32 $0x480  }
0x10f: {  	s28 =	simm.s32 $0x900;
	s26 =	simm.s32 $0x400;
	s25 =	simm.s32 $0x880  }
0x110: {  	s24 =	simm.s32 $0x380;
	s23 =	simm.s32 $0x800;
	s22 =	simm.s32 $0x300  }
0x111: {  	s21 =	simm.s32 $0x780;
	s20 =	simm.s32 $0x280;
	s19 =	stileid.u32  }
.LBB2_6:
0x112: {  	[sflag:s3] =	ssyncadd.s32 @p0 $0xFFFFB000  }
0x113: {  	[tilespmem:s2], [sflag:$0x3] =	stream.linear.gather [hbm4b:s0+s2], $0x500, $0x38;
	[tilespmem:$0xAA00] =	vst v63  }
0x114: {  	_ =	swait.ge [sflag:s3], $0x500  }
0x115: {  	[sflag:s3] =	ssyncset.done $0x0  }
0x116: {  	s1 =	rddreg [dreg:$0x3];
	[sflag:s3] =	ssyncadd.s32 $0xFFFFFB00  }
0x117: {  	[tilespmem:s30], [sflag:$0x3] =	stream.linear.gather [hbm4b:s1+s2], $0x500, $0x38;
	[tilespmem:$0xAA00] =	vst v63  }
0x118: {  	_ =	swait.ge [sflag:s3], $0x500  }
0x119: {  	[sflag:s3] =	ssyncset.done $0x0  }
0x11a: {  	[sflag:s3] =	ssyncadd.s32 $0xFFFFFB00  }
0x11b: {  	[tilespmem:s5], [sflag:$0x1] =	stream.indirect.gather [hbm4b:s6+s10], $0x20, s2, s10, $0xb8;
	[tilespmem:$0xAA00] =	vst v63  }
0x11c: {  	_ = 	snop  }
0x11d: {  	[tilespmem:s4], [sflag:$0x2] =	stream.indirect.gather [hbm4b:s8+s10], $0x20, s30, s10, $0xb8;
	[tilespmem:$0xAA00] =	vst v63  }
0x11e: {  	_ = 	snop  }
0x11f: {  	[tilespmem:s11], [sflag:$0x1] =	stream.indirect.gather [hbm4b:s6+s10], $0x20, s10, s10, $0xb8;
	[tilespmem:$0xAA00] =	vst v63  }
0x120: {  	s30 =	rddreg [dreg:$0x8]  }
0x121: {  	[tilespmem:s12], [sflag:$0x2] =	stream.indirect.gather [hbm4b:s8+s10], $0x20, s30, s10, $0xb8;
	[tilespmem:$0xAA00] =	vst v63  }
0x122: {  	s1 =	rddreg [dreg:$0x9]  }
0x123: {  	[tilespmem:s13], [sflag:$0x1] =	stream.indirect.gather [hbm4b:s6+s10], $0x20, s1, s10, $0xb8;
	[tilespmem:$0xAA00] =	vst v63  }
0x124: {  	s0 =	rddreg [dreg:$0xa]  }
0x125: {  	[tilespmem:s14], [sflag:$0x2] =	stream.indirect.gather [hbm4b:s8+s10], $0x20, s0, s10, $0xb8;
	[tilespmem:$0xAA00] =	vst v63  }
0x126: {  	s30 =	rddreg [dreg:$0xb]  }
0x127: {  	[tilespmem:s15], [sflag:$0x1] =	stream.indirect.gather [hbm4b:s6+s10], $0x20, s30, s10, $0xb8;
	[tilespmem:$0xAA00] =	vst v63  }
0x128: {  	s0 =	rddreg [dreg:$0xc]  }
0x129: {  	[tilespmem:s16], [sflag:$0x2] =	stream.indirect.gather [hbm4b:s8+s10], $0x20, s0, s10, $0xb8;
	[tilespmem:$0xAA00] =	vst v63  }
0x12a: {  	s30 =	rddreg [dreg:$0xd]  }
0x12b: {  	[tilespmem:s17], [sflag:$0x1] =	stream.indirect.gather [hbm4b:s6+s10], $0x20, s30, s10, $0xb8;
	[tilespmem:$0xAA00] =	vst v63  }
0x12c: {  	_ = 	snop  }
0x12d: {  	[tilespmem:s18], [sflag:$0x2] =	stream.indirect.gather [hbm4b:s8+s10], $0x20, s31, s10, $0xb8;
	[tilespmem:$0xAA00] =	vst v63  }
0x12e: {  	_ =	swait.ge [sflag:s9], $0x1000  }
0x12f: {  	[sflag:s9] =	ssyncset.done $0x0  }
0x130: {  	[sflag:s9] =	ssyncadd.s32 $0xFFFFF000  }
0x131: {  	_ =	swait.ge [sflag:s7], $0x1000  }
0x132: {  	[sflag:s7] =	ssyncset.done $0x0  }
0x133: {  	[sflag:s7] =	ssyncadd.s32 $0xFFFFF000  }
0x134: {  	_ =	swait.ge [sflag:s9], $0x1000  }
0x135: {  	[sflag:s9] =	ssyncset.done $0x0  }
0x136: {  	[sflag:s9] =	ssyncadd.s32 $0xFFFFF000  }
0x137: {  	_ =	swait.ge [sflag:s7], $0x1000  }
0x138: {  	[sflag:s7] =	ssyncset.done $0x0  }
0x139: {  	[sflag:s7] =	ssyncadd.s32 $0xFFFFF000  }
0x13a: {  	_ =	swait.ge [sflag:s9], $0x1000  }
0x13b: {  	[sflag:s9] =	ssyncset.done $0x0  }
0x13c: {  	[sflag:s9] =	ssyncadd.s32 $0xFFFFF000  }
0x13d: {  	_ =	swait.ge [sflag:s7], $0x1000  }
0x13e: {  	[sflag:s7] =	ssyncset.done $0x0  }
0x13f: {  	[sflag:s7] =	ssyncadd.s32 $0xFFFFF000  }
0x140: {  	_ =	swait.ge [sflag:s9], $0x1000  }
0x141: {  	[sflag:s9] =	ssyncset.done $0x0  }
0x142: {  	[sflag:s9] =	ssyncadd.s32 $0xFFFFF000  }
0x143: {  	_ =	swait.ge [sflag:s7], $0x1000  }
0x144: {  	[sflag:s7] =	ssyncset.done $0x0  }
0x145: {  	[sflag:s7] =	ssyncadd.s32 $0xFFFFF000  }
0x146: {  	_ =	swait.ge [sflag:s9], $0x1000  }
0x147: {  	[sflag:s9] =	ssyncset.done $0x0  }
0x148: {  	[sflag:s9] =	ssyncadd.s32 $0xFFFFF000  }
0x149: {  	_ =	swait.ge [sflag:s7], $0x1000  }
0x14a: {  	[sflag:s7] =	ssyncset.done $0x0  }
0x14b: {  	s31 =	rddreg [dreg:$0x4];
	[sflag:s7] =	ssyncadd.s32 $0xFFFFF000  }
0x14c: {  	[hbm4b:s31+s2] =	stream.linear.scatter [tilespmem:s5], [sflag:$0x3], $0x5000, $0x38;
	[tilespmem:$0xAA00] =	vst v63  }
0x14d: {  	_ =	swait.ge [sflag:s3], $0x5000  }
0x14e: {  	[sflag:s3] =	ssyncset.done $0x0  }
0x14f: {  	s1 =	rddreg [dreg:$0x5];
	[sflag:s3] =	ssyncadd.s32 $0xFFFFB000  }
0x150: {  	[hbm4b:s1+s2] =	stream.linear.scatter [tilespmem:s4], [sflag:$0x3], $0x5000, $0x38;
	[tilespmem:$0xAA00] =	vst v63  }
0x151: {  	_ =	swait.ge [sflag:s3], $0x5000  }
0x152: {  	[sflag:s3] =	ssyncset.done $0x0  }
0x153: {  	[sflag:s3] =	ssyncadd.s32 $0xFFFFB000  }
0x154: {  	[tilespmem:s5], [sflag:$0x1] =	stream.indirect.gather [hbm4b:s6+s10], $0x20, s20, s10, $0xb8;
	[tilespmem:$0xAA00] =	vst v63  }
0x155: {  	_ = 	snop  }
0x156: {  	[tilespmem:s4], [sflag:$0x2] =	stream.indirect.gather [hbm4b:s8+s10], $0x20, s21, s10, $0xb8;
	[tilespmem:$0xAA00] =	vst v63  }
0x157: {  	_ = 	snop  }
0x158: {  	[tilespmem:s11], [sflag:$0x1] =	stream.indirect.gather [hbm4b:s6+s10], $0x20, s22, s10, $0xb8;
	[tilespmem:$0xAA00] =	vst v63  }
0x159: {  	_ = 	snop  }
0x15a: {  	[tilespmem:s12], [sflag:$0x2] =	stream.indirect.gather [hbm4b:s8+s10], $0x20, s23, s10, $0xb8;
	[tilespmem:$0xAA00] =	vst v63  }
0x15b: {  	_ = 	snop  }
0x15c: {  	[tilespmem:s13], [sflag:$0x1] =	stream.indirect.gather [hbm4b:s6+s10], $0x20, s24, s10, $0xb8;
	[tilespmem:$0xAA00] =	vst v63  }
0x15d: {  	_ = 	snop  }
0x15e: {  	[tilespmem:s14], [sflag:$0x2] =	stream.indirect.gather [hbm4b:s8+s10], $0x20, s25, s10, $0xb8;
	[tilespmem:$0xAA00] =	vst v63  }
0x15f: {  	_ = 	snop  }
0x160: {  	[tilespmem:s15], [sflag:$0x1] =	stream.indirect.gather [hbm4b:s6+s10], $0x20, s26, s10, $0xb8;
	[tilespmem:$0xAA00] =	vst v63  }
0x161: {  	_ = 	snop  }
0x162: {  	[tilespmem:s16], [sflag:$0x2] =	stream.indirect.gather [hbm4b:s8+s10], $0x20, s28, s10, $0xb8;
	[tilespmem:$0xAA00] =	vst v63  }
0x163: {  	_ = 	snop  }
0x164: {  	[tilespmem:s17], [sflag:$0x1] =	stream.indirect.gather [hbm4b:s6+s10], $0x20, s29, s10, $0xb8;
	[tilespmem:$0xAA00] =	vst v63  }
0x165: {  	s29 =	simm.s32 $0x980  }
0x166: {  	[tilespmem:s18], [sflag:$0x2] =	stream.indirect.gather [hbm4b:s8+s10], $0x20, s29, s10, $0xb8;
	[tilespmem:$0xAA00] =	vst v63  }
0x167: {  	_ =	swait.ge [sflag:s9], $0x1000  }
0x168: {  	[sflag:s9] =	ssyncset.done $0x0  }
0x169: {  	[sflag:s9] =	ssyncadd.s32 $0xFFFFF000  }
0x16a: {  	_ =	swait.ge [sflag:s7], $0x1000  }
0x16b: {  	[sflag:s7] =	ssyncset.done $0x0  }
0x16c: {  	[sflag:s7] =	ssyncadd.s32 $0xFFFFF000  }
0x16d: {  	_ =	swait.ge [sflag:s9], $0x1000  }
0x16e: {  	[sflag:s9] =	ssyncset.done $0x0  }
0x16f: {  	[sflag:s9] =	ssyncadd.s32 $0xFFFFF000  }
0x170: {  	_ =	swait.ge [sflag:s7], $0x1000  }
0x171: {  	[sflag:s7] =	ssyncset.done $0x0  }
0x172: {  	[sflag:s7] =	ssyncadd.s32 $0xFFFFF000  }
0x173: {  	_ =	swait.ge [sflag:s9], $0x1000  }
0x174: {  	[sflag:s9] =	ssyncset.done $0x0  }
0x175: {  	[sflag:s9] =	ssyncadd.s32 $0xFFFFF000  }
0x176: {  	_ =	swait.ge [sflag:s7], $0x1000  }
0x177: {  	[sflag:s7] =	ssyncset.done $0x0  }
0x178: {  	[sflag:s7] =	ssyncadd.s32 $0xFFFFF000  }
0x179: {  	_ =	swait.ge [sflag:s9], $0x1000  }
0x17a: {  	[sflag:s9] =	ssyncset.done $0x0  }
0x17b: {  	[sflag:s9] =	ssyncadd.s32 $0xFFFFF000  }
0x17c: {  	_ =	swait.ge [sflag:s7], $0x1000  }
0x17d: {  	[sflag:s7] =	ssyncset.done $0x0  }
0x17e: {  	[sflag:s7] =	ssyncadd.s32 $0xFFFFF000  }
0x17f: {  	_ =	swait.ge [sflag:s9], $0x1000  }
0x180: {  	[sflag:s9] =	ssyncset.done $0x0  }
0x181: {  	[sflag:s9] =	ssyncadd.s32 $0xFFFFF000  }
0x182: {  	_ =	swait.ge [sflag:s7], $0x1000  }
0x183: {  	[sflag:s7] =	ssyncset.done $0x0  }
0x184: {  	s30 =	rddreg [dreg:$0x6];
	[sflag:s7] =	ssyncadd.s32 $0xFFFFF000  }
0x185: {  	[hbm4b:s30+s2] =	stream.linear.scatter [tilespmem:s5], [sflag:$0x3], $0x5000, $0x38;
	[tilespmem:$0xAA00] =	vst v63  }
0x186: {  	_ =	swait.ge [sflag:s3], $0x5000  }
0x187: {  	[sflag:s3] =	ssyncset.done $0x0  }
0x188: {  	s31 =	rddreg [dreg:$0x7];
	[sflag:s3] =	ssyncadd.s32 $0xFFFFB000  }
0x189: {  	[hbm4b:s31+s2] =	stream.linear.scatter [tilespmem:s4], [sflag:$0x3], $0x5000, $0x38;
	[tilespmem:$0xAA00] =	vst v63  }
0x18a: {  	_ =	swait.ge [sflag:s3], $0x5000  }
0x18b: {  	[sflag:s3] =	ssyncset.done $0x0  }
0x18c: {  	[sflag:s3] =	ssyncadd.s32 $0xFFFFB000  }
0x18d: {  	_ =	sfence.sel $0x180000  }
0x18e: {  	[bflag:$0x0] =	sbarrier.arrive $0xFFFF  }
0x18f: {  	_ =	strace $0x9000004D  }
0x190: {  	[bflag:$0x2] =	sbarrier.arrive $0xFFFF  }
0x191: {  	p0 =	sne.s32 s19, $0x0;
	s0 =	rddreg [dreg:$0x1]  }
0x192: {  	s0 =	sadd.s32 @!p0 $0x100000, s0  }
0x193: {  	[sflag:s0] =	ssyncadd.tile.s32 @!p0 $0x1;
	_ =	shalt  }
.LBB2_1:
.Ltmp3:
0x194: {  	(pc) =	sbr.rel .LBB2_6-.Ltmp3, $4  }
0x195: {  	s31 =	simm.s32 $0x700  }
0x196: {  	s29 =	simm.s32 $0x480;
	s28 =	simm.s32 $0x900;
	s26 =	simm.s32 $0x400  }
0x197: {  	s25 =	simm.s32 $0x880;
	s24 =	simm.s32 $0x380;
	s23 =	simm.s32 $0x800  }
0x198: {  	s22 =	simm.s32 $0x300;
	s21 =	simm.s32 $0x780;
	s20 =	simm.s32 $0x280  }
.LBB2_3:
.Ltmp4:
0x199: {  	(pc) =	sbr.rel .LBB2_6-.Ltmp4, $4  }
0x19a: {  	s31 =	simm.s32 $0x700;
	s29 =	simm.s32 $0x480  }
0x19b: {  	s28 =	simm.s32 $0x900;
	s26 =	simm.s32 $0x400;
	s25 =	simm.s32 $0x880  }
0x19c: {  	s24 =	simm.s32 $0x380;
	s23 =	simm.s32 $0x800;
	s22 =	simm.s32 $0x300  }
0x19d: {  	s21 =	simm.s32 $0x780;
	s20 =	simm.s32 $0x280;
	s19 =	stileid.u32  }
.Lfunc_end2:
_tile_overlayer_lowered:
.L_overlay_start_2:
0x19e: {  	(tag) =	ssettag $0x2  }
0x19f: {  	s0 =	rddreg [dreg:$0x0];
	s2 =	stileid.u32  }
0x1a0: {  	s1 =	rddreg [dreg:$0x1];
	p0 =	sne.s32 s2, $0x0  }
0x1a1: {  	s3 =	rddreg [dreg:$0x2];
	[bflag:$0x3] =	sbarrier.arrive $0xFFFF;
	s2 =	simm.s32 @!p0 $0x1C03  }
0x1a2: {  	[timem:s3], [sflag:s2] =	dma.local @!p0 [hbm:s0], s1  }
0x1a3: {  	s0 =	simm.s32 @!p0 $0x3  }
0x1a4: {  	_ =	swait.ge @!p0 [sflag:s0], s1  }
0x1a5: {  	s1 =	ssub.s32 @!p0 $0x0, s1;
	[sflag:s0] =	ssyncset.done @!p0 $0x0  }
0x1a6: {  	[sflag:s0] =	ssyncadd.s32 @!p0 s1  }
0x1a7: {  	[bflag:$0x3] =	sbarrier.arrive $0xFFFF  }
0x1a8: {  	_ =	shalt  }

// kernel: kernel.26.cloned.1.call-start
scs
__scs_entry_jumppad:
0x0: {  	(pc) =	sbr.rel $0x88, $3  }
0x1: {  	(tag) =	ssettag $0x0;
	lr =	simm.s32 $0x1  }
0x2: {  	[smem:$0x3F9A] =	sst lr;
	_ =	strace $0xD0000000  }
0x3: {  	_ = 	snop  }
0x4: {  	_ = 	snop  }
0x5: {  	_ = 	snop  }
0x6: {  	_ = 	snop  }
0x7: {  	_ = 	snop  }
__scs_overlays_trampoline_lowered:
0x8: {  	[smem:$0x3FA9] =	sst s0  }
0x9: {  	[smem:$0x3FAA] =	sst s1  }
0xa: {  	[smem:$0x3FAB] =	sst s2  }
0xb: {  	[smem:$0x3FAC] =	sst s3  }
0xc: {  	[smem:$0x3FAD] =	sst s4  }
0xd: {  	[smem:$0x3FAE] =	sst s5  }
0xe: {  	[smem:$0x3FAF] =	sst s6  }
0xf: {  	[smem:$0x3FB0] =	sst s7  }
0x10: {  	[smem:$0x3FB1] =	sst s8  }
0x11: {  	[smem:$0x3FB2] =	sst s9;
	s0 =	simm.s32 @!p0 $0x0  }
0x12: {  	s1 =	sld [smem:$0x3F98];
	s0 =	simm.s32 @p0 $0x1  }
0x13: {  	[smem:$0x3FB3] =	sst s0;
	s0 =	simm.s32 @!p1 $0x0  }
0x14: {  	s2 =	sld [smem:$0x3F97];
	s0 =	simm.s32 @p1 $0x1  }
0x15: {  	[smem:$0x3FB4] =	sst s0;
	s0 =	simm.s32 @!p2 $0x0  }
0x16: {  	s3 =	sld [smem:$0x3FDB];
	s0 =	simm.s32 @p2 $0x1  }
0x17: {  	s4 =	simm.s32 $0x1BF5;
	[smem:$0x3FB6] =	sst s0  }
0x18: {  	s0 =	sld [smem:$0x3F99];
	_ =	swait.ge [sflag:s4], $0x0  }
0x19: {  	s7 =	sld [smem:$0x3F9A]  }
0x1a: {  	s8 =	sadd.s32 $0xFFFFE003, lr  }
0x1b: {  	s9 =	sadd.s32 $0xFFFFFEF7, lr;
	s5 =	simm.s32 $0xFFFFFFFF;
	p2 =	slt.u32 s8, $0xFFFFF086  }
0x1c: {  	p1 =	slt.u32 s9, $0xF7A;
	s5 =	simm.s32 @!p2 $0x0  }
0x1d: {  	s5 =	simm.s32 @p1 $0x1;
	p0 =	seq.s32 s7, s2  }
0x1e: {  	s7 =	smul.u32 @!p0 $0xF7A, s2;
	p2 =	seq.s32 @!p0 s5, $0x0  }
0x1f: {  	s9 =	smul.u32 $0xF7A, s1;
	s8 =	simm.s32 @!p0 $0x1BF5;
	p2 =	por !p2, p0  }
0x20: {  	[sflag:s8] =	ssyncset.s32 @!p0 $0xFFFFF086;
	s6 =	sadd.s32 @!p0 s3, s7;
	s7 =	simm.s32 @!p0 $0x108  }
0x21: {  	s3 =	sadd.s32 s3, s9;
	s6 =	sadd.s32 @!p0 $0x88, s6;
	s7 =	simm.s32 @p2 $0x1082  }
0x22: {  	[simem:s7], [sflag:s8] =	dma.local @!p0 [hbm:s6], $0xF7A  }
0x23: {  	s9 =	sor.u32 $0xD0000000, s2;
	s6 =	simm.s32 $0x108;
	_ =	swait.ge @!p0 [sflag:s8], $0x0  }
0x24: {  	s3 =	sadd.s32 $0x88, s3;
	s6 =	simm.s32 @!p1 $0x1082;
	[sflag:s4] =	ssyncset.s32 $0xFFFFF086  }
0x25: {  	[simem:s6], [sflag:s4] =	dma.local [hbm:s3], $0xF7A  }
0x26: {  	[smem:$0x3F9A] =	sst s1;
	(tag) =	ssettag s2;
	_ =	strace s9  }
0x27: {  	s1 =	sld [smem:$0x3FAA]  }
0x28: {  	s2 =	sld [smem:$0x3FAB]  }
0x29: {  	s4 =	sld [smem:$0x3FAD]  }
0x2a: {  	p0 =	seq.s32 s5, $0x0;
	s5 =	sld [smem:$0x3FAE]  }
0x2b: {  	s6 =	sld [smem:$0x3FAF]  }
0x2c: {  	s7 =	sld [smem:$0x3FB0]  }
0x2d: {  	s3 =	simm.s32 $0x108;
	s8 =	sld [smem:$0x3FB1]  }
0x2e: {  	s3 =	simm.s32 @!p0 $0x1082;
	s9 =	sld [smem:$0x3FB2]  }
0x2f: {  	lr =	sadd.s32 s0, s3;
	s0 =	sld [smem:$0x3FA9]  }
0x30: {  	s3 =	sld [smem:$0x3FAC]  }
0x31: {  	[smem:$0x3FB5] =	sst s10  }
0x32: {  	s10 =	sld [smem:$0x3FB3];
	_ =	sdelay $0x3  }
0x33: {  	p0 =	seq.s32 s10, $0x1;
	s10 =	sld [smem:$0x3FB5];
	_ =	sdelay $0x3  }
0x34: {  	[smem:$0x3FB5] =	sst s10  }
0x35: {  	s10 =	sld [smem:$0x3FB4];
	_ =	sdelay $0x3  }
0x36: {  	p1 =	seq.s32 s10, $0x1;
	s10 =	sld [smem:$0x3FB5];
	_ =	sdelay $0x3  }
0x37: {  	[smem:$0x3FB5] =	sst s10  }
0x38: {  	s10 =	sld [smem:$0x3FB6]  }
0x39: {  	_ = 	snop;
	(pc) =	sbr.ind lr, $3  }
0x3a: {  	_ = 	snop  }
0x3b: {  	_ = 	snop  }
0x3c: {  	p2 =	seq.s32 s10, $0x1;
	s10 =	sld [smem:$0x3FB5]  }
0x3d: {  	_ =	shalt  }
0x3e: {  	_ =	shalt  }
0x3f: {  	_ =	shalt  }
0x40: {  	_ =	shalt  }
0x41: {  	_ =	shalt  }
0x42: {  	_ =	shalt  }
0x43: {  	_ =	shalt  }
0x44: {  	_ =	shalt  }
0x45: {  	_ =	shalt  }
0x46: {  	_ =	shalt  }
0x47: {  	_ =	shalt  }
0x48: {  	_ =	shalt  }
0x49: {  	_ =	shalt  }
0x4a: {  	_ =	shalt  }
0x4b: {  	_ =	shalt  }
0x4c: {  	_ =	shalt  }
0x4d: {  	_ =	shalt  }
0x4e: {  	_ =	shalt  }
0x4f: {  	_ =	shalt  }
0x50: {  	_ =	shalt  }
0x51: {  	_ =	shalt  }
0x52: {  	_ =	shalt  }
0x53: {  	_ =	shalt  }
0x54: {  	_ =	shalt  }
0x55: {  	_ =	shalt  }
0x56: {  	_ =	shalt  }
0x57: {  	_ =	shalt  }
0x58: {  	_ =	shalt  }
0x59: {  	_ =	shalt  }
0x5a: {  	_ =	shalt  }
0x5b: {  	_ =	shalt  }
0x5c: {  	_ =	shalt  }
0x5d: {  	_ =	shalt  }
0x5e: {  	_ =	shalt  }
0x5f: {  	_ =	shalt  }
0x60: {  	_ =	shalt  }
0x61: {  	_ =	shalt  }
0x62: {  	_ =	shalt  }
0x63: {  	_ =	shalt  }
0x64: {  	_ =	shalt  }
0x65: {  	_ =	shalt  }
0x66: {  	_ =	shalt  }
0x67: {  	_ =	shalt  }
0x68: {  	_ =	shalt  }
0x69: {  	_ =	shalt  }
0x6a: {  	_ =	shalt  }
0x6b: {  	_ =	shalt  }
0x6c: {  	_ =	shalt  }
0x6d: {  	_ =	shalt  }
0x6e: {  	_ =	shalt  }
0x6f: {  	_ =	shalt  }
0x70: {  	_ =	shalt  }
0x71: {  	_ =	shalt  }
0x72: {  	_ =	shalt  }
0x73: {  	_ =	shalt  }
0x74: {  	_ =	shalt  }
0x75: {  	_ =	shalt  }
0x76: {  	_ =	shalt  }
0x77: {  	_ =	shalt  }
0x78: {  	_ =	shalt  }
0x79: {  	_ =	shalt  }
0x7a: {  	_ =	shalt  }
0x7b: {  	_ =	shalt  }
0x7c: {  	_ =	shalt  }
0x7d: {  	_ =	shalt  }
0x7e: {  	_ =	shalt  }
0x7f: {  	_ =	shalt  }
0x80: {  	_ =	shalt  }
0x81: {  	_ =	shalt  }
0x82: {  	_ =	shalt  }
0x83: {  	_ =	shalt  }
0x84: {  	_ =	shalt  }
0x85: {  	_ =	shalt  }
0x86: {  	_ =	shalt  }
0x87: {  	_ =	shalt  }
.Lfunc_end0:
.L_simem_size_0:
called_computation.4_lowered:
.L_overlay_start_0:
0x88: {  	s2 =	sld [smem:$0x3FD9]  }
0x89: {  	s3 =	sld [smem:$0x3FFE];
	_ =	sdelay $0x1  }
0x8a: {  	s1 =	srdreg.scid  }
0x8b: {  	s0 =	sand.u32 $0x1, s1  }
0x8c: {  	s17 =	sshll.u32 s0, $0xA;
	s2 =	sadd.s32 s3, s2  }
0x8d: {  	s2 =	sadd.s32 s2, s17  }
0x8e: {  	[smem:$0x3FC1] =	sst s2  }
0x8f: {  	_ = 	snop  }
0x90: {  	(tm) =	ssettm $0x1  }
0x91: {  	s18 =	sld [smem:$0x3FFB];
	_ =	sdelay $0x3  }
0x92: {  	_ =	strace s18  }
0x93: {  	s2 =	sld [smem:$0x3FFC];
	_ =	sdelay $0x3  }
0x94: {  	_ =	strace s2  }
0x95: {  	s2 =	sld [smem:$0x3FFD];
	_ =	sdelay $0x3  }
0x96: {  	_ =	strace s2  }
0x97: {  	_ =	strace $0x8FFFFFFF  }
0x98: {  	s19 =	sld [smem:$0x3FDB];
	_ =	sdelay $0x1  }
0x99: {  	s20 =	simm.s32 $_scs_section_size  }
0x9a: {  	s4 =	simm.s32 $_size__tile_overlayer_lowered;
	s5 =	simm.s32 $_tile_overlayer_lowered  }
0x9b: {  	s6 =	simm.s32 $0x1BFF;
	s21 =	sshll.u32 s5, $0x1;
	s3 =	sadd.s32 s20, s19  }
0x9c: {  	s22 =	simm.s32 $0x0;
	s4 =	sshll.u32 s4, $0x1;
	s5 =	sadd.s32 s21, s3  }
0x9d: {  	[timem:s22], [sflag:s6] =	dma.local [hbm:s5], s4  }
0x9e: {  	_ =	swait.ge [sflag:s6], s4  }
0x9f: {  	s4 =	ssub.s32 $0x0, s4;
	[sflag:s6] =	ssyncset.done $0x0  }
0xa0: {  	[sflag:s6] =	ssyncadd.s32 s4;
	_ =	sdelay $0x1  }
0xa1: {  	s23 =	simm.s32 $0x1B8B  }
0xa2: {  	_ =	swait.ge [sflag:s23], $0x1  }
0xa3: {  	[sflag:s23] =	ssyncset.done $0x0  }
0xa4: {  	[sflag:s23] =	ssyncadd.s32 $0xFFFFFFFF  }
0xa5: {  	s4 =	sld [smem:$0x0]  }
0xa6: {  	s5 =	sand.u32 $0xFFFFFFFE, s1  }
0xa7: {  	p0 =	sne.s32 s1, s5  }
0xa8: {  	s5 =	sshll.u32 @p0 s5, $0xE  }
0xa9: {  	s5 =	sadd.s32 @p0 $0x11B8D, s5;
	s6 =	sshll.u32 @p0 s4, $0x11  }
0xaa: {  	s5 =	sor.u32 @p0 s6, s5  }
0xab: {  	[sflag:s5] =	ssyncadd.remote.s32 @p0 $0x1;
	_ =	sdelay $0x1  }
0xac: {  	s5 =	simm.s32 @p0 $0x1B8D  }
0xad: {  	_ =	swait.eq @p0 [sflag:s5], $0x1  }
0xae: {  	[sflag:s5] =	ssyncadd.s32 @p0 $0xFFFFFFFF  }
0xaf: {  	s6 =	sshll.u32 @!p0 s1, $0xE  }
0xb0: {  	s6 =	sor.u32 @!p0 $0x4000, s6;
	s5 =	simm.s32 @!p0 $0x1B8D  }
0xb1: {  	s4 =	sshll.u32 @!p0 s4, $0x11;
	s6 =	sadd.s32 @!p0 $0x11B8D, s6;
	_ =	swait.eq @!p0 [sflag:s5], $0x1  }
0xb2: {  	s4 =	sor.u32 @!p0 s4, s6;
	[sflag:s5] =	ssyncadd.s32 @!p0 $0xFFFFFFFF  }
0xb3: {  	s25 =	simm.s32 $0x1B8E;
	s24 =	sld [smem:$0x3FFE];
	[sflag:s4] =	ssyncadd.remote.s32 @!p0 $0x1  }
0xb4: {  	s26 =	simm.s32 $execute0_lowered;
	[smem:$0x3FD2] =	sst s25  }
0xb5: {  	s5 =	sshll.u32 s26, $0x1;
	_ =	strace $0x8000004F;
	[dreg:$0x1] =	wrdreg $0xFFFFFFFF  }
0xb6: {  	s28 =	simm.s32 $_size_execute0_lowered;
	s3 =	sadd.s32 s3, s5;
	[dreg:$0x0] =	wrdreg $0x0  }
0xb7: {  	s5 =	sshll.u32 s28, $0x1;
	[dreg:$0x2] =	wrdreg s3  }
0xb8: {  	[dreg:$0x3] =	wrdreg s5  }
0xb9: {  	[dreg:$0x4] =	wrdreg $0xC0  }
0xba: {  	_ =	task [dreg:s22], $0x5FFFF  }
0xbb: {  	[dreg:$0x1] =	wrdreg $0xFFFFFFFF  }
0xbc: {  	[dreg:$0x0] =	wrdreg $0x60  }
0xbd: {  	[dreg:$0x2] =	wrdreg s24  }
0xbe: {  	[dreg:$0x3] =	wrdreg $0xA  }
0xbf: {  	_ =	task.clear_ibuf [dreg:s22], $0x4FFFF;
	_ =	strace $0x9000004F  }
0xc0: {  	s29 =	simm.s32 $0xA;
	_ =	strace $0x80000051  }
0xc1: {  	_ =	swait.ge [sflag:s29], $0x1  }
0xc2: {  	[sflag:s29] =	ssyncadd.s32 $0xFFFFFFFF  }
0xc3: {  	_ =	strace $0x90000051  }
0xc4: {  	_ =	sfence  }
0xc5: {  	s30 =	sld [smem:$0x0];
	_ =	sdelay $0x2  }
0xc6: {  	s31 =	sshll.u32 s1, $0xD;
	s1 =	sshrl.u32 s1, $0x2  }
0xc7: {  	s4 =	sand.u32 $0x4000, s31;
	s1 =	sadd.s32 s1, s30  }
0xc8: {  	s0 =	sor.u32 s4, s0;
	s1 =	sshll.u32 s1, $0x11  }
0xc9: {  	s0 =	sor.u32 s1, s0  }
0xca: {  	s0 =	sadd.s32 $0x8F2B, s0  }
0xcb: {  	[sflag:s0] =	ssyncadd.remote.s32 $0x1  }
0xcc: {  	_ =	sfence.sel $0xFFFF  }
0xcd: {  	[dreg:$0x0] =	wrdreg $0xFFFFFFFF;
	(pc) =	sbr.abs _section_cstart, $3  }
0xce: {  	[dreg:$0x1] =	wrdreg $0xFFFFFFFF  }
0xcf: {  	_ =	task.clear_ibuf [dreg:s22], $0x2FFFF;
	_ =	strace $0x9FFFFFFF  }
0xd0: {  	(tm) =	ssettm $0x7FFFFFFF  }
0xd1: {  	_ =	shalt  }
tec
execute0_lowered:
.L_overlay_start_1:
0x0: {  	(tag) =	ssettag $0x1  }
0x1: {  	s0 =	srdreg.scid  }
0x2: {  	s19 =	stileid.u32;
	s3 =	rddreg [dreg:$0x0]  }
0x3: {  	s2 =	simm.s32 $0x0;
	s30 =	simm.s32 $0x500;
	s10 =	simm.s32 $0x80  }
0x4: {  	s21 =	simm.s32 $0x580;
	s11 =	simm.s32 $0x1A00;
	s22 =	simm.s32 $0x100  }
0x5: {  	s12 =	simm.s32 $0x6A00;
	s23 =	simm.s32 $0x600;
	s13 =	simm.s32 $0x2A00  }
0x6: {  	s24 =	simm.s32 $0x180;
	s14 =	simm.s32 $0x7A00;
	s25 =	simm.s32 $0x680  }
0x7: {  	s15 =	simm.s32 $0x3A00;
	s26 =	simm.s32 $0x200;
	s9 =	simm.s32 $0x1  }
0x8: {  	p0 =	por $0x0, $0x0;
	s28 =	simm.s32 $0x900;
	[smem:$0x7FF] =	sst s2  }
0x9: {  	s29 =	simm.s32 $0x480;
	_ =	strace $0x80000050;
	[dreg:$0x8] =	wrdreg s21  }
0xa: {  	s31 =	simm.s32 $0x980;
	s0 =	sand.u32 $0x1, s0;
	[dreg:$0x9] =	wrdreg s22  }
0xb: {  	s1 =	sshll.u32 s19, $0x1;
	s6 =	sadd.s32 $0x5400, s3;
	[dreg:$0xa] =	wrdreg s23  }
0xc: {  	s5 =	sadd.s32 $0x116C00, s3;
	s8 =	sadd.s32 $0x13EC00, s3;
	[dreg:$0xb] =	wrdreg s24  }
0xd: {  	s1 =	sor.u32 s0, s1;
	s0 =	ssub.s32 $0x2, s0;
	[dreg:$0xc] =	wrdreg s25  }
0xe: {  	[dreg:$0xd] =	wrdreg s26;
	s21 =	simm.s32 $0x780;
	s22 =	simm.s32 $0x300  }
0xf: {  	s23 =	simm.s32 $0x800;
	s24 =	simm.s32 $0x380;
	s4 =	smul.u32 $0xA0, s1  }
0x10: {  	s25 =	simm.s32 $0x880;
	s1 =	smul.u32 $0x1400, s1;
	s18 =	sshrl.u32 s0, $0x1  }
0x11: {  	s26 =	simm.s32 $0x400;
	s0 =	ssub.s32 s0, s18;
	s18 =	simm.s32 $0x9A00  }
0x12: {  	s4 =	sadd.s32 s4, s3;
	s16 =	sadd.s32 s5, s1;
	s17 =	sadd.s32 s8, s1  }
0x13: {  	s1 =	sadd.s32 $0xA00, s1;
	s0 =	smax.u32 s0, $0x1;
	[dreg:$0x4] =	wrdreg s16  }
0x14: {  	s7 =	sadd.s32 $0x6CC00, s4;
	s4 =	sadd.s32 $0x75800, s4;
	[dreg:$0x5] =	wrdreg s17  }
0x15: {  	s20 =	sadd.s32 s5, s1;
	s1 =	sadd.s32 s8, s1;
	p1 =	sne.s32 s0, $0x1  }
.Ltmp0:
0x16: {  	s8 =	sadd.s32 $0xF200, s3;
	[dreg:$0x2] =	wrdreg s7;
	(pc) =	sbr.rel @!p1 .LBB2_1-.Ltmp0, $4  }
0x17: {  	s3 =	simm.s32 $0x3;
	s5 =	simm.s32 $0xA00;
	[dreg:$0x3] =	wrdreg s4  }
0x18: {  	s16 =	simm.s32 $0x8A00;
	s17 =	simm.s32 $0x4A00;
	[dreg:$0x6] =	wrdreg s20  }
0x19: {  	[dreg:$0x7] =	wrdreg s1;
	s4 =	simm.s32 $0x5A00;
	s20 =	simm.s32 $0x700  }
0x1a: {  	s7 =	simm.s32 $0x2;
	s1 =	sadd.s32 $0xFFFFFFFF, s0;
	s0 =	rddreg [dreg:$0x2]  }
0x1b: {  	[tilespmem:s2], [sflag:$0x3] =	stream.linear.gather [hbm4b:s0+s2], $0x500, $0x38;
	[tilespmem:$0xAA00] =	vst v63  }
0x1c: {  	_ =	swait.ge [sflag:s3], $0x500  }
0x1d: {  	[sflag:s3] =	ssyncset.done $0x0  }
0x1e: {  	s19 =	rddreg [dreg:$0x3];
	[sflag:s3] =	ssyncadd.s32 $0xFFFFFB00  }
0x1f: {  	[tilespmem:s30], [sflag:$0x3] =	stream.linear.gather [hbm4b:s19+s2], $0x500, $0x38;
	[tilespmem:$0xAA00] =	vst v63  }
0x20: {  	_ =	swait.ge [sflag:s3], $0x500  }
0x21: {  	[sflag:s3] =	ssyncset.done $0x0  }
0x22: {  	[sflag:s3] =	ssyncadd.s32 $0xFFFFFB00  }
0x23: {  	[tilespmem:s5], [sflag:$0x1] =	stream.indirect.gather [hbm4b:s6+s10], $0x20, s2, s10, $0xb8;
	[tilespmem:$0xAA00] =	vst v63  }
0x24: {  	_ = 	snop  }
0x25: {  	[tilespmem:s4], [sflag:$0x2] =	stream.indirect.gather [hbm4b:s8+s10], $0x20, s30, s10, $0xb8;
	[tilespmem:$0xAA00] =	vst v63  }
0x26: {  	_ = 	snop  }
0x27: {  	[tilespmem:s11], [sflag:$0x1] =	stream.indirect.gather [hbm4b:s6+s10], $0x20, s10, s10, $0xb8;
	[tilespmem:$0xAA00] =	vst v63  }
0x28: {  	s0 =	rddreg [dreg:$0x8]  }
0x29: {  	[tilespmem:s12], [sflag:$0x2] =	stream.indirect.gather [hbm4b:s8+s10], $0x20, s0, s10, $0xb8;
	[tilespmem:$0xAA00] =	vst v63  }
0x2a: {  	s19 =	smov.u32 s1;
	s1 =	rddreg [dreg:$0x9]  }
0x2b: {  	[tilespmem:s13], [sflag:$0x1] =	stream.indirect.gather [hbm4b:s6+s10], $0x20, s1, s10, $0xb8;
	[tilespmem:$0xAA00] =	vst v63  }
0x2c: {  	s0 =	rddreg [dreg:$0xa]  }
0x2d: {  	[tilespmem:s14], [sflag:$0x2] =	stream.indirect.gather [hbm4b:s8+s10], $0x20, s0, s10, $0xb8;
	[tilespmem:$0xAA00] =	vst v63  }
0x2e: {  	s1 =	rddreg [dreg:$0xb]  }
0x2f: {  	[tilespmem:s15], [sflag:$0x1] =	stream.indirect.gather [hbm4b:s6+s10], $0x20, s1, s10, $0xb8;
	[tilespmem:$0xAA00] =	vst v63  }
0x30: {  	s0 =	rddreg [dreg:$0xc]  }
0x31: {  	[tilespmem:s16], [sflag:$0x2] =	stream.indirect.gather [hbm4b:s8+s10], $0x20, s0, s10, $0xb8;
	[tilespmem:$0xAA00] =	vst v63  }
0x32: {  	s1 =	rddreg [dreg:$0xd]  }
0x33: {  	[tilespmem:s17], [sflag:$0x1] =	stream.indirect.gather [hbm4b:s6+s10], $0x20, s1, s10, $0xb8;
	[tilespmem:$0xAA00] =	vst v63  }
0x34: {  	_ = 	snop  }
0x35: {  	[tilespmem:s18], [sflag:$0x2] =	stream.indirect.gather [hbm4b:s8+s10], $0x20, s20, s10, $0xb8;
	[tilespmem:$0xAA00] =	vst v63  }
0x36: {  	_ =	swait.ge [sflag:s9], $0x1000  }
0x37: {  	[sflag:s9] =	ssyncset.done $0x0  }
0x38: {  	[sflag:s9] =	ssyncadd.s32 $0xFFFFF000  }
0x39: {  	_ =	swait.ge [sflag:s7], $0x1000  }
0x3a: {  	[sflag:s7] =	ssyncset.done $0x0  }
0x3b: {  	[sflag:s7] =	ssyncadd.s32 $0xFFFFF000  }
0x3c: {  	_ =	swait.ge [sflag:s9], $0x1000  }
0x3d: {  	[sflag:s9] =	ssyncset.done $0x0  }
0x3e: {  	[sflag:s9] =	ssyncadd.s32 $0xFFFFF000  }
0x3f: {  	_ =	swait.ge [sflag:s7], $0x1000  }
0x40: {  	[sflag:s7] =	ssyncset.done $0x0  }
0x41: {  	[sflag:s7] =	ssyncadd.s32 $0xFFFFF000  }
0x42: {  	_ =	swait.ge [sflag:s9], $0x1000  }
0x43: {  	[sflag:s9] =	ssyncset.done $0x0  }
0x44: {  	[sflag:s9] =	ssyncadd.s32 $0xFFFFF000  }
0x45: {  	_ =	swait.ge [sflag:s7], $0x1000  }
0x46: {  	[sflag:s7] =	ssyncset.done $0x0  }
0x47: {  	[sflag:s7] =	ssyncadd.s32 $0xFFFFF000  }
0x48: {  	_ =	swait.ge [sflag:s9], $0x1000  }
0x49: {  	[sflag:s9] =	ssyncset.done $0x0  }
0x4a: {  	[sflag:s9] =	ssyncadd.s32 $0xFFFFF000  }
0x4b: {  	_ =	swait.ge [sflag:s7], $0x1000  }
0x4c: {  	[sflag:s7] =	ssyncset.done $0x0  }
0x4d: {  	[sflag:s7] =	ssyncadd.s32 $0xFFFFF000  }
0x4e: {  	_ =	swait.ge [sflag:s9], $0x1000  }
0x4f: {  	[sflag:s9] =	ssyncset.done $0x0  }
0x50: {  	[sflag:s9] =	ssyncadd.s32 $0xFFFFF000  }
0x51: {  	_ =	swait.ge [sflag:s7], $0x1000  }
0x52: {  	[sflag:s7] =	ssyncset.done $0x0  }
0x53: {  	s1 =	rddreg [dreg:$0x4];
	[sflag:s7] =	ssyncadd.s32 $0xFFFFF000  }
0x54: {  	[hbm4b:s1+s2] =	stream.linear.scatter [tilespmem:s5], [sflag:$0x3], $0x5000, $0x38;
	[tilespmem:$0xAA00] =	vst v63  }
0x55: {  	_ =	swait.ge [sflag:s3], $0x5000  }
0x56: {  	[sflag:s3] =	ssyncset.done $0x0  }
0x57: {  	s1 =	rddreg [dreg:$0x5];
	[sflag:s3] =	ssyncadd.s32 $0xFFFFB000  }
0x58: {  	[hbm4b:s1+s2] =	stream.linear.scatter [tilespmem:s4], [sflag:$0x3], $0x5000, $0x38;
	[tilespmem:$0xAA00] =	vst v63  }
0x59: {  	_ =	swait.ge [sflag:s3], $0x5000  }
0x5a: {  	[sflag:s3] =	ssyncset.done $0x0  }
0x5b: {  	s1 =	simm.s32 $0x280;
	[sflag:s3] =	ssyncadd.s32 $0xFFFFB000  }
0x5c: {  	[tilespmem:s5], [sflag:$0x1] =	stream.indirect.gather [hbm4b:s6+s10], $0x20, s1, s10, $0xb8;
	[tilespmem:$0xAA00] =	vst v63  }
0x5d: {  	_ = 	snop  }
0x5e: {  	[tilespmem:s4], [sflag:$0x2] =	stream.indirect.gather [hbm4b:s8+s10], $0x20, s21, s10, $0xb8;
	[tilespmem:$0xAA00] =	vst v63  }
0x5f: {  	_ = 	snop  }
0x60: {  	[tilespmem:s11], [sflag:$0x1] =	stream.indirect.gather [hbm4b:s6+s10], $0x20, s22, s10, $0xb8;
	[tilespmem:$0xAA00] =	vst v63  }
0x61: {  	_ = 	snop  }
0x62: {  	[tilespmem:s12], [sflag:$0x2] =	stream.indirect.gather [hbm4b:s8+s10], $0x20, s23, s10, $0xb8;
	[tilespmem:$0xAA00] =	vst v63  }
0x63: {  	_ = 	snop  }
0x64: {  	[tilespmem:s13], [sflag:$0x1] =	stream.indirect.gather [hbm4b:s6+s10], $0x20, s24, s10, $0xb8;
	[tilespmem:$0xAA00] =	vst v63  }
0x65: {  	_ = 	snop  }
0x66: {  	[tilespmem:s14], [sflag:$0x2] =	stream.indirect.gather [hbm4b:s8+s10], $0x20, s25, s10, $0xb8;
	[tilespmem:$0xAA00] =	vst v63  }
0x67: {  	_ = 	snop  }
0x68: {  	[tilespmem:s15], [sflag:$0x1] =	stream.indirect.gather [hbm4b:s6+s10], $0x20, s26, s10, $0xb8;
	[tilespmem:$0xAA00] =	vst v63  }
0x69: {  	_ = 	snop  }
0x6a: {  	[tilespmem:s16], [sflag:$0x2] =	stream.indirect.gather [hbm4b:s8+s10], $0x20, s28, s10, $0xb8;
	[tilespmem:$0xAA00] =	vst v63  }
0x6b: {  	_ = 	snop  }
0x6c: {  	[tilespmem:s17], [sflag:$0x1] =	stream.indirect.gather [hbm4b:s6+s10], $0x20, s29, s10, $0xb8;
	[tilespmem:$0xAA00] =	vst v63  }
0x6d: {  	_ = 	snop  }
0x6e: {  	[tilespmem:s18], [sflag:$0x2] =	stream.indirect.gather [hbm4b:s8+s10], $0x20, s31, s10, $0xb8;
	[tilespmem:$0xAA00] =	vst v63  }
0x6f: {  	_ =	swait.ge [sflag:s9], $0x1000  }
0x70: {  	[sflag:s9] =	ssyncset.done $0x0  }
0x71: {  	[sflag:s9] =	ssyncadd.s32 $0xFFFFF000  }
0x72: {  	_ =	swait.ge [sflag:s7], $0x1000  }
0x73: {  	[sflag:s7] =	ssyncset.done $0x0  }
0x74: {  	[sflag:s7] =	ssyncadd.s32 $0xFFFFF000  }
0x75: {  	_ =	swait.ge [sflag:s9], $0x1000  }
0x76: {  	[sflag:s9] =	ssyncset.done $0x0  }
0x77: {  	[sflag:s9] =	ssyncadd.s32 $0xFFFFF000  }
0x78: {  	_ =	swait.ge [sflag:s7], $0x1000  }
0x79: {  	[sflag:s7] =	ssyncset.done $0x0  }
0x7a: {  	[sflag:s7] =	ssyncadd.s32 $0xFFFFF000  }
0x7b: {  	_ =	swait.ge [sflag:s9], $0x1000  }
0x7c: {  	[sflag:s9] =	ssyncset.done $0x0  }
0x7d: {  	[sflag:s9] =	ssyncadd.s32 $0xFFFFF000  }
0x7e: {  	_ =	swait.ge [sflag:s7], $0x1000  }
0x7f: {  	[sflag:s7] =	ssyncset.done $0x0  }
0x80: {  	[sflag:s7] =	ssyncadd.s32 $0xFFFFF000  }
0x81: {  	_ =	swait.ge [sflag:s9], $0x1000  }
0x82: {  	[sflag:s9] =	ssyncset.done $0x0  }
0x83: {  	[sflag:s9] =	ssyncadd.s32 $0xFFFFF000  }
0x84: {  	_ =	swait.ge [sflag:s7], $0x1000  }
0x85: {  	[sflag:s7] =	ssyncset.done $0x0  }
0x86: {  	[sflag:s7] =	ssyncadd.s32 $0xFFFFF000  }
0x87: {  	_ =	swait.ge [sflag:s9], $0x1000  }
0x88: {  	[sflag:s9] =	ssyncset.done $0x0  }
0x89: {  	[sflag:s9] =	ssyncadd.s32 $0xFFFFF000  }
0x8a: {  	_ =	swait.ge [sflag:s7], $0x1000  }
0x8b: {  	[sflag:s7] =	ssyncset.done $0x0  }
0x8c: {  	s1 =	rddreg [dreg:$0x6];
	[sflag:s7] =	ssyncadd.s32 $0xFFFFF000  }
0x8d: {  	[hbm4b:s1+s2] =	stream.linear.scatter [tilespmem:s5], [sflag:$0x3], $0x5000, $0x38;
	[tilespmem:$0xAA00] =	vst v63  }
0x8e: {  	p1 =	sne.s32 s19, $0x1;
	_ =	swait.ge [sflag:s3], $0x5000  }
.Ltmp1:
0x8f: {  	[sflag:s3] =	ssyncset.done $0x0;
	(pc) =	sbr.rel @!p1 .LBB2_3-.Ltmp1, $4  }
0x90: {  	s1 =	rddreg [dreg:$0x7];
	[sflag:s3] =	ssyncadd.s32 $0xFFFFB000  }
0x91: {  	[hbm4b:s1+s2] =	stream.linear.scatter [tilespmem:s4], [sflag:$0x3], $0x5000, $0x38;
	[tilespmem:$0xAA00] =	vst v63  }
0x92: {  	p0 =	por $0x1, $0x1;
	_ =	swait.ge [sflag:s3], $0x5000  }
0x93: {  	s1 =	sadd.s32 $0xFFFFFFFF, s19;
	s0 =	rddreg [dreg:$0x2];
	[sflag:s3] =	ssyncset.done $0x0  }
.LBB2_4:
0x94: {  	[sflag:s3] =	ssyncadd.s32 $0xFFFFB000  }
0x95: {  	[tilespmem:s2], [sflag:$0x3] =	stream.linear.gather [hbm4b:s0+s2], $0x500, $0x38;
	[tilespmem:$0xAA00] =	vst v63  }
0x96: {  	_ =	swait.ge [sflag:s3], $0x500  }
0x97: {  	[sflag:s3] =	ssyncset.done $0x0  }
0x98: {  	s19 =	rddreg [dreg:$0x3];
	[sflag:s3] =	ssyncadd.s32 $0xFFFFFB00  }
0x99: {  	[tilespmem:s30], [sflag:$0x3] =	stream.linear.gather [hbm4b:s19+s2], $0x500, $0x38;
	[tilespmem:$0xAA00] =	vst v63  }
0x9a: {  	_ =	swait.ge [sflag:s3], $0x500  }
0x9b: {  	[sflag:s3] =	ssyncset.done $0x0  }
0x9c: {  	[sflag:s3] =	ssyncadd.s32 $0xFFFFFB00  }
0x9d: {  	[tilespmem:s5], [sflag:$0x1] =	stream.indirect.gather [hbm4b:s6+s10], $0x20, s2, s10, $0xb8;
	[tilespmem:$0xAA00] =	vst v63  }
0x9e: {  	_ = 	snop  }
0x9f: {  	[tilespmem:s4], [sflag:$0x2] =	stream.indirect.gather [hbm4b:s8+s10], $0x20, s30, s10, $0xb8;
	[tilespmem:$0xAA00] =	vst v63  }
0xa0: {  	_ = 	snop  }
0xa1: {  	[tilespmem:s11], [sflag:$0x1] =	stream.indirect.gather [hbm4b:s6+s10], $0x20, s10, s10, $0xb8;
	[tilespmem:$0xAA00] =	vst v63  }
0xa2: {  	s0 =	rddreg [dreg:$0x8]  }
0xa3: {  	[tilespmem:s12], [sflag:$0x2] =	stream.indirect.gather [hbm4b:s8+s10], $0x20, s0, s10, $0xb8;
	[tilespmem:$0xAA00] =	vst v63  }
0xa4: {  	s19 =	rddreg [dreg:$0x9]  }
0xa5: {  	[tilespmem:s13], [sflag:$0x1] =	stream.indirect.gather [hbm4b:s6+s10], $0x20, s19, s10, $0xb8;
	[tilespmem:$0xAA00] =	vst v63  }
0xa6: {  	s0 =	rddreg [dreg:$0xa]  }
0xa7: {  	[tilespmem:s14], [sflag:$0x2] =	stream.indirect.gather [hbm4b:s8+s10], $0x20, s0, s10, $0xb8;
	[tilespmem:$0xAA00] =	vst v63  }
0xa8: {  	s19 =	rddreg [dreg:$0xb]  }
0xa9: {  	[tilespmem:s15], [sflag:$0x1] =	stream.indirect.gather [hbm4b:s6+s10], $0x20, s19, s10, $0xb8;
	[tilespmem:$0xAA00] =	vst v63  }
0xaa: {  	s0 =	rddreg [dreg:$0xc]  }
0xab: {  	[tilespmem:s16], [sflag:$0x2] =	stream.indirect.gather [hbm4b:s8+s10], $0x20, s0, s10, $0xb8;
	[tilespmem:$0xAA00] =	vst v63  }
0xac: {  	s19 =	rddreg [dreg:$0xd]  }
0xad: {  	[tilespmem:s17], [sflag:$0x1] =	stream.indirect.gather [hbm4b:s6+s10], $0x20, s19, s10, $0xb8;
	[tilespmem:$0xAA00] =	vst v63  }
0xae: {  	_ = 	snop  }
0xaf: {  	[tilespmem:s18], [sflag:$0x2] =	stream.indirect.gather [hbm4b:s8+s10], $0x20, s20, s10, $0xb8;
	[tilespmem:$0xAA00] =	vst v63  }
0xb0: {  	_ =	swait.ge [sflag:s9], $0x1000  }
0xb1: {  	[sflag:s9] =	ssyncset.done $0x0  }
0xb2: {  	[sflag:s9] =	ssyncadd.s32 $0xFFFFF000  }
0xb3: {  	_ =	swait.ge [sflag:s7], $0x1000  }
0xb4: {  	[sflag:s7] =	ssyncset.done $0x0  }
0xb5: {  	[sflag:s7] =	ssyncadd.s32 $0xFFFFF000  }
0xb6: {  	_ =	swait.ge [sflag:s9], $0x1000  }
0xb7: {  	[sflag:s9] =	ssyncset.done $0x0  }
0xb8: {  	[sflag:s9] =	ssyncadd.s32 $0xFFFFF000  }
0xb9: {  	_ =	swait.ge [sflag:s7], $0x1000  }
0xba: {  	[sflag:s7] =	ssyncset.done $0x0  }
0xbb: {  	[sflag:s7] =	ssyncadd.s32 $0xFFFFF000  }
0xbc: {  	_ =	swait.ge [sflag:s9], $0x1000  }
0xbd: {  	[sflag:s9] =	ssyncset.done $0x0  }
0xbe: {  	[sflag:s9] =	ssyncadd.s32 $0xFFFFF000  }
0xbf: {  	_ =	swait.ge [sflag:s7], $0x1000  }
0xc0: {  	[sflag:s7] =	ssyncset.done $0x0  }
0xc1: {  	[sflag:s7] =	ssyncadd.s32 $0xFFFFF000  }
0xc2: {  	_ =	swait.ge [sflag:s9], $0x1000  }
0xc3: {  	[sflag:s9] =	ssyncset.done $0x0  }
0xc4: {  	[sflag:s9] =	ssyncadd.s32 $0xFFFFF000  }
0xc5: {  	_ =	swait.ge [sflag:s7], $0x1000  }
0xc6: {  	[sflag:s7] =	ssyncset.done $0x0  }
0xc7: {  	[sflag:s7] =	ssyncadd.s32 $0xFFFFF000  }
0xc8: {  	_ =	swait.ge [sflag:s9], $0x1000  }
0xc9: {  	[sflag:s9] =	ssyncset.done $0x0  }
0xca: {  	[sflag:s9] =	ssyncadd.s32 $0xFFFFF000  }
0xcb: {  	_ =	swait.ge [sflag:s7], $0x1000  }
0xcc: {  	[sflag:s7] =	ssyncset.done $0x0  }
0xcd: {  	s19 =	rddreg [dreg:$0x4];
	[sflag:s7] =	ssyncadd.s32 $0xFFFFF000  }
0xce: {  	[hbm4b:s19+s2] =	stream.linear.scatter [tilespmem:s5], [sflag:$0x3], $0x5000, $0x38;
	[tilespmem:$0xAA00] =	vst v63  }
0xcf: {  	_ =	swait.ge [sflag:s3], $0x5000  }
0xd0: {  	[sflag:s3] =	ssyncset.done $0x0  }
0xd1: {  	s19 =	rddreg [dreg:$0x5];
	[sflag:s3] =	ssyncadd.s32 $0xFFFFB000  }
0xd2: {  	[hbm4b:s19+s2] =	stream.linear.scatter [tilespmem:s4], [sflag:$0x3], $0x5000, $0x38;
	[tilespmem:$0xAA00] =	vst v63  }
0xd3: {  	_ =	swait.ge [sflag:s3], $0x5000  }
0xd4: {  	[sflag:s3] =	ssyncset.done $0x0  }
0xd5: {  	s19 =	simm.s32 $0x280;
	[sflag:s3] =	ssyncadd.s32 $0xFFFFB000  }
0xd6: {  	[tilespmem:s5], [sflag:$0x1] =	stream.indirect.gather [hbm4b:s6+s10], $0x20, s19, s10, $0xb8;
	[tilespmem:$0xAA00] =	vst v63  }
0xd7: {  	_ = 	snop  }
0xd8: {  	[tilespmem:s4], [sflag:$0x2] =	stream.indirect.gather [hbm4b:s8+s10], $0x20, s21, s10, $0xb8;
	[tilespmem:$0xAA00] =	vst v63  }
0xd9: {  	_ = 	snop  }
0xda: {  	[tilespmem:s11], [sflag:$0x1] =	stream.indirect.gather [hbm4b:s6+s10], $0x20, s22, s10, $0xb8;
	[tilespmem:$0xAA00] =	vst v63  }
0xdb: {  	_ = 	snop  }
0xdc: {  	[tilespmem:s12], [sflag:$0x2] =	stream.indirect.gather [hbm4b:s8+s10], $0x20, s23, s10, $0xb8;
	[tilespmem:$0xAA00] =	vst v63  }
0xdd: {  	_ = 	snop  }
0xde: {  	[tilespmem:s13], [sflag:$0x1] =	stream.indirect.gather [hbm4b:s6+s10], $0x20, s24, s10, $0xb8;
	[tilespmem:$0xAA00] =	vst v63  }
0xdf: {  	_ = 	snop  }
0xe0: {  	[tilespmem:s14], [sflag:$0x2] =	stream.indirect.gather [hbm4b:s8+s10], $0x20, s25, s10, $0xb8;
	[tilespmem:$0xAA00] =	vst v63  }
0xe1: {  	_ = 	snop  }
0xe2: {  	[tilespmem:s15], [sflag:$0x1] =	stream.indirect.gather [hbm4b:s6+s10], $0x20, s26, s10, $0xb8;
	[tilespmem:$0xAA00] =	vst v63  }
0xe3: {  	_ = 	snop  }
0xe4: {  	[tilespmem:s16], [sflag:$0x2] =	stream.indirect.gather [hbm4b:s8+s10], $0x20, s28, s10, $0xb8;
	[tilespmem:$0xAA00] =	vst v63  }
0xe5: {  	_ = 	snop  }
0xe6: {  	[tilespmem:s17], [sflag:$0x1] =	stream.indirect.gather [hbm4b:s6+s10], $0x20, s29, s10, $0xb8;
	[tilespmem:$0xAA00] =	vst v63  }
0xe7: {  	_ = 	snop  }
0xe8: {  	[tilespmem:s18], [sflag:$0x2] =	stream.indirect.gather [hbm4b:s8+s10], $0x20, s31, s10, $0xb8;
	[tilespmem:$0xAA00] =	vst v63  }
0xe9: {  	_ =	swait.ge [sflag:s9], $0x1000  }
0xea: {  	[sflag:s9] =	ssyncset.done $0x0  }
0xeb: {  	[sflag:s9] =	ssyncadd.s32 $0xFFFFF000  }
0xec: {  	_ =	swait.ge [sflag:s7], $0x1000  }
0xed: {  	[sflag:s7] =	ssyncset.done $0x0  }
0xee: {  	[sflag:s7] =	ssyncadd.s32 $0xFFFFF000  }
0xef: {  	_ =	swait.ge [sflag:s9], $0x1000  }
0xf0: {  	[sflag:s9] =	ssyncset.done $0x0  }
0xf1: {  	[sflag:s9] =	ssyncadd.s32 $0xFFFFF000  }
0xf2: {  	_ =	swait.ge [sflag:s7], $0x1000  }
0xf3: {  	[sflag:s7] =	ssyncset.done $0x0  }
0xf4: {  	[sflag:s7] =	ssyncadd.s32 $0xFFFFF000  }
0xf5: {  	_ =	swait.ge [sflag:s9], $0x1000  }
0xf6: {  	[sflag:s9] =	ssyncset.done $0x0  }
0xf7: {  	[sflag:s9] =	ssyncadd.s32 $0xFFFFF000  }
0xf8: {  	_ =	swait.ge [sflag:s7], $0x1000  }
0xf9: {  	[sflag:s7] =	ssyncset.done $0x0  }
0xfa: {  	[sflag:s7] =	ssyncadd.s32 $0xFFFFF000  }
0xfb: {  	_ =	swait.ge [sflag:s9], $0x1000  }
0xfc: {  	[sflag:s9] =	ssyncset.done $0x0  }
0xfd: {  	[sflag:s9] =	ssyncadd.s32 $0xFFFFF000  }
0xfe: {  	_ =	swait.ge [sflag:s7], $0x1000  }
0xff: {  	[sflag:s7] =	ssyncset.done $0x0  }
0x100: {  	[sflag:s7] =	ssyncadd.s32 $0xFFFFF000  }
0x101: {  	_ =	swait.ge [sflag:s9], $0x1000  }
0x102: {  	[sflag:s9] =	ssyncset.done $0x0  }
0x103: {  	[sflag:s9] =	ssyncadd.s32 $0xFFFFF000  }
0x104: {  	_ =	swait.ge [sflag:s7], $0x1000  }
0x105: {  	[sflag:s7] =	ssyncset.done $0x0  }
0x106: {  	s19 =	rddreg [dreg:$0x6];
	[sflag:s7] =	ssyncadd.s32 $0xFFFFF000  }
0x107: {  	[hbm4b:s19+s2] =	stream.linear.scatter [tilespmem:s5], [sflag:$0x3], $0x5000, $0x38;
	[tilespmem:$0xAA00] =	vst v63  }
0x108: {  	p1 =	sne.s32 s1, $0x1;
	_ =	swait.ge [sflag:s3], $0x5000  }
.Ltmp2:
0x109: {  	[sflag:s3] =	ssyncset.done $0x0;
	(pc) =	sbr.rel @p1 .LBB2_4-.Ltmp2, $4  }
0x10a: {  	s19 =	rddreg [dreg:$0x7];
	[sflag:s3] =	ssyncadd.s32 $0xFFFFB000  }
0x10b: {  	[hbm4b:s19+s2] =	stream.linear.scatter [tilespmem:s4], [sflag:$0x3], $0x5000, $0x38;
	[tilespmem:$0xAA00] =	vst v63  }
0x10c: {  	_ =	swait.ge [sflag:s3], $0x5000  }
0x10d: {  	s1 =	sadd.s32 $0xFFFFFFFF, s1;
	s0 =	rddreg [dreg:$0x2];
	[sflag:s3] =	ssyncset.done $0x0  }
0x10e: {  	s31 =	simm.s32 $0x700;
	s29 =	simm.s32 $0x480  }
0x10f: {  	s28 =	simm.s32 $0x900;
	s26 =	simm.s32 $0x400;
	s25 =	simm.s32 $0x880  }
0x110: {  	s24 =	simm.s32 $0x380;
	s23 =	simm.s32 $0x800;
	s22 =	simm.s32 $0x300  }
0x111: {  	s21 =	simm.s32 $0x780;
	s20 =	simm.s32 $0x280;
	s19 =	stileid.u32  }
.LBB2_6:
0x112: {  	[sflag:s3] =	ssyncadd.s32 @p0 $0xFFFFB000  }
0x113: {  	[tilespmem:s2], [sflag:$0x3] =	stream.linear.gather [hbm4b:s0+s2], $0x500, $0x38;
	[tilespmem:$0xAA00] =	vst v63  }
0x114: {  	_ =	swait.ge [sflag:s3], $0x500  }
0x115: {  	[sflag:s3] =	ssyncset.done $0x0  }
0x116: {  	s1 =	rddreg [dreg:$0x3];
	[sflag:s3] =	ssyncadd.s32 $0xFFFFFB00  }
0x117: {  	[tilespmem:s30], [sflag:$0x3] =	stream.linear.gather [hbm4b:s1+s2], $0x500, $0x38;
	[tilespmem:$0xAA00] =	vst v63  }
0x118: {  	_ =	swait.ge [sflag:s3], $0x500  }
0x119: {  	[sflag:s3] =	ssyncset.done $0x0  }
0x11a: {  	[sflag:s3] =	ssyncadd.s32 $0xFFFFFB00  }
0x11b: {  	[tilespmem:s5], [sflag:$0x1] =	stream.indirect.gather [hbm4b:s6+s10], $0x20, s2, s10, $0xb8;
	[tilespmem:$0xAA00] =	vst v63  }
0x11c: {  	_ = 	snop  }
0x11d: {  	[tilespmem:s4], [sflag:$0x2] =	stream.indirect.gather [hbm4b:s8+s10], $0x20, s30, s10, $0xb8;
	[tilespmem:$0xAA00] =	vst v63  }
0x11e: {  	_ = 	snop  }
0x11f: {  	[tilespmem:s11], [sflag:$0x1] =	stream.indirect.gather [hbm4b:s6+s10], $0x20, s10, s10, $0xb8;
	[tilespmem:$0xAA00] =	vst v63  }
0x120: {  	s30 =	rddreg [dreg:$0x8]  }
0x121: {  	[tilespmem:s12], [sflag:$0x2] =	stream.indirect.gather [hbm4b:s8+s10], $0x20, s30, s10, $0xb8;
	[tilespmem:$0xAA00] =	vst v63  }
0x122: {  	s1 =	rddreg [dreg:$0x9]  }
0x123: {  	[tilespmem:s13], [sflag:$0x1] =	stream.indirect.gather [hbm4b:s6+s10], $0x20, s1, s10, $0xb8;
	[tilespmem:$0xAA00] =	vst v63  }
0x124: {  	s0 =	rddreg [dreg:$0xa]  }
0x125: {  	[tilespmem:s14], [sflag:$0x2] =	stream.indirect.gather [hbm4b:s8+s10], $0x20, s0, s10, $0xb8;
	[tilespmem:$0xAA00] =	vst v63  }
0x126: {  	s30 =	rddreg [dreg:$0xb]  }
0x127: {  	[tilespmem:s15], [sflag:$0x1] =	stream.indirect.gather [hbm4b:s6+s10], $0x20, s30, s10, $0xb8;
	[tilespmem:$0xAA00] =	vst v63  }
0x128: {  	s0 =	rddreg [dreg:$0xc]  }
0x129: {  	[tilespmem:s16], [sflag:$0x2] =	stream.indirect.gather [hbm4b:s8+s10], $0x20, s0, s10, $0xb8;
	[tilespmem:$0xAA00] =	vst v63  }
0x12a: {  	s30 =	rddreg [dreg:$0xd]  }
0x12b: {  	[tilespmem:s17], [sflag:$0x1] =	stream.indirect.gather [hbm4b:s6+s10], $0x20, s30, s10, $0xb8;
	[tilespmem:$0xAA00] =	vst v63  }
0x12c: {  	_ = 	snop  }
0x12d: {  	[tilespmem:s18], [sflag:$0x2] =	stream.indirect.gather [hbm4b:s8+s10], $0x20, s31, s10, $0xb8;
	[tilespmem:$0xAA00] =	vst v63  }
0x12e: {  	_ =	swait.ge [sflag:s9], $0x1000  }
0x12f: {  	[sflag:s9] =	ssyncset.done $0x0  }
0x130: {  	[sflag:s9] =	ssyncadd.s32 $0xFFFFF000  }
0x131: {  	_ =	swait.ge [sflag:s7], $0x1000  }
0x132: {  	[sflag:s7] =	ssyncset.done $0x0  }
0x133: {  	[sflag:s7] =	ssyncadd.s32 $0xFFFFF000  }
0x134: {  	_ =	swait.ge [sflag:s9], $0x1000  }
0x135: {  	[sflag:s9] =	ssyncset.done $0x0  }
0x136: {  	[sflag:s9] =	ssyncadd.s32 $0xFFFFF000  }
0x137: {  	_ =	swait.ge [sflag:s7], $0x1000  }
0x138: {  	[sflag:s7] =	ssyncset.done $0x0  }
0x139: {  	[sflag:s7] =	ssyncadd.s32 $0xFFFFF000  }
0x13a: {  	_ =	swait.ge [sflag:s9], $0x1000  }
0x13b: {  	[sflag:s9] =	ssyncset.done $0x0  }
0x13c: {  	[sflag:s9] =	ssyncadd.s32 $0xFFFFF000  }
0x13d: {  	_ =	swait.ge [sflag:s7], $0x1000  }
0x13e: {  	[sflag:s7] =	ssyncset.done $0x0  }
0x13f: {  	[sflag:s7] =	ssyncadd.s32 $0xFFFFF000  }
0x140: {  	_ =	swait.ge [sflag:s9], $0x1000  }
0x141: {  	[sflag:s9] =	ssyncset.done $0x0  }
0x142: {  	[sflag:s9] =	ssyncadd.s32 $0xFFFFF000  }
0x143: {  	_ =	swait.ge [sflag:s7], $0x1000  }
0x144: {  	[sflag:s7] =	ssyncset.done $0x0  }
0x145: {  	[sflag:s7] =	ssyncadd.s32 $0xFFFFF000  }
0x146: {  	_ =	swait.ge [sflag:s9], $0x1000  }
0x147: {  	[sflag:s9] =	ssyncset.done $0x0  }
0x148: {  	[sflag:s9] =	ssyncadd.s32 $0xFFFFF000  }
0x149: {  	_ =	swait.ge [sflag:s7], $0x1000  }
0x14a: {  	[sflag:s7] =	ssyncset.done $0x0  }
0x14b: {  	s31 =	rddreg [dreg:$0x4];
	[sflag:s7] =	ssyncadd.s32 $0xFFFFF000  }
0x14c: {  	[hbm4b:s31+s2] =	stream.linear.scatter [tilespmem:s5], [sflag:$0x3], $0x5000, $0x38;
	[tilespmem:$0xAA00] =	vst v63  }
0x14d: {  	_ =	swait.ge [sflag:s3], $0x5000  }
0x14e: {  	[sflag:s3] =	ssyncset.done $0x0  }
0x14f: {  	s1 =	rddreg [dreg:$0x5];
	[sflag:s3] =	ssyncadd.s32 $0xFFFFB000  }
0x150: {  	[hbm4b:s1+s2] =	stream.linear.scatter [tilespmem:s4], [sflag:$0x3], $0x5000, $0x38;
	[tilespmem:$0xAA00] =	vst v63  }
0x151: {  	_ =	swait.ge [sflag:s3], $0x5000  }
0x152: {  	[sflag:s3] =	ssyncset.done $0x0  }
0x153: {  	[sflag:s3] =	ssyncadd.s32 $0xFFFFB000  }
0x154: {  	[tilespmem:s5], [sflag:$0x1] =	stream.indirect.gather [hbm4b:s6+s10], $0x20, s20, s10, $0xb8;
	[tilespmem:$0xAA00] =	vst v63  }
0x155: {  	_ = 	snop  }
0x156: {  	[tilespmem:s4], [sflag:$0x2] =	stream.indirect.gather [hbm4b:s8+s10], $0x20, s21, s10, $0xb8;
	[tilespmem:$0xAA00] =	vst v63  }
0x157: {  	_ = 	snop  }
0x158: {  	[tilespmem:s11], [sflag:$0x1] =	stream.indirect.gather [hbm4b:s6+s10], $0x20, s22, s10, $0xb8;
	[tilespmem:$0xAA00] =	vst v63  }
0x159: {  	_ = 	snop  }
0x15a: {  	[tilespmem:s12], [sflag:$0x2] =	stream.indirect.gather [hbm4b:s8+s10], $0x20, s23, s10, $0xb8;
	[tilespmem:$0xAA00] =	vst v63  }
0x15b: {  	_ = 	snop  }
0x15c: {  	[tilespmem:s13], [sflag:$0x1] =	stream.indirect.gather [hbm4b:s6+s10], $0x20, s24, s10, $0xb8;
	[tilespmem:$0xAA00] =	vst v63  }
0x15d: {  	_ = 	snop  }
0x15e: {  	[tilespmem:s14], [sflag:$0x2] =	stream.indirect.gather [hbm4b:s8+s10], $0x20, s25, s10, $0xb8;
	[tilespmem:$0xAA00] =	vst v63  }
0x15f: {  	_ = 	snop  }
0x160: {  	[tilespmem:s15], [sflag:$0x1] =	stream.indirect.gather [hbm4b:s6+s10], $0x20, s26, s10, $0xb8;
	[tilespmem:$0xAA00] =	vst v63  }
0x161: {  	_ = 	snop  }
0x162: {  	[tilespmem:s16], [sflag:$0x2] =	stream.indirect.gather [hbm4b:s8+s10], $0x20, s28, s10, $0xb8;
	[tilespmem:$0xAA00] =	vst v63  }
0x163: {  	_ = 	snop  }
0x164: {  	[tilespmem:s17], [sflag:$0x1] =	stream.indirect.gather [hbm4b:s6+s10], $0x20, s29, s10, $0xb8;
	[tilespmem:$0xAA00] =	vst v63  }
0x165: {  	s29 =	simm.s32 $0x980  }
0x166: {  	[tilespmem:s18], [sflag:$0x2] =	stream.indirect.gather [hbm4b:s8+s10], $0x20, s29, s10, $0xb8;
	[tilespmem:$0xAA00] =	vst v63  }
0x167: {  	_ =	swait.ge [sflag:s9], $0x1000  }
0x168: {  	[sflag:s9] =	ssyncset.done $0x0  }
0x169: {  	[sflag:s9] =	ssyncadd.s32 $0xFFFFF000  }
0x16a: {  	_ =	swait.ge [sflag:s7], $0x1000  }
0x16b: {  	[sflag:s7] =	ssyncset.done $0x0  }
0x16c: {  	[sflag:s7] =	ssyncadd.s32 $0xFFFFF000  }
0x16d: {  	_ =	swait.ge [sflag:s9], $0x1000  }
0x16e: {  	[sflag:s9] =	ssyncset.done $0x0  }
0x16f: {  	[sflag:s9] =	ssyncadd.s32 $0xFFFFF000  }
0x170: {  	_ =	swait.ge [sflag:s7], $0x1000  }
0x171: {  	[sflag:s7] =	ssyncset.done $0x0  }
0x172: {  	[sflag:s7] =	ssyncadd.s32 $0xFFFFF000  }
0x173: {  	_ =	swait.ge [sflag:s9], $0x1000  }
0x174: {  	[sflag:s9] =	ssyncset.done $0x0  }
0x175: {  	[sflag:s9] =	ssyncadd.s32 $0xFFFFF000  }
0x176: {  	_ =	swait.ge [sflag:s7], $0x1000  }
0x177: {  	[sflag:s7] =	ssyncset.done $0x0  }
0x178: {  	[sflag:s7] =	ssyncadd.s32 $0xFFFFF000  }
0x179: {  	_ =	swait.ge [sflag:s9], $0x1000  }
0x17a: {  	[sflag:s9] =	ssyncset.done $0x0  }
0x17b: {  	[sflag:s9] =	ssyncadd.s32 $0xFFFFF000  }
0x17c: {  	_ =	swait.ge [sflag:s7], $0x1000  }
0x17d: {  	[sflag:s7] =	ssyncset.done $0x0  }
0x17e: {  	[sflag:s7] =	ssyncadd.s32 $0xFFFFF000  }
0x17f: {  	_ =	swait.ge [sflag:s9], $0x1000  }
0x180: {  	[sflag:s9] =	ssyncset.done $0x0  }
0x181: {  	[sflag:s9] =	ssyncadd.s32 $0xFFFFF000  }
0x182: {  	_ =	swait.ge [sflag:s7], $0x1000  }
0x183: {  	[sflag:s7] =	ssyncset.done $0x0  }
0x184: {  	s30 =	rddreg [dreg:$0x6];
	[sflag:s7] =	ssyncadd.s32 $0xFFFFF000  }
0x185: {  	[hbm4b:s30+s2] =	stream.linear.scatter [tilespmem:s5], [sflag:$0x3], $0x5000, $0x38;
	[tilespmem:$0xAA00] =	vst v63  }
0x186: {  	_ =	swait.ge [sflag:s3], $0x5000  }
0x187: {  	[sflag:s3] =	ssyncset.done $0x0  }
0x188: {  	s31 =	rddreg [dreg:$0x7];
	[sflag:s3] =	ssyncadd.s32 $0xFFFFB000  }
0x189: {  	[hbm4b:s31+s2] =	stream.linear.scatter [tilespmem:s4], [sflag:$0x3], $0x5000, $0x38;
	[tilespmem:$0xAA00] =	vst v63  }
0x18a: {  	_ =	swait.ge [sflag:s3], $0x5000  }
0x18b: {  	[sflag:s3] =	ssyncset.done $0x0  }
0x18c: {  	[sflag:s3] =	ssyncadd.s32 $0xFFFFB000  }
0x18d: {  	_ =	sfence.sel $0x180000  }
0x18e: {  	[bflag:$0x0] =	sbarrier.arrive $0xFFFF  }
0x18f: {  	_ =	strace $0x90000050  }
0x190: {  	[bflag:$0x2] =	sbarrier.arrive $0xFFFF  }
0x191: {  	p0 =	sne.s32 s19, $0x0;
	s0 =	rddreg [dreg:$0x1]  }
0x192: {  	s0 =	sadd.s32 @!p0 $0x100000, s0  }
0x193: {  	[sflag:s0] =	ssyncadd.tile.s32 @!p0 $0x1;
	_ =	shalt  }
.LBB2_1:
.Ltmp3:
0x194: {  	(pc) =	sbr.rel .LBB2_6-.Ltmp3, $4  }
0x195: {  	s31 =	simm.s32 $0x700  }
0x196: {  	s29 =	simm.s32 $0x480;
	s28 =	simm.s32 $0x900;
	s26 =	simm.s32 $0x400  }
0x197: {  	s25 =	simm.s32 $0x880;
	s24 =	simm.s32 $0x380;
	s23 =	simm.s32 $0x800  }
0x198: {  	s22 =	simm.s32 $0x300;
	s21 =	simm.s32 $0x780;
	s20 =	simm.s32 $0x280  }
.LBB2_3:
.Ltmp4:
0x199: {  	(pc) =	sbr.rel .LBB2_6-.Ltmp4, $4  }
0x19a: {  	s31 =	simm.s32 $0x700;
	s29 =	simm.s32 $0x480  }
0x19b: {  	s28 =	simm.s32 $0x900;
	s26 =	simm.s32 $0x400;
	s25 =	simm.s32 $0x880  }
0x19c: {  	s24 =	simm.s32 $0x380;
	s23 =	simm.s32 $0x800;
	s22 =	simm.s32 $0x300  }
0x19d: {  	s21 =	simm.s32 $0x780;
	s20 =	simm.s32 $0x280;
	s19 =	stileid.u32  }
.Lfunc_end2:
_tile_overlayer_lowered:
.L_overlay_start_2:
0x19e: {  	(tag) =	ssettag $0x2  }
0x19f: {  	s0 =	rddreg [dreg:$0x0];
	s2 =	stileid.u32  }
0x1a0: {  	s1 =	rddreg [dreg:$0x1];
	p0 =	sne.s32 s2, $0x0  }
0x1a1: {  	s3 =	rddreg [dreg:$0x2];
	[bflag:$0x3] =	sbarrier.arrive $0xFFFF;
	s2 =	simm.s32 @!p0 $0x1C03  }
0x1a2: {  	[timem:s3], [sflag:s2] =	dma.local @!p0 [hbm:s0], s1  }
0x1a3: {  	s0 =	simm.s32 @!p0 $0x3  }
0x1a4: {  	_ =	swait.ge @!p0 [sflag:s0], s1  }
0x1a5: {  	s1 =	ssub.s32 @!p0 $0x0, s1;
	[sflag:s0] =	ssyncset.done @!p0 $0x0  }
0x1a6: {  	[sflag:s0] =	ssyncadd.s32 @!p0 s1  }
0x1a7: {  	[bflag:$0x3] =	sbarrier.arrive $0xFFFF  }
0x1a8: {  	_ =	shalt  }

// kernel: kernel.29.cloned.1.call-start
scs
__scs_entry_jumppad:
0x0: {  	(pc) =	sbr.rel $0x88, $3  }
0x1: {  	(tag) =	ssettag $0x0;
	lr =	simm.s32 $0x1  }
0x2: {  	[smem:$0x3F9A] =	sst lr;
	_ =	strace $0xD0000000  }
0x3: {  	_ = 	snop  }
0x4: {  	_ = 	snop  }
0x5: {  	_ = 	snop  }
0x6: {  	_ = 	snop  }
0x7: {  	_ = 	snop  }
__scs_overlays_trampoline_lowered:
0x8: {  	[smem:$0x3FA9] =	sst s0  }
0x9: {  	[smem:$0x3FAA] =	sst s1  }
0xa: {  	[smem:$0x3FAB] =	sst s2  }
0xb: {  	[smem:$0x3FAC] =	sst s3  }
0xc: {  	[smem:$0x3FAD] =	sst s4  }
0xd: {  	[smem:$0x3FAE] =	sst s5  }
0xe: {  	[smem:$0x3FAF] =	sst s6  }
0xf: {  	[smem:$0x3FB0] =	sst s7  }
0x10: {  	[smem:$0x3FB1] =	sst s8  }
0x11: {  	[smem:$0x3FB2] =	sst s9;
	s0 =	simm.s32 @!p0 $0x0  }
0x12: {  	s1 =	sld [smem:$0x3F98];
	s0 =	simm.s32 @p0 $0x1  }
0x13: {  	[smem:$0x3FB3] =	sst s0;
	s0 =	simm.s32 @!p1 $0x0  }
0x14: {  	s2 =	sld [smem:$0x3F97];
	s0 =	simm.s32 @p1 $0x1  }
0x15: {  	[smem:$0x3FB4] =	sst s0;
	s0 =	simm.s32 @!p2 $0x0  }
0x16: {  	s3 =	sld [smem:$0x3FDB];
	s0 =	simm.s32 @p2 $0x1  }
0x17: {  	s4 =	simm.s32 $0x1BF5;
	[smem:$0x3FB6] =	sst s0  }
0x18: {  	s0 =	sld [smem:$0x3F99];
	_ =	swait.ge [sflag:s4], $0x0  }
0x19: {  	s7 =	sld [smem:$0x3F9A]  }
0x1a: {  	s8 =	sadd.s32 $0xFFFFE003, lr  }
0x1b: {  	s9 =	sadd.s32 $0xFFFFFEF7, lr;
	s5 =	simm.s32 $0xFFFFFFFF;
	p2 =	slt.u32 s8, $0xFFFFF086  }
0x1c: {  	p1 =	slt.u32 s9, $0xF7A;
	s5 =	simm.s32 @!p2 $0x0  }
0x1d: {  	s5 =	simm.s32 @p1 $0x1;
	p0 =	seq.s32 s7, s2  }
0x1e: {  	s7 =	smul.u32 @!p0 $0xF7A, s2;
	p2 =	seq.s32 @!p0 s5, $0x0  }
0x1f: {  	s9 =	smul.u32 $0xF7A, s1;
	s8 =	simm.s32 @!p0 $0x1BF5;
	p2 =	por !p2, p0  }
0x20: {  	[sflag:s8] =	ssyncset.s32 @!p0 $0xFFFFF086;
	s6 =	sadd.s32 @!p0 s3, s7;
	s7 =	simm.s32 @!p0 $0x108  }
0x21: {  	s3 =	sadd.s32 s3, s9;
	s6 =	sadd.s32 @!p0 $0x88, s6;
	s7 =	simm.s32 @p2 $0x1082  }
0x22: {  	[simem:s7], [sflag:s8] =	dma.local @!p0 [hbm:s6], $0xF7A  }
0x23: {  	s9 =	sor.u32 $0xD0000000, s2;
	s6 =	simm.s32 $0x108;
	_ =	swait.ge @!p0 [sflag:s8], $0x0  }
0x24: {  	s3 =	sadd.s32 $0x88, s3;
	s6 =	simm.s32 @!p1 $0x1082;
	[sflag:s4] =	ssyncset.s32 $0xFFFFF086  }
0x25: {  	[simem:s6], [sflag:s4] =	dma.local [hbm:s3], $0xF7A  }
0x26: {  	[smem:$0x3F9A] =	sst s1;
	(tag) =	ssettag s2;
	_ =	strace s9  }
0x27: {  	s1 =	sld [smem:$0x3FAA]  }
0x28: {  	s2 =	sld [smem:$0x3FAB]  }
0x29: {  	s4 =	sld [smem:$0x3FAD]  }
0x2a: {  	p0 =	seq.s32 s5, $0x0;
	s5 =	sld [smem:$0x3FAE]  }
0x2b: {  	s6 =	sld [smem:$0x3FAF]  }
0x2c: {  	s7 =	sld [smem:$0x3FB0]  }
0x2d: {  	s3 =	simm.s32 $0x108;
	s8 =	sld [smem:$0x3FB1]  }
0x2e: {  	s3 =	simm.s32 @!p0 $0x1082;
	s9 =	sld [smem:$0x3FB2]  }
0x2f: {  	lr =	sadd.s32 s0, s3;
	s0 =	sld [smem:$0x3FA9]  }
0x30: {  	s3 =	sld [smem:$0x3FAC]  }
0x31: {  	[smem:$0x3FB5] =	sst s10  }
0x32: {  	s10 =	sld [smem:$0x3FB3];
	_ =	sdelay $0x3  }
0x33: {  	p0 =	seq.s32 s10, $0x1;
	s10 =	sld [smem:$0x3FB5];
	_ =	sdelay $0x3  }
0x34: {  	[smem:$0x3FB5] =	sst s10  }
0x35: {  	s10 =	sld [smem:$0x3FB4];
	_ =	sdelay $0x3  }
0x36: {  	p1 =	seq.s32 s10, $0x1;
	s10 =	sld [smem:$0x3FB5];
	_ =	sdelay $0x3  }
0x37: {  	[smem:$0x3FB5] =	sst s10  }
0x38: {  	s10 =	sld [smem:$0x3FB6]  }
0x39: {  	_ = 	snop;
	(pc) =	sbr.ind lr, $3  }
0x3a: {  	_ = 	snop  }
0x3b: {  	_ = 	snop  }
0x3c: {  	p2 =	seq.s32 s10, $0x1;
	s10 =	sld [smem:$0x3FB5]  }
0x3d: {  	_ =	shalt  }
0x3e: {  	_ =	shalt  }
0x3f: {  	_ =	shalt  }
0x40: {  	_ =	shalt  }
0x41: {  	_ =	shalt  }
0x42: {  	_ =	shalt  }
0x43: {  	_ =	shalt  }
0x44: {  	_ =	shalt  }
0x45: {  	_ =	shalt  }
0x46: {  	_ =	shalt  }
0x47: {  	_ =	shalt  }
0x48: {  	_ =	shalt  }
0x49: {  	_ =	shalt  }
0x4a: {  	_ =	shalt  }
0x4b: {  	_ =	shalt  }
0x4c: {  	_ =	shalt  }
0x4d: {  	_ =	shalt  }
0x4e: {  	_ =	shalt  }
0x4f: {  	_ =	shalt  }
0x50: {  	_ =	shalt  }
0x51: {  	_ =	shalt  }
0x52: {  	_ =	shalt  }
0x53: {  	_ =	shalt  }
0x54: {  	_ =	shalt  }
0x55: {  	_ =	shalt  }
0x56: {  	_ =	shalt  }
0x57: {  	_ =	shalt  }
0x58: {  	_ =	shalt  }
0x59: {  	_ =	shalt  }
0x5a: {  	_ =	shalt  }
0x5b: {  	_ =	shalt  }
0x5c: {  	_ =	shalt  }
0x5d: {  	_ =	shalt  }
0x5e: {  	_ =	shalt  }
0x5f: {  	_ =	shalt  }
0x60: {  	_ =	shalt  }
0x61: {  	_ =	shalt  }
0x62: {  	_ =	shalt  }
0x63: {  	_ =	shalt  }
0x64: {  	_ =	shalt  }
0x65: {  	_ =	shalt  }
0x66: {  	_ =	shalt  }
0x67: {  	_ =	shalt  }
0x68: {  	_ =	shalt  }
0x69: {  	_ =	shalt  }
0x6a: {  	_ =	shalt  }
0x6b: {  	_ =	shalt  }
0x6c: {  	_ =	shalt  }
0x6d: {  	_ =	shalt  }
0x6e: {  	_ =	shalt  }
0x6f: {  	_ =	shalt  }
0x70: {  	_ =	shalt  }
0x71: {  	_ =	shalt  }
0x72: {  	_ =	shalt  }
0x73: {  	_ =	shalt  }
0x74: {  	_ =	shalt  }
0x75: {  	_ =	shalt  }
0x76: {  	_ =	shalt  }
0x77: {  	_ =	shalt  }
0x78: {  	_ =	shalt  }
0x79: {  	_ =	shalt  }
0x7a: {  	_ =	shalt  }
0x7b: {  	_ =	shalt  }
0x7c: {  	_ =	shalt  }
0x7d: {  	_ =	shalt  }
0x7e: {  	_ =	shalt  }
0x7f: {  	_ =	shalt  }
0x80: {  	_ =	shalt  }
0x81: {  	_ =	shalt  }
0x82: {  	_ =	shalt  }
0x83: {  	_ =	shalt  }
0x84: {  	_ =	shalt  }
0x85: {  	_ =	shalt  }
0x86: {  	_ =	shalt  }
0x87: {  	_ =	shalt  }
.Lfunc_end0:
.L_simem_size_0:
called_computation.5_lowered:
.L_overlay_start_0:
0x88: {  	s2 =	sld [smem:$0x3FD9]  }
0x89: {  	s3 =	sld [smem:$0x3FFE];
	_ =	sdelay $0x1  }
0x8a: {  	s1 =	srdreg.scid  }
0x8b: {  	s0 =	sand.u32 $0x1, s1  }
0x8c: {  	s17 =	sshll.u32 s0, $0xA;
	s2 =	sadd.s32 s3, s2  }
0x8d: {  	s2 =	sadd.s32 s2, s17  }
0x8e: {  	[smem:$0x3FC1] =	sst s2  }
0x8f: {  	_ = 	snop  }
0x90: {  	(tm) =	ssettm $0x1  }
0x91: {  	s18 =	sld [smem:$0x3FFB];
	_ =	sdelay $0x3  }
0x92: {  	_ =	strace s18  }
0x93: {  	s2 =	sld [smem:$0x3FFC];
	_ =	sdelay $0x3  }
0x94: {  	_ =	strace s2  }
0x95: {  	s2 =	sld [smem:$0x3FFD];
	_ =	sdelay $0x3  }
0x96: {  	_ =	strace s2  }
0x97: {  	_ =	strace $0x8FFFFFFF  }
0x98: {  	s19 =	sld [smem:$0x3FDB];
	_ =	sdelay $0x1  }
0x99: {  	s20 =	simm.s32 $_scs_section_size  }
0x9a: {  	s4 =	simm.s32 $_size__tile_overlayer_lowered;
	s5 =	simm.s32 $_tile_overlayer_lowered  }
0x9b: {  	s6 =	simm.s32 $0x1BFF;
	s21 =	sshll.u32 s5, $0x1;
	s3 =	sadd.s32 s20, s19  }
0x9c: {  	s22 =	simm.s32 $0x0;
	s4 =	sshll.u32 s4, $0x1;
	s5 =	sadd.s32 s21, s3  }
0x9d: {  	[timem:s22], [sflag:s6] =	dma.local [hbm:s5], s4  }
0x9e: {  	_ =	swait.ge [sflag:s6], s4  }
0x9f: {  	s4 =	ssub.s32 $0x0, s4;
	[sflag:s6] =	ssyncset.done $0x0  }
0xa0: {  	[sflag:s6] =	ssyncadd.s32 s4;
	_ =	sdelay $0x1  }
0xa1: {  	s23 =	simm.s32 $0x1B8B  }
0xa2: {  	_ =	swait.ge [sflag:s23], $0x1  }
0xa3: {  	[sflag:s23] =	ssyncset.done $0x0  }
0xa4: {  	[sflag:s23] =	ssyncadd.s32 $0xFFFFFFFF  }
0xa5: {  	s4 =	sld [smem:$0x0]  }
0xa6: {  	s5 =	sand.u32 $0xFFFFFFFE, s1  }
0xa7: {  	p0 =	sne.s32 s1, s5  }
0xa8: {  	s5 =	sshll.u32 @p0 s5, $0xE  }
0xa9: {  	s5 =	sadd.s32 @p0 $0x11B8D, s5;
	s6 =	sshll.u32 @p0 s4, $0x11  }
0xaa: {  	s5 =	sor.u32 @p0 s6, s5  }
0xab: {  	[sflag:s5] =	ssyncadd.remote.s32 @p0 $0x1;
	_ =	sdelay $0x1  }
0xac: {  	s5 =	simm.s32 @p0 $0x1B8D  }
0xad: {  	_ =	swait.eq @p0 [sflag:s5], $0x1  }
0xae: {  	[sflag:s5] =	ssyncadd.s32 @p0 $0xFFFFFFFF  }
0xaf: {  	s6 =	sshll.u32 @!p0 s1, $0xE  }
0xb0: {  	s6 =	sor.u32 @!p0 $0x4000, s6;
	s5 =	simm.s32 @!p0 $0x1B8D  }
0xb1: {  	s4 =	sshll.u32 @!p0 s4, $0x11;
	s6 =	sadd.s32 @!p0 $0x11B8D, s6;
	_ =	swait.eq @!p0 [sflag:s5], $0x1  }
0xb2: {  	s4 =	sor.u32 @!p0 s4, s6;
	[sflag:s5] =	ssyncadd.s32 @!p0 $0xFFFFFFFF  }
0xb3: {  	s25 =	simm.s32 $0x1B8E;
	s24 =	sld [smem:$0x3FFE];
	[sflag:s4] =	ssyncadd.remote.s32 @!p0 $0x1  }
0xb4: {  	s26 =	simm.s32 $execute0_lowered;
	[smem:$0x3FD2] =	sst s25  }
0xb5: {  	s5 =	sshll.u32 s26, $0x1;
	_ =	strace $0x80000052;
	[dreg:$0x1] =	wrdreg $0xFFFFFFFF  }
0xb6: {  	s28 =	simm.s32 $_size_execute0_lowered;
	s3 =	sadd.s32 s3, s5;
	[dreg:$0x0] =	wrdreg $0x0  }
0xb7: {  	s5 =	sshll.u32 s28, $0x1;
	[dreg:$0x2] =	wrdreg s3  }
0xb8: {  	[dreg:$0x3] =	wrdreg s5  }
0xb9: {  	[dreg:$0x4] =	wrdreg $0xC0  }
0xba: {  	_ =	task [dreg:s22], $0x5FFFF  }
0xbb: {  	[dreg:$0x1] =	wrdreg $0xFFFFFFFF  }
0xbc: {  	[dreg:$0x0] =	wrdreg $0x60  }
0xbd: {  	[dreg:$0x2] =	wrdreg s24  }
0xbe: {  	[dreg:$0x3] =	wrdreg $0x32000  }
0xbf: {  	[dreg:$0x4] =	wrdreg $0xB  }
0xc0: {  	_ =	task.clear_ibuf [dreg:s22], $0x5FFFF;
	_ =	strace $0x90000052  }
0xc1: {  	s29 =	simm.s32 $0xB;
	_ =	strace $0x80000054  }
0xc2: {  	_ =	swait.ge [sflag:s29], $0x1  }
0xc3: {  	[sflag:s29] =	ssyncadd.s32 $0xFFFFFFFF  }
0xc4: {  	_ =	strace $0x90000054  }
0xc5: {  	_ =	sfence  }
0xc6: {  	s30 =	sld [smem:$0x0];
	_ =	sdelay $0x2  }
0xc7: {  	s31 =	sshll.u32 s1, $0xD;
	s1 =	sshrl.u32 s1, $0x2  }
0xc8: {  	s4 =	sand.u32 $0x4000, s31;
	s1 =	sadd.s32 s1, s30  }
0xc9: {  	s0 =	sor.u32 s4, s0;
	s1 =	sshll.u32 s1, $0x11  }
0xca: {  	s0 =	sor.u32 s1, s0  }
0xcb: {  	s0 =	sadd.s32 $0x8F2B, s0  }
0xcc: {  	[sflag:s0] =	ssyncadd.remote.s32 $0x1  }
0xcd: {  	_ =	sfence.sel $0xFFFF  }
0xce: {  	[dreg:$0x0] =	wrdreg $0xFFFFFFFF;
	(pc) =	sbr.abs _section_cstart, $3  }
0xcf: {  	[dreg:$0x1] =	wrdreg $0xFFFFFFFF  }
0xd0: {  	_ =	task.clear_ibuf [dreg:s22], $0x2FFFF;
	_ =	strace $0x9FFFFFFF  }
0xd1: {  	(tm) =	ssettm $0x7FFFFFFF  }
tec
execute0_lowered:
.L_overlay_start_1:
0x0: {  	(tag) =	ssettag $0x1  }
0x1: {  	s14 =	stileid.u32  }
0x2: {  	s0 =	srdreg.scid;
	s6 =	smul.u32 $0x140, s14  }
0x3: {  	s5 =	rddreg [dreg:$0x0];
	s7 =	smul.u32 $0x2720, s14  }
0x4: {  	s2 =	rddreg [dreg:$0x1];
	s3 =	simm.s32 $0x0;
	s31 =	smul.u32 $0x2710, s14  }
0x5: {  	s9 =	simm.s32 $0x2D000;
	s1 =	sand.u32 $0x1, s0;
	s10 =	smul.u32 $0x1400, s14  }
0x6: {  	s24 =	simm.s32 $0x100;
	[smem:$0x7FF] =	sst s3;
	s4 =	smul.u32 $0x1400, s1  }
0x7: {  	s8 =	smul.u32 $0x27100, s1;
	_ =	strace $0x80000053;
	p0 =	seq.s32 s1, $0x1  }
0x8: {  	[dreg:$0xa] =	wrdreg s24;
	s15 =	sshrl.u32 s7, $0x3;
	s17 =	sadd.s32 s7, s2  }
0x9: {  	s4 =	sadd.s32 s6, s4;
	s6 =	sadd.s32 s15, s5;
	s19 =	sshrl.u32 s17, $0x3  }
0xa: {  	s9 =	simm.s32 @!p0 $0x19000;
	s6 =	sadd.s32 $0x41000, s6;
	[dreg:$0x9] =	wrdreg s19  }
0xb: {  	s8 =	sadd.s32 s31, s8;
	s4 =	sadd.s32 s4, s5;
	[dreg:$0x3] =	wrdreg s6  }
0xc: {  	s8 =	sshrl.u32 s8, $0x3;
	s4 =	sadd.s32 $0x6E000, s4;
	s20 =	rddreg [dreg:$0x9]  }
0xd: {  	s8 =	sadd.s32 s8, s5;
	s5 =	sadd.s32 s9, s5;
	[dreg:$0x4] =	wrdreg s4  }
0xe: {  	s16 =	sadd.s32 $0x46000, s8;
	s4 =	sadd.s32 s5, s10;
	s22 =	rddreg [dreg:$0x3]  }
0xf: {  	[dreg:$0x5] =	wrdreg s16;
	s5 =	sadd.s32 $0x500, s4  }
0x10: {  	s18 =	sadd.s32 $0xA00, s4;
	[dreg:$0x6] =	wrdreg s5  }
0x11: {  	s23 =	sshll.u32 s14, $0x6;
	s21 =	sadd.s32 $0xF00, s4;
	[dreg:$0x7] =	wrdreg s18  }
0x12: {  	s6 =	sor.u32 $0x1C01, s23;
	[dreg:$0x8] =	wrdreg s21;
	s5 =	simm.s32 $0x1  }
0x13: {  	[spmem:s20], [sflag:s6] =	dma.local [hbm:s22], $0x4E4  }
0x14: {  	_ =	swait.ge [sflag:s5], $0x4E4  }
0x15: {  	[sflag:s5] =	ssyncset.done $0x0  }
0x16: {  	[sflag:s5] =	ssyncadd.s32 $0xFFFFFB1C  }
0x17: {  	[bflag:$0x0] =	sbarrier.arrive $0xFFFF  }
0x18: {  	s25 =	rddreg [dreg:$0x4]  }
0x19: {  	[tilespmem:s3], [sflag:$0x1] =	stream.linear.gather [hbm4b:s25+s3], $0xA00, $0x38;
	[tilespmem:$0x5920] =	vst v63  }
0x1a: {  	_ =	swait.ge [sflag:s5], $0xA00  }
0x1b: {  	[sflag:s5] =	ssyncset.done $0x0  }
0x1c: {  	s7 =	simm.s32 $0xA00;
	[sflag:s5] =	ssyncadd.s32 $0xFFFFF600  }
0x1d: {  	[tilespmem:s7], [sflag:$0x1] =	stream.linear.gather [hbm4b:s4+s3], $0x2800, $0x38;
	[tilespmem:$0x5920] =	vst v63  }
0x1e: {  	_ =	swait.ge [sflag:s5], $0x2800  }
0x1f: {  	[sflag:s5] =	ssyncset.done $0x0  }
0x20: {  	s8 =	simm.s32 $0x80;
	[sflag:s5] =	ssyncadd.s32 $0xFFFFD800  }
0x21: {  	[spmem:s2] =	stream.indirect.scatter.add.f32 [tilespmem:s7], [sflag:$0x1], $0x10, s3, s8, $0xb8;
	[tilespmem:$0x5920] =	vst v63  }
0x22: {  	_ =	swait.ge [sflag:s5], $0x800  }
0x23: {  	[sflag:s5] =	ssyncset.done $0x0  }
0x24: {  	s9 =	simm.s32 $0x1200;
	[sflag:s5] =	ssyncadd.s32 $0xFFFFF800  }
0x25: {  	[spmem:s2] =	stream.indirect.scatter.add.f32 [tilespmem:s9], [sflag:$0x1], $0x10, s8, s8, $0xb8;
	[tilespmem:$0x5920] =	vst v63  }
0x26: {  	_ =	swait.ge [sflag:s5], $0x800  }
0x27: {  	[sflag:s5] =	ssyncset.done $0x0  }
0x28: {  	s10 =	simm.s32 $0x1A00;
	s11 =	rddreg [dreg:$0xa];
	[sflag:s5] =	ssyncadd.s32 $0xFFFFF800  }
0x29: {  	[spmem:s2] =	stream.indirect.scatter.add.f32 [tilespmem:s10], [sflag:$0x1], $0x10, s11, s8, $0xb8;
	[tilespmem:$0x5920] =	vst v63  }
0x2a: {  	_ =	swait.ge [sflag:s5], $0x800  }
0x2b: {  	[sflag:s5] =	ssyncset.done $0x0  }
0x2c: {  	s26 =	simm.s32 $0x180;
	s12 =	simm.s32 $0x2200;
	[sflag:s5] =	ssyncadd.s32 $0xFFFFF800  }
0x2d: {  	[spmem:s2] =	stream.indirect.scatter.add.f32 [tilespmem:s12], [sflag:$0x1], $0x10, s26, s8, $0xb8;
	[tilespmem:$0x5920] =	vst v63  }
0x2e: {  	_ =	swait.ge [sflag:s5], $0x800  }
0x2f: {  	[sflag:s5] =	ssyncset.done $0x0  }
0x30: {  	s13 =	simm.s32 $0x200;
	s14 =	simm.s32 $0x2A00;
	[sflag:s5] =	ssyncadd.s32 $0xFFFFF800  }
0x31: {  	[spmem:s2] =	stream.indirect.scatter.add.f32 [tilespmem:s14], [sflag:$0x1], $0x10, s13, s8, $0xb8;
	[tilespmem:$0x5920] =	vst v63  }
0x32: {  	_ =	swait.ge [sflag:s5], $0x800  }
0x33: {  	[sflag:s5] =	ssyncset.done $0x0  }
0x34: {  	s15 =	rddreg [dreg:$0x6];
	[sflag:s5] =	ssyncadd.s32 $0xFFFFF800  }
0x35: {  	[tilespmem:s7], [sflag:$0x1] =	stream.linear.gather [hbm4b:s15+s3], $0x2800, $0x38;
	[tilespmem:$0x5920] =	vst v63  }
0x36: {  	_ =	swait.ge [sflag:s5], $0x2800  }
0x37: {  	[sflag:s5] =	ssyncset.done $0x0  }
0x38: {  	s15 =	simm.s32 $0x280;
	[sflag:s5] =	ssyncadd.s32 $0xFFFFD800  }
0x39: {  	[spmem:s2] =	stream.indirect.scatter.add.f32 [tilespmem:s7], [sflag:$0x1], $0x10, s15, s8, $0xb8;
	[tilespmem:$0x5920] =	vst v63  }
0x3a: {  	_ =	swait.ge [sflag:s5], $0x800  }
0x3b: {  	[sflag:s5] =	ssyncset.done $0x0  }
0x3c: {  	s16 =	simm.s32 $0x300;
	[sflag:s5] =	ssyncadd.s32 $0xFFFFF800  }
0x3d: {  	[spmem:s2] =	stream.indirect.scatter.add.f32 [tilespmem:s9], [sflag:$0x1], $0x10, s16, s8, $0xb8;
	[tilespmem:$0x5920] =	vst v63  }
0x3e: {  	_ =	swait.ge [sflag:s5], $0x800  }
0x3f: {  	[sflag:s5] =	ssyncset.done $0x0  }
0x40: {  	s17 =	simm.s32 $0x380;
	[sflag:s5] =	ssyncadd.s32 $0xFFFFF800  }
0x41: {  	[spmem:s2] =	stream.indirect.scatter.add.f32 [tilespmem:s10], [sflag:$0x1], $0x10, s17, s8, $0xb8;
	[tilespmem:$0x5920] =	vst v63  }
0x42: {  	_ =	swait.ge [sflag:s5], $0x800  }
0x43: {  	[sflag:s5] =	ssyncset.done $0x0  }
0x44: {  	s18 =	simm.s32 $0x400;
	[sflag:s5] =	ssyncadd.s32 $0xFFFFF800  }
0x45: {  	[spmem:s2] =	stream.indirect.scatter.add.f32 [tilespmem:s12], [sflag:$0x1], $0x10, s18, s8, $0xb8;
	[tilespmem:$0x5920] =	vst v63  }
0x46: {  	_ =	swait.ge [sflag:s5], $0x800  }
0x47: {  	[sflag:s5] =	ssyncset.done $0x0  }
0x48: {  	s19 =	simm.s32 $0x480;
	[sflag:s5] =	ssyncadd.s32 $0xFFFFF800  }
0x49: {  	[spmem:s2] =	stream.indirect.scatter.add.f32 [tilespmem:s14], [sflag:$0x1], $0x10, s19, s8, $0xb8;
	[tilespmem:$0x5920] =	vst v63  }
0x4a: {  	_ =	swait.ge [sflag:s5], $0x800  }
0x4b: {  	[sflag:s5] =	ssyncset.done $0x0  }
0x4c: {  	s20 =	rddreg [dreg:$0x7];
	[sflag:s5] =	ssyncadd.s32 $0xFFFFF800  }
0x4d: {  	[tilespmem:s7], [sflag:$0x1] =	stream.linear.gather [hbm4b:s20+s3], $0x2800, $0x38;
	[tilespmem:$0x5920] =	vst v63  }
0x4e: {  	_ =	swait.ge [sflag:s5], $0x2800  }
0x4f: {  	[sflag:s5] =	ssyncset.done $0x0  }
0x50: {  	s20 =	simm.s32 $0x500;
	[sflag:s5] =	ssyncadd.s32 $0xFFFFD800  }
0x51: {  	[spmem:s2] =	stream.indirect.scatter.add.f32 [tilespmem:s7], [sflag:$0x1], $0x10, s20, s8, $0xb8;
	[tilespmem:$0x5920] =	vst v63  }
0x52: {  	_ =	swait.ge [sflag:s5], $0x800  }
0x53: {  	[sflag:s5] =	ssyncset.done $0x0  }
0x54: {  	s21 =	simm.s32 $0x580;
	[sflag:s5] =	ssyncadd.s32 $0xFFFFF800  }
0x55: {  	[spmem:s2] =	stream.indirect.scatter.add.f32 [tilespmem:s9], [sflag:$0x1], $0x10, s21, s8, $0xb8;
	[tilespmem:$0x5920] =	vst v63  }
0x56: {  	_ =	swait.ge [sflag:s5], $0x800  }
0x57: {  	[sflag:s5] =	ssyncset.done $0x0  }
0x58: {  	s22 =	simm.s32 $0x600;
	[sflag:s5] =	ssyncadd.s32 $0xFFFFF800  }
0x59: {  	[spmem:s2] =	stream.indirect.scatter.add.f32 [tilespmem:s10], [sflag:$0x1], $0x10, s22, s8, $0xb8;
	[tilespmem:$0x5920] =	vst v63  }
0x5a: {  	_ =	swait.ge [sflag:s5], $0x800  }
0x5b: {  	[sflag:s5] =	ssyncset.done $0x0  }
0x5c: {  	s23 =	simm.s32 $0x680;
	[sflag:s5] =	ssyncadd.s32 $0xFFFFF800  }
0x5d: {  	[spmem:s2] =	stream.indirect.scatter.add.f32 [tilespmem:s12], [sflag:$0x1], $0x10, s23, s8, $0xb8;
	[tilespmem:$0x5920] =	vst v63  }
0x5e: {  	_ =	swait.ge [sflag:s5], $0x800  }
0x5f: {  	[sflag:s5] =	ssyncset.done $0x0  }
0x60: {  	s24 =	simm.s32 $0x700;
	[sflag:s5] =	ssyncadd.s32 $0xFFFFF800  }
0x61: {  	[spmem:s2] =	stream.indirect.scatter.add.f32 [tilespmem:s14], [sflag:$0x1], $0x10, s24, s8, $0xb8;
	[tilespmem:$0x5920] =	vst v63  }
0x62: {  	_ =	swait.ge [sflag:s5], $0x800  }
0x63: {  	[sflag:s5] =	ssyncset.done $0x0  }
0x64: {  	s25 =	rddreg [dreg:$0x8];
	[sflag:s5] =	ssyncadd.s32 $0xFFFFF800  }
0x65: {  	[tilespmem:s7], [sflag:$0x1] =	stream.linear.gather [hbm4b:s25+s3], $0x2800, $0x38;
	[tilespmem:$0x5920] =	vst v63  }
0x66: {  	_ =	swait.ge [sflag:s5], $0x2800  }
0x67: {  	[sflag:s5] =	ssyncset.done $0x0  }
0x68: {  	s25 =	simm.s32 $0x780;
	[sflag:s5] =	ssyncadd.s32 $0xFFFFD800  }
0x69: {  	[spmem:s2] =	stream.indirect.scatter.add.f32 [tilespmem:s7], [sflag:$0x1], $0x10, s25, s8, $0xb8;
	[tilespmem:$0x5920] =	vst v63  }
0x6a: {  	_ =	swait.ge [sflag:s5], $0x800  }
0x6b: {  	[sflag:s5] =	ssyncset.done $0x0  }
0x6c: {  	s26 =	simm.s32 $0x800;
	[sflag:s5] =	ssyncadd.s32 $0xFFFFF800  }
0x6d: {  	[spmem:s2] =	stream.indirect.scatter.add.f32 [tilespmem:s9], [sflag:$0x1], $0x10, s26, s8, $0xb8;
	[tilespmem:$0x5920] =	vst v63  }
0x6e: {  	_ =	swait.ge [sflag:s5], $0x800  }
0x6f: {  	[sflag:s5] =	ssyncset.done $0x0  }
0x70: {  	s28 =	simm.s32 $0x880;
	[sflag:s5] =	ssyncadd.s32 $0xFFFFF800  }
0x71: {  	[spmem:s2] =	stream.indirect.scatter.add.f32 [tilespmem:s10], [sflag:$0x1], $0x10, s28, s8, $0xb8;
	[tilespmem:$0x5920] =	vst v63  }
0x72: {  	_ =	swait.ge [sflag:s5], $0x800  }
0x73: {  	[sflag:s5] =	ssyncset.done $0x0  }
0x74: {  	s29 =	simm.s32 $0x900;
	[sflag:s5] =	ssyncadd.s32 $0xFFFFF800  }
0x75: {  	[spmem:s2] =	stream.indirect.scatter.add.f32 [tilespmem:s12], [sflag:$0x1], $0x10, s29, s8, $0xb8;
	[tilespmem:$0x5920] =	vst v63  }
0x76: {  	s1 =	ssub.s32 $0x2, s1;
	_ =	swait.ge [sflag:s5], $0x800  }
0x77: {  	s0 =	sshrl.u32 s1, $0x1;
	[sflag:s5] =	ssyncset.done $0x0  }
0x78: {  	s30 =	simm.s32 $0x980;
	s0 =	ssub.s32 s1, s0;
	[sflag:s5] =	ssyncadd.s32 $0xFFFFF800  }
0x79: {  	[spmem:s2] =	stream.indirect.scatter.add.f32 [tilespmem:s14], [sflag:$0x1], $0x10, s30, s8, $0xb8;
	[tilespmem:$0x5920] =	vst v63  }
0x7a: {  	s0 =	smax.u32 s0, $0x1;
	_ =	swait.ge [sflag:s5], $0x800  }
0x7b: {  	p0 =	sne.s32 s0, $0x1;
	[sflag:s5] =	ssyncset.done $0x0  }
.Ltmp0:
0x7c: {  	[sflag:s5] =	ssyncadd.s32 $0xFFFFF800;
	(pc) =	sbr.rel @!p0 .LBB2_2-.Ltmp0, $4  }
0x7d: {  	s31 =	sadd.s32 s31, s2;
	[bflag:$0x0] =	sbarrier.arrive $0xFFFF  }
0x7e: {  	s31 =	sshrl.u32 s31, $0x3;
	s11 =	rddreg [dreg:$0x5]  }
0x7f: {  	[hbm:s11], [sflag:s6] =	dma.local [spmem:s31], $0x4E2  }
0x80: {  	s1 =	sadd.s32 $0xFFFFFFFF, s0;
	_ =	swait.ge [sflag:s5], $0x4E2  }
.LBB2_1:
0x81: {  	s0 =	rddreg [dreg:$0x9];
	[sflag:s5] =	ssyncset.done $0x0  }
0x82: {  	s11 =	rddreg [dreg:$0x3];
	[sflag:s5] =	ssyncadd.s32 $0xFFFFFB1E  }
0x83: {  	[spmem:s0], [sflag:s6] =	dma.local [hbm:s11], $0x4E4  }
0x84: {  	_ =	swait.ge [sflag:s5], $0x4E4  }
0x85: {  	[sflag:s5] =	ssyncset.done $0x0  }
0x86: {  	[sflag:s5] =	ssyncadd.s32 $0xFFFFFB1C  }
0x87: {  	[bflag:$0x0] =	sbarrier.arrive $0xFFFF  }
0x88: {  	s11 =	rddreg [dreg:$0x4]  }
0x89: {  	[tilespmem:s3], [sflag:$0x1] =	stream.linear.gather [hbm4b:s11+s3], $0xA00, $0x38;
	[tilespmem:$0x5920] =	vst v63  }
0x8a: {  	_ =	swait.ge [sflag:s5], $0xA00  }
0x8b: {  	[sflag:s5] =	ssyncset.done $0x0  }
0x8c: {  	[sflag:s5] =	ssyncadd.s32 $0xFFFFF600  }
0x8d: {  	[tilespmem:s7], [sflag:$0x1] =	stream.linear.gather [hbm4b:s4+s3], $0x2800, $0x38;
	[tilespmem:$0x5920] =	vst v63  }
0x8e: {  	_ =	swait.ge [sflag:s5], $0x2800  }
0x8f: {  	[sflag:s5] =	ssyncset.done $0x0  }
0x90: {  	[sflag:s5] =	ssyncadd.s32 $0xFFFFD800  }
0x91: {  	[spmem:s2] =	stream.indirect.scatter.add.f32 [tilespmem:s7], [sflag:$0x1], $0x10, s3, s8, $0xb8;
	[tilespmem:$0x5920] =	vst v63  }
0x92: {  	_ =	swait.ge [sflag:s5], $0x800  }
0x93: {  	[sflag:s5] =	ssyncset.done $0x0  }
0x94: {  	[sflag:s5] =	ssyncadd.s32 $0xFFFFF800  }
0x95: {  	[spmem:s2] =	stream.indirect.scatter.add.f32 [tilespmem:s9], [sflag:$0x1], $0x10, s8, s8, $0xb8;
	[tilespmem:$0x5920] =	vst v63  }
0x96: {  	_ =	swait.ge [sflag:s5], $0x800  }
0x97: {  	[sflag:s5] =	ssyncset.done $0x0  }
0x98: {  	s11 =	rddreg [dreg:$0xa];
	[sflag:s5] =	ssyncadd.s32 $0xFFFFF800  }
0x99: {  	[spmem:s2] =	stream.indirect.scatter.add.f32 [tilespmem:s10], [sflag:$0x1], $0x10, s11, s8, $0xb8;
	[tilespmem:$0x5920] =	vst v63  }
0x9a: {  	_ =	swait.ge [sflag:s5], $0x800  }
0x9b: {  	[sflag:s5] =	ssyncset.done $0x0  }
0x9c: {  	s11 =	simm.s32 $0x180;
	[sflag:s5] =	ssyncadd.s32 $0xFFFFF800  }
0x9d: {  	[spmem:s2] =	stream.indirect.scatter.add.f32 [tilespmem:s12], [sflag:$0x1], $0x10, s11, s8, $0xb8;
	[tilespmem:$0x5920] =	vst v63  }
0x9e: {  	_ =	swait.ge [sflag:s5], $0x800  }
0x9f: {  	[sflag:s5] =	ssyncset.done $0x0  }
0xa0: {  	[sflag:s5] =	ssyncadd.s32 $0xFFFFF800  }
0xa1: {  	[spmem:s2] =	stream.indirect.scatter.add.f32 [tilespmem:s14], [sflag:$0x1], $0x10, s13, s8, $0xb8;
	[tilespmem:$0x5920] =	vst v63  }
0xa2: {  	_ =	swait.ge [sflag:s5], $0x800  }
0xa3: {  	[sflag:s5] =	ssyncset.done $0x0  }
0xa4: {  	s11 =	rddreg [dreg:$0x6];
	[sflag:s5] =	ssyncadd.s32 $0xFFFFF800  }
0xa5: {  	[tilespmem:s7], [sflag:$0x1] =	stream.linear.gather [hbm4b:s11+s3], $0x2800, $0x38;
	[tilespmem:$0x5920] =	vst v63  }
0xa6: {  	_ =	swait.ge [sflag:s5], $0x2800  }
0xa7: {  	[sflag:s5] =	ssyncset.done $0x0  }
0xa8: {  	[sflag:s5] =	ssyncadd.s32 $0xFFFFD800  }
0xa9: {  	[spmem:s2] =	stream.indirect.scatter.add.f32 [tilespmem:s7], [sflag:$0x1], $0x10, s15, s8, $0xb8;
	[tilespmem:$0x5920] =	vst v63  }
0xaa: {  	_ =	swait.ge [sflag:s5], $0x800  }
0xab: {  	[sflag:s5] =	ssyncset.done $0x0  }
0xac: {  	[sflag:s5] =	ssyncadd.s32 $0xFFFFF800  }
0xad: {  	[spmem:s2] =	stream.indirect.scatter.add.f32 [tilespmem:s9], [sflag:$0x1], $0x10, s16, s8, $0xb8;
	[tilespmem:$0x5920] =	vst v63  }
0xae: {  	_ =	swait.ge [sflag:s5], $0x800  }
0xaf: {  	[sflag:s5] =	ssyncset.done $0x0  }
0xb0: {  	[sflag:s5] =	ssyncadd.s32 $0xFFFFF800  }
0xb1: {  	[spmem:s2] =	stream.indirect.scatter.add.f32 [tilespmem:s10], [sflag:$0x1], $0x10, s17, s8, $0xb8;
	[tilespmem:$0x5920] =	vst v63  }
0xb2: {  	_ =	swait.ge [sflag:s5], $0x800  }
0xb3: {  	[sflag:s5] =	ssyncset.done $0x0  }
0xb4: {  	[sflag:s5] =	ssyncadd.s32 $0xFFFFF800  }
0xb5: {  	[spmem:s2] =	stream.indirect.scatter.add.f32 [tilespmem:s12], [sflag:$0x1], $0x10, s18, s8, $0xb8;
	[tilespmem:$0x5920] =	vst v63  }
0xb6: {  	_ =	swait.ge [sflag:s5], $0x800  }
0xb7: {  	[sflag:s5] =	ssyncset.done $0x0  }
0xb8: {  	[sflag:s5] =	ssyncadd.s32 $0xFFFFF800  }
0xb9: {  	[spmem:s2] =	stream.indirect.scatter.add.f32 [tilespmem:s14], [sflag:$0x1], $0x10, s19, s8, $0xb8;
	[tilespmem:$0x5920] =	vst v63  }
0xba: {  	_ =	swait.ge [sflag:s5], $0x800  }
0xbb: {  	[sflag:s5] =	ssyncset.done $0x0  }
0xbc: {  	s11 =	rddreg [dreg:$0x7];
	[sflag:s5] =	ssyncadd.s32 $0xFFFFF800  }
0xbd: {  	[tilespmem:s7], [sflag:$0x1] =	stream.linear.gather [hbm4b:s11+s3], $0x2800, $0x38;
	[tilespmem:$0x5920] =	vst v63  }
0xbe: {  	_ =	swait.ge [sflag:s5], $0x2800  }
0xbf: {  	[sflag:s5] =	ssyncset.done $0x0  }
0xc0: {  	[sflag:s5] =	ssyncadd.s32 $0xFFFFD800  }
0xc1: {  	[spmem:s2] =	stream.indirect.scatter.add.f32 [tilespmem:s7], [sflag:$0x1], $0x10, s20, s8, $0xb8;
	[tilespmem:$0x5920] =	vst v63  }
0xc2: {  	_ =	swait.ge [sflag:s5], $0x800  }
0xc3: {  	[sflag:s5] =	ssyncset.done $0x0  }
0xc4: {  	[sflag:s5] =	ssyncadd.s32 $0xFFFFF800  }
0xc5: {  	[spmem:s2] =	stream.indirect.scatter.add.f32 [tilespmem:s9], [sflag:$0x1], $0x10, s21, s8, $0xb8;
	[tilespmem:$0x5920] =	vst v63  }
0xc6: {  	_ =	swait.ge [sflag:s5], $0x800  }
0xc7: {  	[sflag:s5] =	ssyncset.done $0x0  }
0xc8: {  	[sflag:s5] =	ssyncadd.s32 $0xFFFFF800  }
0xc9: {  	[spmem:s2] =	stream.indirect.scatter.add.f32 [tilespmem:s10], [sflag:$0x1], $0x10, s22, s8, $0xb8;
	[tilespmem:$0x5920] =	vst v63  }
0xca: {  	_ =	swait.ge [sflag:s5], $0x800  }
0xcb: {  	[sflag:s5] =	ssyncset.done $0x0  }
0xcc: {  	[sflag:s5] =	ssyncadd.s32 $0xFFFFF800  }
0xcd: {  	[spmem:s2] =	stream.indirect.scatter.add.f32 [tilespmem:s12], [sflag:$0x1], $0x10, s23, s8, $0xb8;
	[tilespmem:$0x5920] =	vst v63  }
0xce: {  	_ =	swait.ge [sflag:s5], $0x800  }
0xcf: {  	[sflag:s5] =	ssyncset.done $0x0  }
0xd0: {  	[sflag:s5] =	ssyncadd.s32 $0xFFFFF800  }
0xd1: {  	[spmem:s2] =	stream.indirect.scatter.add.f32 [tilespmem:s14], [sflag:$0x1], $0x10, s24, s8, $0xb8;
	[tilespmem:$0x5920] =	vst v63  }
0xd2: {  	_ =	swait.ge [sflag:s5], $0x800  }
0xd3: {  	[sflag:s5] =	ssyncset.done $0x0  }
0xd4: {  	s11 =	rddreg [dreg:$0x8];
	[sflag:s5] =	ssyncadd.s32 $0xFFFFF800  }
0xd5: {  	[tilespmem:s7], [sflag:$0x1] =	stream.linear.gather [hbm4b:s11+s3], $0x2800, $0x38;
	[tilespmem:$0x5920] =	vst v63  }
0xd6: {  	_ =	swait.ge [sflag:s5], $0x2800  }
0xd7: {  	[sflag:s5] =	ssyncset.done $0x0  }
0xd8: {  	[sflag:s5] =	ssyncadd.s32 $0xFFFFD800  }
0xd9: {  	[spmem:s2] =	stream.indirect.scatter.add.f32 [tilespmem:s7], [sflag:$0x1], $0x10, s25, s8, $0xb8;
	[tilespmem:$0x5920] =	vst v63  }
0xda: {  	_ =	swait.ge [sflag:s5], $0x800  }
0xdb: {  	[sflag:s5] =	ssyncset.done $0x0  }
0xdc: {  	[sflag:s5] =	ssyncadd.s32 $0xFFFFF800  }
0xdd: {  	[spmem:s2] =	stream.indirect.scatter.add.f32 [tilespmem:s9], [sflag:$0x1], $0x10, s26, s8, $0xb8;
	[tilespmem:$0x5920] =	vst v63  }
0xde: {  	_ =	swait.ge [sflag:s5], $0x800  }
0xdf: {  	[sflag:s5] =	ssyncset.done $0x0  }
0xe0: {  	[sflag:s5] =	ssyncadd.s32 $0xFFFFF800  }
0xe1: {  	[spmem:s2] =	stream.indirect.scatter.add.f32 [tilespmem:s10], [sflag:$0x1], $0x10, s28, s8, $0xb8;
	[tilespmem:$0x5920] =	vst v63  }
0xe2: {  	_ =	swait.ge [sflag:s5], $0x800  }
0xe3: {  	[sflag:s5] =	ssyncset.done $0x0  }
0xe4: {  	[sflag:s5] =	ssyncadd.s32 $0xFFFFF800  }
0xe5: {  	[spmem:s2] =	stream.indirect.scatter.add.f32 [tilespmem:s12], [sflag:$0x1], $0x10, s29, s8, $0xb8;
	[tilespmem:$0x5920] =	vst v63  }
0xe6: {  	_ =	swait.ge [sflag:s5], $0x800  }
0xe7: {  	[sflag:s5] =	ssyncset.done $0x0  }
0xe8: {  	[sflag:s5] =	ssyncadd.s32 $0xFFFFF800  }
0xe9: {  	[spmem:s2] =	stream.indirect.scatter.add.f32 [tilespmem:s14], [sflag:$0x1], $0x10, s30, s8, $0xb8;
	[tilespmem:$0x5920] =	vst v63  }
0xea: {  	_ =	swait.ge [sflag:s5], $0x800  }
0xeb: {  	p0 =	sne.s32 s1, $0x1;
	[sflag:s5] =	ssyncset.done $0x0  }
.Ltmp1:
0xec: {  	[sflag:s5] =	ssyncadd.s32 $0xFFFFF800;
	(pc) =	sbr.rel @p0 .LBB2_1-.Ltmp1, $4  }
0xed: {  	[bflag:$0x0] =	sbarrier.arrive $0xFFFF  }
0xee: {  	s11 =	rddreg [dreg:$0x5]  }
0xef: {  	[hbm:s11], [sflag:s6] =	dma.local [spmem:s31], $0x4E2  }
0xf0: {  	s1 =	sadd.s32 $0xFFFFFFFF, s1;
	_ =	swait.ge [sflag:s5], $0x4E2  }
.LBB2_2:
0xf1: {  	[sflag:s5] =	ssyncset.done $0x0  }
0xf2: {  	[sflag:s5] =	ssyncadd.s32 $0xFFFFFB1E  }
0xf3: {  	_ =	sfence.sel $0x180000  }
0xf4: {  	[bflag:$0x0] =	sbarrier.arrive $0xFFFF  }
0xf5: {  	_ =	strace $0x90000053  }
0xf6: {  	s0 =	stileid.u32;
	[bflag:$0x2] =	sbarrier.arrive $0xFFFF  }
0xf7: {  	p0 =	sne.s32 s0, $0x0;
	s0 =	rddreg [dreg:$0x2]  }
0xf8: {  	s0 =	sadd.s32 @!p0 $0x100000, s0  }
0xf9: {  	[sflag:s0] =	ssyncadd.tile.s32 @!p0 $0x1;
	_ =	shalt  }
.Lfunc_end2:
_tile_overlayer_lowered:
.L_overlay_start_2:
0xfa: {  	(tag) =	ssettag $0x2  }
0xfb: {  	s0 =	rddreg [dreg:$0x0];
	s2 =	stileid.u32  }
0xfc: {  	s1 =	rddreg [dreg:$0x1];
	p0 =	sne.s32 s2, $0x0  }
0xfd: {  	s3 =	rddreg [dreg:$0x2];
	[bflag:$0x3] =	sbarrier.arrive $0xFFFF;
	s2 =	simm.s32 @!p0 $0x1C01  }
0xfe: {  	[timem:s3], [sflag:s2] =	dma.local @!p0 [hbm:s0], s1  }
0xff: {  	s0 =	simm.s32 @!p0 $0x1  }
0x100: {  	_ =	swait.ge @!p0 [sflag:s0], s1  }
0x101: {  	s1 =	ssub.s32 @!p0 $0x0, s1;
	[sflag:s0] =	ssyncset.done @!p0 $0x0  }
0x102: {  	[sflag:s0] =	ssyncadd.s32 @!p0 s1  }
0x103: {  	[bflag:$0x3] =	sbarrier.arrive $0xFFFF  }
0x104: {  	_ =	shalt  }

// kernel: kernel.32.cloned.1.call-start
scs
__scs_entry_jumppad:
0x0: {  	(pc) =	sbr.rel $0x88, $3  }
0x1: {  	(tag) =	ssettag $0x0;
	lr =	simm.s32 $0x1  }
0x2: {  	[smem:$0x3F9A] =	sst lr;
	_ =	strace $0xD0000000  }
0x3: {  	_ = 	snop  }
0x4: {  	_ = 	snop  }
0x5: {  	_ = 	snop  }
0x6: {  	_ = 	snop  }
0x7: {  	_ = 	snop  }
__scs_overlays_trampoline_lowered:
0x8: {  	[smem:$0x3FA9] =	sst s0  }
0x9: {  	[smem:$0x3FAA] =	sst s1  }
0xa: {  	[smem:$0x3FAB] =	sst s2  }
0xb: {  	[smem:$0x3FAC] =	sst s3  }
0xc: {  	[smem:$0x3FAD] =	sst s4  }
0xd: {  	[smem:$0x3FAE] =	sst s5  }
0xe: {  	[smem:$0x3FAF] =	sst s6  }
0xf: {  	[smem:$0x3FB0] =	sst s7  }
0x10: {  	[smem:$0x3FB1] =	sst s8  }
0x11: {  	[smem:$0x3FB2] =	sst s9;
	s0 =	simm.s32 @!p0 $0x0  }
0x12: {  	s1 =	sld [smem:$0x3F98];
	s0 =	simm.s32 @p0 $0x1  }
0x13: {  	[smem:$0x3FB3] =	sst s0;
	s0 =	simm.s32 @!p1 $0x0  }
0x14: {  	s2 =	sld [smem:$0x3F97];
	s0 =	simm.s32 @p1 $0x1  }
0x15: {  	[smem:$0x3FB4] =	sst s0;
	s0 =	simm.s32 @!p2 $0x0  }
0x16: {  	s3 =	sld [smem:$0x3FDB];
	s0 =	simm.s32 @p2 $0x1  }
0x17: {  	s4 =	simm.s32 $0x1BF5;
	[smem:$0x3FB6] =	sst s0  }
0x18: {  	s0 =	sld [smem:$0x3F99];
	_ =	swait.ge [sflag:s4], $0x0  }
0x19: {  	s7 =	sld [smem:$0x3F9A]  }
0x1a: {  	s8 =	sadd.s32 $0xFFFFE003, lr  }
0x1b: {  	s9 =	sadd.s32 $0xFFFFFEF7, lr;
	s5 =	simm.s32 $0xFFFFFFFF;
	p2 =	slt.u32 s8, $0xFFFFF086  }
0x1c: {  	p1 =	slt.u32 s9, $0xF7A;
	s5 =	simm.s32 @!p2 $0x0  }
0x1d: {  	s5 =	simm.s32 @p1 $0x1;
	p0 =	seq.s32 s7, s2  }
0x1e: {  	s7 =	smul.u32 @!p0 $0xF7A, s2;
	p2 =	seq.s32 @!p0 s5, $0x0  }
0x1f: {  	s9 =	smul.u32 $0xF7A, s1;
	s8 =	simm.s32 @!p0 $0x1BF5;
	p2 =	por !p2, p0  }
0x20: {  	[sflag:s8] =	ssyncset.s32 @!p0 $0xFFFFF086;
	s6 =	sadd.s32 @!p0 s3, s7;
	s7 =	simm.s32 @!p0 $0x108  }
0x21: {  	s3 =	sadd.s32 s3, s9;
	s6 =	sadd.s32 @!p0 $0x88, s6;
	s7 =	simm.s32 @p2 $0x1082  }
0x22: {  	[simem:s7], [sflag:s8] =	dma.local @!p0 [hbm:s6], $0xF7A  }
0x23: {  	s9 =	sor.u32 $0xD0000000, s2;
	s6 =	simm.s32 $0x108;
	_ =	swait.ge @!p0 [sflag:s8], $0x0  }
0x24: {  	s3 =	sadd.s32 $0x88, s3;
	s6 =	simm.s32 @!p1 $0x1082;
	[sflag:s4] =	ssyncset.s32 $0xFFFFF086  }
0x25: {  	[simem:s6], [sflag:s4] =	dma.local [hbm:s3], $0xF7A  }
0x26: {  	[smem:$0x3F9A] =	sst s1;
	(tag) =	ssettag s2;
	_ =	strace s9  }
0x27: {  	s1 =	sld [smem:$0x3FAA]  }
0x28: {  	s2 =	sld [smem:$0x3FAB]  }
0x29: {  	s4 =	sld [smem:$0x3FAD]  }
0x2a: {  	p0 =	seq.s32 s5, $0x0;
	s5 =	sld [smem:$0x3FAE]  }
0x2b: {  	s6 =	sld [smem:$0x3FAF]  }
0x2c: {  	s7 =	sld [smem:$0x3FB0]  }
0x2d: {  	s3 =	simm.s32 $0x108;
	s8 =	sld [smem:$0x3FB1]  }
0x2e: {  	s3 =	simm.s32 @!p0 $0x1082;
	s9 =	sld [smem:$0x3FB2]  }
0x2f: {  	lr =	sadd.s32 s0, s3;
	s0 =	sld [smem:$0x3FA9]  }
0x30: {  	s3 =	sld [smem:$0x3FAC]  }
0x31: {  	[smem:$0x3FB5] =	sst s10  }
0x32: {  	s10 =	sld [smem:$0x3FB3];
	_ =	sdelay $0x3  }
0x33: {  	p0 =	seq.s32 s10, $0x1;
	s10 =	sld [smem:$0x3FB5];
	_ =	sdelay $0x3  }
0x34: {  	[smem:$0x3FB5] =	sst s10  }
0x35: {  	s10 =	sld [smem:$0x3FB4];
	_ =	sdelay $0x3  }
0x36: {  	p1 =	seq.s32 s10, $0x1;
	s10 =	sld [smem:$0x3FB5];
	_ =	sdelay $0x3  }
0x37: {  	[smem:$0x3FB5] =	sst s10  }
0x38: {  	s10 =	sld [smem:$0x3FB6]  }
0x39: {  	_ = 	snop;
	(pc) =	sbr.ind lr, $3  }
0x3a: {  	_ = 	snop  }
0x3b: {  	_ = 	snop  }
0x3c: {  	p2 =	seq.s32 s10, $0x1;
	s10 =	sld [smem:$0x3FB5]  }
0x3d: {  	_ =	shalt  }
0x3e: {  	_ =	shalt  }
0x3f: {  	_ =	shalt  }
0x40: {  	_ =	shalt  }
0x41: {  	_ =	shalt  }
0x42: {  	_ =	shalt  }
0x43: {  	_ =	shalt  }
0x44: {  	_ =	shalt  }
0x45: {  	_ =	shalt  }
0x46: {  	_ =	shalt  }
0x47: {  	_ =	shalt  }
0x48: {  	_ =	shalt  }
0x49: {  	_ =	shalt  }
0x4a: {  	_ =	shalt  }
0x4b: {  	_ =	shalt  }
0x4c: {  	_ =	shalt  }
0x4d: {  	_ =	shalt  }
0x4e: {  	_ =	shalt  }
0x4f: {  	_ =	shalt  }
0x50: {  	_ =	shalt  }
0x51: {  	_ =	shalt  }
0x52: {  	_ =	shalt  }
0x53: {  	_ =	shalt  }
0x54: {  	_ =	shalt  }
0x55: {  	_ =	shalt  }
0x56: {  	_ =	shalt  }
0x57: {  	_ =	shalt  }
0x58: {  	_ =	shalt  }
0x59: {  	_ =	shalt  }
0x5a: {  	_ =	shalt  }
0x5b: {  	_ =	shalt  }
0x5c: {  	_ =	shalt  }
0x5d: {  	_ =	shalt  }
0x5e: {  	_ =	shalt  }
0x5f: {  	_ =	shalt  }
0x60: {  	_ =	shalt  }
0x61: {  	_ =	shalt  }
0x62: {  	_ =	shalt  }
0x63: {  	_ =	shalt  }
0x64: {  	_ =	shalt  }
0x65: {  	_ =	shalt  }
0x66: {  	_ =	shalt  }
0x67: {  	_ =	shalt  }
0x68: {  	_ =	shalt  }
0x69: {  	_ =	shalt  }
0x6a: {  	_ =	shalt  }
0x6b: {  	_ =	shalt  }
0x6c: {  	_ =	shalt  }
0x6d: {  	_ =	shalt  }
0x6e: {  	_ =	shalt  }
0x6f: {  	_ =	shalt  }
0x70: {  	_ =	shalt  }
0x71: {  	_ =	shalt  }
0x72: {  	_ =	shalt  }
0x73: {  	_ =	shalt  }
0x74: {  	_ =	shalt  }
0x75: {  	_ =	shalt  }
0x76: {  	_ =	shalt  }
0x77: {  	_ =	shalt  }
0x78: {  	_ =	shalt  }
0x79: {  	_ =	shalt  }
0x7a: {  	_ =	shalt  }
0x7b: {  	_ =	shalt  }
0x7c: {  	_ =	shalt  }
0x7d: {  	_ =	shalt  }
0x7e: {  	_ =	shalt  }
0x7f: {  	_ =	shalt  }
0x80: {  	_ =	shalt  }
0x81: {  	_ =	shalt  }
0x82: {  	_ =	shalt  }
0x83: {  	_ =	shalt  }
0x84: {  	_ =	shalt  }
0x85: {  	_ =	shalt  }
0x86: {  	_ =	shalt  }
0x87: {  	_ =	shalt  }
.Lfunc_end0:
.L_simem_size_0:
called_computation.6_lowered:
.L_overlay_start_0:
0x88: {  	s2 =	sld [smem:$0x3FD9]  }
0x89: {  	s3 =	sld [smem:$0x3FFE];
	_ =	sdelay $0x1  }
0x8a: {  	s1 =	srdreg.scid  }
0x8b: {  	s0 =	sand.u32 $0x1, s1  }
0x8c: {  	s17 =	sshll.u32 s0, $0xA;
	s2 =	sadd.s32 s3, s2  }
0x8d: {  	s2 =	sadd.s32 s2, s17  }
0x8e: {  	[smem:$0x3FC1] =	sst s2  }
0x8f: {  	_ = 	snop  }
0x90: {  	(tm) =	ssettm $0x1  }
0x91: {  	s18 =	sld [smem:$0x3FFB];
	_ =	sdelay $0x3  }
0x92: {  	_ =	strace s18  }
0x93: {  	s2 =	sld [smem:$0x3FFC];
	_ =	sdelay $0x3  }
0x94: {  	_ =	strace s2  }
0x95: {  	s2 =	sld [smem:$0x3FFD];
	_ =	sdelay $0x3  }
0x96: {  	_ =	strace s2  }
0x97: {  	_ =	strace $0x8FFFFFFF  }
0x98: {  	s19 =	sld [smem:$0x3FDB];
	_ =	sdelay $0x1  }
0x99: {  	s20 =	simm.s32 $_scs_section_size  }
0x9a: {  	s4 =	simm.s32 $_size__tile_overlayer_lowered;
	s5 =	simm.s32 $_tile_overlayer_lowered  }
0x9b: {  	s6 =	simm.s32 $0x1BFF;
	s21 =	sshll.u32 s5, $0x1;
	s3 =	sadd.s32 s20, s19  }
0x9c: {  	s22 =	simm.s32 $0x0;
	s4 =	sshll.u32 s4, $0x1;
	s5 =	sadd.s32 s21, s3  }
0x9d: {  	[timem:s22], [sflag:s6] =	dma.local [hbm:s5], s4  }
0x9e: {  	_ =	swait.ge [sflag:s6], s4  }
0x9f: {  	s4 =	ssub.s32 $0x0, s4;
	[sflag:s6] =	ssyncset.done $0x0  }
0xa0: {  	[sflag:s6] =	ssyncadd.s32 s4;
	_ =	sdelay $0x1  }
0xa1: {  	s23 =	simm.s32 $0x1B8B  }
0xa2: {  	_ =	swait.ge [sflag:s23], $0x1  }
0xa3: {  	[sflag:s23] =	ssyncset.done $0x0  }
0xa4: {  	[sflag:s23] =	ssyncadd.s32 $0xFFFFFFFF  }
0xa5: {  	s4 =	sld [smem:$0x0]  }
0xa6: {  	s5 =	sand.u32 $0xFFFFFFFE, s1  }
0xa7: {  	p0 =	sne.s32 s1, s5  }
0xa8: {  	s5 =	sshll.u32 @p0 s5, $0xE  }
0xa9: {  	s5 =	sadd.s32 @p0 $0x11B8D, s5;
	s6 =	sshll.u32 @p0 s4, $0x11  }
0xaa: {  	s5 =	sor.u32 @p0 s6, s5  }
0xab: {  	[sflag:s5] =	ssyncadd.remote.s32 @p0 $0x1;
	_ =	sdelay $0x1  }
0xac: {  	s5 =	simm.s32 @p0 $0x1B8D  }
0xad: {  	_ =	swait.eq @p0 [sflag:s5], $0x1  }
0xae: {  	[sflag:s5] =	ssyncadd.s32 @p0 $0xFFFFFFFF  }
0xaf: {  	s6 =	sshll.u32 @!p0 s1, $0xE  }
0xb0: {  	s6 =	sor.u32 @!p0 $0x4000, s6;
	s5 =	simm.s32 @!p0 $0x1B8D  }
0xb1: {  	s4 =	sshll.u32 @!p0 s4, $0x11;
	s6 =	sadd.s32 @!p0 $0x11B8D, s6;
	_ =	swait.eq @!p0 [sflag:s5], $0x1  }
0xb2: {  	s4 =	sor.u32 @!p0 s4, s6;
	[sflag:s5] =	ssyncadd.s32 @!p0 $0xFFFFFFFF  }
0xb3: {  	s25 =	simm.s32 $0x1B8E;
	s24 =	sld [smem:$0x3FFE];
	[sflag:s4] =	ssyncadd.remote.s32 @!p0 $0x1  }
0xb4: {  	s26 =	simm.s32 $execute0_lowered;
	[smem:$0x3FD2] =	sst s25  }
0xb5: {  	s5 =	sshll.u32 s26, $0x1;
	_ =	strace $0x80000055;
	[dreg:$0x1] =	wrdreg $0xFFFFFFFF  }
0xb6: {  	s28 =	simm.s32 $_size_execute0_lowered;
	s3 =	sadd.s32 s3, s5;
	[dreg:$0x0] =	wrdreg $0x0  }
0xb7: {  	s5 =	sshll.u32 s28, $0x1;
	[dreg:$0x2] =	wrdreg s3  }
0xb8: {  	[dreg:$0x3] =	wrdreg s5  }
0xb9: {  	[dreg:$0x4] =	wrdreg $0xC0  }
0xba: {  	_ =	task [dreg:s22], $0x5FFFF  }
0xbb: {  	[dreg:$0x1] =	wrdreg $0xFFFFFFFF  }
0xbc: {  	[dreg:$0x0] =	wrdreg $0x60  }
0xbd: {  	[dreg:$0x2] =	wrdreg s24  }
0xbe: {  	[dreg:$0x3] =	wrdreg $0x32000  }
0xbf: {  	[dreg:$0x4] =	wrdreg $0xA  }
0xc0: {  	_ =	task.clear_ibuf [dreg:s22], $0x5FFFF;
	_ =	strace $0x90000055  }
0xc1: {  	s29 =	simm.s32 $0xA;
	_ =	strace $0x80000057  }
0xc2: {  	_ =	swait.ge [sflag:s29], $0x1  }
0xc3: {  	[sflag:s29] =	ssyncadd.s32 $0xFFFFFFFF  }
0xc4: {  	_ =	strace $0x90000057  }
0xc5: {  	_ =	sfence  }
0xc6: {  	s30 =	sld [smem:$0x0];
	_ =	sdelay $0x2  }
0xc7: {  	s31 =	sshll.u32 s1, $0xD;
	s1 =	sshrl.u32 s1, $0x2  }
0xc8: {  	s4 =	sand.u32 $0x4000, s31;
	s1 =	sadd.s32 s1, s30  }
0xc9: {  	s0 =	sor.u32 s4, s0;
	s1 =	sshll.u32 s1, $0x11  }
0xca: {  	s0 =	sor.u32 s1, s0  }
0xcb: {  	s0 =	sadd.s32 $0x8F2B, s0  }
0xcc: {  	[sflag:s0] =	ssyncadd.remote.s32 $0x1  }
0xcd: {  	_ =	sfence.sel $0xFFFF  }
0xce: {  	[dreg:$0x0] =	wrdreg $0xFFFFFFFF;
	(pc) =	sbr.abs _section_cstart, $3  }
0xcf: {  	[dreg:$0x1] =	wrdreg $0xFFFFFFFF  }
0xd0: {  	_ =	task.clear_ibuf [dreg:s22], $0x2FFFF;
	_ =	strace $0x9FFFFFFF  }
0xd1: {  	(tm) =	ssettm $0x7FFFFFFF  }
tec
execute0_lowered:
.L_overlay_start_1:
0x0: {  	(tag) =	ssettag $0x1  }
0x1: {  	s0 =	stileid.u32  }
0x2: {  	s1 =	srdreg.scid;
	s5 =	smul.u32 $0x2720, s0  }
0x3: {  	s4 =	rddreg [dreg:$0x0];
	s31 =	smul.u32 $0x2710, s0  }
0x4: {  	s2 =	rddreg [dreg:$0x1];
	s9 =	smul.u32 $0x14, s0  }
0x5: {  	s3 =	simm.s32 $0x0;
	s1 =	sand.u32 $0x1, s1;
	s10 =	smul.u32 $0x1400, s0  }
0x6: {  	[smem:$0x7FF] =	sst s3;
	s6 =	smul.u32 $0x27100, s1  }
0x7: {  	s24 =	simm.s32 $0x100;
	s7 =	smul.u32 $0x140, s1;
	_ =	strace $0x80000056  }
0x8: {  	p0 =	seq.s32 s1, $0x1;
	[dreg:$0xa] =	wrdreg s24;
	s8 =	sshrl.u32 s5, $0x3  }
0x9: {  	s5 =	sadd.s32 s5, s2;
	s6 =	sadd.s32 s31, s6;
	s8 =	sadd.s32 s8, s4  }
0xa: {  	s7 =	sadd.s32 s9, s7;
	s9 =	simm.s32 $0x73000;
	s5 =	sshrl.u32 s5, $0x3  }
0xb: {  	s6 =	sshrl.u32 s6, $0x3;
	s8 =	sadd.s32 $0x41000, s8;
	[dreg:$0x9] =	wrdreg s5  }
0xc: {  	s7 =	sshll.u32 s7, $0x4;
	s9 =	simm.s32 @!p0 $0x4FE00;
	[dreg:$0x3] =	wrdreg s8  }
0xd: {  	s6 =	sadd.s32 s6, s4;
	s7 =	sadd.s32 s4, s7;
	s21 =	rddreg [dreg:$0x9]  }
0xe: {  	s4 =	sadd.s32 s9, s4;
	s7 =	sadd.s32 $0x70800, s7;
	s8 =	rddreg [dreg:$0x3]  }
0xf: {  	s6 =	sadd.s32 $0x63E00, s6;
	s4 =	sadd.s32 s4, s10;
	[dreg:$0x4] =	wrdreg s7  }
0x10: {  	[dreg:$0x5] =	wrdreg s6;
	s19 =	sadd.s32 $0x500, s4  }
0x11: {  	s20 =	sadd.s32 $0xA00, s4;
	[dreg:$0x6] =	wrdreg s19  }
0x12: {  	s23 =	sshll.u32 s0, $0x6;
	s22 =	sadd.s32 $0xF00, s4;
	[dreg:$0x7] =	wrdreg s20  }
0x13: {  	s5 =	simm.s32 $0x1;
	s6 =	sor.u32 $0x1C01, s23;
	[dreg:$0x8] =	wrdreg s22  }
0x14: {  	[spmem:s21], [sflag:s6] =	dma.local [hbm:s8], $0x4E4  }
0x15: {  	_ =	swait.ge [sflag:s5], $0x4E4  }
0x16: {  	[sflag:s5] =	ssyncset.done $0x0  }
0x17: {  	[sflag:s5] =	ssyncadd.s32 $0xFFFFFB1C  }
0x18: {  	[bflag:$0x0] =	sbarrier.arrive $0xFFFF  }
0x19: {  	s25 =	rddreg [dreg:$0x4]  }
0x1a: {  	[tilespmem:s3], [sflag:$0x1] =	stream.linear.gather [hbm4b:s25+s3], $0xA00, $0x38;
	[tilespmem:$0x5920] =	vst v63  }
0x1b: {  	_ =	swait.ge [sflag:s5], $0xA00  }
0x1c: {  	[sflag:s5] =	ssyncset.done $0x0  }
0x1d: {  	s7 =	simm.s32 $0xA00;
	[sflag:s5] =	ssyncadd.s32 $0xFFFFF600  }
0x1e: {  	[tilespmem:s7], [sflag:$0x1] =	stream.linear.gather [hbm4b:s4+s3], $0x2800, $0x38;
	[tilespmem:$0x5920] =	vst v63  }
0x1f: {  	_ =	swait.ge [sflag:s5], $0x2800  }
0x20: {  	[sflag:s5] =	ssyncset.done $0x0  }
0x21: {  	s8 =	simm.s32 $0x80;
	[sflag:s5] =	ssyncadd.s32 $0xFFFFD800  }
0x22: {  	[spmem:s2] =	stream.indirect.scatter.add.f32 [tilespmem:s7], [sflag:$0x1], $0x10, s3, s8, $0xb8;
	[tilespmem:$0x5920] =	vst v63  }
0x23: {  	_ =	swait.ge [sflag:s5], $0x800  }
0x24: {  	[sflag:s5] =	ssyncset.done $0x0  }
0x25: {  	s9 =	simm.s32 $0x1200;
	[sflag:s5] =	ssyncadd.s32 $0xFFFFF800  }
0x26: {  	[spmem:s2] =	stream.indirect.scatter.add.f32 [tilespmem:s9], [sflag:$0x1], $0x10, s8, s8, $0xb8;
	[tilespmem:$0x5920] =	vst v63  }
0x27: {  	_ =	swait.ge [sflag:s5], $0x800  }
0x28: {  	[sflag:s5] =	ssyncset.done $0x0  }
0x29: {  	s10 =	simm.s32 $0x1A00;
	s11 =	rddreg [dreg:$0xa];
	[sflag:s5] =	ssyncadd.s32 $0xFFFFF800  }
0x2a: {  	[spmem:s2] =	stream.indirect.scatter.add.f32 [tilespmem:s10], [sflag:$0x1], $0x10, s11, s8, $0xb8;
	[tilespmem:$0x5920] =	vst v63  }
0x2b: {  	_ =	swait.ge [sflag:s5], $0x800  }
0x2c: {  	[sflag:s5] =	ssyncset.done $0x0  }
0x2d: {  	s26 =	simm.s32 $0x180;
	s12 =	simm.s32 $0x2200;
	[sflag:s5] =	ssyncadd.s32 $0xFFFFF800  }
0x2e: {  	[spmem:s2] =	stream.indirect.scatter.add.f32 [tilespmem:s12], [sflag:$0x1], $0x10, s26, s8, $0xb8;
	[tilespmem:$0x5920] =	vst v63  }
0x2f: {  	_ =	swait.ge [sflag:s5], $0x800  }
0x30: {  	[sflag:s5] =	ssyncset.done $0x0  }
0x31: {  	s13 =	simm.s32 $0x200;
	s14 =	simm.s32 $0x2A00;
	[sflag:s5] =	ssyncadd.s32 $0xFFFFF800  }
0x32: {  	[spmem:s2] =	stream.indirect.scatter.add.f32 [tilespmem:s14], [sflag:$0x1], $0x10, s13, s8, $0xb8;
	[tilespmem:$0x5920] =	vst v63  }
0x33: {  	_ =	swait.ge [sflag:s5], $0x800  }
0x34: {  	[sflag:s5] =	ssyncset.done $0x0  }
0x35: {  	s15 =	rddreg [dreg:$0x6];
	[sflag:s5] =	ssyncadd.s32 $0xFFFFF800  }
0x36: {  	[tilespmem:s7], [sflag:$0x1] =	stream.linear.gather [hbm4b:s15+s3], $0x2800, $0x38;
	[tilespmem:$0x5920] =	vst v63  }
0x37: {  	_ =	swait.ge [sflag:s5], $0x2800  }
0x38: {  	[sflag:s5] =	ssyncset.done $0x0  }
0x39: {  	s15 =	simm.s32 $0x280;
	[sflag:s5] =	ssyncadd.s32 $0xFFFFD800  }
0x3a: {  	[spmem:s2] =	stream.indirect.scatter.add.f32 [tilespmem:s7], [sflag:$0x1], $0x10, s15, s8, $0xb8;
	[tilespmem:$0x5920] =	vst v63  }
0x3b: {  	_ =	swait.ge [sflag:s5], $0x800  }
0x3c: {  	[sflag:s5] =	ssyncset.done $0x0  }
0x3d: {  	s16 =	simm.s32 $0x300;
	[sflag:s5] =	ssyncadd.s32 $0xFFFFF800  }
0x3e: {  	[spmem:s2] =	stream.indirect.scatter.add.f32 [tilespmem:s9], [sflag:$0x1], $0x10, s16, s8, $0xb8;
	[tilespmem:$0x5920] =	vst v63  }
0x3f: {  	_ =	swait.ge [sflag:s5], $0x800  }
0x40: {  	[sflag:s5] =	ssyncset.done $0x0  }
0x41: {  	s17 =	simm.s32 $0x380;
	[sflag:s5] =	ssyncadd.s32 $0xFFFFF800  }
0x42: {  	[spmem:s2] =	stream.indirect.scatter.add.f32 [tilespmem:s10], [sflag:$0x1], $0x10, s17, s8, $0xb8;
	[tilespmem:$0x5920] =	vst v63  }
0x43: {  	_ =	swait.ge [sflag:s5], $0x800  }
0x44: {  	[sflag:s5] =	ssyncset.done $0x0  }
0x45: {  	s18 =	simm.s32 $0x400;
	[sflag:s5] =	ssyncadd.s32 $0xFFFFF800  }
0x46: {  	[spmem:s2] =	stream.indirect.scatter.add.f32 [tilespmem:s12], [sflag:$0x1], $0x10, s18, s8, $0xb8;
	[tilespmem:$0x5920] =	vst v63  }
0x47: {  	_ =	swait.ge [sflag:s5], $0x800  }
0x48: {  	[sflag:s5] =	ssyncset.done $0x0  }
0x49: {  	s19 =	simm.s32 $0x480;
	[sflag:s5] =	ssyncadd.s32 $0xFFFFF800  }
0x4a: {  	[spmem:s2] =	stream.indirect.scatter.add.f32 [tilespmem:s14], [sflag:$0x1], $0x10, s19, s8, $0xb8;
	[tilespmem:$0x5920] =	vst v63  }
0x4b: {  	_ =	swait.ge [sflag:s5], $0x800  }
0x4c: {  	[sflag:s5] =	ssyncset.done $0x0  }
0x4d: {  	s20 =	rddreg [dreg:$0x7];
	[sflag:s5] =	ssyncadd.s32 $0xFFFFF800  }
0x4e: {  	[tilespmem:s7], [sflag:$0x1] =	stream.linear.gather [hbm4b:s20+s3], $0x2800, $0x38;
	[tilespmem:$0x5920] =	vst v63  }
0x4f: {  	_ =	swait.ge [sflag:s5], $0x2800  }
0x50: {  	[sflag:s5] =	ssyncset.done $0x0  }
0x51: {  	s20 =	simm.s32 $0x500;
	[sflag:s5] =	ssyncadd.s32 $0xFFFFD800  }
0x52: {  	[spmem:s2] =	stream.indirect.scatter.add.f32 [tilespmem:s7], [sflag:$0x1], $0x10, s20, s8, $0xb8;
	[tilespmem:$0x5920] =	vst v63  }
0x53: {  	_ =	swait.ge [sflag:s5], $0x800  }
0x54: {  	[sflag:s5] =	ssyncset.done $0x0  }
0x55: {  	s21 =	simm.s32 $0x580;
	[sflag:s5] =	ssyncadd.s32 $0xFFFFF800  }
0x56: {  	[spmem:s2] =	stream.indirect.scatter.add.f32 [tilespmem:s9], [sflag:$0x1], $0x10, s21, s8, $0xb8;
	[tilespmem:$0x5920] =	vst v63  }
0x57: {  	_ =	swait.ge [sflag:s5], $0x800  }
0x58: {  	[sflag:s5] =	ssyncset.done $0x0  }
0x59: {  	s22 =	simm.s32 $0x600;
	[sflag:s5] =	ssyncadd.s32 $0xFFFFF800  }
0x5a: {  	[spmem:s2] =	stream.indirect.scatter.add.f32 [tilespmem:s10], [sflag:$0x1], $0x10, s22, s8, $0xb8;
	[tilespmem:$0x5920] =	vst v63  }
0x5b: {  	_ =	swait.ge [sflag:s5], $0x800  }
0x5c: {  	[sflag:s5] =	ssyncset.done $0x0  }
0x5d: {  	s23 =	simm.s32 $0x680;
	[sflag:s5] =	ssyncadd.s32 $0xFFFFF800  }
0x5e: {  	[spmem:s2] =	stream.indirect.scatter.add.f32 [tilespmem:s12], [sflag:$0x1], $0x10, s23, s8, $0xb8;
	[tilespmem:$0x5920] =	vst v63  }
0x5f: {  	_ =	swait.ge [sflag:s5], $0x800  }
0x60: {  	[sflag:s5] =	ssyncset.done $0x0  }
0x61: {  	s24 =	simm.s32 $0x700;
	[sflag:s5] =	ssyncadd.s32 $0xFFFFF800  }
0x62: {  	[spmem:s2] =	stream.indirect.scatter.add.f32 [tilespmem:s14], [sflag:$0x1], $0x10, s24, s8, $0xb8;
	[tilespmem:$0x5920] =	vst v63  }
0x63: {  	_ =	swait.ge [sflag:s5], $0x800  }
0x64: {  	[sflag:s5] =	ssyncset.done $0x0  }
0x65: {  	s25 =	rddreg [dreg:$0x8];
	[sflag:s5] =	ssyncadd.s32 $0xFFFFF800  }
0x66: {  	[tilespmem:s7], [sflag:$0x1] =	stream.linear.gather [hbm4b:s25+s3], $0x2800, $0x38;
	[tilespmem:$0x5920] =	vst v63  }
0x67: {  	_ =	swait.ge [sflag:s5], $0x2800  }
0x68: {  	[sflag:s5] =	ssyncset.done $0x0  }
0x69: {  	s25 =	simm.s32 $0x780;
	[sflag:s5] =	ssyncadd.s32 $0xFFFFD800  }
0x6a: {  	[spmem:s2] =	stream.indirect.scatter.add.f32 [tilespmem:s7], [sflag:$0x1], $0x10, s25, s8, $0xb8;
	[tilespmem:$0x5920] =	vst v63  }
0x6b: {  	_ =	swait.ge [sflag:s5], $0x800  }
0x6c: {  	[sflag:s5] =	ssyncset.done $0x0  }
0x6d: {  	s26 =	simm.s32 $0x800;
	[sflag:s5] =	ssyncadd.s32 $0xFFFFF800  }
0x6e: {  	[spmem:s2] =	stream.indirect.scatter.add.f32 [tilespmem:s9], [sflag:$0x1], $0x10, s26, s8, $0xb8;
	[tilespmem:$0x5920] =	vst v63  }
0x6f: {  	_ =	swait.ge [sflag:s5], $0x800  }
0x70: {  	[sflag:s5] =	ssyncset.done $0x0  }
0x71: {  	s28 =	simm.s32 $0x880;
	[sflag:s5] =	ssyncadd.s32 $0xFFFFF800  }
0x72: {  	[spmem:s2] =	stream.indirect.scatter.add.f32 [tilespmem:s10], [sflag:$0x1], $0x10, s28, s8, $0xb8;
	[tilespmem:$0x5920] =	vst v63  }
0x73: {  	_ =	swait.ge [sflag:s5], $0x800  }
0x74: {  	[sflag:s5] =	ssyncset.done $0x0  }
0x75: {  	s29 =	simm.s32 $0x900;
	[sflag:s5] =	ssyncadd.s32 $0xFFFFF800  }
0x76: {  	[spmem:s2] =	stream.indirect.scatter.add.f32 [tilespmem:s12], [sflag:$0x1], $0x10, s29, s8, $0xb8;
	[tilespmem:$0x5920] =	vst v63  }
0x77: {  	s1 =	ssub.s32 $0x2, s1;
	_ =	swait.ge [sflag:s5], $0x800  }
0x78: {  	s0 =	sshrl.u32 s1, $0x1;
	[sflag:s5] =	ssyncset.done $0x0  }
0x79: {  	s30 =	simm.s32 $0x980;
	s0 =	ssub.s32 s1, s0;
	[sflag:s5] =	ssyncadd.s32 $0xFFFFF800  }
0x7a: {  	[spmem:s2] =	stream.indirect.scatter.add.f32 [tilespmem:s14], [sflag:$0x1], $0x10, s30, s8, $0xb8;
	[tilespmem:$0x5920] =	vst v63  }
0x7b: {  	s0 =	smax.u32 s0, $0x1;
	_ =	swait.ge [sflag:s5], $0x800  }
0x7c: {  	p0 =	sne.s32 s0, $0x1;
	[sflag:s5] =	ssyncset.done $0x0  }
.Ltmp0:
0x7d: {  	[sflag:s5] =	ssyncadd.s32 $0xFFFFF800;
	(pc) =	sbr.rel @!p0 .LBB2_2-.Ltmp0, $4  }
0x7e: {  	s31 =	sadd.s32 s31, s2;
	[bflag:$0x0] =	sbarrier.arrive $0xFFFF  }
0x7f: {  	s31 =	sshrl.u32 s31, $0x3;
	s11 =	rddreg [dreg:$0x5]  }
0x80: {  	[hbm:s11], [sflag:s6] =	dma.local [spmem:s31], $0x4E2  }
0x81: {  	s1 =	sadd.s32 $0xFFFFFFFF, s0;
	_ =	swait.ge [sflag:s5], $0x4E2  }
.LBB2_1:
0x82: {  	s0 =	rddreg [dreg:$0x9];
	[sflag:s5] =	ssyncset.done $0x0  }
0x83: {  	s11 =	rddreg [dreg:$0x3];
	[sflag:s5] =	ssyncadd.s32 $0xFFFFFB1E  }
0x84: {  	[spmem:s0], [sflag:s6] =	dma.local [hbm:s11], $0x4E4  }
0x85: {  	_ =	swait.ge [sflag:s5], $0x4E4  }
0x86: {  	[sflag:s5] =	ssyncset.done $0x0  }
0x87: {  	[sflag:s5] =	ssyncadd.s32 $0xFFFFFB1C  }
0x88: {  	[bflag:$0x0] =	sbarrier.arrive $0xFFFF  }
0x89: {  	s11 =	rddreg [dreg:$0x4]  }
0x8a: {  	[tilespmem:s3], [sflag:$0x1] =	stream.linear.gather [hbm4b:s11+s3], $0xA00, $0x38;
	[tilespmem:$0x5920] =	vst v63  }
0x8b: {  	_ =	swait.ge [sflag:s5], $0xA00  }
0x8c: {  	[sflag:s5] =	ssyncset.done $0x0  }
0x8d: {  	[sflag:s5] =	ssyncadd.s32 $0xFFFFF600  }
0x8e: {  	[tilespmem:s7], [sflag:$0x1] =	stream.linear.gather [hbm4b:s4+s3], $0x2800, $0x38;
	[tilespmem:$0x5920] =	vst v63  }
0x8f: {  	_ =	swait.ge [sflag:s5], $0x2800  }
0x90: {  	[sflag:s5] =	ssyncset.done $0x0  }
0x91: {  	[sflag:s5] =	ssyncadd.s32 $0xFFFFD800  }
0x92: {  	[spmem:s2] =	stream.indirect.scatter.add.f32 [tilespmem:s7], [sflag:$0x1], $0x10, s3, s8, $0xb8;
	[tilespmem:$0x5920] =	vst v63  }
0x93: {  	_ =	swait.ge [sflag:s5], $0x800  }
0x94: {  	[sflag:s5] =	ssyncset.done $0x0  }
0x95: {  	[sflag:s5] =	ssyncadd.s32 $0xFFFFF800  }
0x96: {  	[spmem:s2] =	stream.indirect.scatter.add.f32 [tilespmem:s9], [sflag:$0x1], $0x10, s8, s8, $0xb8;
	[tilespmem:$0x5920] =	vst v63  }
0x97: {  	_ =	swait.ge [sflag:s5], $0x800  }
0x98: {  	[sflag:s5] =	ssyncset.done $0x0  }
0x99: {  	s11 =	rddreg [dreg:$0xa];
	[sflag:s5] =	ssyncadd.s32 $0xFFFFF800  }
0x9a: {  	[spmem:s2] =	stream.indirect.scatter.add.f32 [tilespmem:s10], [sflag:$0x1], $0x10, s11, s8, $0xb8;
	[tilespmem:$0x5920] =	vst v63  }
0x9b: {  	_ =	swait.ge [sflag:s5], $0x800  }
0x9c: {  	[sflag:s5] =	ssyncset.done $0x0  }
0x9d: {  	s11 =	simm.s32 $0x180;
	[sflag:s5] =	ssyncadd.s32 $0xFFFFF800  }
0x9e: {  	[spmem:s2] =	stream.indirect.scatter.add.f32 [tilespmem:s12], [sflag:$0x1], $0x10, s11, s8, $0xb8;
	[tilespmem:$0x5920] =	vst v63  }
0x9f: {  	_ =	swait.ge [sflag:s5], $0x800  }
0xa0: {  	[sflag:s5] =	ssyncset.done $0x0  }
0xa1: {  	[sflag:s5] =	ssyncadd.s32 $0xFFFFF800  }
0xa2: {  	[spmem:s2] =	stream.indirect.scatter.add.f32 [tilespmem:s14], [sflag:$0x1], $0x10, s13, s8, $0xb8;
	[tilespmem:$0x5920] =	vst v63  }
0xa3: {  	_ =	swait.ge [sflag:s5], $0x800  }
0xa4: {  	[sflag:s5] =	ssyncset.done $0x0  }
0xa5: {  	s11 =	rddreg [dreg:$0x6];
	[sflag:s5] =	ssyncadd.s32 $0xFFFFF800  }
0xa6: {  	[tilespmem:s7], [sflag:$0x1] =	stream.linear.gather [hbm4b:s11+s3], $0x2800, $0x38;
	[tilespmem:$0x5920] =	vst v63  }
0xa7: {  	_ =	swait.ge [sflag:s5], $0x2800  }
0xa8: {  	[sflag:s5] =	ssyncset.done $0x0  }
0xa9: {  	[sflag:s5] =	ssyncadd.s32 $0xFFFFD800  }
0xaa: {  	[spmem:s2] =	stream.indirect.scatter.add.f32 [tilespmem:s7], [sflag:$0x1], $0x10, s15, s8, $0xb8;
	[tilespmem:$0x5920] =	vst v63  }
0xab: {  	_ =	swait.ge [sflag:s5], $0x800  }
0xac: {  	[sflag:s5] =	ssyncset.done $0x0  }
0xad: {  	[sflag:s5] =	ssyncadd.s32 $0xFFFFF800  }
0xae: {  	[spmem:s2] =	stream.indirect.scatter.add.f32 [tilespmem:s9], [sflag:$0x1], $0x10, s16, s8, $0xb8;
	[tilespmem:$0x5920] =	vst v63  }
0xaf: {  	_ =	swait.ge [sflag:s5], $0x800  }
0xb0: {  	[sflag:s5] =	ssyncset.done $0x0  }
0xb1: {  	[sflag:s5] =	ssyncadd.s32 $0xFFFFF800  }
0xb2: {  	[spmem:s2] =	stream.indirect.scatter.add.f32 [tilespmem:s10], [sflag:$0x1], $0x10, s17, s8, $0xb8;
	[tilespmem:$0x5920] =	vst v63  }
0xb3: {  	_ =	swait.ge [sflag:s5], $0x800  }
0xb4: {  	[sflag:s5] =	ssyncset.done $0x0  }
0xb5: {  	[sflag:s5] =	ssyncadd.s32 $0xFFFFF800  }
0xb6: {  	[spmem:s2] =	stream.indirect.scatter.add.f32 [tilespmem:s12], [sflag:$0x1], $0x10, s18, s8, $0xb8;
	[tilespmem:$0x5920] =	vst v63  }
0xb7: {  	_ =	swait.ge [sflag:s5], $0x800  }
0xb8: {  	[sflag:s5] =	ssyncset.done $0x0  }
0xb9: {  	[sflag:s5] =	ssyncadd.s32 $0xFFFFF800  }
0xba: {  	[spmem:s2] =	stream.indirect.scatter.add.f32 [tilespmem:s14], [sflag:$0x1], $0x10, s19, s8, $0xb8;
	[tilespmem:$0x5920] =	vst v63  }
0xbb: {  	_ =	swait.ge [sflag:s5], $0x800  }
0xbc: {  	[sflag:s5] =	ssyncset.done $0x0  }
0xbd: {  	s11 =	rddreg [dreg:$0x7];
	[sflag:s5] =	ssyncadd.s32 $0xFFFFF800  }
0xbe: {  	[tilespmem:s7], [sflag:$0x1] =	stream.linear.gather [hbm4b:s11+s3], $0x2800, $0x38;
	[tilespmem:$0x5920] =	vst v63  }
0xbf: {  	_ =	swait.ge [sflag:s5], $0x2800  }
0xc0: {  	[sflag:s5] =	ssyncset.done $0x0  }
0xc1: {  	[sflag:s5] =	ssyncadd.s32 $0xFFFFD800  }
0xc2: {  	[spmem:s2] =	stream.indirect.scatter.add.f32 [tilespmem:s7], [sflag:$0x1], $0x10, s20, s8, $0xb8;
	[tilespmem:$0x5920] =	vst v63  }
0xc3: {  	_ =	swait.ge [sflag:s5], $0x800  }
0xc4: {  	[sflag:s5] =	ssyncset.done $0x0  }
0xc5: {  	[sflag:s5] =	ssyncadd.s32 $0xFFFFF800  }
0xc6: {  	[spmem:s2] =	stream.indirect.scatter.add.f32 [tilespmem:s9], [sflag:$0x1], $0x10, s21, s8, $0xb8;
	[tilespmem:$0x5920] =	vst v63  }
0xc7: {  	_ =	swait.ge [sflag:s5], $0x800  }
0xc8: {  	[sflag:s5] =	ssyncset.done $0x0  }
0xc9: {  	[sflag:s5] =	ssyncadd.s32 $0xFFFFF800  }
0xca: {  	[spmem:s2] =	stream.indirect.scatter.add.f32 [tilespmem:s10], [sflag:$0x1], $0x10, s22, s8, $0xb8;
	[tilespmem:$0x5920] =	vst v63  }
0xcb: {  	_ =	swait.ge [sflag:s5], $0x800  }
0xcc: {  	[sflag:s5] =	ssyncset.done $0x0  }
0xcd: {  	[sflag:s5] =	ssyncadd.s32 $0xFFFFF800  }
0xce: {  	[spmem:s2] =	stream.indirect.scatter.add.f32 [tilespmem:s12], [sflag:$0x1], $0x10, s23, s8, $0xb8;
	[tilespmem:$0x5920] =	vst v63  }
0xcf: {  	_ =	swait.ge [sflag:s5], $0x800  }
0xd0: {  	[sflag:s5] =	ssyncset.done $0x0  }
0xd1: {  	[sflag:s5] =	ssyncadd.s32 $0xFFFFF800  }
0xd2: {  	[spmem:s2] =	stream.indirect.scatter.add.f32 [tilespmem:s14], [sflag:$0x1], $0x10, s24, s8, $0xb8;
	[tilespmem:$0x5920] =	vst v63  }
0xd3: {  	_ =	swait.ge [sflag:s5], $0x800  }
0xd4: {  	[sflag:s5] =	ssyncset.done $0x0  }
0xd5: {  	s11 =	rddreg [dreg:$0x8];
	[sflag:s5] =	ssyncadd.s32 $0xFFFFF800  }
0xd6: {  	[tilespmem:s7], [sflag:$0x1] =	stream.linear.gather [hbm4b:s11+s3], $0x2800, $0x38;
	[tilespmem:$0x5920] =	vst v63  }
0xd7: {  	_ =	swait.ge [sflag:s5], $0x2800  }
0xd8: {  	[sflag:s5] =	ssyncset.done $0x0  }
0xd9: {  	[sflag:s5] =	ssyncadd.s32 $0xFFFFD800  }
0xda: {  	[spmem:s2] =	stream.indirect.scatter.add.f32 [tilespmem:s7], [sflag:$0x1], $0x10, s25, s8, $0xb8;
	[tilespmem:$0x5920] =	vst v63  }
0xdb: {  	_ =	swait.ge [sflag:s5], $0x800  }
0xdc: {  	[sflag:s5] =	ssyncset.done $0x0  }
0xdd: {  	[sflag:s5] =	ssyncadd.s32 $0xFFFFF800  }
0xde: {  	[spmem:s2] =	stream.indirect.scatter.add.f32 [tilespmem:s9], [sflag:$0x1], $0x10, s26, s8, $0xb8;
	[tilespmem:$0x5920] =	vst v63  }
0xdf: {  	_ =	swait.ge [sflag:s5], $0x800  }
0xe0: {  	[sflag:s5] =	ssyncset.done $0x0  }
0xe1: {  	[sflag:s5] =	ssyncadd.s32 $0xFFFFF800  }
0xe2: {  	[spmem:s2] =	stream.indirect.scatter.add.f32 [tilespmem:s10], [sflag:$0x1], $0x10, s28, s8, $0xb8;
	[tilespmem:$0x5920] =	vst v63  }
0xe3: {  	_ =	swait.ge [sflag:s5], $0x800  }
0xe4: {  	[sflag:s5] =	ssyncset.done $0x0  }
0xe5: {  	[sflag:s5] =	ssyncadd.s32 $0xFFFFF800  }
0xe6: {  	[spmem:s2] =	stream.indirect.scatter.add.f32 [tilespmem:s12], [sflag:$0x1], $0x10, s29, s8, $0xb8;
	[tilespmem:$0x5920] =	vst v63  }
0xe7: {  	_ =	swait.ge [sflag:s5], $0x800  }
0xe8: {  	[sflag:s5] =	ssyncset.done $0x0  }
0xe9: {  	[sflag:s5] =	ssyncadd.s32 $0xFFFFF800  }
0xea: {  	[spmem:s2] =	stream.indirect.scatter.add.f32 [tilespmem:s14], [sflag:$0x1], $0x10, s30, s8, $0xb8;
	[tilespmem:$0x5920] =	vst v63  }
0xeb: {  	_ =	swait.ge [sflag:s5], $0x800  }
0xec: {  	p0 =	sne.s32 s1, $0x1;
	[sflag:s5] =	ssyncset.done $0x0  }
.Ltmp1:
0xed: {  	[sflag:s5] =	ssyncadd.s32 $0xFFFFF800;
	(pc) =	sbr.rel @p0 .LBB2_1-.Ltmp1, $4  }
0xee: {  	[bflag:$0x0] =	sbarrier.arrive $0xFFFF  }
0xef: {  	s11 =	rddreg [dreg:$0x5]  }
0xf0: {  	[hbm:s11], [sflag:s6] =	dma.local [spmem:s31], $0x4E2  }
0xf1: {  	s1 =	sadd.s32 $0xFFFFFFFF, s1;
	_ =	swait.ge [sflag:s5], $0x4E2  }
.LBB2_2:
0xf2: {  	[sflag:s5] =	ssyncset.done $0x0  }
0xf3: {  	[sflag:s5] =	ssyncadd.s32 $0xFFFFFB1E  }
0xf4: {  	_ =	sfence.sel $0x180000  }
0xf5: {  	[bflag:$0x0] =	sbarrier.arrive $0xFFFF  }
0xf6: {  	_ =	strace $0x90000056  }
0xf7: {  	s0 =	stileid.u32;
	[bflag:$0x2] =	sbarrier.arrive $0xFFFF  }
0xf8: {  	p0 =	sne.s32 s0, $0x0;
	s0 =	rddreg [dreg:$0x2]  }
0xf9: {  	s0 =	sadd.s32 @!p0 $0x100000, s0  }
0xfa: {  	[sflag:s0] =	ssyncadd.tile.s32 @!p0 $0x1;
	_ =	shalt  }
.Lfunc_end2:
_tile_overlayer_lowered:
.L_overlay_start_2:
0xfb: {  	(tag) =	ssettag $0x2  }
0xfc: {  	s0 =	rddreg [dreg:$0x0];
	s2 =	stileid.u32  }
0xfd: {  	s1 =	rddreg [dreg:$0x1];
	p0 =	sne.s32 s2, $0x0  }
0xfe: {  	s3 =	rddreg [dreg:$0x2];
	[bflag:$0x3] =	sbarrier.arrive $0xFFFF;
	s2 =	simm.s32 @!p0 $0x1C01  }
0xff: {  	[timem:s3], [sflag:s2] =	dma.local @!p0 [hbm:s0], s1  }
0x100: {  	s0 =	simm.s32 @!p0 $0x1  }
0x101: {  	_ =	swait.ge @!p0 [sflag:s0], s1  }
0x102: {  	s1 =	ssub.s32 @!p0 $0x0, s1;
	[sflag:s0] =	ssyncset.done @!p0 $0x0  }
0x103: {  	[sflag:s0] =	ssyncadd.s32 @!p0 s1  }
0x104: {  	[bflag:$0x3] =	sbarrier.arrive $0xFFFF  }
0x105: {  	_ =	shalt  }

</sc_bundles>
